<compile_context>
chip_gen: v7x
topology: tpu7x:2x2x1
jax: 0.10.2.dev20260603
libtpu: 0.0.44.dev20260713+nightly
codegen_flags: <defaults>
</compile_context>

<pallas_src>
import functools

import jax
import jax.numpy as jnp
from jax import lax
from jax.experimental import pallas as pl
from jax.experimental.pallas import tpu as pltpu
from jax.experimental.pallas import tpu_sc as plsc

NC = 2
NS = 16
NW = NC * NS
NBUF = 8


def _mesh():
    return plsc.VectorSubcoreMesh(core_axis_name="c", subcore_axis_name="s")


_SC_PARAMS = pltpu.CompilerParams(use_tc_tiling_on_sc=False,
                                  needs_layout_passes=False)



@functools.lru_cache(maxsize=None)
def _make_count(n_pad: int, kch: int, chunk: int):
    rows = n_pad // NS
    epw = kch * chunk

    @functools.partial(
        pl.kernel,
        out_type=jax.ShapeDtypeStruct((NC * n_pad,), jnp.float32),
        mesh=_mesh(),
        compiler_params=_SC_PARAMS,
        scratch_types=[
            pltpu.VMEM((kch, chunk), jnp.int32),
            pltpu.VMEM((chunk,), jnp.float32),
            pltpu.VMEM_SHARED((n_pad,), jnp.float32),
            pltpu.SemaphoreType.DMA,
        ],
    )
    def count(dst_hbm, ones_hbm, out_hbm, dst_v, ones_v, acc, ssem):
        c = lax.axis_index("c")
        s = lax.axis_index("s")
        w = c * NS + s
        r0 = s * rows
        pltpu.sync_copy(dst_hbm.at[w], dst_v)
        pltpu.sync_copy(ones_hbm.at[pl.ds(0, chunk)], ones_v)
        pltpu.sync_copy(ones_hbm.at[pl.ds(r0, rows)], acc.at[pl.ds(r0, rows)])
        plsc.subcore_barrier()

        @pl.loop(0, kch)
        def _(j):
            pltpu.async_copy(ones_v, acc.at[dst_v.at[j]], ssem, add=True)

        @pl.loop(0, kch)
        def _(j):
            pltpu.make_async_copy(ones_v, acc.at[dst_v.at[j]], ssem).wait()

        plsc.subcore_barrier()
        pltpu.sync_copy(acc.at[pl.ds(r0, rows)],
                        out_hbm.at[pl.ds(c * n_pad + r0, rows)])

    return count


def _ring_loop(kch, src_v, dst_v, g_hbm, acc, bufs, gsems, ssems):
    lead = NBUF // 2
    for j in range(lead):
        pltpu.async_copy(g_hbm.at[src_v.at[j]], bufs[j], gsems[j])

    @pl.loop(0, kch, step=NBUF)
    def _(j0):
        for b in range(NBUF):
            j = j0 + b
            bl = (b + lead) % NBUF
            pltpu.make_async_copy(g_hbm.at[src_v.at[j]],
                                  bufs[b], gsems[b]).wait()
            pltpu.async_copy(bufs[b], acc.at[dst_v.at[j]], ssems[b], add=True)

            @pl.when(j >= lead)
            def _():
                pltpu.make_async_copy(bufs[bl], acc.at[dst_v.at[j - lead]],
                                      ssems[bl]).wait()

            @pl.when(j + lead < kch)
            def _():
                pltpu.async_copy(g_hbm.at[src_v.at[j + lead]],
                                 bufs[bl], gsems[bl])

    for k in range(lead):
        jj = kch - lead + k
        pltpu.make_async_copy(bufs[jj % NBUF], acc.at[dst_v.at[jj]],
                              ssems[jj % NBUF]).wait()


@functools.lru_cache(maxsize=None)
def _make_prop(n_pad: int, kch: int, chunk: int, f: int):
    rows = n_pad // NS
    epw = kch * chunk

    @functools.partial(
        pl.kernel,
        out_type=jax.ShapeDtypeStruct((NC * n_pad, f), jnp.float32),
        mesh=_mesh(),
        compiler_params=_SC_PARAMS,
        scratch_types=[
            pltpu.VMEM((kch, chunk), jnp.int32),
            pltpu.VMEM((kch, chunk), jnp.int32),
            [pltpu.VMEM((chunk, f), jnp.float32)] * NBUF,
            pltpu.VMEM_SHARED((n_pad, f), jnp.float32),
            [pltpu.SemaphoreType.DMA] * NBUF,
            [pltpu.SemaphoreType.DMA] * NBUF,
        ],
    )
    def prop(src_hbm, dst_hbm, g_hbm, out_hbm,
             src_v, dst_v, bufs, acc, gsems, ssems):
        c = lax.axis_index("c")
        s = lax.axis_index("s")
        w = c * NS + s
        r0 = s * rows
        pltpu.sync_copy(src_hbm.at[w], src_v)
        pltpu.sync_copy(dst_hbm.at[w], dst_v)
        pltpu.sync_copy(g_hbm.at[pl.ds(r0, rows)], acc.at[pl.ds(r0, rows)])
        plsc.subcore_barrier()
        _ring_loop(kch, src_v, dst_v, g_hbm, acc, bufs, gsems, ssems)
        plsc.subcore_barrier()
        pltpu.sync_copy(acc.at[pl.ds(r0, rows)],
                        out_hbm.at[pl.ds(c * n_pad + r0, rows)])

    return prop


@functools.lru_cache(maxsize=None)
def _make_prop1(n_pad: int, kch: int, chunk: int):
    rows = n_pad // NS

    @functools.partial(
        pl.kernel,
        out_type=jax.ShapeDtypeStruct((NC * n_pad,), jnp.float32),
        mesh=_mesh(),
        compiler_params=_SC_PARAMS,
        scratch_types=[
            pltpu.VMEM((kch, chunk), jnp.int32),
            pltpu.VMEM((kch, chunk), jnp.int32),
            [pltpu.VMEM((chunk,), jnp.float32)] * NBUF,
            pltpu.VMEM_SHARED((n_pad,), jnp.float32),
            [pltpu.SemaphoreType.DMA] * NBUF,
            [pltpu.SemaphoreType.DMA] * NBUF,
        ],
    )
    def prop1(src_hbm, dst_hbm, g_hbm, out_hbm,
              src_v, dst_v, bufs, acc, gsems, ssems):
        c = lax.axis_index("c")
        s = lax.axis_index("s")
        w = c * NS + s
        r0 = s * rows
        pltpu.sync_copy(src_hbm.at[w], src_v)
        pltpu.sync_copy(dst_hbm.at[w], dst_v)
        pltpu.sync_copy(g_hbm.at[pl.ds(r0, rows)], acc.at[pl.ds(r0, rows)])
        plsc.subcore_barrier()
        _ring_loop(kch, src_v, dst_v, g_hbm, acc, bufs, gsems, ssems)
        plsc.subcore_barrier()
        pltpu.sync_copy(acc.at[pl.ds(r0, rows)],
                        out_hbm.at[pl.ds(c * n_pad + r0, rows)])

    return prop1


@functools.lru_cache(maxsize=None)
def _make_final(n_pad: int):
    rpw = n_pad // NW

    @functools.partial(
        pl.kernel,
        out_type=jax.ShapeDtypeStruct((n_pad,), jnp.float32),
        mesh=_mesh(),
        compiler_params=_SC_PARAMS,
        scratch_types=[
            pltpu.VMEM((rpw,), jnp.float32),
            pltpu.VMEM((rpw,), jnp.float32),
            pltpu.VMEM((rpw,), jnp.float32),
            pltpu.VMEM((rpw,), jnp.float32),
            pltpu.VMEM((rpw,), jnp.float32),
            pltpu.VMEM((16,), jnp.float32),
        ],
    )
    def fin(p_hbm, cnt_hbm, g_hbm, b3_hbm, out_hbm,
            pa, pb, c0buf, c1buf, obuf, b3v):
        c = lax.axis_index("c")
        s = lax.axis_index("s")
        r0 = (c * NS + s) * rpw
        pltpu.sync_copy(p_hbm.at[pl.ds(r0, rpw)], pa)
        pltpu.sync_copy(p_hbm.at[pl.ds(n_pad + r0, rpw)], pb)
        pltpu.sync_copy(cnt_hbm.at[pl.ds(r0, rpw)], c0buf)
        pltpu.sync_copy(cnt_hbm.at[pl.ds(n_pad + r0, rpw)], c1buf)
        pltpu.sync_copy(g_hbm.at[pl.ds(r0, rpw)], obuf)
        pltpu.sync_copy(b3_hbm, b3v)
        bv = b3v[...]

        @pl.loop(0, rpw // 16)
        def _(i):
            lo = i * 16
            deg = c0buf[pl.ds(lo, 16)] + c1buf[pl.ds(lo, 16)] - 1.0
            bits = plsc.bitcast(deg, jnp.int32)
            y = plsc.bitcast(0x5F3759DF - (bits >> 1), jnp.float32)
            for _ in range(4):
                y = y * (1.5 - 0.5 * deg * y * y)
            acc = pa[pl.ds(lo, 16)] + pb[pl.ds(lo, 16)] - obuf[pl.ds(lo, 16)]
            obuf[pl.ds(lo, 16)] = y * acc + bv

        pltpu.sync_copy(obuf, out_hbm.at[pl.ds(r0, rpw)])

    return fin



def _dinv(c0, c1):
    return lax.rsqrt(c0 + c1 - 1.0)


def _t1_body(c0_ref, c1_ref, x_ref, w1_ref, g1_ref):
    dinv = _dinv(c0_ref[...], c1_ref[...])
    u1 = jnp.dot(x_ref[...], w1_ref[...], preferred_element_type=jnp.float32)
    g1_ref[...] = u1 * dinv


def _t2_body(c0_ref, c1_ref, pa_ref, pb_ref, g1_ref, b1_ref, g2_ref):
    dinv = _dinv(c0_ref[...], c1_ref[...])
    s = pa_ref[...] + pb_ref[...] - g1_ref[...]
    h1 = jnp.maximum(dinv * s + b1_ref[...], 0.0)
    g2_ref[...] = dinv * h1


def _t3_body(c0_ref, c1_ref, pa_ref, pb_ref, g2_ref, w2_ref, b2_ref, w3_ref,
             g3_ref):
    dinv = _dinv(c0_ref[...], c1_ref[...])
    ah1 = dinv * (pa_ref[...] + pb_ref[...] - g2_ref[...])
    h2 = jnp.maximum(
        jnp.dot(ah1, w2_ref[...], preferred_element_type=jnp.float32)
        + b2_ref[...], 0.0)
    z = jnp.sum(h2 * w3_ref[...], axis=1, keepdims=True)
    g3_ref[...] = z * dinv


BR = 512


def _tc_call(body, grid, in_specs, out_w, n_pad, args):
    return pl.pallas_call(
        body,
        grid=(grid,),
        in_specs=in_specs,
        out_specs=pl.BlockSpec((BR, out_w), lambda i: (i, 0)),
        out_shape=jax.ShapeDtypeStruct((n_pad, out_w), jnp.float32),
    )(*args)



def kernel(x, edge_index, W1, b1, W2, b2, W3, b3):
    n, d = x.shape
    e = edge_index.shape[1]
    f1 = W1.shape[1]
    f2 = W2.shape[1]

    n_pad = -(-n // BR) * BR
    gb = n_pad // BR

    chunk = None
    if e % NW == 0:
        epw = e // NW
        for ch in range(128, 0, -1):
            if epw % ch == 0 and (epw // ch) % NBUF == 0:
                chunk = ch
                break
    if chunk is not None:
        kch = e // (NW * chunk)
        src = edge_index[0].reshape(NW, kch, chunk)
        dst = edge_index[1].reshape(NW, kch, chunk)
    else:
        chunk = 128
        kch = -(-(-(-e // (NW * chunk))) // NBUF) * NBUF
        e_pad = NW * kch * chunk
        spare = max(n_pad - n, 1)
        pad_dst = n + (jnp.arange(e_pad - e, dtype=jnp.int32) % spare)
        src = jnp.concatenate(
            [edge_index[0], jnp.zeros((e_pad - e,), jnp.int32)]).reshape(
                NW, kch, chunk)
        dst = jnp.concatenate([edge_index[1], pad_dst]).reshape(
            NW, kch, chunk)

    ones = jnp.ones((n_pad,), jnp.float32)

    cnt = _make_count(n_pad, kch, chunk)(dst, ones)
    cnt2 = cnt.reshape(NC * n_pad, 1)

    def lo(w):
        return pl.BlockSpec((BR, w), lambda i: (i, 0))

    def hi(w):
        return pl.BlockSpec((BR, w), lambda i: (i + gb, 0))

    def full(shape):
        return pl.BlockSpec(shape, lambda i: (0, 0))

    cs = (lo(1), hi(1))

    g1 = _tc_call(
        _t1_body, gb,
        [*cs, lo(d), full((d, f1))],
        f1, n_pad, (cnt2, cnt2, x, W1))

    p1 = _make_prop(n_pad, kch, chunk, f1)(src, dst, g1)

    g2 = _tc_call(
        _t2_body, gb,
        [*cs, lo(f1), hi(f1), lo(f1), full((1, f1))],
        f1, n_pad, (cnt2, cnt2, p1, p1, g1, b1.reshape(1, f1)))

    p2 = _make_prop(n_pad, kch, chunk, f1)(src, dst, g2)

    g3 = _tc_call(
        _t3_body, gb,
        [*cs, lo(f1), hi(f1), lo(f1), full((f1, f2)), full((1, f2)),
         full((1, f2))],
        1, n_pad, (cnt2, cnt2, p2, p2, g2, W2, b2.reshape(1, f2),
                   W3.reshape(1, f2)))

    b3v = jnp.broadcast_to(b3.astype(jnp.float32).reshape(1), (16,))
    g3f = g3.reshape(n_pad)
    p3 = _make_prop1(n_pad, kch, chunk)(src, dst, g3f)
    out = _make_final(n_pad)(p3, cnt, g3f, b3v)

    return out[:n]

# --- scband reference (transcript-rebuilt; emitter-appended) ---
"""Pipeline reference for scband-gcnmodel-11244224381605 (READ-ONLY COPY).

The authoritative reference and input builder live on the scoring server;
editing this copy changes nothing except your own understanding.
"""

import jax, jax.numpy as jnp
import numpy as np

N = 10000
E = 320000
D = 128


def setup_inputs(seed: int = 0) -> dict:
    key = jax.random.key(seed)
    ks = jax.random.split(key, 10)
    x = jax.random.normal(ks[0], (N, D), dtype=jnp.float32)
    edge_index = jax.random.randint(ks[1], (2, E), 0, N, dtype=jnp.int32)
    W1 = jax.random.normal(ks[2], (D, 48), dtype=jnp.float32) * (1.0 / np.sqrt(D))
    b1 = jnp.zeros((48,), dtype=jnp.float32)
    W2 = jax.random.normal(ks[3], (48, 60), dtype=jnp.float32) * (1.0 / np.sqrt(48))
    b2 = jnp.zeros((60,), dtype=jnp.float32)
    W3 = jax.random.normal(ks[4], (60, 1), dtype=jnp.float32) * (1.0 / np.sqrt(60))
    b3 = jnp.zeros((1,), dtype=jnp.float32)
    return {"x": x, "edge_index": edge_index, "W1": W1, "b1": b1, "W2": W2, "b2": b2, "W3": W3, "b3": b3}


def _gcn_conv(x, src, dst, norm, W, b):
    # PyG GCNConv: h = x @ W; message = norm * h[src]; scatter-add to dst; + bias
    h = x @ W
    msg = h[src] * norm[:, None]
    out = jax.ops.segment_sum(msg, dst, num_segments=N)
    return out + b


def reference(x, edge_index, W1, b1, W2, b2, W3, b3):
    # add self-loops (GCNConv default add_self_loops=True)
    loops = jnp.arange(N, dtype=edge_index.dtype)
    src = jnp.concatenate([edge_index[0], loops])
    dst = jnp.concatenate([edge_index[1], loops])
    # symmetric normalization deg^-1/2[src] * deg^-1/2[dst] with self-loop degrees
    deg = jax.ops.segment_sum(jnp.ones_like(src, dtype=jnp.float32), dst, num_segments=N)
    dinv = jnp.where(deg > 0, 1.0 / jnp.sqrt(deg), 0.0)
    norm = dinv[src] * dinv[dst]
    h = jax.nn.relu(_gcn_conv(x, src, dst, norm, W1, b1))
    h = jax.nn.relu(_gcn_conv(h, src, dst, norm, W2, b2))
    h = _gcn_conv(h, src, dst, norm, W3, b3)
    return h.flatten()

if __name__ == "__main__":
    import jax
    _d = setup_inputs()
    print(jax.jit(kernel)(*tuple(_d.values())))

</pallas_src>

<mosaic_0001>
#map = affine_map<(d0, d1) -> (0, 0, 0)>
#map1 = affine_map<(d0, d1) -> (0)>
module attributes {stable_mosaic.version = 14 : i64} {
  func.func @count(%arg0: i32, %arg1: i32, %arg2: memref<32x80x125xi32, #tpu.memory_space<hbm>>, %arg3: memref<10240xf32, #tpu.memory_space<hbm>>, %arg4: memref<20480xf32, #tpu.memory_space<hbm>>, %arg5: memref<80x125xi32, #tpu.memory_space<vmem>>, %arg6: memref<125xf32, #tpu.memory_space<vmem>>, %arg7: memref<10240xf32, #tpu.memory_space<vmem_shared>>, %arg8: memref<!tpu.dma_semaphore, #tpu.memory_space<semaphore_mem>>) attributes {dimension_semantics = [#tpu.dimension_semantics<core_parallel>, #tpu.dimension_semantics<subcore_parallel>], iteration_bounds = array<i64: 2, 16>, scalar_prefetch = 0 : i64, scratch_operands = 4 : i64, tpu.core_type = #tpu.core_type<sc_vector_subcore>, window_params = [{transform_indices = #map}, {transform_indices = #map1}, {transform_indices = #map1}]} {
    %mul3A = arith.constant 16 : i32
    %mul3A_0 = arith.muli %arg0, %mul3A : i32
    %add3A = arith.addi %mul3A_0, %arg1 : i32
    %mul3A_1 = arith.constant 640 : i32
    %mul3A_2 = arith.muli %arg1, %mul3A_1 : i32
    "tpu.region"() ({
      %run_scoped3A = tpu.sem_alloc : memref<!tpu.dma_semaphore, #tpu.memory_space<semaphore_mem>>
      %dma_start3A = arith.constant 0 : i32
      %dma_start3A_16 = arith.constant 0 : i32
      %dma_start3A_17 = tpu.memref_slice %arg2[%add3A, %dma_start3A, %dma_start3A_16] : memref<32x80x125xi32, #tpu.memory_space<hbm>> -> memref<1x80x125xi32, #tpu.memory_space<hbm>>
      %dma_start3A_18 = tpu.memref_squeeze %dma_start3A_17 : memref<1x80x125xi32, #tpu.memory_space<hbm>> -> memref<80x125xi32, #tpu.memory_space<hbm>>
      %dma_start3A_19 = arith.constant 0 : i32
      %dma_start3A_20 = arith.constant 0 : i32
      %dma_start3A_21 = tpu.memref_slice %arg2[%add3A, %dma_start3A_19, %dma_start3A_20] : memref<32x80x125xi32, #tpu.memory_space<hbm>> -> memref<1x80x125xi32, #tpu.memory_space<hbm>>
      %dma_start3A_22 = tpu.memref_squeeze %dma_start3A_21 : memref<1x80x125xi32, #tpu.memory_space<hbm>> -> memref<80x125xi32, #tpu.memory_space<hbm>>
      tpu.enqueue_dma source(%dma_start3A_22 : memref<80x125xi32, #tpu.memory_space<hbm>>) target(%arg5 : memref<80x125xi32, #tpu.memory_space<vmem>>) target_semaphore(%run_scoped3A : memref<!tpu.dma_semaphore, #tpu.memory_space<semaphore_mem>>)
      %dma_wait3A = arith.constant 0 : i32
      %dma_wait3A_23 = arith.constant 0 : i32
      %dma_wait3A_24 = tpu.memref_slice %arg2[%add3A, %dma_wait3A, %dma_wait3A_23] : memref<32x80x125xi32, #tpu.memory_space<hbm>> -> memref<1x80x125xi32, #tpu.memory_space<hbm>>
      %dma_wait3A_25 = tpu.memref_squeeze %dma_wait3A_24 : memref<1x80x125xi32, #tpu.memory_space<hbm>> -> memref<80x125xi32, #tpu.memory_space<hbm>>
      %dma_wait3A_26 = arith.constant 0 : i32
      %dma_wait3A_27 = arith.constant 0 : i32
      %dma_wait3A_28 = tpu.memref_slice %arg2[%add3A, %dma_wait3A_26, %dma_wait3A_27] : memref<32x80x125xi32, #tpu.memory_space<hbm>> -> memref<1x80x125xi32, #tpu.memory_space<hbm>>
      %dma_wait3A_29 = tpu.memref_squeeze %dma_wait3A_28 : memref<1x80x125xi32, #tpu.memory_space<hbm>> -> memref<80x125xi32, #tpu.memory_space<hbm>>
      tpu.wait_dma2 semaphore(%run_scoped3A : memref<!tpu.dma_semaphore, #tpu.memory_space<semaphore_mem>>) src(%dma_wait3A_29 : memref<80x125xi32, #tpu.memory_space<hbm>>) dst(%arg5 : memref<80x125xi32, #tpu.memory_space<vmem>>)
      tpu.yield
    }) : () -> ()
    "tpu.region"() ({
      %run_scoped3A = tpu.sem_alloc : memref<!tpu.dma_semaphore, #tpu.memory_space<semaphore_mem>>
      %dma_start3A = arith.constant 0 : i32
      %dma_start3A_16 = tpu.memref_slice %arg3[%dma_start3A] : memref<10240xf32, #tpu.memory_space<hbm>> -> memref<125xf32, #tpu.memory_space<hbm>>
      %dma_start3A_17 = arith.constant 0 : i32
      %dma_start3A_18 = tpu.memref_slice %arg3[%dma_start3A_17] : memref<10240xf32, #tpu.memory_space<hbm>> -> memref<125xf32, #tpu.memory_space<hbm>>
      tpu.enqueue_dma source(%dma_start3A_18 : memref<125xf32, #tpu.memory_space<hbm>>) target(%arg6 : memref<125xf32, #tpu.memory_space<vmem>>) target_semaphore(%run_scoped3A : memref<!tpu.dma_semaphore, #tpu.memory_space<semaphore_mem>>)
      %dma_wait3A = arith.constant 0 : i32
      %dma_wait3A_19 = tpu.memref_slice %arg3[%dma_wait3A] : memref<10240xf32, #tpu.memory_space<hbm>> -> memref<125xf32, #tpu.memory_space<hbm>>
      %dma_wait3A_20 = arith.constant 0 : i32
      %dma_wait3A_21 = tpu.memref_slice %arg3[%dma_wait3A_20] : memref<10240xf32, #tpu.memory_space<hbm>> -> memref<125xf32, #tpu.memory_space<hbm>>
      tpu.wait_dma2 semaphore(%run_scoped3A : memref<!tpu.dma_semaphore, #tpu.memory_space<semaphore_mem>>) src(%dma_wait3A_21 : memref<125xf32, #tpu.memory_space<hbm>>) dst(%arg6 : memref<125xf32, #tpu.memory_space<vmem>>)
      tpu.yield
    }) : () -> ()
    "tpu.region"() ({
      %run_scoped3A = tpu.sem_alloc : memref<!tpu.dma_semaphore, #tpu.memory_space<semaphore_mem>>
      %dma_start3A = tpu.memref_slice %arg7[%mul3A_2] : memref<10240xf32, #tpu.memory_space<vmem_shared>> -> memref<640xf32, #tpu.memory_space<vmem_shared>>
      %dma_start3A_16 = tpu.memref_slice %arg3[%mul3A_2] : memref<10240xf32, #tpu.memory_space<hbm>> -> memref<640xf32, #tpu.memory_space<hbm>>
      tpu.enqueue_dma source(%dma_start3A_16 : memref<640xf32, #tpu.memory_space<hbm>>) target(%dma_start3A : memref<640xf32, #tpu.memory_space<vmem_shared>>) target_semaphore(%run_scoped3A : memref<!tpu.dma_semaphore, #tpu.memory_space<semaphore_mem>>)
      %dma_wait3A = tpu.memref_slice %arg7[%mul3A_2] : memref<10240xf32, #tpu.memory_space<vmem_shared>> -> memref<640xf32, #tpu.memory_space<vmem_shared>>
      %dma_wait3A_17 = tpu.memref_slice %arg3[%mul3A_2] : memref<10240xf32, #tpu.memory_space<hbm>> -> memref<640xf32, #tpu.memory_space<hbm>>
      tpu.wait_dma2 semaphore(%run_scoped3A : memref<!tpu.dma_semaphore, #tpu.memory_space<semaphore_mem>>) src(%dma_wait3A_17 : memref<640xf32, #tpu.memory_space<hbm>>) dst(%dma_wait3A : memref<640xf32, #tpu.memory_space<vmem_shared>>)
      tpu.yield
    }) : () -> ()
    %barrier3A = arith.constant 0 : index
    tpu.barrier barrier_id(%barrier3A)
    %scan3A = arith.constant 0 : i32
    %scan3A_3 = arith.constant 80 : i32
    %scan3A_4 = arith.addi %scan3A, %scan3A_3 : i32
    %scan3A_5 = arith.constant 1 : i32
    scf.for %scan3A_16 = %scan3A to %scan3A_4 step %scan3A_5  : i32 {
      %mul3A_17 = arith.constant 1 : i32
      %mul3A_18 = arith.muli %scan3A_16, %mul3A_17 : i32
      %add3A_19 = arith.constant 0 : i32
      %add3A_20 = arith.addi %add3A_19, %mul3A_18 : i32
      %dma_start3A = arith.constant 0 : i32
      %dma_start3A_21 = tpu.memref_slice %arg5[%add3A_20, %dma_start3A] : memref<80x125xi32, #tpu.memory_space<vmem>> -> memref<1x125xi32, #tpu.memory_space<vmem>>
      %dma_start3A_22 = tpu.memref_squeeze %dma_start3A_21 : memref<1x125xi32, #tpu.memory_space<vmem>> -> memref<125xi32, #tpu.memory_space<vmem>>
      %dma_start3A_23 = arith.constant 0 : i32
      %dma_start3A_24 = tpu.memref_slice %arg7[%dma_start3A_23] : memref<10240xf32, #tpu.memory_space<vmem_shared>> -> memref<10240xf32, #tpu.memory_space<vmem_shared>>
      tpu.enqueue_indirect_dma source(%arg6 : memref<125xf32, #tpu.memory_space<vmem>>) target(%dma_start3A_24 : memref<10240xf32, #tpu.memory_space<vmem_shared>>) offsets(%dma_start3A_22 : memref<125xi32, #tpu.memory_space<vmem>>) semaphore(%arg8 : memref<!tpu.dma_semaphore, #tpu.memory_space<semaphore_mem>>) {add = true}
    }
    %scan3A_6 = arith.constant 80 : i32
    %scan3A_7 = arith.constant 0 : i32
    %scan3A_8 = arith.constant 80 : i32
    %scan3A_9 = arith.addi %scan3A_7, %scan3A_8 : i32
    %scan3A_10 = arith.constant 1 : i32
    scf.for %scan3A_16 = %scan3A_7 to %scan3A_9 step %scan3A_10  : i32 {
      %mul3A_17 = arith.constant 1 : i32
      %mul3A_18 = arith.muli %scan3A_16, %mul3A_17 : i32
      %add3A_19 = arith.constant 0 : i32
      %add3A_20 = arith.addi %add3A_19, %mul3A_18 : i32
      %dma_wait3A = arith.constant 0 : i32
      %dma_wait3A_21 = tpu.memref_slice %arg5[%add3A_20, %dma_wait3A] : memref<80x125xi32, #tpu.memory_space<vmem>> -> memref<1x125xi32, #tpu.memory_space<vmem>>
      %dma_wait3A_22 = tpu.memref_squeeze %dma_wait3A_21 : memref<1x125xi32, #tpu.memory_space<vmem>> -> memref<125xi32, #tpu.memory_space<vmem>>
      %dma_wait3A_23 = arith.constant 0 : i32
      %dma_wait3A_24 = tpu.memref_slice %arg7[%dma_wait3A_23] : memref<10240xf32, #tpu.memory_space<vmem_shared>> -> memref<10240xf32, #tpu.memory_space<vmem_shared>>
      tpu.wait_indirect_dma semaphore(%arg8 : memref<!tpu.dma_semaphore, #tpu.memory_space<semaphore_mem>>) src(%arg6 : memref<125xf32, #tpu.memory_space<vmem>>) dst(%dma_wait3A_24 : memref<10240xf32, #tpu.memory_space<vmem_shared>>)
    }
    %scan3A_11 = arith.constant 80 : i32
    %barrier3A_12 = arith.constant 0 : index
    tpu.barrier barrier_id(%barrier3A_12)
    %mul3A_13 = arith.constant 10240 : i32
    %mul3A_14 = arith.muli %arg0, %mul3A_13 : i32
    %add3A_15 = arith.addi %mul3A_14, %mul3A_2 : i32
    "tpu.region"() ({
      %run_scoped3A = tpu.sem_alloc : memref<!tpu.dma_semaphore, #tpu.memory_space<semaphore_mem>>
      %dma_start3A = tpu.memref_slice %arg4[%add3A_15] : memref<20480xf32, #tpu.memory_space<hbm>> -> memref<640xf32, #tpu.memory_space<hbm>>
      %dma_start3A_16 = tpu.memref_slice %arg7[%mul3A_2] : memref<10240xf32, #tpu.memory_space<vmem_shared>> -> memref<640xf32, #tpu.memory_space<vmem_shared>>
      tpu.enqueue_dma source(%dma_start3A_16 : memref<640xf32, #tpu.memory_space<vmem_shared>>) target(%dma_start3A : memref<640xf32, #tpu.memory_space<hbm>>) target_semaphore(%run_scoped3A : memref<!tpu.dma_semaphore, #tpu.memory_space<semaphore_mem>>)
      %dma_wait3A = tpu.memref_slice %arg4[%add3A_15] : memref<20480xf32, #tpu.memory_space<hbm>> -> memref<640xf32, #tpu.memory_space<hbm>>
      %dma_wait3A_17 = tpu.memref_slice %arg7[%mul3A_2] : memref<10240xf32, #tpu.memory_space<vmem_shared>> -> memref<640xf32, #tpu.memory_space<vmem_shared>>
      tpu.wait_dma2 semaphore(%run_scoped3A : memref<!tpu.dma_semaphore, #tpu.memory_space<semaphore_mem>>) src(%dma_wait3A_17 : memref<640xf32, #tpu.memory_space<vmem_shared>>) dst(%dma_wait3A : memref<640xf32, #tpu.memory_space<hbm>>)
      tpu.yield
    }) : () -> ()
    return
  }
}

#map = affine_map<(d0, d1) -> (0, 0, 0)>
#map1 = affine_map<(d0, d1) -> (0, 0)>
module attributes {stable_mosaic.version = 14 : i64} {
  func.func @prop(%arg0: i32, %arg1: i32, %arg2: memref<32x80x125xi32, #tpu.memory_space<hbm>>, %arg3: memref<32x80x125xi32, #tpu.memory_space<hbm>>, %arg4: memref<10240x48xf32, #tpu.memory_space<hbm>>, %arg5: memref<20480x48xf32, #tpu.memory_space<hbm>>, %arg6: memref<80x125xi32, #tpu.memory_space<vmem>>, %arg7: memref<80x125xi32, #tpu.memory_space<vmem>>, %arg8: memref<125x48xf32, #tpu.memory_space<vmem>>, %arg9: memref<125x48xf32, #tpu.memory_space<vmem>>, %arg10: memref<125x48xf32, #tpu.memory_space<vmem>>, %arg11: memref<125x48xf32, #tpu.memory_space<vmem>>, %arg12: memref<125x48xf32, #tpu.memory_space<vmem>>, %arg13: memref<125x48xf32, #tpu.memory_space<vmem>>, %arg14: memref<125x48xf32, #tpu.memory_space<vmem>>, %arg15: memref<125x48xf32, #tpu.memory_space<vmem>>, %arg16: memref<10240x48xf32, #tpu.memory_space<vmem_shared>>, %arg17: memref<!tpu.dma_semaphore, #tpu.memory_space<semaphore_mem>>, %arg18: memref<!tpu.dma_semaphore, #tpu.memory_space<semaphore_mem>>, %arg19: memref<!tpu.dma_semaphore, #tpu.memory_space<semaphore_mem>>, %arg20: memref<!tpu.dma_semaphore, #tpu.memory_space<semaphore_mem>>, %arg21: memref<!tpu.dma_semaphore, #tpu.memory_space<semaphore_mem>>, %arg22: memref<!tpu.dma_semaphore, #tpu.memory_space<semaphore_mem>>, %arg23: memref<!tpu.dma_semaphore, #tpu.memory_space<semaphore_mem>>, %arg24: memref<!tpu.dma_semaphore, #tpu.memory_space<semaphore_mem>>, %arg25: memref<!tpu.dma_semaphore, #tpu.memory_space<semaphore_mem>>, %arg26: memref<!tpu.dma_semaphore, #tpu.memory_space<semaphore_mem>>, %arg27: memref<!tpu.dma_semaphore, #tpu.memory_space<semaphore_mem>>, %arg28: memref<!tpu.dma_semaphore, #tpu.memory_space<semaphore_mem>>, %arg29: memref<!tpu.dma_semaphore, #tpu.memory_space<semaphore_mem>>, %arg30: memref<!tpu.dma_semaphore, #tpu.memory_space<semaphore_mem>>, %arg31: memref<!tpu.dma_semaphore, #tpu.memory_space<semaphore_mem>>, %arg32: memref<!tpu.dma_semaphore, #tpu.memory_space<semaphore_mem>>) attributes {dimension_semantics = [#tpu.dimension_semantics<core_parallel>, #tpu.dimension_semantics<subcore_parallel>], iteration_bounds = array<i64: 2, 16>, scalar_prefetch = 0 : i64, scratch_operands = 27 : i64, tpu.core_type = #tpu.core_type<sc_vector_subcore>, window_params = [{transform_indices = #map}, {transform_indices = #map}, {transform_indices = #map1}, {transform_indices = #map1}]} {
    %mul3A = arith.constant 16 : i32
    %mul3A_0 = arith.muli %arg0, %mul3A : i32
    %add3A = arith.addi %mul3A_0, %arg1 : i32
    %mul3A_1 = arith.constant 640 : i32
    %mul3A_2 = arith.muli %arg1, %mul3A_1 : i32
    "tpu.region"() ({
      %run_scoped3A = tpu.sem_alloc : memref<!tpu.dma_semaphore, #tpu.memory_space<semaphore_mem>>
      %dma_start3A_65 = arith.constant 0 : i32
      %dma_start3A_66 = arith.constant 0 : i32
      %dma_start3A_67 = tpu.memref_slice %arg2[%add3A, %dma_start3A_65, %dma_start3A_66] : memref<32x80x125xi32, #tpu.memory_space<hbm>> -> memref<1x80x125xi32, #tpu.memory_space<hbm>>
      %dma_start3A_68 = tpu.memref_squeeze %dma_start3A_67 : memref<1x80x125xi32, #tpu.memory_space<hbm>> -> memref<80x125xi32, #tpu.memory_space<hbm>>
      %dma_start3A_69 = arith.constant 0 : i32
      %dma_start3A_70 = arith.constant 0 : i32
      %dma_start3A_71 = tpu.memref_slice %arg2[%add3A, %dma_start3A_69, %dma_start3A_70] : memref<32x80x125xi32, #tpu.memory_space<hbm>> -> memref<1x80x125xi32, #tpu.memory_space<hbm>>
      %dma_start3A_72 = tpu.memref_squeeze %dma_start3A_71 : memref<1x80x125xi32, #tpu.memory_space<hbm>> -> memref<80x125xi32, #tpu.memory_space<hbm>>
      tpu.enqueue_dma source(%dma_start3A_72 : memref<80x125xi32, #tpu.memory_space<hbm>>) target(%arg6 : memref<80x125xi32, #tpu.memory_space<vmem>>) target_semaphore(%run_scoped3A : memref<!tpu.dma_semaphore, #tpu.memory_space<semaphore_mem>>)
      %dma_wait3A_73 = arith.constant 0 : i32
      %dma_wait3A_74 = arith.constant 0 : i32
      %dma_wait3A_75 = tpu.memref_slice %arg2[%add3A, %dma_wait3A_73, %dma_wait3A_74] : memref<32x80x125xi32, #tpu.memory_space<hbm>> -> memref<1x80x125xi32, #tpu.memory_space<hbm>>
      %dma_wait3A_76 = tpu.memref_squeeze %dma_wait3A_75 : memref<1x80x125xi32, #tpu.memory_space<hbm>> -> memref<80x125xi32, #tpu.memory_space<hbm>>
      %dma_wait3A_77 = arith.constant 0 : i32
      %dma_wait3A_78 = arith.constant 0 : i32
      %dma_wait3A_79 = tpu.memref_slice %arg2[%add3A, %dma_wait3A_77, %dma_wait3A_78] : memref<32x80x125xi32, #tpu.memory_space<hbm>> -> memref<1x80x125xi32, #tpu.memory_space<hbm>>
      %dma_wait3A_80 = tpu.memref_squeeze %dma_wait3A_79 : memref<1x80x125xi32, #tpu.memory_space<hbm>> -> memref<80x125xi32, #tpu.memory_space<hbm>>
      tpu.wait_dma2 semaphore(%run_scoped3A : memref<!tpu.dma_semaphore, #tpu.memory_space<semaphore_mem>>) src(%dma_wait3A_80 : memref<80x125xi32, #tpu.memory_space<hbm>>) dst(%arg6 : memref<80x125xi32, #tpu.memory_space<vmem>>)
      tpu.yield
    }) : () -> ()
    "tpu.region"() ({
      %run_scoped3A = tpu.sem_alloc : memref<!tpu.dma_semaphore, #tpu.memory_space<semaphore_mem>>
      %dma_start3A_65 = arith.constant 0 : i32
      %dma_start3A_66 = arith.constant 0 : i32
      %dma_start3A_67 = tpu.memref_slice %arg3[%add3A, %dma_start3A_65, %dma_start3A_66] : memref<32x80x125xi32, #tpu.memory_space<hbm>> -> memref<1x80x125xi32, #tpu.memory_space<hbm>>
      %dma_start3A_68 = tpu.memref_squeeze %dma_start3A_67 : memref<1x80x125xi32, #tpu.memory_space<hbm>> -> memref<80x125xi32, #tpu.memory_space<hbm>>
      %dma_start3A_69 = arith.constant 0 : i32
      %dma_start3A_70 = arith.constant 0 : i32
      %dma_start3A_71 = tpu.memref_slice %arg3[%add3A, %dma_start3A_69, %dma_start3A_70] : memref<32x80x125xi32, #tpu.memory_space<hbm>> -> memref<1x80x125xi32, #tpu.memory_space<hbm>>
      %dma_start3A_72 = tpu.memref_squeeze %dma_start3A_71 : memref<1x80x125xi32, #tpu.memory_space<hbm>> -> memref<80x125xi32, #tpu.memory_space<hbm>>
      tpu.enqueue_dma source(%dma_start3A_72 : memref<80x125xi32, #tpu.memory_space<hbm>>) target(%arg7 : memref<80x125xi32, #tpu.memory_space<vmem>>) target_semaphore(%run_scoped3A : memref<!tpu.dma_semaphore, #tpu.memory_space<semaphore_mem>>)
      %dma_wait3A_73 = arith.constant 0 : i32
      %dma_wait3A_74 = arith.constant 0 : i32
      %dma_wait3A_75 = tpu.memref_slice %arg3[%add3A, %dma_wait3A_73, %dma_wait3A_74] : memref<32x80x125xi32, #tpu.memory_space<hbm>> -> memref<1x80x125xi32, #tpu.memory_space<hbm>>
      %dma_wait3A_76 = tpu.memref_squeeze %dma_wait3A_75 : memref<1x80x125xi32, #tpu.memory_space<hbm>> -> memref<80x125xi32, #tpu.memory_space<hbm>>
      %dma_wait3A_77 = arith.constant 0 : i32
      %dma_wait3A_78 = arith.constant 0 : i32
      %dma_wait3A_79 = tpu.memref_slice %arg3[%add3A, %dma_wait3A_77, %dma_wait3A_78] : memref<32x80x125xi32, #tpu.memory_space<hbm>> -> memref<1x80x125xi32, #tpu.memory_space<hbm>>
      %dma_wait3A_80 = tpu.memref_squeeze %dma_wait3A_79 : memref<1x80x125xi32, #tpu.memory_space<hbm>> -> memref<80x125xi32, #tpu.memory_space<hbm>>
      tpu.wait_dma2 semaphore(%run_scoped3A : memref<!tpu.dma_semaphore, #tpu.memory_space<semaphore_mem>>) src(%dma_wait3A_80 : memref<80x125xi32, #tpu.memory_space<hbm>>) dst(%arg7 : memref<80x125xi32, #tpu.memory_space<vmem>>)
      tpu.yield
    }) : () -> ()
    "tpu.region"() ({
      %run_scoped3A = tpu.sem_alloc : memref<!tpu.dma_semaphore, #tpu.memory_space<semaphore_mem>>
      %dma_start3A_65 = arith.constant 0 : i32
      %dma_start3A_66 = tpu.memref_slice %arg16[%mul3A_2, %dma_start3A_65] : memref<10240x48xf32, #tpu.memory_space<vmem_shared>> -> memref<640x48xf32, #tpu.memory_space<vmem_shared>>
      %dma_start3A_67 = arith.constant 0 : i32
      %dma_start3A_68 = tpu.memref_slice %arg4[%mul3A_2, %dma_start3A_67] : memref<10240x48xf32, #tpu.memory_space<hbm>> -> memref<640x48xf32, #tpu.memory_space<hbm>>
      tpu.enqueue_dma source(%dma_start3A_68 : memref<640x48xf32, #tpu.memory_space<hbm>>) target(%dma_start3A_66 : memref<640x48xf32, #tpu.memory_space<vmem_shared>>) target_semaphore(%run_scoped3A : memref<!tpu.dma_semaphore, #tpu.memory_space<semaphore_mem>>)
      %dma_wait3A_69 = arith.constant 0 : i32
      %dma_wait3A_70 = tpu.memref_slice %arg16[%mul3A_2, %dma_wait3A_69] : memref<10240x48xf32, #tpu.memory_space<vmem_shared>> -> memref<640x48xf32, #tpu.memory_space<vmem_shared>>
      %dma_wait3A_71 = arith.constant 0 : i32
      %dma_wait3A_72 = tpu.memref_slice %arg4[%mul3A_2, %dma_wait3A_71] : memref<10240x48xf32, #tpu.memory_space<hbm>> -> memref<640x48xf32, #tpu.memory_space<hbm>>
      tpu.wait_dma2 semaphore(%run_scoped3A : memref<!tpu.dma_semaphore, #tpu.memory_space<semaphore_mem>>) src(%dma_wait3A_72 : memref<640x48xf32, #tpu.memory_space<hbm>>) dst(%dma_wait3A_70 : memref<640x48xf32, #tpu.memory_space<vmem_shared>>)
      tpu.yield
    }) : () -> ()
    %barrier3A = arith.constant 0 : index
    tpu.barrier barrier_id(%barrier3A)
    %dma_start3A = arith.constant 0 : i32
    %dma_start3A_3 = arith.constant 0 : i32
    %dma_start3A_4 = tpu.memref_slice %arg6[%dma_start3A, %dma_start3A_3] : memref<80x125xi32, #tpu.memory_space<vmem>> -> memref<1x125xi32, #tpu.memory_space<vmem>>
    %dma_start3A_5 = tpu.memref_squeeze %dma_start3A_4 : memref<1x125xi32, #tpu.memory_space<vmem>> -> memref<125xi32, #tpu.memory_space<vmem>>
    %dma_start3A_6 = arith.constant 0 : i32
    %dma_start3A_7 = arith.constant 0 : i32
    %dma_start3A_8 = tpu.memref_slice %arg4[%dma_start3A_6, %dma_start3A_7] : memref<10240x48xf32, #tpu.memory_space<hbm>> -> memref<10240x48xf32, #tpu.memory_space<hbm>>
    tpu.enqueue_indirect_dma source(%dma_start3A_8 : memref<10240x48xf32, #tpu.memory_space<hbm>>) target(%arg8 : memref<125x48xf32, #tpu.memory_space<vmem>>) offsets(%dma_start3A_5 : memref<125xi32, #tpu.memory_space<vmem>>) semaphore(%arg17 : memref<!tpu.dma_semaphore, #tpu.memory_space<semaphore_mem>>)
    %dma_start3A_9 = arith.constant 1 : i32
    %dma_start3A_10 = arith.constant 0 : i32
    %dma_start3A_11 = tpu.memref_slice %arg6[%dma_start3A_9, %dma_start3A_10] : memref<80x125xi32, #tpu.memory_space<vmem>> -> memref<1x125xi32, #tpu.memory_space<vmem>>
    %dma_start3A_12 = tpu.memref_squeeze %dma_start3A_11 : memref<1x125xi32, #tpu.memory_space<vmem>> -> memref<125xi32, #tpu.memory_space<vmem>>
    %dma_start3A_13 = arith.constant 0 : i32
    %dma_start3A_14 = arith.constant 0 : i32
    %dma_start3A_15 = tpu.memref_slice %arg4[%dma_start3A_13, %dma_start3A_14] : memref<10240x48xf32, #tpu.memory_space<hbm>> -> memref<10240x48xf32, #tpu.memory_space<hbm>>
    tpu.enqueue_indirect_dma source(%dma_start3A_15 : memref<10240x48xf32, #tpu.memory_space<hbm>>) target(%arg9 : memref<125x48xf32, #tpu.memory_space<vmem>>) offsets(%dma_start3A_12 : memref<125xi32, #tpu.memory_space<vmem>>) semaphore(%arg18 : memref<!tpu.dma_semaphore, #tpu.memory_space<semaphore_mem>>)
    %dma_start3A_16 = arith.constant 2 : i32
    %dma_start3A_17 = arith.constant 0 : i32
    %dma_start3A_18 = tpu.memref_slice %arg6[%dma_start3A_16, %dma_start3A_17] : memref<80x125xi32, #tpu.memory_space<vmem>> -> memref<1x125xi32, #tpu.memory_space<vmem>>
    %dma_start3A_19 = tpu.memref_squeeze %dma_start3A_18 : memref<1x125xi32, #tpu.memory_space<vmem>> -> memref<125xi32, #tpu.memory_space<vmem>>
    %dma_start3A_20 = arith.constant 0 : i32
    %dma_start3A_21 = arith.constant 0 : i32
    %dma_start3A_22 = tpu.memref_slice %arg4[%dma_start3A_20, %dma_start3A_21] : memref<10240x48xf32, #tpu.memory_space<hbm>> -> memref<10240x48xf32, #tpu.memory_space<hbm>>
    tpu.enqueue_indirect_dma source(%dma_start3A_22 : memref<10240x48xf32, #tpu.memory_space<hbm>>) target(%arg10 : memref<125x48xf32, #tpu.memory_space<vmem>>) offsets(%dma_start3A_19 : memref<125xi32, #tpu.memory_space<vmem>>) semaphore(%arg19 : memref<!tpu.dma_semaphore, #tpu.memory_space<semaphore_mem>>)
    %dma_start3A_23 = arith.constant 3 : i32
    %dma_start3A_24 = arith.constant 0 : i32
    %dma_start3A_25 = tpu.memref_slice %arg6[%dma_start3A_23, %dma_start3A_24] : memref<80x125xi32, #tpu.memory_space<vmem>> -> memref<1x125xi32, #tpu.memory_space<vmem>>
    %dma_start3A_26 = tpu.memref_squeeze %dma_start3A_25 : memref<1x125xi32, #tpu.memory_space<vmem>> -> memref<125xi32, #tpu.memory_space<vmem>>
    %dma_start3A_27 = arith.constant 0 : i32
    %dma_start3A_28 = arith.constant 0 : i32
    %dma_start3A_29 = tpu.memref_slice %arg4[%dma_start3A_27, %dma_start3A_28] : memref<10240x48xf32, #tpu.memory_space<hbm>> -> memref<10240x48xf32, #tpu.memory_space<hbm>>
    tpu.enqueue_indirect_dma source(%dma_start3A_29 : memref<10240x48xf32, #tpu.memory_space<hbm>>) target(%arg11 : memref<125x48xf32, #tpu.memory_space<vmem>>) offsets(%dma_start3A_26 : memref<125xi32, #tpu.memory_space<vmem>>) semaphore(%arg20 : memref<!tpu.dma_semaphore, #tpu.memory_space<semaphore_mem>>)
    %scan3A = arith.constant 0 : i32
    %scan3A_30 = arith.constant 10 : i32
    %scan3A_31 = arith.addi %scan3A, %scan3A_30 : i32
    %scan3A_32 = arith.constant 1 : i32
    scf.for %scan3A_65 = %scan3A to %scan3A_31 step %scan3A_32  : i32 {
      %mul3A_66 = arith.constant 8 : i32
      %mul3A_67 = arith.muli %scan3A_65, %mul3A_66 : i32
      %add3A_68 = arith.constant 0 : i32
      %add3A_69 = arith.addi %add3A_68, %mul3A_67 : i32
      %add3A_70 = arith.constant 0 : i32
      %add3A_71 = arith.addi %add3A_69, %add3A_70 : i32
      %dma_wait3A_72 = arith.constant 0 : i32
      %dma_wait3A_73 = tpu.memref_slice %arg6[%add3A_71, %dma_wait3A_72] : memref<80x125xi32, #tpu.memory_space<vmem>> -> memref<1x125xi32, #tpu.memory_space<vmem>>
      %dma_wait3A_74 = tpu.memref_squeeze %dma_wait3A_73 : memref<1x125xi32, #tpu.memory_space<vmem>> -> memref<125xi32, #tpu.memory_space<vmem>>
      %dma_wait3A_75 = arith.constant 0 : i32
      %dma_wait3A_76 = arith.constant 0 : i32
      %dma_wait3A_77 = tpu.memref_slice %arg4[%dma_wait3A_75, %dma_wait3A_76] : memref<10240x48xf32, #tpu.memory_space<hbm>> -> memref<10240x48xf32, #tpu.memory_space<hbm>>
      tpu.wait_indirect_dma semaphore(%arg17 : memref<!tpu.dma_semaphore, #tpu.memory_space<semaphore_mem>>) src(%dma_wait3A_77 : memref<10240x48xf32, #tpu.memory_space<hbm>>) dst(%arg8 : memref<125x48xf32, #tpu.memory_space<vmem>>)
      %dma_start3A_78 = arith.constant 0 : i32
      %dma_start3A_79 = tpu.memref_slice %arg7[%add3A_71, %dma_start3A_78] : memref<80x125xi32, #tpu.memory_space<vmem>> -> memref<1x125xi32, #tpu.memory_space<vmem>>
      %dma_start3A_80 = tpu.memref_squeeze %dma_start3A_79 : memref<1x125xi32, #tpu.memory_space<vmem>> -> memref<125xi32, #tpu.memory_space<vmem>>
      %dma_start3A_81 = arith.constant 0 : i32
      %dma_start3A_82 = arith.constant 0 : i32
      %dma_start3A_83 = tpu.memref_slice %arg16[%dma_start3A_81, %dma_start3A_82] : memref<10240x48xf32, #tpu.memory_space<vmem_shared>> -> memref<10240x48xf32, #tpu.memory_space<vmem_shared>>
      tpu.enqueue_indirect_dma source(%arg8 : memref<125x48xf32, #tpu.memory_space<vmem>>) target(%dma_start3A_83 : memref<10240x48xf32, #tpu.memory_space<vmem_shared>>) offsets(%dma_start3A_80 : memref<125xi32, #tpu.memory_space<vmem>>) semaphore(%arg25 : memref<!tpu.dma_semaphore, #tpu.memory_space<semaphore_mem>>) {add = true}
      %ge3A = arith.constant 4 : i32
      %ge3A_84 = arith.cmpi sge, %add3A_71, %ge3A : i32
      %convert_element_type3A = arith.extui %ge3A_84 : i1 to i32
      %cond3A = arith.constant 0 : i32
      %cond3A_85 = arith.cmpi ne, %convert_element_type3A, %cond3A : i32
      scf.if %cond3A_85 {
        %sub3A = arith.constant 4 : i32
        %sub3A_274 = arith.subi %add3A_71, %sub3A : i32
        %dma_wait3A_275 = arith.constant 0 : i32
        %dma_wait3A_276 = tpu.memref_slice %arg7[%sub3A_274, %dma_wait3A_275] : memref<80x125xi32, #tpu.memory_space<vmem>> -> memref<1x125xi32, #tpu.memory_space<vmem>>
        %dma_wait3A_277 = tpu.memref_squeeze %dma_wait3A_276 : memref<1x125xi32, #tpu.memory_space<vmem>> -> memref<125xi32, #tpu.memory_space<vmem>>
        %dma_wait3A_278 = arith.constant 0 : i32
        %dma_wait3A_279 = arith.constant 0 : i32
        %dma_wait3A_280 = tpu.memref_slice %arg16[%dma_wait3A_278, %dma_wait3A_279] : memref<10240x48xf32, #tpu.memory_space<vmem_shared>> -> memref<10240x48xf32, #tpu.memory_space<vmem_shared>>
        tpu.wait_indirect_dma semaphore(%arg29 : memref<!tpu.dma_semaphore, #tpu.memory_space<semaphore_mem>>) src(%arg12 : memref<125x48xf32, #tpu.memory_space<vmem>>) dst(%dma_wait3A_280 : memref<10240x48xf32, #tpu.memory_space<vmem_shared>>)
      } else {
      }
      %add3A_86 = arith.constant 4 : i32
      %add3A_87 = arith.addi %add3A_71, %add3A_86 : i32
      %lt3A = arith.constant 80 : i32
      %lt3A_88 = arith.cmpi slt, %add3A_87, %lt3A : i32
      %convert_element_type3A_89 = arith.extui %lt3A_88 : i1 to i32
      %cond3A_90 = arith.constant 0 : i32
      %cond3A_91 = arith.cmpi ne, %convert_element_type3A_89, %cond3A_90 : i32
      scf.if %cond3A_91 {
        %add3A_274 = arith.constant 4 : i32
        %add3A_275 = arith.addi %add3A_71, %add3A_274 : i32
        %dma_start3A_276 = arith.constant 0 : i32
        %dma_start3A_277 = tpu.memref_slice %arg6[%add3A_275, %dma_start3A_276] : memref<80x125xi32, #tpu.memory_space<vmem>> -> memref<1x125xi32, #tpu.memory_space<vmem>>
        %dma_start3A_278 = tpu.memref_squeeze %dma_start3A_277 : memref<1x125xi32, #tpu.memory_space<vmem>> -> memref<125xi32, #tpu.memory_space<vmem>>
        %dma_start3A_279 = arith.constant 0 : i32
        %dma_start3A_280 = arith.constant 0 : i32
        %dma_start3A_281 = tpu.memref_slice %arg4[%dma_start3A_279, %dma_start3A_280] : memref<10240x48xf32, #tpu.memory_space<hbm>> -> memref<10240x48xf32, #tpu.memory_space<hbm>>
        tpu.enqueue_indirect_dma source(%dma_start3A_281 : memref<10240x48xf32, #tpu.memory_space<hbm>>) target(%arg12 : memref<125x48xf32, #tpu.memory_space<vmem>>) offsets(%dma_start3A_278 : memref<125xi32, #tpu.memory_space<vmem>>) semaphore(%arg21 : memref<!tpu.dma_semaphore, #tpu.memory_space<semaphore_mem>>)
      } else {
      }
      %add3A_92 = arith.constant 1 : i32
      %add3A_93 = arith.addi %add3A_69, %add3A_92 : i32
      %dma_wait3A_94 = arith.constant 0 : i32
      %dma_wait3A_95 = tpu.memref_slice %arg6[%add3A_93, %dma_wait3A_94] : memref<80x125xi32, #tpu.memory_space<vmem>> -> memref<1x125xi32, #tpu.memory_space<vmem>>
      %dma_wait3A_96 = tpu.memref_squeeze %dma_wait3A_95 : memref<1x125xi32, #tpu.memory_space<vmem>> -> memref<125xi32, #tpu.memory_space<vmem>>
      %dma_wait3A_97 = arith.constant 0 : i32
      %dma_wait3A_98 = arith.constant 0 : i32
      %dma_wait3A_99 = tpu.memref_slice %arg4[%dma_wait3A_97, %dma_wait3A_98] : memref<10240x48xf32, #tpu.memory_space<hbm>> -> memref<10240x48xf32, #tpu.memory_space<hbm>>
      tpu.wait_indirect_dma semaphore(%arg18 : memref<!tpu.dma_semaphore, #tpu.memory_space<semaphore_mem>>) src(%dma_wait3A_99 : memref<10240x48xf32, #tpu.memory_space<hbm>>) dst(%arg9 : memref<125x48xf32, #tpu.memory_space<vmem>>)
      %dma_start3A_100 = arith.constant 0 : i32
      %dma_start3A_101 = tpu.memref_slice %arg7[%add3A_93, %dma_start3A_100] : memref<80x125xi32, #tpu.memory_space<vmem>> -> memref<1x125xi32, #tpu.memory_space<vmem>>
      %dma_start3A_102 = tpu.memref_squeeze %dma_start3A_101 : memref<1x125xi32, #tpu.memory_space<vmem>> -> memref<125xi32, #tpu.memory_space<vmem>>
      %dma_start3A_103 = arith.constant 0 : i32
      %dma_start3A_104 = arith.constant 0 : i32
      %dma_start3A_105 = tpu.memref_slice %arg16[%dma_start3A_103, %dma_start3A_104] : memref<10240x48xf32, #tpu.memory_space<vmem_shared>> -> memref<10240x48xf32, #tpu.memory_space<vmem_shared>>
      tpu.enqueue_indirect_dma source(%arg9 : memref<125x48xf32, #tpu.memory_space<vmem>>) target(%dma_start3A_105 : memref<10240x48xf32, #tpu.memory_space<vmem_shared>>) offsets(%dma_start3A_102 : memref<125xi32, #tpu.memory_space<vmem>>) semaphore(%arg26 : memref<!tpu.dma_semaphore, #tpu.memory_space<semaphore_mem>>) {add = true}
      %ge3A_106 = arith.constant 4 : i32
      %ge3A_107 = arith.cmpi sge, %add3A_93, %ge3A_106 : i32
      %convert_element_type3A_108 = arith.extui %ge3A_107 : i1 to i32
      %cond3A_109 = arith.constant 0 : i32
      %cond3A_110 = arith.cmpi ne, %convert_element_type3A_108, %cond3A_109 : i32
      scf.if %cond3A_110 {
        %sub3A = arith.constant 4 : i32
        %sub3A_274 = arith.subi %add3A_93, %sub3A : i32
        %dma_wait3A_275 = arith.constant 0 : i32
        %dma_wait3A_276 = tpu.memref_slice %arg7[%sub3A_274, %dma_wait3A_275] : memref<80x125xi32, #tpu.memory_space<vmem>> -> memref<1x125xi32, #tpu.memory_space<vmem>>
        %dma_wait3A_277 = tpu.memref_squeeze %dma_wait3A_276 : memref<1x125xi32, #tpu.memory_space<vmem>> -> memref<125xi32, #tpu.memory_space<vmem>>
        %dma_wait3A_278 = arith.constant 0 : i32
        %dma_wait3A_279 = arith.constant 0 : i32
        %dma_wait3A_280 = tpu.memref_slice %arg16[%dma_wait3A_278, %dma_wait3A_279] : memref<10240x48xf32, #tpu.memory_space<vmem_shared>> -> memref<10240x48xf32, #tpu.memory_space<vmem_shared>>
        tpu.wait_indirect_dma semaphore(%arg30 : memref<!tpu.dma_semaphore, #tpu.memory_space<semaphore_mem>>) src(%arg13 : memref<125x48xf32, #tpu.memory_space<vmem>>) dst(%dma_wait3A_280 : memref<10240x48xf32, #tpu.memory_space<vmem_shared>>)
      } else {
      }
      %add3A_111 = arith.constant 4 : i32
      %add3A_112 = arith.addi %add3A_93, %add3A_111 : i32
      %lt3A_113 = arith.constant 80 : i32
      %lt3A_114 = arith.cmpi slt, %add3A_112, %lt3A_113 : i32
      %convert_element_type3A_115 = arith.extui %lt3A_114 : i1 to i32
      %cond3A_116 = arith.constant 0 : i32
      %cond3A_117 = arith.cmpi ne, %convert_element_type3A_115, %cond3A_116 : i32
      scf.if %cond3A_117 {
        %add3A_274 = arith.constant 4 : i32
        %add3A_275 = arith.addi %add3A_93, %add3A_274 : i32
        %dma_start3A_276 = arith.constant 0 : i32
        %dma_start3A_277 = tpu.memref_slice %arg6[%add3A_275, %dma_start3A_276] : memref<80x125xi32, #tpu.memory_space<vmem>> -> memref<1x125xi32, #tpu.memory_space<vmem>>
        %dma_start3A_278 = tpu.memref_squeeze %dma_start3A_277 : memref<1x125xi32, #tpu.memory_space<vmem>> -> memref<125xi32, #tpu.memory_space<vmem>>
        %dma_start3A_279 = arith.constant 0 : i32
        %dma_start3A_280 = arith.constant 0 : i32
        %dma_start3A_281 = tpu.memref_slice %arg4[%dma_start3A_279, %dma_start3A_280] : memref<10240x48xf32, #tpu.memory_space<hbm>> -> memref<10240x48xf32, #tpu.memory_space<hbm>>
        tpu.enqueue_indirect_dma source(%dma_start3A_281 : memref<10240x48xf32, #tpu.memory_space<hbm>>) target(%arg13 : memref<125x48xf32, #tpu.memory_space<vmem>>) offsets(%dma_start3A_278 : memref<125xi32, #tpu.memory_space<vmem>>) semaphore(%arg22 : memref<!tpu.dma_semaphore, #tpu.memory_space<semaphore_mem>>)
      } else {
      }
      %add3A_118 = arith.constant 2 : i32
      %add3A_119 = arith.addi %add3A_69, %add3A_118 : i32
      %dma_wait3A_120 = arith.constant 0 : i32
      %dma_wait3A_121 = tpu.memref_slice %arg6[%add3A_119, %dma_wait3A_120] : memref<80x125xi32, #tpu.memory_space<vmem>> -> memref<1x125xi32, #tpu.memory_space<vmem>>
      %dma_wait3A_122 = tpu.memref_squeeze %dma_wait3A_121 : memref<1x125xi32, #tpu.memory_space<vmem>> -> memref<125xi32, #tpu.memory_space<vmem>>
      %dma_wait3A_123 = arith.constant 0 : i32
      %dma_wait3A_124 = arith.constant 0 : i32
      %dma_wait3A_125 = tpu.memref_slice %arg4[%dma_wait3A_123, %dma_wait3A_124] : memref<10240x48xf32, #tpu.memory_space<hbm>> -> memref<10240x48xf32, #tpu.memory_space<hbm>>
      tpu.wait_indirect_dma semaphore(%arg19 : memref<!tpu.dma_semaphore, #tpu.memory_space<semaphore_mem>>) src(%dma_wait3A_125 : memref<10240x48xf32, #tpu.memory_space<hbm>>) dst(%arg10 : memref<125x48xf32, #tpu.memory_space<vmem>>)
      %dma_start3A_126 = arith.constant 0 : i32
      %dma_start3A_127 = tpu.memref_slice %arg7[%add3A_119, %dma_start3A_126] : memref<80x125xi32, #tpu.memory_space<vmem>> -> memref<1x125xi32, #tpu.memory_space<vmem>>
      %dma_start3A_128 = tpu.memref_squeeze %dma_start3A_127 : memref<1x125xi32, #tpu.memory_space<vmem>> -> memref<125xi32, #tpu.memory_space<vmem>>
      %dma_start3A_129 = arith.constant 0 : i32
      %dma_start3A_130 = arith.constant 0 : i32
      %dma_start3A_131 = tpu.memref_slice %arg16[%dma_start3A_129, %dma_start3A_130] : memref<10240x48xf32, #tpu.memory_space<vmem_shared>> -> memref<10240x48xf32, #tpu.memory_space<vmem_shared>>
      tpu.enqueue_indirect_dma source(%arg10 : memref<125x48xf32, #tpu.memory_space<vmem>>) target(%dma_start3A_131 : memref<10240x48xf32, #tpu.memory_space<vmem_shared>>) offsets(%dma_start3A_128 : memref<125xi32, #tpu.memory_space<vmem>>) semaphore(%arg27 : memref<!tpu.dma_semaphore, #tpu.memory_space<semaphore_mem>>) {add = true}
      %ge3A_132 = arith.constant 4 : i32
      %ge3A_133 = arith.cmpi sge, %add3A_119, %ge3A_132 : i32
      %convert_element_type3A_134 = arith.extui %ge3A_133 : i1 to i32
      %cond3A_135 = arith.constant 0 : i32
      %cond3A_136 = arith.cmpi ne, %convert_element_type3A_134, %cond3A_135 : i32
      scf.if %cond3A_136 {
        %sub3A = arith.constant 4 : i32
        %sub3A_274 = arith.subi %add3A_119, %sub3A : i32
        %dma_wait3A_275 = arith.constant 0 : i32
        %dma_wait3A_276 = tpu.memref_slice %arg7[%sub3A_274, %dma_wait3A_275] : memref<80x125xi32, #tpu.memory_space<vmem>> -> memref<1x125xi32, #tpu.memory_space<vmem>>
        %dma_wait3A_277 = tpu.memref_squeeze %dma_wait3A_276 : memref<1x125xi32, #tpu.memory_space<vmem>> -> memref<125xi32, #tpu.memory_space<vmem>>
        %dma_wait3A_278 = arith.constant 0 : i32
        %dma_wait3A_279 = arith.constant 0 : i32
        %dma_wait3A_280 = tpu.memref_slice %arg16[%dma_wait3A_278, %dma_wait3A_279] : memref<10240x48xf32, #tpu.memory_space<vmem_shared>> -> memref<10240x48xf32, #tpu.memory_space<vmem_shared>>
        tpu.wait_indirect_dma semaphore(%arg31 : memref<!tpu.dma_semaphore, #tpu.memory_space<semaphore_mem>>) src(%arg14 : memref<125x48xf32, #tpu.memory_space<vmem>>) dst(%dma_wait3A_280 : memref<10240x48xf32, #tpu.memory_space<vmem_shared>>)
      } else {
      }
      %add3A_137 = arith.constant 4 : i32
      %add3A_138 = arith.addi %add3A_119, %add3A_137 : i32
      %lt3A_139 = arith.constant 80 : i32
      %lt3A_140 = arith.cmpi slt, %add3A_138, %lt3A_139 : i32
      %convert_element_type3A_141 = arith.extui %lt3A_140 : i1 to i32
      %cond3A_142 = arith.constant 0 : i32
      %cond3A_143 = arith.cmpi ne, %convert_element_type3A_141, %cond3A_142 : i32
      scf.if %cond3A_143 {
        %add3A_274 = arith.constant 4 : i32
        %add3A_275 = arith.addi %add3A_119, %add3A_274 : i32
        %dma_start3A_276 = arith.constant 0 : i32
        %dma_start3A_277 = tpu.memref_slice %arg6[%add3A_275, %dma_start3A_276] : memref<80x125xi32, #tpu.memory_space<vmem>> -> memref<1x125xi32, #tpu.memory_space<vmem>>
        %dma_start3A_278 = tpu.memref_squeeze %dma_start3A_277 : memref<1x125xi32, #tpu.memory_space<vmem>> -> memref<125xi32, #tpu.memory_space<vmem>>
        %dma_start3A_279 = arith.constant 0 : i32
        %dma_start3A_280 = arith.constant 0 : i32
        %dma_start3A_281 = tpu.memref_slice %arg4[%dma_start3A_279, %dma_start3A_280] : memref<10240x48xf32, #tpu.memory_space<hbm>> -> memref<10240x48xf32, #tpu.memory_space<hbm>>
        tpu.enqueue_indirect_dma source(%dma_start3A_281 : memref<10240x48xf32, #tpu.memory_space<hbm>>) target(%arg14 : memref<125x48xf32, #tpu.memory_space<vmem>>) offsets(%dma_start3A_278 : memref<125xi32, #tpu.memory_space<vmem>>) semaphore(%arg23 : memref<!tpu.dma_semaphore, #tpu.memory_space<semaphore_mem>>)
      } else {
      }
      %add3A_144 = arith.constant 3 : i32
      %add3A_145 = arith.addi %add3A_69, %add3A_144 : i32
      %dma_wait3A_146 = arith.constant 0 : i32
      %dma_wait3A_147 = tpu.memref_slice %arg6[%add3A_145, %dma_wait3A_146] : memref<80x125xi32, #tpu.memory_space<vmem>> -> memref<1x125xi32, #tpu.memory_space<vmem>>
      %dma_wait3A_148 = tpu.memref_squeeze %dma_wait3A_147 : memref<1x125xi32, #tpu.memory_space<vmem>> -> memref<125xi32, #tpu.memory_space<vmem>>
      %dma_wait3A_149 = arith.constant 0 : i32
      %dma_wait3A_150 = arith.constant 0 : i32
      %dma_wait3A_151 = tpu.memref_slice %arg4[%dma_wait3A_149, %dma_wait3A_150] : memref<10240x48xf32, #tpu.memory_space<hbm>> -> memref<10240x48xf32, #tpu.memory_space<hbm>>
      tpu.wait_indirect_dma semaphore(%arg20 : memref<!tpu.dma_semaphore, #tpu.memory_space<semaphore_mem>>) src(%dma_wait3A_151 : memref<10240x48xf32, #tpu.memory_space<hbm>>) dst(%arg11 : memref<125x48xf32, #tpu.memory_space<vmem>>)
      %dma_start3A_152 = arith.constant 0 : i32
      %dma_start3A_153 = tpu.memref_slice %arg7[%add3A_145, %dma_start3A_152] : memref<80x125xi32, #tpu.memory_space<vmem>> -> memref<1x125xi32, #tpu.memory_space<vmem>>
      %dma_start3A_154 = tpu.memref_squeeze %dma_start3A_153 : memref<1x125xi32, #tpu.memory_space<vmem>> -> memref<125xi32, #tpu.memory_space<vmem>>
      %dma_start3A_155 = arith.constant 0 : i32
      %dma_start3A_156 = arith.constant 0 : i32
      %dma_start3A_157 = tpu.memref_slice %arg16[%dma_start3A_155, %dma_start3A_156] : memref<10240x48xf32, #tpu.memory_space<vmem_shared>> -> memref<10240x48xf32, #tpu.memory_space<vmem_shared>>
      tpu.enqueue_indirect_dma source(%arg11 : memref<125x48xf32, #tpu.memory_space<vmem>>) target(%dma_start3A_157 : memref<10240x48xf32, #tpu.memory_space<vmem_shared>>) offsets(%dma_start3A_154 : memref<125xi32, #tpu.memory_space<vmem>>) semaphore(%arg28 : memref<!tpu.dma_semaphore, #tpu.memory_space<semaphore_mem>>) {add = true}
      %ge3A_158 = arith.constant 4 : i32
      %ge3A_159 = arith.cmpi sge, %add3A_145, %ge3A_158 : i32
      %convert_element_type3A_160 = arith.extui %ge3A_159 : i1 to i32
      %cond3A_161 = arith.constant 0 : i32
      %cond3A_162 = arith.cmpi ne, %convert_element_type3A_160, %cond3A_161 : i32
      scf.if %cond3A_162 {
        %sub3A = arith.constant 4 : i32
        %sub3A_274 = arith.subi %add3A_145, %sub3A : i32
        %dma_wait3A_275 = arith.constant 0 : i32
        %dma_wait3A_276 = tpu.memref_slice %arg7[%sub3A_274, %dma_wait3A_275] : memref<80x125xi32, #tpu.memory_space<vmem>> -> memref<1x125xi32, #tpu.memory_space<vmem>>
        %dma_wait3A_277 = tpu.memref_squeeze %dma_wait3A_276 : memref<1x125xi32, #tpu.memory_space<vmem>> -> memref<125xi32, #tpu.memory_space<vmem>>
        %dma_wait3A_278 = arith.constant 0 : i32
        %dma_wait3A_279 = arith.constant 0 : i32
        %dma_wait3A_280 = tpu.memref_slice %arg16[%dma_wait3A_278, %dma_wait3A_279] : memref<10240x48xf32, #tpu.memory_space<vmem_shared>> -> memref<10240x48xf32, #tpu.memory_space<vmem_shared>>
        tpu.wait_indirect_dma semaphore(%arg32 : memref<!tpu.dma_semaphore, #tpu.memory_space<semaphore_mem>>) src(%arg15 : memref<125x48xf32, #tpu.memory_space<vmem>>) dst(%dma_wait3A_280 : memref<10240x48xf32, #tpu.memory_space<vmem_shared>>)
      } else {
      }
      %add3A_163 = arith.constant 4 : i32
      %add3A_164 = arith.addi %add3A_145, %add3A_163 : i32
      %lt3A_165 = arith.constant 80 : i32
      %lt3A_166 = arith.cmpi slt, %add3A_164, %lt3A_165 : i32
      %convert_element_type3A_167 = arith.extui %lt3A_166 : i1 to i32
      %cond3A_168 = arith.constant 0 : i32
      %cond3A_169 = arith.cmpi ne, %convert_element_type3A_167, %cond3A_168 : i32
      scf.if %cond3A_169 {
        %add3A_274 = arith.constant 4 : i32
        %add3A_275 = arith.addi %add3A_145, %add3A_274 : i32
        %dma_start3A_276 = arith.constant 0 : i32
        %dma_start3A_277 = tpu.memref_slice %arg6[%add3A_275, %dma_start3A_276] : memref<80x125xi32, #tpu.memory_space<vmem>> -> memref<1x125xi32, #tpu.memory_space<vmem>>
        %dma_start3A_278 = tpu.memref_squeeze %dma_start3A_277 : memref<1x125xi32, #tpu.memory_space<vmem>> -> memref<125xi32, #tpu.memory_space<vmem>>
        %dma_start3A_279 = arith.constant 0 : i32
        %dma_start3A_280 = arith.constant 0 : i32
        %dma_start3A_281 = tpu.memref_slice %arg4[%dma_start3A_279, %dma_start3A_280] : memref<10240x48xf32, #tpu.memory_space<hbm>> -> memref<10240x48xf32, #tpu.memory_space<hbm>>
        tpu.enqueue_indirect_dma source(%dma_start3A_281 : memref<10240x48xf32, #tpu.memory_space<hbm>>) target(%arg15 : memref<125x48xf32, #tpu.memory_space<vmem>>) offsets(%dma_start3A_278 : memref<125xi32, #tpu.memory_space<vmem>>) semaphore(%arg24 : memref<!tpu.dma_semaphore, #tpu.memory_space<semaphore_mem>>)
      } else {
      }
      %add3A_170 = arith.constant 4 : i32
      %add3A_171 = arith.addi %add3A_69, %add3A_170 : i32
      %dma_wait3A_172 = arith.constant 0 : i32
      %dma_wait3A_173 = tpu.memref_slice %arg6[%add3A_171, %dma_wait3A_172] : memref<80x125xi32, #tpu.memory_space<vmem>> -> memref<1x125xi32, #tpu.memory_space<vmem>>
      %dma_wait3A_174 = tpu.memref_squeeze %dma_wait3A_173 : memref<1x125xi32, #tpu.memory_space<vmem>> -> memref<125xi32, #tpu.memory_space<vmem>>
      %dma_wait3A_175 = arith.constant 0 : i32
      %dma_wait3A_176 = arith.constant 0 : i32
      %dma_wait3A_177 = tpu.memref_slice %arg4[%dma_wait3A_175, %dma_wait3A_176] : memref<10240x48xf32, #tpu.memory_space<hbm>> -> memref<10240x48xf32, #tpu.memory_space<hbm>>
      tpu.wait_indirect_dma semaphore(%arg21 : memref<!tpu.dma_semaphore, #tpu.memory_space<semaphore_mem>>) src(%dma_wait3A_177 : memref<10240x48xf32, #tpu.memory_space<hbm>>) dst(%arg12 : memref<125x48xf32, #tpu.memory_space<vmem>>)
      %dma_start3A_178 = arith.constant 0 : i32
      %dma_start3A_179 = tpu.memref_slice %arg7[%add3A_171, %dma_start3A_178] : memref<80x125xi32, #tpu.memory_space<vmem>> -> memref<1x125xi32, #tpu.memory_space<vmem>>
      %dma_start3A_180 = tpu.memref_squeeze %dma_start3A_179 : memref<1x125xi32, #tpu.memory_space<vmem>> -> memref<125xi32, #tpu.memory_space<vmem>>
      %dma_start3A_181 = arith.constant 0 : i32
      %dma_start3A_182 = arith.constant 0 : i32
      %dma_start3A_183 = tpu.memref_slice %arg16[%dma_start3A_181, %dma_start3A_182] : memref<10240x48xf32, #tpu.memory_space<vmem_shared>> -> memref<10240x48xf32, #tpu.memory_space<vmem_shared>>
      tpu.enqueue_indirect_dma source(%arg12 : memref<125x48xf32, #tpu.memory_space<vmem>>) target(%dma_start3A_183 : memref<10240x48xf32, #tpu.memory_space<vmem_shared>>) offsets(%dma_start3A_180 : memref<125xi32, #tpu.memory_space<vmem>>) semaphore(%arg29 : memref<!tpu.dma_semaphore, #tpu.memory_space<semaphore_mem>>) {add = true}
      %ge3A_184 = arith.constant 4 : i32
      %ge3A_185 = arith.cmpi sge, %add3A_171, %ge3A_184 : i32
      %convert_element_type3A_186 = arith.extui %ge3A_185 : i1 to i32
      %cond3A_187 = arith.constant 0 : i32
      %cond3A_188 = arith.cmpi ne, %convert_element_type3A_186, %cond3A_187 : i32
      scf.if %cond3A_188 {
        %sub3A = arith.constant 4 : i32
        %sub3A_274 = arith.subi %add3A_171, %sub3A : i32
        %dma_wait3A_275 = arith.constant 0 : i32
        %dma_wait3A_276 = tpu.memref_slice %arg7[%sub3A_274, %dma_wait3A_275] : memref<80x125xi32, #tpu.memory_space<vmem>> -> memref<1x125xi32, #tpu.memory_space<vmem>>
        %dma_wait3A_277 = tpu.memref_squeeze %dma_wait3A_276 : memref<1x125xi32, #tpu.memory_space<vmem>> -> memref<125xi32, #tpu.memory_space<vmem>>
        %dma_wait3A_278 = arith.constant 0 : i32
        %dma_wait3A_279 = arith.constant 0 : i32
        %dma_wait3A_280 = tpu.memref_slice %arg16[%dma_wait3A_278, %dma_wait3A_279] : memref<10240x48xf32, #tpu.memory_space<vmem_shared>> -> memref<10240x48xf32, #tpu.memory_space<vmem_shared>>
        tpu.wait_indirect_dma semaphore(%arg25 : memref<!tpu.dma_semaphore, #tpu.memory_space<semaphore_mem>>) src(%arg8 : memref<125x48xf32, #tpu.memory_space<vmem>>) dst(%dma_wait3A_280 : memref<10240x48xf32, #tpu.memory_space<vmem_shared>>)
      } else {
      }
      %add3A_189 = arith.constant 4 : i32
      %add3A_190 = arith.addi %add3A_171, %add3A_189 : i32
      %lt3A_191 = arith.constant 80 : i32
      %lt3A_192 = arith.cmpi slt, %add3A_190, %lt3A_191 : i32
      %convert_element_type3A_193 = arith.extui %lt3A_192 : i1 to i32
      %cond3A_194 = arith.constant 0 : i32
      %cond3A_195 = arith.cmpi ne, %convert_element_type3A_193, %cond3A_194 : i32
      scf.if %cond3A_195 {
        %add3A_274 = arith.constant 4 : i32
        %add3A_275 = arith.addi %add3A_171, %add3A_274 : i32
        %dma_start3A_276 = arith.constant 0 : i32
        %dma_start3A_277 = tpu.memref_slice %arg6[%add3A_275, %dma_start3A_276] : memref<80x125xi32, #tpu.memory_space<vmem>> -> memref<1x125xi32, #tpu.memory_space<vmem>>
        %dma_start3A_278 = tpu.memref_squeeze %dma_start3A_277 : memref<1x125xi32, #tpu.memory_space<vmem>> -> memref<125xi32, #tpu.memory_space<vmem>>
        %dma_start3A_279 = arith.constant 0 : i32
        %dma_start3A_280 = arith.constant 0 : i32
        %dma_start3A_281 = tpu.memref_slice %arg4[%dma_start3A_279, %dma_start3A_280] : memref<10240x48xf32, #tpu.memory_space<hbm>> -> memref<10240x48xf32, #tpu.memory_space<hbm>>
        tpu.enqueue_indirect_dma source(%dma_start3A_281 : memref<10240x48xf32, #tpu.memory_space<hbm>>) target(%arg8 : memref<125x48xf32, #tpu.memory_space<vmem>>) offsets(%dma_start3A_278 : memref<125xi32, #tpu.memory_space<vmem>>) semaphore(%arg17 : memref<!tpu.dma_semaphore, #tpu.memory_space<semaphore_mem>>)
      } else {
      }
      %add3A_196 = arith.constant 5 : i32
      %add3A_197 = arith.addi %add3A_69, %add3A_196 : i32
      %dma_wait3A_198 = arith.constant 0 : i32
      %dma_wait3A_199 = tpu.memref_slice %arg6[%add3A_197, %dma_wait3A_198] : memref<80x125xi32, #tpu.memory_space<vmem>> -> memref<1x125xi32, #tpu.memory_space<vmem>>
      %dma_wait3A_200 = tpu.memref_squeeze %dma_wait3A_199 : memref<1x125xi32, #tpu.memory_space<vmem>> -> memref<125xi32, #tpu.memory_space<vmem>>
      %dma_wait3A_201 = arith.constant 0 : i32
      %dma_wait3A_202 = arith.constant 0 : i32
      %dma_wait3A_203 = tpu.memref_slice %arg4[%dma_wait3A_201, %dma_wait3A_202] : memref<10240x48xf32, #tpu.memory_space<hbm>> -> memref<10240x48xf32, #tpu.memory_space<hbm>>
      tpu.wait_indirect_dma semaphore(%arg22 : memref<!tpu.dma_semaphore, #tpu.memory_space<semaphore_mem>>) src(%dma_wait3A_203 : memref<10240x48xf32, #tpu.memory_space<hbm>>) dst(%arg13 : memref<125x48xf32, #tpu.memory_space<vmem>>)
      %dma_start3A_204 = arith.constant 0 : i32
      %dma_start3A_205 = tpu.memref_slice %arg7[%add3A_197, %dma_start3A_204] : memref<80x125xi32, #tpu.memory_space<vmem>> -> memref<1x125xi32, #tpu.memory_space<vmem>>
      %dma_start3A_206 = tpu.memref_squeeze %dma_start3A_205 : memref<1x125xi32, #tpu.memory_space<vmem>> -> memref<125xi32, #tpu.memory_space<vmem>>
      %dma_start3A_207 = arith.constant 0 : i32
      %dma_start3A_208 = arith.constant 0 : i32
      %dma_start3A_209 = tpu.memref_slice %arg16[%dma_start3A_207, %dma_start3A_208] : memref<10240x48xf32, #tpu.memory_space<vmem_shared>> -> memref<10240x48xf32, #tpu.memory_space<vmem_shared>>
      tpu.enqueue_indirect_dma source(%arg13 : memref<125x48xf32, #tpu.memory_space<vmem>>) target(%dma_start3A_209 : memref<10240x48xf32, #tpu.memory_space<vmem_shared>>) offsets(%dma_start3A_206 : memref<125xi32, #tpu.memory_space<vmem>>) semaphore(%arg30 : memref<!tpu.dma_semaphore, #tpu.memory_space<semaphore_mem>>) {add = true}
      %ge3A_210 = arith.constant 4 : i32
      %ge3A_211 = arith.cmpi sge, %add3A_197, %ge3A_210 : i32
      %convert_element_type3A_212 = arith.extui %ge3A_211 : i1 to i32
      %cond3A_213 = arith.constant 0 : i32
      %cond3A_214 = arith.cmpi ne, %convert_element_type3A_212, %cond3A_213 : i32
      scf.if %cond3A_214 {
        %sub3A = arith.constant 4 : i32
        %sub3A_274 = arith.subi %add3A_197, %sub3A : i32
        %dma_wait3A_275 = arith.constant 0 : i32
        %dma_wait3A_276 = tpu.memref_slice %arg7[%sub3A_274, %dma_wait3A_275] : memref<80x125xi32, #tpu.memory_space<vmem>> -> memref<1x125xi32, #tpu.memory_space<vmem>>
        %dma_wait3A_277 = tpu.memref_squeeze %dma_wait3A_276 : memref<1x125xi32, #tpu.memory_space<vmem>> -> memref<125xi32, #tpu.memory_space<vmem>>
        %dma_wait3A_278 = arith.constant 0 : i32
        %dma_wait3A_279 = arith.constant 0 : i32
        %dma_wait3A_280 = tpu.memref_slice %arg16[%dma_wait3A_278, %dma_wait3A_279] : memref<10240x48xf32, #tpu.memory_space<vmem_shared>> -> memref<10240x48xf32, #tpu.memory_space<vmem_shared>>
        tpu.wait_indirect_dma semaphore(%arg26 : memref<!tpu.dma_semaphore, #tpu.memory_space<semaphore_mem>>) src(%arg9 : memref<125x48xf32, #tpu.memory_space<vmem>>) dst(%dma_wait3A_280 : memref<10240x48xf32, #tpu.memory_space<vmem_shared>>)
      } else {
      }
      %add3A_215 = arith.constant 4 : i32
      %add3A_216 = arith.addi %add3A_197, %add3A_215 : i32
      %lt3A_217 = arith.constant 80 : i32
      %lt3A_218 = arith.cmpi slt, %add3A_216, %lt3A_217 : i32
      %convert_element_type3A_219 = arith.extui %lt3A_218 : i1 to i32
      %cond3A_220 = arith.constant 0 : i32
      %cond3A_221 = arith.cmpi ne, %convert_element_type3A_219, %cond3A_220 : i32
      scf.if %cond3A_221 {
        %add3A_274 = arith.constant 4 : i32
        %add3A_275 = arith.addi %add3A_197, %add3A_274 : i32
        %dma_start3A_276 = arith.constant 0 : i32
        %dma_start3A_277 = tpu.memref_slice %arg6[%add3A_275, %dma_start3A_276] : memref<80x125xi32, #tpu.memory_space<vmem>> -> memref<1x125xi32, #tpu.memory_space<vmem>>
        %dma_start3A_278 = tpu.memref_squeeze %dma_start3A_277 : memref<1x125xi32, #tpu.memory_space<vmem>> -> memref<125xi32, #tpu.memory_space<vmem>>
        %dma_start3A_279 = arith.constant 0 : i32
        %dma_start3A_280 = arith.constant 0 : i32
        %dma_start3A_281 = tpu.memref_slice %arg4[%dma_start3A_279, %dma_start3A_280] : memref<10240x48xf32, #tpu.memory_space<hbm>> -> memref<10240x48xf32, #tpu.memory_space<hbm>>
        tpu.enqueue_indirect_dma source(%dma_start3A_281 : memref<10240x48xf32, #tpu.memory_space<hbm>>) target(%arg9 : memref<125x48xf32, #tpu.memory_space<vmem>>) offsets(%dma_start3A_278 : memref<125xi32, #tpu.memory_space<vmem>>) semaphore(%arg18 : memref<!tpu.dma_semaphore, #tpu.memory_space<semaphore_mem>>)
      } else {
      }
      %add3A_222 = arith.constant 6 : i32
      %add3A_223 = arith.addi %add3A_69, %add3A_222 : i32
      %dma_wait3A_224 = arith.constant 0 : i32
      %dma_wait3A_225 = tpu.memref_slice %arg6[%add3A_223, %dma_wait3A_224] : memref<80x125xi32, #tpu.memory_space<vmem>> -> memref<1x125xi32, #tpu.memory_space<vmem>>
      %dma_wait3A_226 = tpu.memref_squeeze %dma_wait3A_225 : memref<1x125xi32, #tpu.memory_space<vmem>> -> memref<125xi32, #tpu.memory_space<vmem>>
      %dma_wait3A_227 = arith.constant 0 : i32
      %dma_wait3A_228 = arith.constant 0 : i32
      %dma_wait3A_229 = tpu.memref_slice %arg4[%dma_wait3A_227, %dma_wait3A_228] : memref<10240x48xf32, #tpu.memory_space<hbm>> -> memref<10240x48xf32, #tpu.memory_space<hbm>>
      tpu.wait_indirect_dma semaphore(%arg23 : memref<!tpu.dma_semaphore, #tpu.memory_space<semaphore_mem>>) src(%dma_wait3A_229 : memref<10240x48xf32, #tpu.memory_space<hbm>>) dst(%arg14 : memref<125x48xf32, #tpu.memory_space<vmem>>)
      %dma_start3A_230 = arith.constant 0 : i32
      %dma_start3A_231 = tpu.memref_slice %arg7[%add3A_223, %dma_start3A_230] : memref<80x125xi32, #tpu.memory_space<vmem>> -> memref<1x125xi32, #tpu.memory_space<vmem>>
      %dma_start3A_232 = tpu.memref_squeeze %dma_start3A_231 : memref<1x125xi32, #tpu.memory_space<vmem>> -> memref<125xi32, #tpu.memory_space<vmem>>
      %dma_start3A_233 = arith.constant 0 : i32
      %dma_start3A_234 = arith.constant 0 : i32
      %dma_start3A_235 = tpu.memref_slice %arg16[%dma_start3A_233, %dma_start3A_234] : memref<10240x48xf32, #tpu.memory_space<vmem_shared>> -> memref<10240x48xf32, #tpu.memory_space<vmem_shared>>
      tpu.enqueue_indirect_dma source(%arg14 : memref<125x48xf32, #tpu.memory_space<vmem>>) target(%dma_start3A_235 : memref<10240x48xf32, #tpu.memory_space<vmem_shared>>) offsets(%dma_start3A_232 : memref<125xi32, #tpu.memory_space<vmem>>) semaphore(%arg31 : memref<!tpu.dma_semaphore, #tpu.memory_space<semaphore_mem>>) {add = true}
      %ge3A_236 = arith.constant 4 : i32
      %ge3A_237 = arith.cmpi sge, %add3A_223, %ge3A_236 : i32
      %convert_element_type3A_238 = arith.extui %ge3A_237 : i1 to i32
      %cond3A_239 = arith.constant 0 : i32
      %cond3A_240 = arith.cmpi ne, %convert_element_type3A_238, %cond3A_239 : i32
      scf.if %cond3A_240 {
        %sub3A = arith.constant 4 : i32
        %sub3A_274 = arith.subi %add3A_223, %sub3A : i32
        %dma_wait3A_275 = arith.constant 0 : i32
        %dma_wait3A_276 = tpu.memref_slice %arg7[%sub3A_274, %dma_wait3A_275] : memref<80x125xi32, #tpu.memory_space<vmem>> -> memref<1x125xi32, #tpu.memory_space<vmem>>
        %dma_wait3A_277 = tpu.memref_squeeze %dma_wait3A_276 : memref<1x125xi32, #tpu.memory_space<vmem>> -> memref<125xi32, #tpu.memory_space<vmem>>
        %dma_wait3A_278 = arith.constant 0 : i32
        %dma_wait3A_279 = arith.constant 0 : i32
        %dma_wait3A_280 = tpu.memref_slice %arg16[%dma_wait3A_278, %dma_wait3A_279] : memref<10240x48xf32, #tpu.memory_space<vmem_shared>> -> memref<10240x48xf32, #tpu.memory_space<vmem_shared>>
        tpu.wait_indirect_dma semaphore(%arg27 : memref<!tpu.dma_semaphore, #tpu.memory_space<semaphore_mem>>) src(%arg10 : memref<125x48xf32, #tpu.memory_space<vmem>>) dst(%dma_wait3A_280 : memref<10240x48xf32, #tpu.memory_space<vmem_shared>>)
      } else {
      }
      %add3A_241 = arith.constant 4 : i32
      %add3A_242 = arith.addi %add3A_223, %add3A_241 : i32
      %lt3A_243 = arith.constant 80 : i32
      %lt3A_244 = arith.cmpi slt, %add3A_242, %lt3A_243 : i32
      %convert_element_type3A_245 = arith.extui %lt3A_244 : i1 to i32
      %cond3A_246 = arith.constant 0 : i32
      %cond3A_247 = arith.cmpi ne, %convert_element_type3A_245, %cond3A_246 : i32
      scf.if %cond3A_247 {
        %add3A_274 = arith.constant 4 : i32
        %add3A_275 = arith.addi %add3A_223, %add3A_274 : i32
        %dma_start3A_276 = arith.constant 0 : i32
        %dma_start3A_277 = tpu.memref_slice %arg6[%add3A_275, %dma_start3A_276] : memref<80x125xi32, #tpu.memory_space<vmem>> -> memref<1x125xi32, #tpu.memory_space<vmem>>
        %dma_start3A_278 = tpu.memref_squeeze %dma_start3A_277 : memref<1x125xi32, #tpu.memory_space<vmem>> -> memref<125xi32, #tpu.memory_space<vmem>>
        %dma_start3A_279 = arith.constant 0 : i32
        %dma_start3A_280 = arith.constant 0 : i32
        %dma_start3A_281 = tpu.memref_slice %arg4[%dma_start3A_279, %dma_start3A_280] : memref<10240x48xf32, #tpu.memory_space<hbm>> -> memref<10240x48xf32, #tpu.memory_space<hbm>>
        tpu.enqueue_indirect_dma source(%dma_start3A_281 : memref<10240x48xf32, #tpu.memory_space<hbm>>) target(%arg10 : memref<125x48xf32, #tpu.memory_space<vmem>>) offsets(%dma_start3A_278 : memref<125xi32, #tpu.memory_space<vmem>>) semaphore(%arg19 : memref<!tpu.dma_semaphore, #tpu.memory_space<semaphore_mem>>)
      } else {
      }
      %add3A_248 = arith.constant 7 : i32
      %add3A_249 = arith.addi %add3A_69, %add3A_248 : i32
      %dma_wait3A_250 = arith.constant 0 : i32
      %dma_wait3A_251 = tpu.memref_slice %arg6[%add3A_249, %dma_wait3A_250] : memref<80x125xi32, #tpu.memory_space<vmem>> -> memref<1x125xi32, #tpu.memory_space<vmem>>
      %dma_wait3A_252 = tpu.memref_squeeze %dma_wait3A_251 : memref<1x125xi32, #tpu.memory_space<vmem>> -> memref<125xi32, #tpu.memory_space<vmem>>
      %dma_wait3A_253 = arith.constant 0 : i32
      %dma_wait3A_254 = arith.constant 0 : i32
      %dma_wait3A_255 = tpu.memref_slice %arg4[%dma_wait3A_253, %dma_wait3A_254] : memref<10240x48xf32, #tpu.memory_space<hbm>> -> memref<10240x48xf32, #tpu.memory_space<hbm>>
      tpu.wait_indirect_dma semaphore(%arg24 : memref<!tpu.dma_semaphore, #tpu.memory_space<semaphore_mem>>) src(%dma_wait3A_255 : memref<10240x48xf32, #tpu.memory_space<hbm>>) dst(%arg15 : memref<125x48xf32, #tpu.memory_space<vmem>>)
      %dma_start3A_256 = arith.constant 0 : i32
      %dma_start3A_257 = tpu.memref_slice %arg7[%add3A_249, %dma_start3A_256] : memref<80x125xi32, #tpu.memory_space<vmem>> -> memref<1x125xi32, #tpu.memory_space<vmem>>
      %dma_start3A_258 = tpu.memref_squeeze %dma_start3A_257 : memref<1x125xi32, #tpu.memory_space<vmem>> -> memref<125xi32, #tpu.memory_space<vmem>>
      %dma_start3A_259 = arith.constant 0 : i32
      %dma_start3A_260 = arith.constant 0 : i32
      %dma_start3A_261 = tpu.memref_slice %arg16[%dma_start3A_259, %dma_start3A_260] : memref<10240x48xf32, #tpu.memory_space<vmem_shared>> -> memref<10240x48xf32, #tpu.memory_space<vmem_shared>>
      tpu.enqueue_indirect_dma source(%arg15 : memref<125x48xf32, #tpu.memory_space<vmem>>) target(%dma_start3A_261 : memref<10240x48xf32, #tpu.memory_space<vmem_shared>>) offsets(%dma_start3A_258 : memref<125xi32, #tpu.memory_space<vmem>>) semaphore(%arg32 : memref<!tpu.dma_semaphore, #tpu.memory_space<semaphore_mem>>) {add = true}
      %ge3A_262 = arith.constant 4 : i32
      %ge3A_263 = arith.cmpi sge, %add3A_249, %ge3A_262 : i32
      %convert_element_type3A_264 = arith.extui %ge3A_263 : i1 to i32
      %cond3A_265 = arith.constant 0 : i32
      %cond3A_266 = arith.cmpi ne, %convert_element_type3A_264, %cond3A_265 : i32
      scf.if %cond3A_266 {
        %sub3A = arith.constant 4 : i32
        %sub3A_274 = arith.subi %add3A_249, %sub3A : i32
        %dma_wait3A_275 = arith.constant 0 : i32
        %dma_wait3A_276 = tpu.memref_slice %arg7[%sub3A_274, %dma_wait3A_275] : memref<80x125xi32, #tpu.memory_space<vmem>> -> memref<1x125xi32, #tpu.memory_space<vmem>>
        %dma_wait3A_277 = tpu.memref_squeeze %dma_wait3A_276 : memref<1x125xi32, #tpu.memory_space<vmem>> -> memref<125xi32, #tpu.memory_space<vmem>>
        %dma_wait3A_278 = arith.constant 0 : i32
        %dma_wait3A_279 = arith.constant 0 : i32
        %dma_wait3A_280 = tpu.memref_slice %arg16[%dma_wait3A_278, %dma_wait3A_279] : memref<10240x48xf32, #tpu.memory_space<vmem_shared>> -> memref<10240x48xf32, #tpu.memory_space<vmem_shared>>
        tpu.wait_indirect_dma semaphore(%arg28 : memref<!tpu.dma_semaphore, #tpu.memory_space<semaphore_mem>>) src(%arg11 : memref<125x48xf32, #tpu.memory_space<vmem>>) dst(%dma_wait3A_280 : memref<10240x48xf32, #tpu.memory_space<vmem_shared>>)
      } else {
      }
      %add3A_267 = arith.constant 4 : i32
      %add3A_268 = arith.addi %add3A_249, %add3A_267 : i32
      %lt3A_269 = arith.constant 80 : i32
      %lt3A_270 = arith.cmpi slt, %add3A_268, %lt3A_269 : i32
      %convert_element_type3A_271 = arith.extui %lt3A_270 : i1 to i32
      %cond3A_272 = arith.constant 0 : i32
      %cond3A_273 = arith.cmpi ne, %convert_element_type3A_271, %cond3A_272 : i32
      scf.if %cond3A_273 {
        %add3A_274 = arith.constant 4 : i32
        %add3A_275 = arith.addi %add3A_249, %add3A_274 : i32
        %dma_start3A_276 = arith.constant 0 : i32
        %dma_start3A_277 = tpu.memref_slice %arg6[%add3A_275, %dma_start3A_276] : memref<80x125xi32, #tpu.memory_space<vmem>> -> memref<1x125xi32, #tpu.memory_space<vmem>>
        %dma_start3A_278 = tpu.memref_squeeze %dma_start3A_277 : memref<1x125xi32, #tpu.memory_space<vmem>> -> memref<125xi32, #tpu.memory_space<vmem>>
        %dma_start3A_279 = arith.constant 0 : i32
        %dma_start3A_280 = arith.constant 0 : i32
        %dma_start3A_281 = tpu.memref_slice %arg4[%dma_start3A_279, %dma_start3A_280] : memref<10240x48xf32, #tpu.memory_space<hbm>> -> memref<10240x48xf32, #tpu.memory_space<hbm>>
        tpu.enqueue_indirect_dma source(%dma_start3A_281 : memref<10240x48xf32, #tpu.memory_space<hbm>>) target(%arg11 : memref<125x48xf32, #tpu.memory_space<vmem>>) offsets(%dma_start3A_278 : memref<125xi32, #tpu.memory_space<vmem>>) semaphore(%arg20 : memref<!tpu.dma_semaphore, #tpu.memory_space<semaphore_mem>>)
      } else {
      }
    }
    %scan3A_33 = arith.constant 10 : i32
    %dma_wait3A = arith.constant 76 : i32
    %dma_wait3A_34 = arith.constant 0 : i32
    %dma_wait3A_35 = tpu.memref_slice %arg7[%dma_wait3A, %dma_wait3A_34] : memref<80x125xi32, #tpu.memory_space<vmem>> -> memref<1x125xi32, #tpu.memory_space<vmem>>
    %dma_wait3A_36 = tpu.memref_squeeze %dma_wait3A_35 : memref<1x125xi32, #tpu.memory_space<vmem>> -> memref<125xi32, #tpu.memory_space<vmem>>
    %dma_wait3A_37 = arith.constant 0 : i32
    %dma_wait3A_38 = arith.constant 0 : i32
    %dma_wait3A_39 = tpu.memref_slice %arg16[%dma_wait3A_37, %dma_wait3A_38] : memref<10240x48xf32, #tpu.memory_space<vmem_shared>> -> memref<10240x48xf32, #tpu.memory_space<vmem_shared>>
    tpu.wait_indirect_dma semaphore(%arg29 : memref<!tpu.dma_semaphore, #tpu.memory_space<semaphore_mem>>) src(%arg12 : memref<125x48xf32, #tpu.memory_space<vmem>>) dst(%dma_wait3A_39 : memref<10240x48xf32, #tpu.memory_space<vmem_shared>>)
    %dma_wait3A_40 = arith.constant 77 : i32
    %dma_wait3A_41 = arith.constant 0 : i32
    %dma_wait3A_42 = tpu.memref_slice %arg7[%dma_wait3A_40, %dma_wait3A_41] : memref<80x125xi32, #tpu.memory_space<vmem>> -> memref<1x125xi32, #tpu.memory_space<vmem>>
    %dma_wait3A_43 = tpu.memref_squeeze %dma_wait3A_42 : memref<1x125xi32, #tpu.memory_space<vmem>> -> memref<125xi32, #tpu.memory_space<vmem>>
    %dma_wait3A_44 = arith.constant 0 : i32
    %dma_wait3A_45 = arith.constant 0 : i32
    %dma_wait3A_46 = tpu.memref_slice %arg16[%dma_wait3A_44, %dma_wait3A_45] : memref<10240x48xf32, #tpu.memory_space<vmem_shared>> -> memref<10240x48xf32, #tpu.memory_space<vmem_shared>>
    tpu.wait_indirect_dma semaphore(%arg30 : memref<!tpu.dma_semaphore, #tpu.memory_space<semaphore_mem>>) src(%arg13 : memref<125x48xf32, #tpu.memory_space<vmem>>) dst(%dma_wait3A_46 : memref<10240x48xf32, #tpu.memory_space<vmem_shared>>)
    %dma_wait3A_47 = arith.constant 78 : i32
    %dma_wait3A_48 = arith.constant 0 : i32
    %dma_wait3A_49 = tpu.memref_slice %arg7[%dma_wait3A_47, %dma_wait3A_48] : memref<80x125xi32, #tpu.memory_space<vmem>> -> memref<1x125xi32, #tpu.memory_space<vmem>>
    %dma_wait3A_50 = tpu.memref_squeeze %dma_wait3A_49 : memref<1x125xi32, #tpu.memory_space<vmem>> -> memref<125xi32, #tpu.memory_space<vmem>>
    %dma_wait3A_51 = arith.constant 0 : i32
    %dma_wait3A_52 = arith.constant 0 : i32
    %dma_wait3A_53 = tpu.memref_slice %arg16[%dma_wait3A_51, %dma_wait3A_52] : memref<10240x48xf32, #tpu.memory_space<vmem_shared>> -> memref<10240x48xf32, #tpu.memory_space<vmem_shared>>
    tpu.wait_indirect_dma semaphore(%arg31 : memref<!tpu.dma_semaphore, #tpu.memory_space<semaphore_mem>>) src(%arg14 : memref<125x48xf32, #tpu.memory_space<vmem>>) dst(%dma_wait3A_53 : memref<10240x48xf32, #tpu.memory_space<vmem_shared>>)
    %dma_wait3A_54 = arith.constant 79 : i32
    %dma_wait3A_55 = arith.constant 0 : i32
    %dma_wait3A_56 = tpu.memref_slice %arg7[%dma_wait3A_54, %dma_wait3A_55] : memref<80x125xi32, #tpu.memory_space<vmem>> -> memref<1x125xi32, #tpu.memory_space<vmem>>
    %dma_wait3A_57 = tpu.memref_squeeze %dma_wait3A_56 : memref<1x125xi32, #tpu.memory_space<vmem>> -> memref<125xi32, #tpu.memory_space<vmem>>
    %dma_wait3A_58 = arith.constant 0 : i32
    %dma_wait3A_59 = arith.constant 0 : i32
    %dma_wait3A_60 = tpu.memref_slice %arg16[%dma_wait3A_58, %dma_wait3A_59] : memref<10240x48xf32, #tpu.memory_space<vmem_shared>> -> memref<10240x48xf32, #tpu.memory_space<vmem_shared>>
    tpu.wait_indirect_dma semaphore(%arg32 : memref<!tpu.dma_semaphore, #tpu.memory_space<semaphore_mem>>) src(%arg15 : memref<125x48xf32, #tpu.memory_space<vmem>>) dst(%dma_wait3A_60 : memref<10240x48xf32, #tpu.memory_space<vmem_shared>>)
    %barrier3A_61 = arith.constant 0 : index
    tpu.barrier barrier_id(%barrier3A_61)
    %mul3A_62 = arith.constant 10240 : i32
    %mul3A_63 = arith.muli %arg0, %mul3A_62 : i32
    %add3A_64 = arith.addi %mul3A_63, %mul3A_2 : i32
    "tpu.region"() ({
      %run_scoped3A = tpu.sem_alloc : memref<!tpu.dma_semaphore, #tpu.memory_space<semaphore_mem>>
      %dma_start3A_65 = arith.constant 0 : i32
      %dma_start3A_66 = tpu.memref_slice %arg5[%add3A_64, %dma_start3A_65] : memref<20480x48xf32, #tpu.memory_space<hbm>> -> memref<640x48xf32, #tpu.memory_space<hbm>>
      %dma_start3A_67 = arith.constant 0 : i32
      %dma_start3A_68 = tpu.memref_slice %arg16[%mul3A_2, %dma_start3A_67] : memref<10240x48xf32, #tpu.memory_space<vmem_shared>> -> memref<640x48xf32, #tpu.memory_space<vmem_shared>>
      tpu.enqueue_dma source(%dma_start3A_68 : memref<640x48xf32, #tpu.memory_space<vmem_shared>>) target(%dma_start3A_66 : memref<640x48xf32, #tpu.memory_space<hbm>>) target_semaphore(%run_scoped3A : memref<!tpu.dma_semaphore, #tpu.memory_space<semaphore_mem>>)
      %dma_wait3A_69 = arith.constant 0 : i32
      %dma_wait3A_70 = tpu.memref_slice %arg5[%add3A_64, %dma_wait3A_69] : memref<20480x48xf32, #tpu.memory_space<hbm>> -> memref<640x48xf32, #tpu.memory_space<hbm>>
      %dma_wait3A_71 = arith.constant 0 : i32
      %dma_wait3A_72 = tpu.memref_slice %arg16[%mul3A_2, %dma_wait3A_71] : memref<10240x48xf32, #tpu.memory_space<vmem_shared>> -> memref<640x48xf32, #tpu.memory_space<vmem_shared>>
      tpu.wait_dma2 semaphore(%run_scoped3A : memref<!tpu.dma_semaphore, #tpu.memory_space<semaphore_mem>>) src(%dma_wait3A_72 : memref<640x48xf32, #tpu.memory_space<vmem_shared>>) dst(%dma_wait3A_70 : memref<640x48xf32, #tpu.memory_space<hbm>>)
      tpu.yield
    }) : () -> ()
    return
  }
}

#map = affine_map<(d0, d1) -> (0, 0, 0)>
#map1 = affine_map<(d0, d1) -> (0)>
module attributes {stable_mosaic.version = 14 : i64} {
  func.func @prop1(%arg0: i32, %arg1: i32, %arg2: memref<32x80x125xi32, #tpu.memory_space<hbm>>, %arg3: memref<32x80x125xi32, #tpu.memory_space<hbm>>, %arg4: memref<10240xf32, #tpu.memory_space<hbm>>, %arg5: memref<20480xf32, #tpu.memory_space<hbm>>, %arg6: memref<80x125xi32, #tpu.memory_space<vmem>>, %arg7: memref<80x125xi32, #tpu.memory_space<vmem>>, %arg8: memref<125xf32, #tpu.memory_space<vmem>>, %arg9: memref<125xf32, #tpu.memory_space<vmem>>, %arg10: memref<125xf32, #tpu.memory_space<vmem>>, %arg11: memref<125xf32, #tpu.memory_space<vmem>>, %arg12: memref<125xf32, #tpu.memory_space<vmem>>, %arg13: memref<125xf32, #tpu.memory_space<vmem>>, %arg14: memref<125xf32, #tpu.memory_space<vmem>>, %arg15: memref<125xf32, #tpu.memory_space<vmem>>, %arg16: memref<10240xf32, #tpu.memory_space<vmem_shared>>, %arg17: memref<!tpu.dma_semaphore, #tpu.memory_space<semaphore_mem>>, %arg18: memref<!tpu.dma_semaphore, #tpu.memory_space<semaphore_mem>>, %arg19: memref<!tpu.dma_semaphore, #tpu.memory_space<semaphore_mem>>, %arg20: memref<!tpu.dma_semaphore, #tpu.memory_space<semaphore_mem>>, %arg21: memref<!tpu.dma_semaphore, #tpu.memory_space<semaphore_mem>>, %arg22: memref<!tpu.dma_semaphore, #tpu.memory_space<semaphore_mem>>, %arg23: memref<!tpu.dma_semaphore, #tpu.memory_space<semaphore_mem>>, %arg24: memref<!tpu.dma_semaphore, #tpu.memory_space<semaphore_mem>>, %arg25: memref<!tpu.dma_semaphore, #tpu.memory_space<semaphore_mem>>, %arg26: memref<!tpu.dma_semaphore, #tpu.memory_space<semaphore_mem>>, %arg27: memref<!tpu.dma_semaphore, #tpu.memory_space<semaphore_mem>>, %arg28: memref<!tpu.dma_semaphore, #tpu.memory_space<semaphore_mem>>, %arg29: memref<!tpu.dma_semaphore, #tpu.memory_space<semaphore_mem>>, %arg30: memref<!tpu.dma_semaphore, #tpu.memory_space<semaphore_mem>>, %arg31: memref<!tpu.dma_semaphore, #tpu.memory_space<semaphore_mem>>, %arg32: memref<!tpu.dma_semaphore, #tpu.memory_space<semaphore_mem>>) attributes {dimension_semantics = [#tpu.dimension_semantics<core_parallel>, #tpu.dimension_semantics<subcore_parallel>], iteration_bounds = array<i64: 2, 16>, scalar_prefetch = 0 : i64, scratch_operands = 27 : i64, tpu.core_type = #tpu.core_type<sc_vector_subcore>, window_params = [{transform_indices = #map}, {transform_indices = #map}, {transform_indices = #map1}, {transform_indices = #map1}]} {
    %mul3A = arith.constant 16 : i32
    %mul3A_0 = arith.muli %arg0, %mul3A : i32
    %add3A = arith.addi %mul3A_0, %arg1 : i32
    %mul3A_1 = arith.constant 640 : i32
    %mul3A_2 = arith.muli %arg1, %mul3A_1 : i32
    "tpu.region"() ({
      %run_scoped3A = tpu.sem_alloc : memref<!tpu.dma_semaphore, #tpu.memory_space<semaphore_mem>>
      %dma_start3A_57 = arith.constant 0 : i32
      %dma_start3A_58 = arith.constant 0 : i32
      %dma_start3A_59 = tpu.memref_slice %arg2[%add3A, %dma_start3A_57, %dma_start3A_58] : memref<32x80x125xi32, #tpu.memory_space<hbm>> -> memref<1x80x125xi32, #tpu.memory_space<hbm>>
      %dma_start3A_60 = tpu.memref_squeeze %dma_start3A_59 : memref<1x80x125xi32, #tpu.memory_space<hbm>> -> memref<80x125xi32, #tpu.memory_space<hbm>>
      %dma_start3A_61 = arith.constant 0 : i32
      %dma_start3A_62 = arith.constant 0 : i32
      %dma_start3A_63 = tpu.memref_slice %arg2[%add3A, %dma_start3A_61, %dma_start3A_62] : memref<32x80x125xi32, #tpu.memory_space<hbm>> -> memref<1x80x125xi32, #tpu.memory_space<hbm>>
      %dma_start3A_64 = tpu.memref_squeeze %dma_start3A_63 : memref<1x80x125xi32, #tpu.memory_space<hbm>> -> memref<80x125xi32, #tpu.memory_space<hbm>>
      tpu.enqueue_dma source(%dma_start3A_64 : memref<80x125xi32, #tpu.memory_space<hbm>>) target(%arg6 : memref<80x125xi32, #tpu.memory_space<vmem>>) target_semaphore(%run_scoped3A : memref<!tpu.dma_semaphore, #tpu.memory_space<semaphore_mem>>)
      %dma_wait3A_65 = arith.constant 0 : i32
      %dma_wait3A_66 = arith.constant 0 : i32
      %dma_wait3A_67 = tpu.memref_slice %arg2[%add3A, %dma_wait3A_65, %dma_wait3A_66] : memref<32x80x125xi32, #tpu.memory_space<hbm>> -> memref<1x80x125xi32, #tpu.memory_space<hbm>>
      %dma_wait3A_68 = tpu.memref_squeeze %dma_wait3A_67 : memref<1x80x125xi32, #tpu.memory_space<hbm>> -> memref<80x125xi32, #tpu.memory_space<hbm>>
      %dma_wait3A_69 = arith.constant 0 : i32
      %dma_wait3A_70 = arith.constant 0 : i32
      %dma_wait3A_71 = tpu.memref_slice %arg2[%add3A, %dma_wait3A_69, %dma_wait3A_70] : memref<32x80x125xi32, #tpu.memory_space<hbm>> -> memref<1x80x125xi32, #tpu.memory_space<hbm>>
      %dma_wait3A_72 = tpu.memref_squeeze %dma_wait3A_71 : memref<1x80x125xi32, #tpu.memory_space<hbm>> -> memref<80x125xi32, #tpu.memory_space<hbm>>
      tpu.wait_dma2 semaphore(%run_scoped3A : memref<!tpu.dma_semaphore, #tpu.memory_space<semaphore_mem>>) src(%dma_wait3A_72 : memref<80x125xi32, #tpu.memory_space<hbm>>) dst(%arg6 : memref<80x125xi32, #tpu.memory_space<vmem>>)
      tpu.yield
    }) : () -> ()
    "tpu.region"() ({
      %run_scoped3A = tpu.sem_alloc : memref<!tpu.dma_semaphore, #tpu.memory_space<semaphore_mem>>
      %dma_start3A_57 = arith.constant 0 : i32
      %dma_start3A_58 = arith.constant 0 : i32
      %dma_start3A_59 = tpu.memref_slice %arg3[%add3A, %dma_start3A_57, %dma_start3A_58] : memref<32x80x125xi32, #tpu.memory_space<hbm>> -> memref<1x80x125xi32, #tpu.memory_space<hbm>>
      %dma_start3A_60 = tpu.memref_squeeze %dma_start3A_59 : memref<1x80x125xi32, #tpu.memory_space<hbm>> -> memref<80x125xi32, #tpu.memory_space<hbm>>
      %dma_start3A_61 = arith.constant 0 : i32
      %dma_start3A_62 = arith.constant 0 : i32
      %dma_start3A_63 = tpu.memref_slice %arg3[%add3A, %dma_start3A_61, %dma_start3A_62] : memref<32x80x125xi32, #tpu.memory_space<hbm>> -> memref<1x80x125xi32, #tpu.memory_space<hbm>>
      %dma_start3A_64 = tpu.memref_squeeze %dma_start3A_63 : memref<1x80x125xi32, #tpu.memory_space<hbm>> -> memref<80x125xi32, #tpu.memory_space<hbm>>
      tpu.enqueue_dma source(%dma_start3A_64 : memref<80x125xi32, #tpu.memory_space<hbm>>) target(%arg7 : memref<80x125xi32, #tpu.memory_space<vmem>>) target_semaphore(%run_scoped3A : memref<!tpu.dma_semaphore, #tpu.memory_space<semaphore_mem>>)
      %dma_wait3A_65 = arith.constant 0 : i32
      %dma_wait3A_66 = arith.constant 0 : i32
      %dma_wait3A_67 = tpu.memref_slice %arg3[%add3A, %dma_wait3A_65, %dma_wait3A_66] : memref<32x80x125xi32, #tpu.memory_space<hbm>> -> memref<1x80x125xi32, #tpu.memory_space<hbm>>
      %dma_wait3A_68 = tpu.memref_squeeze %dma_wait3A_67 : memref<1x80x125xi32, #tpu.memory_space<hbm>> -> memref<80x125xi32, #tpu.memory_space<hbm>>
      %dma_wait3A_69 = arith.constant 0 : i32
      %dma_wait3A_70 = arith.constant 0 : i32
      %dma_wait3A_71 = tpu.memref_slice %arg3[%add3A, %dma_wait3A_69, %dma_wait3A_70] : memref<32x80x125xi32, #tpu.memory_space<hbm>> -> memref<1x80x125xi32, #tpu.memory_space<hbm>>
      %dma_wait3A_72 = tpu.memref_squeeze %dma_wait3A_71 : memref<1x80x125xi32, #tpu.memory_space<hbm>> -> memref<80x125xi32, #tpu.memory_space<hbm>>
      tpu.wait_dma2 semaphore(%run_scoped3A : memref<!tpu.dma_semaphore, #tpu.memory_space<semaphore_mem>>) src(%dma_wait3A_72 : memref<80x125xi32, #tpu.memory_space<hbm>>) dst(%arg7 : memref<80x125xi32, #tpu.memory_space<vmem>>)
      tpu.yield
    }) : () -> ()
    "tpu.region"() ({
      %run_scoped3A = tpu.sem_alloc : memref<!tpu.dma_semaphore, #tpu.memory_space<semaphore_mem>>
      %dma_start3A_57 = tpu.memref_slice %arg16[%mul3A_2] : memref<10240xf32, #tpu.memory_space<vmem_shared>> -> memref<640xf32, #tpu.memory_space<vmem_shared>>
      %dma_start3A_58 = tpu.memref_slice %arg4[%mul3A_2] : memref<10240xf32, #tpu.memory_space<hbm>> -> memref<640xf32, #tpu.memory_space<hbm>>
      tpu.enqueue_dma source(%dma_start3A_58 : memref<640xf32, #tpu.memory_space<hbm>>) target(%dma_start3A_57 : memref<640xf32, #tpu.memory_space<vmem_shared>>) target_semaphore(%run_scoped3A : memref<!tpu.dma_semaphore, #tpu.memory_space<semaphore_mem>>)
      %dma_wait3A_59 = tpu.memref_slice %arg16[%mul3A_2] : memref<10240xf32, #tpu.memory_space<vmem_shared>> -> memref<640xf32, #tpu.memory_space<vmem_shared>>
      %dma_wait3A_60 = tpu.memref_slice %arg4[%mul3A_2] : memref<10240xf32, #tpu.memory_space<hbm>> -> memref<640xf32, #tpu.memory_space<hbm>>
      tpu.wait_dma2 semaphore(%run_scoped3A : memref<!tpu.dma_semaphore, #tpu.memory_space<semaphore_mem>>) src(%dma_wait3A_60 : memref<640xf32, #tpu.memory_space<hbm>>) dst(%dma_wait3A_59 : memref<640xf32, #tpu.memory_space<vmem_shared>>)
      tpu.yield
    }) : () -> ()
    %barrier3A = arith.constant 0 : index
    tpu.barrier barrier_id(%barrier3A)
    %dma_start3A = arith.constant 0 : i32
    %dma_start3A_3 = arith.constant 0 : i32
    %dma_start3A_4 = tpu.memref_slice %arg6[%dma_start3A, %dma_start3A_3] : memref<80x125xi32, #tpu.memory_space<vmem>> -> memref<1x125xi32, #tpu.memory_space<vmem>>
    %dma_start3A_5 = tpu.memref_squeeze %dma_start3A_4 : memref<1x125xi32, #tpu.memory_space<vmem>> -> memref<125xi32, #tpu.memory_space<vmem>>
    %dma_start3A_6 = arith.constant 0 : i32
    %dma_start3A_7 = tpu.memref_slice %arg4[%dma_start3A_6] : memref<10240xf32, #tpu.memory_space<hbm>> -> memref<10240xf32, #tpu.memory_space<hbm>>
    tpu.enqueue_indirect_dma source(%dma_start3A_7 : memref<10240xf32, #tpu.memory_space<hbm>>) target(%arg8 : memref<125xf32, #tpu.memory_space<vmem>>) offsets(%dma_start3A_5 : memref<125xi32, #tpu.memory_space<vmem>>) semaphore(%arg17 : memref<!tpu.dma_semaphore, #tpu.memory_space<semaphore_mem>>)
    %dma_start3A_8 = arith.constant 1 : i32
    %dma_start3A_9 = arith.constant 0 : i32
    %dma_start3A_10 = tpu.memref_slice %arg6[%dma_start3A_8, %dma_start3A_9] : memref<80x125xi32, #tpu.memory_space<vmem>> -> memref<1x125xi32, #tpu.memory_space<vmem>>
    %dma_start3A_11 = tpu.memref_squeeze %dma_start3A_10 : memref<1x125xi32, #tpu.memory_space<vmem>> -> memref<125xi32, #tpu.memory_space<vmem>>
    %dma_start3A_12 = arith.constant 0 : i32
    %dma_start3A_13 = tpu.memref_slice %arg4[%dma_start3A_12] : memref<10240xf32, #tpu.memory_space<hbm>> -> memref<10240xf32, #tpu.memory_space<hbm>>
    tpu.enqueue_indirect_dma source(%dma_start3A_13 : memref<10240xf32, #tpu.memory_space<hbm>>) target(%arg9 : memref<125xf32, #tpu.memory_space<vmem>>) offsets(%dma_start3A_11 : memref<125xi32, #tpu.memory_space<vmem>>) semaphore(%arg18 : memref<!tpu.dma_semaphore, #tpu.memory_space<semaphore_mem>>)
    %dma_start3A_14 = arith.constant 2 : i32
    %dma_start3A_15 = arith.constant 0 : i32
    %dma_start3A_16 = tpu.memref_slice %arg6[%dma_start3A_14, %dma_start3A_15] : memref<80x125xi32, #tpu.memory_space<vmem>> -> memref<1x125xi32, #tpu.memory_space<vmem>>
    %dma_start3A_17 = tpu.memref_squeeze %dma_start3A_16 : memref<1x125xi32, #tpu.memory_space<vmem>> -> memref<125xi32, #tpu.memory_space<vmem>>
    %dma_start3A_18 = arith.constant 0 : i32
    %dma_start3A_19 = tpu.memref_slice %arg4[%dma_start3A_18] : memref<10240xf32, #tpu.memory_space<hbm>> -> memref<10240xf32, #tpu.memory_space<hbm>>
    tpu.enqueue_indirect_dma source(%dma_start3A_19 : memref<10240xf32, #tpu.memory_space<hbm>>) target(%arg10 : memref<125xf32, #tpu.memory_space<vmem>>) offsets(%dma_start3A_17 : memref<125xi32, #tpu.memory_space<vmem>>) semaphore(%arg19 : memref<!tpu.dma_semaphore, #tpu.memory_space<semaphore_mem>>)
    %dma_start3A_20 = arith.constant 3 : i32
    %dma_start3A_21 = arith.constant 0 : i32
    %dma_start3A_22 = tpu.memref_slice %arg6[%dma_start3A_20, %dma_start3A_21] : memref<80x125xi32, #tpu.memory_space<vmem>> -> memref<1x125xi32, #tpu.memory_space<vmem>>
    %dma_start3A_23 = tpu.memref_squeeze %dma_start3A_22 : memref<1x125xi32, #tpu.memory_space<vmem>> -> memref<125xi32, #tpu.memory_space<vmem>>
    %dma_start3A_24 = arith.constant 0 : i32
    %dma_start3A_25 = tpu.memref_slice %arg4[%dma_start3A_24] : memref<10240xf32, #tpu.memory_space<hbm>> -> memref<10240xf32, #tpu.memory_space<hbm>>
    tpu.enqueue_indirect_dma source(%dma_start3A_25 : memref<10240xf32, #tpu.memory_space<hbm>>) target(%arg11 : memref<125xf32, #tpu.memory_space<vmem>>) offsets(%dma_start3A_23 : memref<125xi32, #tpu.memory_space<vmem>>) semaphore(%arg20 : memref<!tpu.dma_semaphore, #tpu.memory_space<semaphore_mem>>)
    %scan3A = arith.constant 0 : i32
    %scan3A_26 = arith.constant 10 : i32
    %scan3A_27 = arith.addi %scan3A, %scan3A_26 : i32
    %scan3A_28 = arith.constant 1 : i32
    scf.for %scan3A_57 = %scan3A to %scan3A_27 step %scan3A_28  : i32 {
      %mul3A_58 = arith.constant 8 : i32
      %mul3A_59 = arith.muli %scan3A_57, %mul3A_58 : i32
      %add3A_60 = arith.constant 0 : i32
      %add3A_61 = arith.addi %add3A_60, %mul3A_59 : i32
      %add3A_62 = arith.constant 0 : i32
      %add3A_63 = arith.addi %add3A_61, %add3A_62 : i32
      %dma_wait3A_64 = arith.constant 0 : i32
      %dma_wait3A_65 = tpu.memref_slice %arg6[%add3A_63, %dma_wait3A_64] : memref<80x125xi32, #tpu.memory_space<vmem>> -> memref<1x125xi32, #tpu.memory_space<vmem>>
      %dma_wait3A_66 = tpu.memref_squeeze %dma_wait3A_65 : memref<1x125xi32, #tpu.memory_space<vmem>> -> memref<125xi32, #tpu.memory_space<vmem>>
      %dma_wait3A_67 = arith.constant 0 : i32
      %dma_wait3A_68 = tpu.memref_slice %arg4[%dma_wait3A_67] : memref<10240xf32, #tpu.memory_space<hbm>> -> memref<10240xf32, #tpu.memory_space<hbm>>
      tpu.wait_indirect_dma semaphore(%arg17 : memref<!tpu.dma_semaphore, #tpu.memory_space<semaphore_mem>>) src(%dma_wait3A_68 : memref<10240xf32, #tpu.memory_space<hbm>>) dst(%arg8 : memref<125xf32, #tpu.memory_space<vmem>>)
      %dma_start3A_69 = arith.constant 0 : i32
      %dma_start3A_70 = tpu.memref_slice %arg7[%add3A_63, %dma_start3A_69] : memref<80x125xi32, #tpu.memory_space<vmem>> -> memref<1x125xi32, #tpu.memory_space<vmem>>
      %dma_start3A_71 = tpu.memref_squeeze %dma_start3A_70 : memref<1x125xi32, #tpu.memory_space<vmem>> -> memref<125xi32, #tpu.memory_space<vmem>>
      %dma_start3A_72 = arith.constant 0 : i32
      %dma_start3A_73 = tpu.memref_slice %arg16[%dma_start3A_72] : memref<10240xf32, #tpu.memory_space<vmem_shared>> -> memref<10240xf32, #tpu.memory_space<vmem_shared>>
      tpu.enqueue_indirect_dma source(%arg8 : memref<125xf32, #tpu.memory_space<vmem>>) target(%dma_start3A_73 : memref<10240xf32, #tpu.memory_space<vmem_shared>>) offsets(%dma_start3A_71 : memref<125xi32, #tpu.memory_space<vmem>>) semaphore(%arg25 : memref<!tpu.dma_semaphore, #tpu.memory_space<semaphore_mem>>) {add = true}
      %ge3A = arith.constant 4 : i32
      %ge3A_74 = arith.cmpi sge, %add3A_63, %ge3A : i32
      %convert_element_type3A = arith.extui %ge3A_74 : i1 to i32
      %cond3A = arith.constant 0 : i32
      %cond3A_75 = arith.cmpi ne, %convert_element_type3A, %cond3A : i32
      scf.if %cond3A_75 {
        %sub3A = arith.constant 4 : i32
        %sub3A_250 = arith.subi %add3A_63, %sub3A : i32
        %dma_wait3A_251 = arith.constant 0 : i32
        %dma_wait3A_252 = tpu.memref_slice %arg7[%sub3A_250, %dma_wait3A_251] : memref<80x125xi32, #tpu.memory_space<vmem>> -> memref<1x125xi32, #tpu.memory_space<vmem>>
        %dma_wait3A_253 = tpu.memref_squeeze %dma_wait3A_252 : memref<1x125xi32, #tpu.memory_space<vmem>> -> memref<125xi32, #tpu.memory_space<vmem>>
        %dma_wait3A_254 = arith.constant 0 : i32
        %dma_wait3A_255 = tpu.memref_slice %arg16[%dma_wait3A_254] : memref<10240xf32, #tpu.memory_space<vmem_shared>> -> memref<10240xf32, #tpu.memory_space<vmem_shared>>
        tpu.wait_indirect_dma semaphore(%arg29 : memref<!tpu.dma_semaphore, #tpu.memory_space<semaphore_mem>>) src(%arg12 : memref<125xf32, #tpu.memory_space<vmem>>) dst(%dma_wait3A_255 : memref<10240xf32, #tpu.memory_space<vmem_shared>>)
      } else {
      }
      %add3A_76 = arith.constant 4 : i32
      %add3A_77 = arith.addi %add3A_63, %add3A_76 : i32
      %lt3A = arith.constant 80 : i32
      %lt3A_78 = arith.cmpi slt, %add3A_77, %lt3A : i32
      %convert_element_type3A_79 = arith.extui %lt3A_78 : i1 to i32
      %cond3A_80 = arith.constant 0 : i32
      %cond3A_81 = arith.cmpi ne, %convert_element_type3A_79, %cond3A_80 : i32
      scf.if %cond3A_81 {
        %add3A_250 = arith.constant 4 : i32
        %add3A_251 = arith.addi %add3A_63, %add3A_250 : i32
        %dma_start3A_252 = arith.constant 0 : i32
        %dma_start3A_253 = tpu.memref_slice %arg6[%add3A_251, %dma_start3A_252] : memref<80x125xi32, #tpu.memory_space<vmem>> -> memref<1x125xi32, #tpu.memory_space<vmem>>
        %dma_start3A_254 = tpu.memref_squeeze %dma_start3A_253 : memref<1x125xi32, #tpu.memory_space<vmem>> -> memref<125xi32, #tpu.memory_space<vmem>>
        %dma_start3A_255 = arith.constant 0 : i32
        %dma_start3A_256 = tpu.memref_slice %arg4[%dma_start3A_255] : memref<10240xf32, #tpu.memory_space<hbm>> -> memref<10240xf32, #tpu.memory_space<hbm>>
        tpu.enqueue_indirect_dma source(%dma_start3A_256 : memref<10240xf32, #tpu.memory_space<hbm>>) target(%arg12 : memref<125xf32, #tpu.memory_space<vmem>>) offsets(%dma_start3A_254 : memref<125xi32, #tpu.memory_space<vmem>>) semaphore(%arg21 : memref<!tpu.dma_semaphore, #tpu.memory_space<semaphore_mem>>)
      } else {
      }
      %add3A_82 = arith.constant 1 : i32
      %add3A_83 = arith.addi %add3A_61, %add3A_82 : i32
      %dma_wait3A_84 = arith.constant 0 : i32
      %dma_wait3A_85 = tpu.memref_slice %arg6[%add3A_83, %dma_wait3A_84] : memref<80x125xi32, #tpu.memory_space<vmem>> -> memref<1x125xi32, #tpu.memory_space<vmem>>
      %dma_wait3A_86 = tpu.memref_squeeze %dma_wait3A_85 : memref<1x125xi32, #tpu.memory_space<vmem>> -> memref<125xi32, #tpu.memory_space<vmem>>
      %dma_wait3A_87 = arith.constant 0 : i32
      %dma_wait3A_88 = tpu.memref_slice %arg4[%dma_wait3A_87] : memref<10240xf32, #tpu.memory_space<hbm>> -> memref<10240xf32, #tpu.memory_space<hbm>>
      tpu.wait_indirect_dma semaphore(%arg18 : memref<!tpu.dma_semaphore, #tpu.memory_space<semaphore_mem>>) src(%dma_wait3A_88 : memref<10240xf32, #tpu.memory_space<hbm>>) dst(%arg9 : memref<125xf32, #tpu.memory_space<vmem>>)
      %dma_start3A_89 = arith.constant 0 : i32
      %dma_start3A_90 = tpu.memref_slice %arg7[%add3A_83, %dma_start3A_89] : memref<80x125xi32, #tpu.memory_space<vmem>> -> memref<1x125xi32, #tpu.memory_space<vmem>>
      %dma_start3A_91 = tpu.memref_squeeze %dma_start3A_90 : memref<1x125xi32, #tpu.memory_space<vmem>> -> memref<125xi32, #tpu.memory_space<vmem>>
      %dma_start3A_92 = arith.constant 0 : i32
      %dma_start3A_93 = tpu.memref_slice %arg16[%dma_start3A_92] : memref<10240xf32, #tpu.memory_space<vmem_shared>> -> memref<10240xf32, #tpu.memory_space<vmem_shared>>
      tpu.enqueue_indirect_dma source(%arg9 : memref<125xf32, #tpu.memory_space<vmem>>) target(%dma_start3A_93 : memref<10240xf32, #tpu.memory_space<vmem_shared>>) offsets(%dma_start3A_91 : memref<125xi32, #tpu.memory_space<vmem>>) semaphore(%arg26 : memref<!tpu.dma_semaphore, #tpu.memory_space<semaphore_mem>>) {add = true}
      %ge3A_94 = arith.constant 4 : i32
      %ge3A_95 = arith.cmpi sge, %add3A_83, %ge3A_94 : i32
      %convert_element_type3A_96 = arith.extui %ge3A_95 : i1 to i32
      %cond3A_97 = arith.constant 0 : i32
      %cond3A_98 = arith.cmpi ne, %convert_element_type3A_96, %cond3A_97 : i32
      scf.if %cond3A_98 {
        %sub3A = arith.constant 4 : i32
        %sub3A_250 = arith.subi %add3A_83, %sub3A : i32
        %dma_wait3A_251 = arith.constant 0 : i32
        %dma_wait3A_252 = tpu.memref_slice %arg7[%sub3A_250, %dma_wait3A_251] : memref<80x125xi32, #tpu.memory_space<vmem>> -> memref<1x125xi32, #tpu.memory_space<vmem>>
        %dma_wait3A_253 = tpu.memref_squeeze %dma_wait3A_252 : memref<1x125xi32, #tpu.memory_space<vmem>> -> memref<125xi32, #tpu.memory_space<vmem>>
        %dma_wait3A_254 = arith.constant 0 : i32
        %dma_wait3A_255 = tpu.memref_slice %arg16[%dma_wait3A_254] : memref<10240xf32, #tpu.memory_space<vmem_shared>> -> memref<10240xf32, #tpu.memory_space<vmem_shared>>
        tpu.wait_indirect_dma semaphore(%arg30 : memref<!tpu.dma_semaphore, #tpu.memory_space<semaphore_mem>>) src(%arg13 : memref<125xf32, #tpu.memory_space<vmem>>) dst(%dma_wait3A_255 : memref<10240xf32, #tpu.memory_space<vmem_shared>>)
      } else {
      }
      %add3A_99 = arith.constant 4 : i32
      %add3A_100 = arith.addi %add3A_83, %add3A_99 : i32
      %lt3A_101 = arith.constant 80 : i32
      %lt3A_102 = arith.cmpi slt, %add3A_100, %lt3A_101 : i32
      %convert_element_type3A_103 = arith.extui %lt3A_102 : i1 to i32
      %cond3A_104 = arith.constant 0 : i32
      %cond3A_105 = arith.cmpi ne, %convert_element_type3A_103, %cond3A_104 : i32
      scf.if %cond3A_105 {
        %add3A_250 = arith.constant 4 : i32
        %add3A_251 = arith.addi %add3A_83, %add3A_250 : i32
        %dma_start3A_252 = arith.constant 0 : i32
        %dma_start3A_253 = tpu.memref_slice %arg6[%add3A_251, %dma_start3A_252] : memref<80x125xi32, #tpu.memory_space<vmem>> -> memref<1x125xi32, #tpu.memory_space<vmem>>
        %dma_start3A_254 = tpu.memref_squeeze %dma_start3A_253 : memref<1x125xi32, #tpu.memory_space<vmem>> -> memref<125xi32, #tpu.memory_space<vmem>>
        %dma_start3A_255 = arith.constant 0 : i32
        %dma_start3A_256 = tpu.memref_slice %arg4[%dma_start3A_255] : memref<10240xf32, #tpu.memory_space<hbm>> -> memref<10240xf32, #tpu.memory_space<hbm>>
        tpu.enqueue_indirect_dma source(%dma_start3A_256 : memref<10240xf32, #tpu.memory_space<hbm>>) target(%arg13 : memref<125xf32, #tpu.memory_space<vmem>>) offsets(%dma_start3A_254 : memref<125xi32, #tpu.memory_space<vmem>>) semaphore(%arg22 : memref<!tpu.dma_semaphore, #tpu.memory_space<semaphore_mem>>)
      } else {
      }
      %add3A_106 = arith.constant 2 : i32
      %add3A_107 = arith.addi %add3A_61, %add3A_106 : i32
      %dma_wait3A_108 = arith.constant 0 : i32
      %dma_wait3A_109 = tpu.memref_slice %arg6[%add3A_107, %dma_wait3A_108] : memref<80x125xi32, #tpu.memory_space<vmem>> -> memref<1x125xi32, #tpu.memory_space<vmem>>
      %dma_wait3A_110 = tpu.memref_squeeze %dma_wait3A_109 : memref<1x125xi32, #tpu.memory_space<vmem>> -> memref<125xi32, #tpu.memory_space<vmem>>
      %dma_wait3A_111 = arith.constant 0 : i32
      %dma_wait3A_112 = tpu.memref_slice %arg4[%dma_wait3A_111] : memref<10240xf32, #tpu.memory_space<hbm>> -> memref<10240xf32, #tpu.memory_space<hbm>>
      tpu.wait_indirect_dma semaphore(%arg19 : memref<!tpu.dma_semaphore, #tpu.memory_space<semaphore_mem>>) src(%dma_wait3A_112 : memref<10240xf32, #tpu.memory_space<hbm>>) dst(%arg10 : memref<125xf32, #tpu.memory_space<vmem>>)
      %dma_start3A_113 = arith.constant 0 : i32
      %dma_start3A_114 = tpu.memref_slice %arg7[%add3A_107, %dma_start3A_113] : memref<80x125xi32, #tpu.memory_space<vmem>> -> memref<1x125xi32, #tpu.memory_space<vmem>>
      %dma_start3A_115 = tpu.memref_squeeze %dma_start3A_114 : memref<1x125xi32, #tpu.memory_space<vmem>> -> memref<125xi32, #tpu.memory_space<vmem>>
      %dma_start3A_116 = arith.constant 0 : i32
      %dma_start3A_117 = tpu.memref_slice %arg16[%dma_start3A_116] : memref<10240xf32, #tpu.memory_space<vmem_shared>> -> memref<10240xf32, #tpu.memory_space<vmem_shared>>
      tpu.enqueue_indirect_dma source(%arg10 : memref<125xf32, #tpu.memory_space<vmem>>) target(%dma_start3A_117 : memref<10240xf32, #tpu.memory_space<vmem_shared>>) offsets(%dma_start3A_115 : memref<125xi32, #tpu.memory_space<vmem>>) semaphore(%arg27 : memref<!tpu.dma_semaphore, #tpu.memory_space<semaphore_mem>>) {add = true}
      %ge3A_118 = arith.constant 4 : i32
      %ge3A_119 = arith.cmpi sge, %add3A_107, %ge3A_118 : i32
      %convert_element_type3A_120 = arith.extui %ge3A_119 : i1 to i32
      %cond3A_121 = arith.constant 0 : i32
      %cond3A_122 = arith.cmpi ne, %convert_element_type3A_120, %cond3A_121 : i32
      scf.if %cond3A_122 {
        %sub3A = arith.constant 4 : i32
        %sub3A_250 = arith.subi %add3A_107, %sub3A : i32
        %dma_wait3A_251 = arith.constant 0 : i32
        %dma_wait3A_252 = tpu.memref_slice %arg7[%sub3A_250, %dma_wait3A_251] : memref<80x125xi32, #tpu.memory_space<vmem>> -> memref<1x125xi32, #tpu.memory_space<vmem>>
        %dma_wait3A_253 = tpu.memref_squeeze %dma_wait3A_252 : memref<1x125xi32, #tpu.memory_space<vmem>> -> memref<125xi32, #tpu.memory_space<vmem>>
        %dma_wait3A_254 = arith.constant 0 : i32
        %dma_wait3A_255 = tpu.memref_slice %arg16[%dma_wait3A_254] : memref<10240xf32, #tpu.memory_space<vmem_shared>> -> memref<10240xf32, #tpu.memory_space<vmem_shared>>
        tpu.wait_indirect_dma semaphore(%arg31 : memref<!tpu.dma_semaphore, #tpu.memory_space<semaphore_mem>>) src(%arg14 : memref<125xf32, #tpu.memory_space<vmem>>) dst(%dma_wait3A_255 : memref<10240xf32, #tpu.memory_space<vmem_shared>>)
      } else {
      }
      %add3A_123 = arith.constant 4 : i32
      %add3A_124 = arith.addi %add3A_107, %add3A_123 : i32
      %lt3A_125 = arith.constant 80 : i32
      %lt3A_126 = arith.cmpi slt, %add3A_124, %lt3A_125 : i32
      %convert_element_type3A_127 = arith.extui %lt3A_126 : i1 to i32
      %cond3A_128 = arith.constant 0 : i32
      %cond3A_129 = arith.cmpi ne, %convert_element_type3A_127, %cond3A_128 : i32
      scf.if %cond3A_129 {
        %add3A_250 = arith.constant 4 : i32
        %add3A_251 = arith.addi %add3A_107, %add3A_250 : i32
        %dma_start3A_252 = arith.constant 0 : i32
        %dma_start3A_253 = tpu.memref_slice %arg6[%add3A_251, %dma_start3A_252] : memref<80x125xi32, #tpu.memory_space<vmem>> -> memref<1x125xi32, #tpu.memory_space<vmem>>
        %dma_start3A_254 = tpu.memref_squeeze %dma_start3A_253 : memref<1x125xi32, #tpu.memory_space<vmem>> -> memref<125xi32, #tpu.memory_space<vmem>>
        %dma_start3A_255 = arith.constant 0 : i32
        %dma_start3A_256 = tpu.memref_slice %arg4[%dma_start3A_255] : memref<10240xf32, #tpu.memory_space<hbm>> -> memref<10240xf32, #tpu.memory_space<hbm>>
        tpu.enqueue_indirect_dma source(%dma_start3A_256 : memref<10240xf32, #tpu.memory_space<hbm>>) target(%arg14 : memref<125xf32, #tpu.memory_space<vmem>>) offsets(%dma_start3A_254 : memref<125xi32, #tpu.memory_space<vmem>>) semaphore(%arg23 : memref<!tpu.dma_semaphore, #tpu.memory_space<semaphore_mem>>)
      } else {
      }
      %add3A_130 = arith.constant 3 : i32
      %add3A_131 = arith.addi %add3A_61, %add3A_130 : i32
      %dma_wait3A_132 = arith.constant 0 : i32
      %dma_wait3A_133 = tpu.memref_slice %arg6[%add3A_131, %dma_wait3A_132] : memref<80x125xi32, #tpu.memory_space<vmem>> -> memref<1x125xi32, #tpu.memory_space<vmem>>
      %dma_wait3A_134 = tpu.memref_squeeze %dma_wait3A_133 : memref<1x125xi32, #tpu.memory_space<vmem>> -> memref<125xi32, #tpu.memory_space<vmem>>
      %dma_wait3A_135 = arith.constant 0 : i32
      %dma_wait3A_136 = tpu.memref_slice %arg4[%dma_wait3A_135] : memref<10240xf32, #tpu.memory_space<hbm>> -> memref<10240xf32, #tpu.memory_space<hbm>>
      tpu.wait_indirect_dma semaphore(%arg20 : memref<!tpu.dma_semaphore, #tpu.memory_space<semaphore_mem>>) src(%dma_wait3A_136 : memref<10240xf32, #tpu.memory_space<hbm>>) dst(%arg11 : memref<125xf32, #tpu.memory_space<vmem>>)
      %dma_start3A_137 = arith.constant 0 : i32
      %dma_start3A_138 = tpu.memref_slice %arg7[%add3A_131, %dma_start3A_137] : memref<80x125xi32, #tpu.memory_space<vmem>> -> memref<1x125xi32, #tpu.memory_space<vmem>>
      %dma_start3A_139 = tpu.memref_squeeze %dma_start3A_138 : memref<1x125xi32, #tpu.memory_space<vmem>> -> memref<125xi32, #tpu.memory_space<vmem>>
      %dma_start3A_140 = arith.constant 0 : i32
      %dma_start3A_141 = tpu.memref_slice %arg16[%dma_start3A_140] : memref<10240xf32, #tpu.memory_space<vmem_shared>> -> memref<10240xf32, #tpu.memory_space<vmem_shared>>
      tpu.enqueue_indirect_dma source(%arg11 : memref<125xf32, #tpu.memory_space<vmem>>) target(%dma_start3A_141 : memref<10240xf32, #tpu.memory_space<vmem_shared>>) offsets(%dma_start3A_139 : memref<125xi32, #tpu.memory_space<vmem>>) semaphore(%arg28 : memref<!tpu.dma_semaphore, #tpu.memory_space<semaphore_mem>>) {add = true}
      %ge3A_142 = arith.constant 4 : i32
      %ge3A_143 = arith.cmpi sge, %add3A_131, %ge3A_142 : i32
      %convert_element_type3A_144 = arith.extui %ge3A_143 : i1 to i32
      %cond3A_145 = arith.constant 0 : i32
      %cond3A_146 = arith.cmpi ne, %convert_element_type3A_144, %cond3A_145 : i32
      scf.if %cond3A_146 {
        %sub3A = arith.constant 4 : i32
        %sub3A_250 = arith.subi %add3A_131, %sub3A : i32
        %dma_wait3A_251 = arith.constant 0 : i32
        %dma_wait3A_252 = tpu.memref_slice %arg7[%sub3A_250, %dma_wait3A_251] : memref<80x125xi32, #tpu.memory_space<vmem>> -> memref<1x125xi32, #tpu.memory_space<vmem>>
        %dma_wait3A_253 = tpu.memref_squeeze %dma_wait3A_252 : memref<1x125xi32, #tpu.memory_space<vmem>> -> memref<125xi32, #tpu.memory_space<vmem>>
        %dma_wait3A_254 = arith.constant 0 : i32
        %dma_wait3A_255 = tpu.memref_slice %arg16[%dma_wait3A_254] : memref<10240xf32, #tpu.memory_space<vmem_shared>> -> memref<10240xf32, #tpu.memory_space<vmem_shared>>
        tpu.wait_indirect_dma semaphore(%arg32 : memref<!tpu.dma_semaphore, #tpu.memory_space<semaphore_mem>>) src(%arg15 : memref<125xf32, #tpu.memory_space<vmem>>) dst(%dma_wait3A_255 : memref<10240xf32, #tpu.memory_space<vmem_shared>>)
      } else {
      }
      %add3A_147 = arith.constant 4 : i32
      %add3A_148 = arith.addi %add3A_131, %add3A_147 : i32
      %lt3A_149 = arith.constant 80 : i32
      %lt3A_150 = arith.cmpi slt, %add3A_148, %lt3A_149 : i32
      %convert_element_type3A_151 = arith.extui %lt3A_150 : i1 to i32
      %cond3A_152 = arith.constant 0 : i32
      %cond3A_153 = arith.cmpi ne, %convert_element_type3A_151, %cond3A_152 : i32
      scf.if %cond3A_153 {
        %add3A_250 = arith.constant 4 : i32
        %add3A_251 = arith.addi %add3A_131, %add3A_250 : i32
        %dma_start3A_252 = arith.constant 0 : i32
        %dma_start3A_253 = tpu.memref_slice %arg6[%add3A_251, %dma_start3A_252] : memref<80x125xi32, #tpu.memory_space<vmem>> -> memref<1x125xi32, #tpu.memory_space<vmem>>
        %dma_start3A_254 = tpu.memref_squeeze %dma_start3A_253 : memref<1x125xi32, #tpu.memory_space<vmem>> -> memref<125xi32, #tpu.memory_space<vmem>>
        %dma_start3A_255 = arith.constant 0 : i32
        %dma_start3A_256 = tpu.memref_slice %arg4[%dma_start3A_255] : memref<10240xf32, #tpu.memory_space<hbm>> -> memref<10240xf32, #tpu.memory_space<hbm>>
        tpu.enqueue_indirect_dma source(%dma_start3A_256 : memref<10240xf32, #tpu.memory_space<hbm>>) target(%arg15 : memref<125xf32, #tpu.memory_space<vmem>>) offsets(%dma_start3A_254 : memref<125xi32, #tpu.memory_space<vmem>>) semaphore(%arg24 : memref<!tpu.dma_semaphore, #tpu.memory_space<semaphore_mem>>)
      } else {
      }
      %add3A_154 = arith.constant 4 : i32
      %add3A_155 = arith.addi %add3A_61, %add3A_154 : i32
      %dma_wait3A_156 = arith.constant 0 : i32
      %dma_wait3A_157 = tpu.memref_slice %arg6[%add3A_155, %dma_wait3A_156] : memref<80x125xi32, #tpu.memory_space<vmem>> -> memref<1x125xi32, #tpu.memory_space<vmem>>
      %dma_wait3A_158 = tpu.memref_squeeze %dma_wait3A_157 : memref<1x125xi32, #tpu.memory_space<vmem>> -> memref<125xi32, #tpu.memory_space<vmem>>
      %dma_wait3A_159 = arith.constant 0 : i32
      %dma_wait3A_160 = tpu.memref_slice %arg4[%dma_wait3A_159] : memref<10240xf32, #tpu.memory_space<hbm>> -> memref<10240xf32, #tpu.memory_space<hbm>>
      tpu.wait_indirect_dma semaphore(%arg21 : memref<!tpu.dma_semaphore, #tpu.memory_space<semaphore_mem>>) src(%dma_wait3A_160 : memref<10240xf32, #tpu.memory_space<hbm>>) dst(%arg12 : memref<125xf32, #tpu.memory_space<vmem>>)
      %dma_start3A_161 = arith.constant 0 : i32
      %dma_start3A_162 = tpu.memref_slice %arg7[%add3A_155, %dma_start3A_161] : memref<80x125xi32, #tpu.memory_space<vmem>> -> memref<1x125xi32, #tpu.memory_space<vmem>>
      %dma_start3A_163 = tpu.memref_squeeze %dma_start3A_162 : memref<1x125xi32, #tpu.memory_space<vmem>> -> memref<125xi32, #tpu.memory_space<vmem>>
      %dma_start3A_164 = arith.constant 0 : i32
      %dma_start3A_165 = tpu.memref_slice %arg16[%dma_start3A_164] : memref<10240xf32, #tpu.memory_space<vmem_shared>> -> memref<10240xf32, #tpu.memory_space<vmem_shared>>
      tpu.enqueue_indirect_dma source(%arg12 : memref<125xf32, #tpu.memory_space<vmem>>) target(%dma_start3A_165 : memref<10240xf32, #tpu.memory_space<vmem_shared>>) offsets(%dma_start3A_163 : memref<125xi32, #tpu.memory_space<vmem>>) semaphore(%arg29 : memref<!tpu.dma_semaphore, #tpu.memory_space<semaphore_mem>>) {add = true}
      %ge3A_166 = arith.constant 4 : i32
      %ge3A_167 = arith.cmpi sge, %add3A_155, %ge3A_166 : i32
      %convert_element_type3A_168 = arith.extui %ge3A_167 : i1 to i32
      %cond3A_169 = arith.constant 0 : i32
      %cond3A_170 = arith.cmpi ne, %convert_element_type3A_168, %cond3A_169 : i32
      scf.if %cond3A_170 {
        %sub3A = arith.constant 4 : i32
        %sub3A_250 = arith.subi %add3A_155, %sub3A : i32
        %dma_wait3A_251 = arith.constant 0 : i32
        %dma_wait3A_252 = tpu.memref_slice %arg7[%sub3A_250, %dma_wait3A_251] : memref<80x125xi32, #tpu.memory_space<vmem>> -> memref<1x125xi32, #tpu.memory_space<vmem>>
        %dma_wait3A_253 = tpu.memref_squeeze %dma_wait3A_252 : memref<1x125xi32, #tpu.memory_space<vmem>> -> memref<125xi32, #tpu.memory_space<vmem>>
        %dma_wait3A_254 = arith.constant 0 : i32
        %dma_wait3A_255 = tpu.memref_slice %arg16[%dma_wait3A_254] : memref<10240xf32, #tpu.memory_space<vmem_shared>> -> memref<10240xf32, #tpu.memory_space<vmem_shared>>
        tpu.wait_indirect_dma semaphore(%arg25 : memref<!tpu.dma_semaphore, #tpu.memory_space<semaphore_mem>>) src(%arg8 : memref<125xf32, #tpu.memory_space<vmem>>) dst(%dma_wait3A_255 : memref<10240xf32, #tpu.memory_space<vmem_shared>>)
      } else {
      }
      %add3A_171 = arith.constant 4 : i32
      %add3A_172 = arith.addi %add3A_155, %add3A_171 : i32
      %lt3A_173 = arith.constant 80 : i32
      %lt3A_174 = arith.cmpi slt, %add3A_172, %lt3A_173 : i32
      %convert_element_type3A_175 = arith.extui %lt3A_174 : i1 to i32
      %cond3A_176 = arith.constant 0 : i32
      %cond3A_177 = arith.cmpi ne, %convert_element_type3A_175, %cond3A_176 : i32
      scf.if %cond3A_177 {
        %add3A_250 = arith.constant 4 : i32
        %add3A_251 = arith.addi %add3A_155, %add3A_250 : i32
        %dma_start3A_252 = arith.constant 0 : i32
        %dma_start3A_253 = tpu.memref_slice %arg6[%add3A_251, %dma_start3A_252] : memref<80x125xi32, #tpu.memory_space<vmem>> -> memref<1x125xi32, #tpu.memory_space<vmem>>
        %dma_start3A_254 = tpu.memref_squeeze %dma_start3A_253 : memref<1x125xi32, #tpu.memory_space<vmem>> -> memref<125xi32, #tpu.memory_space<vmem>>
        %dma_start3A_255 = arith.constant 0 : i32
        %dma_start3A_256 = tpu.memref_slice %arg4[%dma_start3A_255] : memref<10240xf32, #tpu.memory_space<hbm>> -> memref<10240xf32, #tpu.memory_space<hbm>>
        tpu.enqueue_indirect_dma source(%dma_start3A_256 : memref<10240xf32, #tpu.memory_space<hbm>>) target(%arg8 : memref<125xf32, #tpu.memory_space<vmem>>) offsets(%dma_start3A_254 : memref<125xi32, #tpu.memory_space<vmem>>) semaphore(%arg17 : memref<!tpu.dma_semaphore, #tpu.memory_space<semaphore_mem>>)
      } else {
      }
      %add3A_178 = arith.constant 5 : i32
      %add3A_179 = arith.addi %add3A_61, %add3A_178 : i32
      %dma_wait3A_180 = arith.constant 0 : i32
      %dma_wait3A_181 = tpu.memref_slice %arg6[%add3A_179, %dma_wait3A_180] : memref<80x125xi32, #tpu.memory_space<vmem>> -> memref<1x125xi32, #tpu.memory_space<vmem>>
      %dma_wait3A_182 = tpu.memref_squeeze %dma_wait3A_181 : memref<1x125xi32, #tpu.memory_space<vmem>> -> memref<125xi32, #tpu.memory_space<vmem>>
      %dma_wait3A_183 = arith.constant 0 : i32
      %dma_wait3A_184 = tpu.memref_slice %arg4[%dma_wait3A_183] : memref<10240xf32, #tpu.memory_space<hbm>> -> memref<10240xf32, #tpu.memory_space<hbm>>
      tpu.wait_indirect_dma semaphore(%arg22 : memref<!tpu.dma_semaphore, #tpu.memory_space<semaphore_mem>>) src(%dma_wait3A_184 : memref<10240xf32, #tpu.memory_space<hbm>>) dst(%arg13 : memref<125xf32, #tpu.memory_space<vmem>>)
      %dma_start3A_185 = arith.constant 0 : i32
      %dma_start3A_186 = tpu.memref_slice %arg7[%add3A_179, %dma_start3A_185] : memref<80x125xi32, #tpu.memory_space<vmem>> -> memref<1x125xi32, #tpu.memory_space<vmem>>
      %dma_start3A_187 = tpu.memref_squeeze %dma_start3A_186 : memref<1x125xi32, #tpu.memory_space<vmem>> -> memref<125xi32, #tpu.memory_space<vmem>>
      %dma_start3A_188 = arith.constant 0 : i32
      %dma_start3A_189 = tpu.memref_slice %arg16[%dma_start3A_188] : memref<10240xf32, #tpu.memory_space<vmem_shared>> -> memref<10240xf32, #tpu.memory_space<vmem_shared>>
      tpu.enqueue_indirect_dma source(%arg13 : memref<125xf32, #tpu.memory_space<vmem>>) target(%dma_start3A_189 : memref<10240xf32, #tpu.memory_space<vmem_shared>>) offsets(%dma_start3A_187 : memref<125xi32, #tpu.memory_space<vmem>>) semaphore(%arg30 : memref<!tpu.dma_semaphore, #tpu.memory_space<semaphore_mem>>) {add = true}
      %ge3A_190 = arith.constant 4 : i32
      %ge3A_191 = arith.cmpi sge, %add3A_179, %ge3A_190 : i32
      %convert_element_type3A_192 = arith.extui %ge3A_191 : i1 to i32
      %cond3A_193 = arith.constant 0 : i32
      %cond3A_194 = arith.cmpi ne, %convert_element_type3A_192, %cond3A_193 : i32
      scf.if %cond3A_194 {
        %sub3A = arith.constant 4 : i32
        %sub3A_250 = arith.subi %add3A_179, %sub3A : i32
        %dma_wait3A_251 = arith.constant 0 : i32
        %dma_wait3A_252 = tpu.memref_slice %arg7[%sub3A_250, %dma_wait3A_251] : memref<80x125xi32, #tpu.memory_space<vmem>> -> memref<1x125xi32, #tpu.memory_space<vmem>>
        %dma_wait3A_253 = tpu.memref_squeeze %dma_wait3A_252 : memref<1x125xi32, #tpu.memory_space<vmem>> -> memref<125xi32, #tpu.memory_space<vmem>>
        %dma_wait3A_254 = arith.constant 0 : i32
        %dma_wait3A_255 = tpu.memref_slice %arg16[%dma_wait3A_254] : memref<10240xf32, #tpu.memory_space<vmem_shared>> -> memref<10240xf32, #tpu.memory_space<vmem_shared>>
        tpu.wait_indirect_dma semaphore(%arg26 : memref<!tpu.dma_semaphore, #tpu.memory_space<semaphore_mem>>) src(%arg9 : memref<125xf32, #tpu.memory_space<vmem>>) dst(%dma_wait3A_255 : memref<10240xf32, #tpu.memory_space<vmem_shared>>)
      } else {
      }
      %add3A_195 = arith.constant 4 : i32
      %add3A_196 = arith.addi %add3A_179, %add3A_195 : i32
      %lt3A_197 = arith.constant 80 : i32
      %lt3A_198 = arith.cmpi slt, %add3A_196, %lt3A_197 : i32
      %convert_element_type3A_199 = arith.extui %lt3A_198 : i1 to i32
      %cond3A_200 = arith.constant 0 : i32
      %cond3A_201 = arith.cmpi ne, %convert_element_type3A_199, %cond3A_200 : i32
      scf.if %cond3A_201 {
        %add3A_250 = arith.constant 4 : i32
        %add3A_251 = arith.addi %add3A_179, %add3A_250 : i32
        %dma_start3A_252 = arith.constant 0 : i32
        %dma_start3A_253 = tpu.memref_slice %arg6[%add3A_251, %dma_start3A_252] : memref<80x125xi32, #tpu.memory_space<vmem>> -> memref<1x125xi32, #tpu.memory_space<vmem>>
        %dma_start3A_254 = tpu.memref_squeeze %dma_start3A_253 : memref<1x125xi32, #tpu.memory_space<vmem>> -> memref<125xi32, #tpu.memory_space<vmem>>
        %dma_start3A_255 = arith.constant 0 : i32
        %dma_start3A_256 = tpu.memref_slice %arg4[%dma_start3A_255] : memref<10240xf32, #tpu.memory_space<hbm>> -> memref<10240xf32, #tpu.memory_space<hbm>>
        tpu.enqueue_indirect_dma source(%dma_start3A_256 : memref<10240xf32, #tpu.memory_space<hbm>>) target(%arg9 : memref<125xf32, #tpu.memory_space<vmem>>) offsets(%dma_start3A_254 : memref<125xi32, #tpu.memory_space<vmem>>) semaphore(%arg18 : memref<!tpu.dma_semaphore, #tpu.memory_space<semaphore_mem>>)
      } else {
      }
      %add3A_202 = arith.constant 6 : i32
      %add3A_203 = arith.addi %add3A_61, %add3A_202 : i32
      %dma_wait3A_204 = arith.constant 0 : i32
      %dma_wait3A_205 = tpu.memref_slice %arg6[%add3A_203, %dma_wait3A_204] : memref<80x125xi32, #tpu.memory_space<vmem>> -> memref<1x125xi32, #tpu.memory_space<vmem>>
      %dma_wait3A_206 = tpu.memref_squeeze %dma_wait3A_205 : memref<1x125xi32, #tpu.memory_space<vmem>> -> memref<125xi32, #tpu.memory_space<vmem>>
      %dma_wait3A_207 = arith.constant 0 : i32
      %dma_wait3A_208 = tpu.memref_slice %arg4[%dma_wait3A_207] : memref<10240xf32, #tpu.memory_space<hbm>> -> memref<10240xf32, #tpu.memory_space<hbm>>
      tpu.wait_indirect_dma semaphore(%arg23 : memref<!tpu.dma_semaphore, #tpu.memory_space<semaphore_mem>>) src(%dma_wait3A_208 : memref<10240xf32, #tpu.memory_space<hbm>>) dst(%arg14 : memref<125xf32, #tpu.memory_space<vmem>>)
      %dma_start3A_209 = arith.constant 0 : i32
      %dma_start3A_210 = tpu.memref_slice %arg7[%add3A_203, %dma_start3A_209] : memref<80x125xi32, #tpu.memory_space<vmem>> -> memref<1x125xi32, #tpu.memory_space<vmem>>
      %dma_start3A_211 = tpu.memref_squeeze %dma_start3A_210 : memref<1x125xi32, #tpu.memory_space<vmem>> -> memref<125xi32, #tpu.memory_space<vmem>>
      %dma_start3A_212 = arith.constant 0 : i32
      %dma_start3A_213 = tpu.memref_slice %arg16[%dma_start3A_212] : memref<10240xf32, #tpu.memory_space<vmem_shared>> -> memref<10240xf32, #tpu.memory_space<vmem_shared>>
      tpu.enqueue_indirect_dma source(%arg14 : memref<125xf32, #tpu.memory_space<vmem>>) target(%dma_start3A_213 : memref<10240xf32, #tpu.memory_space<vmem_shared>>) offsets(%dma_start3A_211 : memref<125xi32, #tpu.memory_space<vmem>>) semaphore(%arg31 : memref<!tpu.dma_semaphore, #tpu.memory_space<semaphore_mem>>) {add = true}
      %ge3A_214 = arith.constant 4 : i32
      %ge3A_215 = arith.cmpi sge, %add3A_203, %ge3A_214 : i32
      %convert_element_type3A_216 = arith.extui %ge3A_215 : i1 to i32
      %cond3A_217 = arith.constant 0 : i32
      %cond3A_218 = arith.cmpi ne, %convert_element_type3A_216, %cond3A_217 : i32
      scf.if %cond3A_218 {
        %sub3A = arith.constant 4 : i32
        %sub3A_250 = arith.subi %add3A_203, %sub3A : i32
        %dma_wait3A_251 = arith.constant 0 : i32
        %dma_wait3A_252 = tpu.memref_slice %arg7[%sub3A_250, %dma_wait3A_251] : memref<80x125xi32, #tpu.memory_space<vmem>> -> memref<1x125xi32, #tpu.memory_space<vmem>>
        %dma_wait3A_253 = tpu.memref_squeeze %dma_wait3A_252 : memref<1x125xi32, #tpu.memory_space<vmem>> -> memref<125xi32, #tpu.memory_space<vmem>>
        %dma_wait3A_254 = arith.constant 0 : i32
        %dma_wait3A_255 = tpu.memref_slice %arg16[%dma_wait3A_254] : memref<10240xf32, #tpu.memory_space<vmem_shared>> -> memref<10240xf32, #tpu.memory_space<vmem_shared>>
        tpu.wait_indirect_dma semaphore(%arg27 : memref<!tpu.dma_semaphore, #tpu.memory_space<semaphore_mem>>) src(%arg10 : memref<125xf32, #tpu.memory_space<vmem>>) dst(%dma_wait3A_255 : memref<10240xf32, #tpu.memory_space<vmem_shared>>)
      } else {
      }
      %add3A_219 = arith.constant 4 : i32
      %add3A_220 = arith.addi %add3A_203, %add3A_219 : i32
      %lt3A_221 = arith.constant 80 : i32
      %lt3A_222 = arith.cmpi slt, %add3A_220, %lt3A_221 : i32
      %convert_element_type3A_223 = arith.extui %lt3A_222 : i1 to i32
      %cond3A_224 = arith.constant 0 : i32
      %cond3A_225 = arith.cmpi ne, %convert_element_type3A_223, %cond3A_224 : i32
      scf.if %cond3A_225 {
        %add3A_250 = arith.constant 4 : i32
        %add3A_251 = arith.addi %add3A_203, %add3A_250 : i32
        %dma_start3A_252 = arith.constant 0 : i32
        %dma_start3A_253 = tpu.memref_slice %arg6[%add3A_251, %dma_start3A_252] : memref<80x125xi32, #tpu.memory_space<vmem>> -> memref<1x125xi32, #tpu.memory_space<vmem>>
        %dma_start3A_254 = tpu.memref_squeeze %dma_start3A_253 : memref<1x125xi32, #tpu.memory_space<vmem>> -> memref<125xi32, #tpu.memory_space<vmem>>
        %dma_start3A_255 = arith.constant 0 : i32
        %dma_start3A_256 = tpu.memref_slice %arg4[%dma_start3A_255] : memref<10240xf32, #tpu.memory_space<hbm>> -> memref<10240xf32, #tpu.memory_space<hbm>>
        tpu.enqueue_indirect_dma source(%dma_start3A_256 : memref<10240xf32, #tpu.memory_space<hbm>>) target(%arg10 : memref<125xf32, #tpu.memory_space<vmem>>) offsets(%dma_start3A_254 : memref<125xi32, #tpu.memory_space<vmem>>) semaphore(%arg19 : memref<!tpu.dma_semaphore, #tpu.memory_space<semaphore_mem>>)
      } else {
      }
      %add3A_226 = arith.constant 7 : i32
      %add3A_227 = arith.addi %add3A_61, %add3A_226 : i32
      %dma_wait3A_228 = arith.constant 0 : i32
      %dma_wait3A_229 = tpu.memref_slice %arg6[%add3A_227, %dma_wait3A_228] : memref<80x125xi32, #tpu.memory_space<vmem>> -> memref<1x125xi32, #tpu.memory_space<vmem>>
      %dma_wait3A_230 = tpu.memref_squeeze %dma_wait3A_229 : memref<1x125xi32, #tpu.memory_space<vmem>> -> memref<125xi32, #tpu.memory_space<vmem>>
      %dma_wait3A_231 = arith.constant 0 : i32
      %dma_wait3A_232 = tpu.memref_slice %arg4[%dma_wait3A_231] : memref<10240xf32, #tpu.memory_space<hbm>> -> memref<10240xf32, #tpu.memory_space<hbm>>
      tpu.wait_indirect_dma semaphore(%arg24 : memref<!tpu.dma_semaphore, #tpu.memory_space<semaphore_mem>>) src(%dma_wait3A_232 : memref<10240xf32, #tpu.memory_space<hbm>>) dst(%arg15 : memref<125xf32, #tpu.memory_space<vmem>>)
      %dma_start3A_233 = arith.constant 0 : i32
      %dma_start3A_234 = tpu.memref_slice %arg7[%add3A_227, %dma_start3A_233] : memref<80x125xi32, #tpu.memory_space<vmem>> -> memref<1x125xi32, #tpu.memory_space<vmem>>
      %dma_start3A_235 = tpu.memref_squeeze %dma_start3A_234 : memref<1x125xi32, #tpu.memory_space<vmem>> -> memref<125xi32, #tpu.memory_space<vmem>>
      %dma_start3A_236 = arith.constant 0 : i32
      %dma_start3A_237 = tpu.memref_slice %arg16[%dma_start3A_236] : memref<10240xf32, #tpu.memory_space<vmem_shared>> -> memref<10240xf32, #tpu.memory_space<vmem_shared>>
      tpu.enqueue_indirect_dma source(%arg15 : memref<125xf32, #tpu.memory_space<vmem>>) target(%dma_start3A_237 : memref<10240xf32, #tpu.memory_space<vmem_shared>>) offsets(%dma_start3A_235 : memref<125xi32, #tpu.memory_space<vmem>>) semaphore(%arg32 : memref<!tpu.dma_semaphore, #tpu.memory_space<semaphore_mem>>) {add = true}
      %ge3A_238 = arith.constant 4 : i32
      %ge3A_239 = arith.cmpi sge, %add3A_227, %ge3A_238 : i32
      %convert_element_type3A_240 = arith.extui %ge3A_239 : i1 to i32
      %cond3A_241 = arith.constant 0 : i32
      %cond3A_242 = arith.cmpi ne, %convert_element_type3A_240, %cond3A_241 : i32
      scf.if %cond3A_242 {
        %sub3A = arith.constant 4 : i32
        %sub3A_250 = arith.subi %add3A_227, %sub3A : i32
        %dma_wait3A_251 = arith.constant 0 : i32
        %dma_wait3A_252 = tpu.memref_slice %arg7[%sub3A_250, %dma_wait3A_251] : memref<80x125xi32, #tpu.memory_space<vmem>> -> memref<1x125xi32, #tpu.memory_space<vmem>>
        %dma_wait3A_253 = tpu.memref_squeeze %dma_wait3A_252 : memref<1x125xi32, #tpu.memory_space<vmem>> -> memref<125xi32, #tpu.memory_space<vmem>>
        %dma_wait3A_254 = arith.constant 0 : i32
        %dma_wait3A_255 = tpu.memref_slice %arg16[%dma_wait3A_254] : memref<10240xf32, #tpu.memory_space<vmem_shared>> -> memref<10240xf32, #tpu.memory_space<vmem_shared>>
        tpu.wait_indirect_dma semaphore(%arg28 : memref<!tpu.dma_semaphore, #tpu.memory_space<semaphore_mem>>) src(%arg11 : memref<125xf32, #tpu.memory_space<vmem>>) dst(%dma_wait3A_255 : memref<10240xf32, #tpu.memory_space<vmem_shared>>)
      } else {
      }
      %add3A_243 = arith.constant 4 : i32
      %add3A_244 = arith.addi %add3A_227, %add3A_243 : i32
      %lt3A_245 = arith.constant 80 : i32
      %lt3A_246 = arith.cmpi slt, %add3A_244, %lt3A_245 : i32
      %convert_element_type3A_247 = arith.extui %lt3A_246 : i1 to i32
      %cond3A_248 = arith.constant 0 : i32
      %cond3A_249 = arith.cmpi ne, %convert_element_type3A_247, %cond3A_248 : i32
      scf.if %cond3A_249 {
        %add3A_250 = arith.constant 4 : i32
        %add3A_251 = arith.addi %add3A_227, %add3A_250 : i32
        %dma_start3A_252 = arith.constant 0 : i32
        %dma_start3A_253 = tpu.memref_slice %arg6[%add3A_251, %dma_start3A_252] : memref<80x125xi32, #tpu.memory_space<vmem>> -> memref<1x125xi32, #tpu.memory_space<vmem>>
        %dma_start3A_254 = tpu.memref_squeeze %dma_start3A_253 : memref<1x125xi32, #tpu.memory_space<vmem>> -> memref<125xi32, #tpu.memory_space<vmem>>
        %dma_start3A_255 = arith.constant 0 : i32
        %dma_start3A_256 = tpu.memref_slice %arg4[%dma_start3A_255] : memref<10240xf32, #tpu.memory_space<hbm>> -> memref<10240xf32, #tpu.memory_space<hbm>>
        tpu.enqueue_indirect_dma source(%dma_start3A_256 : memref<10240xf32, #tpu.memory_space<hbm>>) target(%arg11 : memref<125xf32, #tpu.memory_space<vmem>>) offsets(%dma_start3A_254 : memref<125xi32, #tpu.memory_space<vmem>>) semaphore(%arg20 : memref<!tpu.dma_semaphore, #tpu.memory_space<semaphore_mem>>)
      } else {
      }
    }
    %scan3A_29 = arith.constant 10 : i32
    %dma_wait3A = arith.constant 76 : i32
    %dma_wait3A_30 = arith.constant 0 : i32
    %dma_wait3A_31 = tpu.memref_slice %arg7[%dma_wait3A, %dma_wait3A_30] : memref<80x125xi32, #tpu.memory_space<vmem>> -> memref<1x125xi32, #tpu.memory_space<vmem>>
    %dma_wait3A_32 = tpu.memref_squeeze %dma_wait3A_31 : memref<1x125xi32, #tpu.memory_space<vmem>> -> memref<125xi32, #tpu.memory_space<vmem>>
    %dma_wait3A_33 = arith.constant 0 : i32
    %dma_wait3A_34 = tpu.memref_slice %arg16[%dma_wait3A_33] : memref<10240xf32, #tpu.memory_space<vmem_shared>> -> memref<10240xf32, #tpu.memory_space<vmem_shared>>
    tpu.wait_indirect_dma semaphore(%arg29 : memref<!tpu.dma_semaphore, #tpu.memory_space<semaphore_mem>>) src(%arg12 : memref<125xf32, #tpu.memory_space<vmem>>) dst(%dma_wait3A_34 : memref<10240xf32, #tpu.memory_space<vmem_shared>>)
    %dma_wait3A_35 = arith.constant 77 : i32
    %dma_wait3A_36 = arith.constant 0 : i32
    %dma_wait3A_37 = tpu.memref_slice %arg7[%dma_wait3A_35, %dma_wait3A_36] : memref<80x125xi32, #tpu.memory_space<vmem>> -> memref<1x125xi32, #tpu.memory_space<vmem>>
    %dma_wait3A_38 = tpu.memref_squeeze %dma_wait3A_37 : memref<1x125xi32, #tpu.memory_space<vmem>> -> memref<125xi32, #tpu.memory_space<vmem>>
    %dma_wait3A_39 = arith.constant 0 : i32
    %dma_wait3A_40 = tpu.memref_slice %arg16[%dma_wait3A_39] : memref<10240xf32, #tpu.memory_space<vmem_shared>> -> memref<10240xf32, #tpu.memory_space<vmem_shared>>
    tpu.wait_indirect_dma semaphore(%arg30 : memref<!tpu.dma_semaphore, #tpu.memory_space<semaphore_mem>>) src(%arg13 : memref<125xf32, #tpu.memory_space<vmem>>) dst(%dma_wait3A_40 : memref<10240xf32, #tpu.memory_space<vmem_shared>>)
    %dma_wait3A_41 = arith.constant 78 : i32
    %dma_wait3A_42 = arith.constant 0 : i32
    %dma_wait3A_43 = tpu.memref_slice %arg7[%dma_wait3A_41, %dma_wait3A_42] : memref<80x125xi32, #tpu.memory_space<vmem>> -> memref<1x125xi32, #tpu.memory_space<vmem>>
    %dma_wait3A_44 = tpu.memref_squeeze %dma_wait3A_43 : memref<1x125xi32, #tpu.memory_space<vmem>> -> memref<125xi32, #tpu.memory_space<vmem>>
    %dma_wait3A_45 = arith.constant 0 : i32
    %dma_wait3A_46 = tpu.memref_slice %arg16[%dma_wait3A_45] : memref<10240xf32, #tpu.memory_space<vmem_shared>> -> memref<10240xf32, #tpu.memory_space<vmem_shared>>
    tpu.wait_indirect_dma semaphore(%arg31 : memref<!tpu.dma_semaphore, #tpu.memory_space<semaphore_mem>>) src(%arg14 : memref<125xf32, #tpu.memory_space<vmem>>) dst(%dma_wait3A_46 : memref<10240xf32, #tpu.memory_space<vmem_shared>>)
    %dma_wait3A_47 = arith.constant 79 : i32
    %dma_wait3A_48 = arith.constant 0 : i32
    %dma_wait3A_49 = tpu.memref_slice %arg7[%dma_wait3A_47, %dma_wait3A_48] : memref<80x125xi32, #tpu.memory_space<vmem>> -> memref<1x125xi32, #tpu.memory_space<vmem>>
    %dma_wait3A_50 = tpu.memref_squeeze %dma_wait3A_49 : memref<1x125xi32, #tpu.memory_space<vmem>> -> memref<125xi32, #tpu.memory_space<vmem>>
    %dma_wait3A_51 = arith.constant 0 : i32
    %dma_wait3A_52 = tpu.memref_slice %arg16[%dma_wait3A_51] : memref<10240xf32, #tpu.memory_space<vmem_shared>> -> memref<10240xf32, #tpu.memory_space<vmem_shared>>
    tpu.wait_indirect_dma semaphore(%arg32 : memref<!tpu.dma_semaphore, #tpu.memory_space<semaphore_mem>>) src(%arg15 : memref<125xf32, #tpu.memory_space<vmem>>) dst(%dma_wait3A_52 : memref<10240xf32, #tpu.memory_space<vmem_shared>>)
    %barrier3A_53 = arith.constant 0 : index
    tpu.barrier barrier_id(%barrier3A_53)
    %mul3A_54 = arith.constant 10240 : i32
    %mul3A_55 = arith.muli %arg0, %mul3A_54 : i32
    %add3A_56 = arith.addi %mul3A_55, %mul3A_2 : i32
    "tpu.region"() ({
      %run_scoped3A = tpu.sem_alloc : memref<!tpu.dma_semaphore, #tpu.memory_space<semaphore_mem>>
      %dma_start3A_57 = tpu.memref_slice %arg5[%add3A_56] : memref<20480xf32, #tpu.memory_space<hbm>> -> memref<640xf32, #tpu.memory_space<hbm>>
      %dma_start3A_58 = tpu.memref_slice %arg16[%mul3A_2] : memref<10240xf32, #tpu.memory_space<vmem_shared>> -> memref<640xf32, #tpu.memory_space<vmem_shared>>
      tpu.enqueue_dma source(%dma_start3A_58 : memref<640xf32, #tpu.memory_space<vmem_shared>>) target(%dma_start3A_57 : memref<640xf32, #tpu.memory_space<hbm>>) target_semaphore(%run_scoped3A : memref<!tpu.dma_semaphore, #tpu.memory_space<semaphore_mem>>)
      %dma_wait3A_59 = tpu.memref_slice %arg5[%add3A_56] : memref<20480xf32, #tpu.memory_space<hbm>> -> memref<640xf32, #tpu.memory_space<hbm>>
      %dma_wait3A_60 = tpu.memref_slice %arg16[%mul3A_2] : memref<10240xf32, #tpu.memory_space<vmem_shared>> -> memref<640xf32, #tpu.memory_space<vmem_shared>>
      tpu.wait_dma2 semaphore(%run_scoped3A : memref<!tpu.dma_semaphore, #tpu.memory_space<semaphore_mem>>) src(%dma_wait3A_60 : memref<640xf32, #tpu.memory_space<vmem_shared>>) dst(%dma_wait3A_59 : memref<640xf32, #tpu.memory_space<hbm>>)
      tpu.yield
    }) : () -> ()
    return
  }
}

#map = affine_map<(d0, d1) -> (0, 0, 0)>
#map1 = affine_map<(d0, d1) -> (0, 0)>
module attributes {stable_mosaic.version = 14 : i64} {
  func.func @prop(%arg0: i32, %arg1: i32, %arg2: memref<32x80x125xi32, #tpu.memory_space<hbm>>, %arg3: memref<32x80x125xi32, #tpu.memory_space<hbm>>, %arg4: memref<10240x48xf32, #tpu.memory_space<hbm>>, %arg5: memref<20480x48xf32, #tpu.memory_space<hbm>>, %arg6: memref<80x125xi32, #tpu.memory_space<vmem>>, %arg7: memref<80x125xi32, #tpu.memory_space<vmem>>, %arg8: memref<125x48xf32, #tpu.memory_space<vmem>>, %arg9: memref<125x48xf32, #tpu.memory_space<vmem>>, %arg10: memref<125x48xf32, #tpu.memory_space<vmem>>, %arg11: memref<125x48xf32, #tpu.memory_space<vmem>>, %arg12: memref<125x48xf32, #tpu.memory_space<vmem>>, %arg13: memref<125x48xf32, #tpu.memory_space<vmem>>, %arg14: memref<125x48xf32, #tpu.memory_space<vmem>>, %arg15: memref<125x48xf32, #tpu.memory_space<vmem>>, %arg16: memref<10240x48xf32, #tpu.memory_space<vmem_shared>>, %arg17: memref<!tpu.dma_semaphore, #tpu.memory_space<semaphore_mem>>, %arg18: memref<!tpu.dma_semaphore, #tpu.memory_space<semaphore_mem>>, %arg19: memref<!tpu.dma_semaphore, #tpu.memory_space<semaphore_mem>>, %arg20: memref<!tpu.dma_semaphore, #tpu.memory_space<semaphore_mem>>, %arg21: memref<!tpu.dma_semaphore, #tpu.memory_space<semaphore_mem>>, %arg22: memref<!tpu.dma_semaphore, #tpu.memory_space<semaphore_mem>>, %arg23: memref<!tpu.dma_semaphore, #tpu.memory_space<semaphore_mem>>, %arg24: memref<!tpu.dma_semaphore, #tpu.memory_space<semaphore_mem>>, %arg25: memref<!tpu.dma_semaphore, #tpu.memory_space<semaphore_mem>>, %arg26: memref<!tpu.dma_semaphore, #tpu.memory_space<semaphore_mem>>, %arg27: memref<!tpu.dma_semaphore, #tpu.memory_space<semaphore_mem>>, %arg28: memref<!tpu.dma_semaphore, #tpu.memory_space<semaphore_mem>>, %arg29: memref<!tpu.dma_semaphore, #tpu.memory_space<semaphore_mem>>, %arg30: memref<!tpu.dma_semaphore, #tpu.memory_space<semaphore_mem>>, %arg31: memref<!tpu.dma_semaphore, #tpu.memory_space<semaphore_mem>>, %arg32: memref<!tpu.dma_semaphore, #tpu.memory_space<semaphore_mem>>) attributes {dimension_semantics = [#tpu.dimension_semantics<core_parallel>, #tpu.dimension_semantics<subcore_parallel>], iteration_bounds = array<i64: 2, 16>, scalar_prefetch = 0 : i64, scratch_operands = 27 : i64, tpu.core_type = #tpu.core_type<sc_vector_subcore>, window_params = [{transform_indices = #map}, {transform_indices = #map}, {transform_indices = #map1}, {transform_indices = #map1}]} {
    %mul3A = arith.constant 16 : i32
    %mul3A_0 = arith.muli %arg0, %mul3A : i32
    %add3A = arith.addi %mul3A_0, %arg1 : i32
    %mul3A_1 = arith.constant 640 : i32
    %mul3A_2 = arith.muli %arg1, %mul3A_1 : i32
    "tpu.region"() ({
      %run_scoped3A = tpu.sem_alloc : memref<!tpu.dma_semaphore, #tpu.memory_space<semaphore_mem>>
      %dma_start3A_65 = arith.constant 0 : i32
      %dma_start3A_66 = arith.constant 0 : i32
      %dma_start3A_67 = tpu.memref_slice %arg2[%add3A, %dma_start3A_65, %dma_start3A_66] : memref<32x80x125xi32, #tpu.memory_space<hbm>> -> memref<1x80x125xi32, #tpu.memory_space<hbm>>
      %dma_start3A_68 = tpu.memref_squeeze %dma_start3A_67 : memref<1x80x125xi32, #tpu.memory_space<hbm>> -> memref<80x125xi32, #tpu.memory_space<hbm>>
      %dma_start3A_69 = arith.constant 0 : i32
      %dma_start3A_70 = arith.constant 0 : i32
      %dma_start3A_71 = tpu.memref_slice %arg2[%add3A, %dma_start3A_69, %dma_start3A_70] : memref<32x80x125xi32, #tpu.memory_space<hbm>> -> memref<1x80x125xi32, #tpu.memory_space<hbm>>
      %dma_start3A_72 = tpu.memref_squeeze %dma_start3A_71 : memref<1x80x125xi32, #tpu.memory_space<hbm>> -> memref<80x125xi32, #tpu.memory_space<hbm>>
      tpu.enqueue_dma source(%dma_start3A_72 : memref<80x125xi32, #tpu.memory_space<hbm>>) target(%arg6 : memref<80x125xi32, #tpu.memory_space<vmem>>) target_semaphore(%run_scoped3A : memref<!tpu.dma_semaphore, #tpu.memory_space<semaphore_mem>>)
      %dma_wait3A_73 = arith.constant 0 : i32
      %dma_wait3A_74 = arith.constant 0 : i32
      %dma_wait3A_75 = tpu.memref_slice %arg2[%add3A, %dma_wait3A_73, %dma_wait3A_74] : memref<32x80x125xi32, #tpu.memory_space<hbm>> -> memref<1x80x125xi32, #tpu.memory_space<hbm>>
      %dma_wait3A_76 = tpu.memref_squeeze %dma_wait3A_75 : memref<1x80x125xi32, #tpu.memory_space<hbm>> -> memref<80x125xi32, #tpu.memory_space<hbm>>
      %dma_wait3A_77 = arith.constant 0 : i32
      %dma_wait3A_78 = arith.constant 0 : i32
      %dma_wait3A_79 = tpu.memref_slice %arg2[%add3A, %dma_wait3A_77, %dma_wait3A_78] : memref<32x80x125xi32, #tpu.memory_space<hbm>> -> memref<1x80x125xi32, #tpu.memory_space<hbm>>
      %dma_wait3A_80 = tpu.memref_squeeze %dma_wait3A_79 : memref<1x80x125xi32, #tpu.memory_space<hbm>> -> memref<80x125xi32, #tpu.memory_space<hbm>>
      tpu.wait_dma2 semaphore(%run_scoped3A : memref<!tpu.dma_semaphore, #tpu.memory_space<semaphore_mem>>) src(%dma_wait3A_80 : memref<80x125xi32, #tpu.memory_space<hbm>>) dst(%arg6 : memref<80x125xi32, #tpu.memory_space<vmem>>)
      tpu.yield
    }) : () -> ()
    "tpu.region"() ({
      %run_scoped3A = tpu.sem_alloc : memref<!tpu.dma_semaphore, #tpu.memory_space<semaphore_mem>>
      %dma_start3A_65 = arith.constant 0 : i32
      %dma_start3A_66 = arith.constant 0 : i32
      %dma_start3A_67 = tpu.memref_slice %arg3[%add3A, %dma_start3A_65, %dma_start3A_66] : memref<32x80x125xi32, #tpu.memory_space<hbm>> -> memref<1x80x125xi32, #tpu.memory_space<hbm>>
      %dma_start3A_68 = tpu.memref_squeeze %dma_start3A_67 : memref<1x80x125xi32, #tpu.memory_space<hbm>> -> memref<80x125xi32, #tpu.memory_space<hbm>>
      %dma_start3A_69 = arith.constant 0 : i32
      %dma_start3A_70 = arith.constant 0 : i32
      %dma_start3A_71 = tpu.memref_slice %arg3[%add3A, %dma_start3A_69, %dma_start3A_70] : memref<32x80x125xi32, #tpu.memory_space<hbm>> -> memref<1x80x125xi32, #tpu.memory_space<hbm>>
      %dma_start3A_72 = tpu.memref_squeeze %dma_start3A_71 : memref<1x80x125xi32, #tpu.memory_space<hbm>> -> memref<80x125xi32, #tpu.memory_space<hbm>>
      tpu.enqueue_dma source(%dma_start3A_72 : memref<80x125xi32, #tpu.memory_space<hbm>>) target(%arg7 : memref<80x125xi32, #tpu.memory_space<vmem>>) target_semaphore(%run_scoped3A : memref<!tpu.dma_semaphore, #tpu.memory_space<semaphore_mem>>)
      %dma_wait3A_73 = arith.constant 0 : i32
      %dma_wait3A_74 = arith.constant 0 : i32
      %dma_wait3A_75 = tpu.memref_slice %arg3[%add3A, %dma_wait3A_73, %dma_wait3A_74] : memref<32x80x125xi32, #tpu.memory_space<hbm>> -> memref<1x80x125xi32, #tpu.memory_space<hbm>>
      %dma_wait3A_76 = tpu.memref_squeeze %dma_wait3A_75 : memref<1x80x125xi32, #tpu.memory_space<hbm>> -> memref<80x125xi32, #tpu.memory_space<hbm>>
      %dma_wait3A_77 = arith.constant 0 : i32
      %dma_wait3A_78 = arith.constant 0 : i32
      %dma_wait3A_79 = tpu.memref_slice %arg3[%add3A, %dma_wait3A_77, %dma_wait3A_78] : memref<32x80x125xi32, #tpu.memory_space<hbm>> -> memref<1x80x125xi32, #tpu.memory_space<hbm>>
      %dma_wait3A_80 = tpu.memref_squeeze %dma_wait3A_79 : memref<1x80x125xi32, #tpu.memory_space<hbm>> -> memref<80x125xi32, #tpu.memory_space<hbm>>
      tpu.wait_dma2 semaphore(%run_scoped3A : memref<!tpu.dma_semaphore, #tpu.memory_space<semaphore_mem>>) src(%dma_wait3A_80 : memref<80x125xi32, #tpu.memory_space<hbm>>) dst(%arg7 : memref<80x125xi32, #tpu.memory_space<vmem>>)
      tpu.yield
    }) : () -> ()
    "tpu.region"() ({
      %run_scoped3A = tpu.sem_alloc : memref<!tpu.dma_semaphore, #tpu.memory_space<semaphore_mem>>
      %dma_start3A_65 = arith.constant 0 : i32
      %dma_start3A_66 = tpu.memref_slice %arg16[%mul3A_2, %dma_start3A_65] : memref<10240x48xf32, #tpu.memory_space<vmem_shared>> -> memref<640x48xf32, #tpu.memory_space<vmem_shared>>
      %dma_start3A_67 = arith.constant 0 : i32
      %dma_start3A_68 = tpu.memref_slice %arg4[%mul3A_2, %dma_start3A_67] : memref<10240x48xf32, #tpu.memory_space<hbm>> -> memref<640x48xf32, #tpu.memory_space<hbm>>
      tpu.enqueue_dma source(%dma_start3A_68 : memref<640x48xf32, #tpu.memory_space<hbm>>) target(%dma_start3A_66 : memref<640x48xf32, #tpu.memory_space<vmem_shared>>) target_semaphore(%run_scoped3A : memref<!tpu.dma_semaphore, #tpu.memory_space<semaphore_mem>>)
      %dma_wait3A_69 = arith.constant 0 : i32
      %dma_wait3A_70 = tpu.memref_slice %arg16[%mul3A_2, %dma_wait3A_69] : memref<10240x48xf32, #tpu.memory_space<vmem_shared>> -> memref<640x48xf32, #tpu.memory_space<vmem_shared>>
      %dma_wait3A_71 = arith.constant 0 : i32
      %dma_wait3A_72 = tpu.memref_slice %arg4[%mul3A_2, %dma_wait3A_71] : memref<10240x48xf32, #tpu.memory_space<hbm>> -> memref<640x48xf32, #tpu.memory_space<hbm>>
      tpu.wait_dma2 semaphore(%run_scoped3A : memref<!tpu.dma_semaphore, #tpu.memory_space<semaphore_mem>>) src(%dma_wait3A_72 : memref<640x48xf32, #tpu.memory_space<hbm>>) dst(%dma_wait3A_70 : memref<640x48xf32, #tpu.memory_space<vmem_shared>>)
      tpu.yield
    }) : () -> ()
    %barrier3A = arith.constant 0 : index
    tpu.barrier barrier_id(%barrier3A)
    %dma_start3A = arith.constant 0 : i32
    %dma_start3A_3 = arith.constant 0 : i32
    %dma_start3A_4 = tpu.memref_slice %arg6[%dma_start3A, %dma_start3A_3] : memref<80x125xi32, #tpu.memory_space<vmem>> -> memref<1x125xi32, #tpu.memory_space<vmem>>
    %dma_start3A_5 = tpu.memref_squeeze %dma_start3A_4 : memref<1x125xi32, #tpu.memory_space<vmem>> -> memref<125xi32, #tpu.memory_space<vmem>>
    %dma_start3A_6 = arith.constant 0 : i32
    %dma_start3A_7 = arith.constant 0 : i32
    %dma_start3A_8 = tpu.memref_slice %arg4[%dma_start3A_6, %dma_start3A_7] : memref<10240x48xf32, #tpu.memory_space<hbm>> -> memref<10240x48xf32, #tpu.memory_space<hbm>>
    tpu.enqueue_indirect_dma source(%dma_start3A_8 : memref<10240x48xf32, #tpu.memory_space<hbm>>) target(%arg8 : memref<125x48xf32, #tpu.memory_space<vmem>>) offsets(%dma_start3A_5 : memref<125xi32, #tpu.memory_space<vmem>>) semaphore(%arg17 : memref<!tpu.dma_semaphore, #tpu.memory_space<semaphore_mem>>)
    %dma_start3A_9 = arith.constant 1 : i32
    %dma_start3A_10 = arith.constant 0 : i32
    %dma_start3A_11 = tpu.memref_slice %arg6[%dma_start3A_9, %dma_start3A_10] : memref<80x125xi32, #tpu.memory_space<vmem>> -> memref<1x125xi32, #tpu.memory_space<vmem>>
    %dma_start3A_12 = tpu.memref_squeeze %dma_start3A_11 : memref<1x125xi32, #tpu.memory_space<vmem>> -> memref<125xi32, #tpu.memory_space<vmem>>
    %dma_start3A_13 = arith.constant 0 : i32
    %dma_start3A_14 = arith.constant 0 : i32
    %dma_start3A_15 = tpu.memref_slice %arg4[%dma_start3A_13, %dma_start3A_14] : memref<10240x48xf32, #tpu.memory_space<hbm>> -> memref<10240x48xf32, #tpu.memory_space<hbm>>
    tpu.enqueue_indirect_dma source(%dma_start3A_15 : memref<10240x48xf32, #tpu.memory_space<hbm>>) target(%arg9 : memref<125x48xf32, #tpu.memory_space<vmem>>) offsets(%dma_start3A_12 : memref<125xi32, #tpu.memory_space<vmem>>) semaphore(%arg18 : memref<!tpu.dma_semaphore, #tpu.memory_space<semaphore_mem>>)
    %dma_start3A_16 = arith.constant 2 : i32
    %dma_start3A_17 = arith.constant 0 : i32
    %dma_start3A_18 = tpu.memref_slice %arg6[%dma_start3A_16, %dma_start3A_17] : memref<80x125xi32, #tpu.memory_space<vmem>> -> memref<1x125xi32, #tpu.memory_space<vmem>>
    %dma_start3A_19 = tpu.memref_squeeze %dma_start3A_18 : memref<1x125xi32, #tpu.memory_space<vmem>> -> memref<125xi32, #tpu.memory_space<vmem>>
    %dma_start3A_20 = arith.constant 0 : i32
    %dma_start3A_21 = arith.constant 0 : i32
    %dma_start3A_22 = tpu.memref_slice %arg4[%dma_start3A_20, %dma_start3A_21] : memref<10240x48xf32, #tpu.memory_space<hbm>> -> memref<10240x48xf32, #tpu.memory_space<hbm>>
    tpu.enqueue_indirect_dma source(%dma_start3A_22 : memref<10240x48xf32, #tpu.memory_space<hbm>>) target(%arg10 : memref<125x48xf32, #tpu.memory_space<vmem>>) offsets(%dma_start3A_19 : memref<125xi32, #tpu.memory_space<vmem>>) semaphore(%arg19 : memref<!tpu.dma_semaphore, #tpu.memory_space<semaphore_mem>>)
    %dma_start3A_23 = arith.constant 3 : i32
    %dma_start3A_24 = arith.constant 0 : i32
    %dma_start3A_25 = tpu.memref_slice %arg6[%dma_start3A_23, %dma_start3A_24] : memref<80x125xi32, #tpu.memory_space<vmem>> -> memref<1x125xi32, #tpu.memory_space<vmem>>
    %dma_start3A_26 = tpu.memref_squeeze %dma_start3A_25 : memref<1x125xi32, #tpu.memory_space<vmem>> -> memref<125xi32, #tpu.memory_space<vmem>>
    %dma_start3A_27 = arith.constant 0 : i32
    %dma_start3A_28 = arith.constant 0 : i32
    %dma_start3A_29 = tpu.memref_slice %arg4[%dma_start3A_27, %dma_start3A_28] : memref<10240x48xf32, #tpu.memory_space<hbm>> -> memref<10240x48xf32, #tpu.memory_space<hbm>>
    tpu.enqueue_indirect_dma source(%dma_start3A_29 : memref<10240x48xf32, #tpu.memory_space<hbm>>) target(%arg11 : memref<125x48xf32, #tpu.memory_space<vmem>>) offsets(%dma_start3A_26 : memref<125xi32, #tpu.memory_space<vmem>>) semaphore(%arg20 : memref<!tpu.dma_semaphore, #tpu.memory_space<semaphore_mem>>)
    %scan3A = arith.constant 0 : i32
    %scan3A_30 = arith.constant 10 : i32
    %scan3A_31 = arith.addi %scan3A, %scan3A_30 : i32
    %scan3A_32 = arith.constant 1 : i32
    scf.for %scan3A_65 = %scan3A to %scan3A_31 step %scan3A_32  : i32 {
      %mul3A_66 = arith.constant 8 : i32
      %mul3A_67 = arith.muli %scan3A_65, %mul3A_66 : i32
      %add3A_68 = arith.constant 0 : i32
      %add3A_69 = arith.addi %add3A_68, %mul3A_67 : i32
      %add3A_70 = arith.constant 0 : i32
      %add3A_71 = arith.addi %add3A_69, %add3A_70 : i32
      %dma_wait3A_72 = arith.constant 0 : i32
      %dma_wait3A_73 = tpu.memref_slice %arg6[%add3A_71, %dma_wait3A_72] : memref<80x125xi32, #tpu.memory_space<vmem>> -> memref<1x125xi32, #tpu.memory_space<vmem>>
      %dma_wait3A_74 = tpu.memref_squeeze %dma_wait3A_73 : memref<1x125xi32, #tpu.memory_space<vmem>> -> memref<125xi32, #tpu.memory_space<vmem>>
      %dma_wait3A_75 = arith.constant 0 : i32
      %dma_wait3A_76 = arith.constant 0 : i32
      %dma_wait3A_77 = tpu.memref_slice %arg4[%dma_wait3A_75, %dma_wait3A_76] : memref<10240x48xf32, #tpu.memory_space<hbm>> -> memref<10240x48xf32, #tpu.memory_space<hbm>>
      tpu.wait_indirect_dma semaphore(%arg17 : memref<!tpu.dma_semaphore, #tpu.memory_space<semaphore_mem>>) src(%dma_wait3A_77 : memref<10240x48xf32, #tpu.memory_space<hbm>>) dst(%arg8 : memref<125x48xf32, #tpu.memory_space<vmem>>)
      %dma_start3A_78 = arith.constant 0 : i32
      %dma_start3A_79 = tpu.memref_slice %arg7[%add3A_71, %dma_start3A_78] : memref<80x125xi32, #tpu.memory_space<vmem>> -> memref<1x125xi32, #tpu.memory_space<vmem>>
      %dma_start3A_80 = tpu.memref_squeeze %dma_start3A_79 : memref<1x125xi32, #tpu.memory_space<vmem>> -> memref<125xi32, #tpu.memory_space<vmem>>
      %dma_start3A_81 = arith.constant 0 : i32
      %dma_start3A_82 = arith.constant 0 : i32
      %dma_start3A_83 = tpu.memref_slice %arg16[%dma_start3A_81, %dma_start3A_82] : memref<10240x48xf32, #tpu.memory_space<vmem_shared>> -> memref<10240x48xf32, #tpu.memory_space<vmem_shared>>
      tpu.enqueue_indirect_dma source(%arg8 : memref<125x48xf32, #tpu.memory_space<vmem>>) target(%dma_start3A_83 : memref<10240x48xf32, #tpu.memory_space<vmem_shared>>) offsets(%dma_start3A_80 : memref<125xi32, #tpu.memory_space<vmem>>) semaphore(%arg25 : memref<!tpu.dma_semaphore, #tpu.memory_space<semaphore_mem>>) {add = true}
      %ge3A = arith.constant 4 : i32
      %ge3A_84 = arith.cmpi sge, %add3A_71, %ge3A : i32
      %convert_element_type3A = arith.extui %ge3A_84 : i1 to i32
      %cond3A = arith.constant 0 : i32
      %cond3A_85 = arith.cmpi ne, %convert_element_type3A, %cond3A : i32
      scf.if %cond3A_85 {
        %sub3A = arith.constant 4 : i32
        %sub3A_274 = arith.subi %add3A_71, %sub3A : i32
        %dma_wait3A_275 = arith.constant 0 : i32
        %dma_wait3A_276 = tpu.memref_slice %arg7[%sub3A_274, %dma_wait3A_275] : memref<80x125xi32, #tpu.memory_space<vmem>> -> memref<1x125xi32, #tpu.memory_space<vmem>>
        %dma_wait3A_277 = tpu.memref_squeeze %dma_wait3A_276 : memref<1x125xi32, #tpu.memory_space<vmem>> -> memref<125xi32, #tpu.memory_space<vmem>>
        %dma_wait3A_278 = arith.constant 0 : i32
        %dma_wait3A_279 = arith.constant 0 : i32
        %dma_wait3A_280 = tpu.memref_slice %arg16[%dma_wait3A_278, %dma_wait3A_279] : memref<10240x48xf32, #tpu.memory_space<vmem_shared>> -> memref<10240x48xf32, #tpu.memory_space<vmem_shared>>
        tpu.wait_indirect_dma semaphore(%arg29 : memref<!tpu.dma_semaphore, #tpu.memory_space<semaphore_mem>>) src(%arg12 : memref<125x48xf32, #tpu.memory_space<vmem>>) dst(%dma_wait3A_280 : memref<10240x48xf32, #tpu.memory_space<vmem_shared>>)
      } else {
      }
      %add3A_86 = arith.constant 4 : i32
      %add3A_87 = arith.addi %add3A_71, %add3A_86 : i32
      %lt3A = arith.constant 80 : i32
      %lt3A_88 = arith.cmpi slt, %add3A_87, %lt3A : i32
      %convert_element_type3A_89 = arith.extui %lt3A_88 : i1 to i32
      %cond3A_90 = arith.constant 0 : i32
      %cond3A_91 = arith.cmpi ne, %convert_element_type3A_89, %cond3A_90 : i32
      scf.if %cond3A_91 {
        %add3A_274 = arith.constant 4 : i32
        %add3A_275 = arith.addi %add3A_71, %add3A_274 : i32
        %dma_start3A_276 = arith.constant 0 : i32
        %dma_start3A_277 = tpu.memref_slice %arg6[%add3A_275, %dma_start3A_276] : memref<80x125xi32, #tpu.memory_space<vmem>> -> memref<1x125xi32, #tpu.memory_space<vmem>>
        %dma_start3A_278 = tpu.memref_squeeze %dma_start3A_277 : memref<1x125xi32, #tpu.memory_space<vmem>> -> memref<125xi32, #tpu.memory_space<vmem>>
        %dma_start3A_279 = arith.constant 0 : i32
        %dma_start3A_280 = arith.constant 0 : i32
        %dma_start3A_281 = tpu.memref_slice %arg4[%dma_start3A_279, %dma_start3A_280] : memref<10240x48xf32, #tpu.memory_space<hbm>> -> memref<10240x48xf32, #tpu.memory_space<hbm>>
        tpu.enqueue_indirect_dma source(%dma_start3A_281 : memref<10240x48xf32, #tpu.memory_space<hbm>>) target(%arg12 : memref<125x48xf32, #tpu.memory_space<vmem>>) offsets(%dma_start3A_278 : memref<125xi32, #tpu.memory_space<vmem>>) semaphore(%arg21 : memref<!tpu.dma_semaphore, #tpu.memory_space<semaphore_mem>>)
      } else {
      }
      %add3A_92 = arith.constant 1 : i32
      %add3A_93 = arith.addi %add3A_69, %add3A_92 : i32
      %dma_wait3A_94 = arith.constant 0 : i32
      %dma_wait3A_95 = tpu.memref_slice %arg6[%add3A_93, %dma_wait3A_94] : memref<80x125xi32, #tpu.memory_space<vmem>> -> memref<1x125xi32, #tpu.memory_space<vmem>>
      %dma_wait3A_96 = tpu.memref_squeeze %dma_wait3A_95 : memref<1x125xi32, #tpu.memory_space<vmem>> -> memref<125xi32, #tpu.memory_space<vmem>>
      %dma_wait3A_97 = arith.constant 0 : i32
      %dma_wait3A_98 = arith.constant 0 : i32
      %dma_wait3A_99 = tpu.memref_slice %arg4[%dma_wait3A_97, %dma_wait3A_98] : memref<10240x48xf32, #tpu.memory_space<hbm>> -> memref<10240x48xf32, #tpu.memory_space<hbm>>
      tpu.wait_indirect_dma semaphore(%arg18 : memref<!tpu.dma_semaphore, #tpu.memory_space<semaphore_mem>>) src(%dma_wait3A_99 : memref<10240x48xf32, #tpu.memory_space<hbm>>) dst(%arg9 : memref<125x48xf32, #tpu.memory_space<vmem>>)
      %dma_start3A_100 = arith.constant 0 : i32
      %dma_start3A_101 = tpu.memref_slice %arg7[%add3A_93, %dma_start3A_100] : memref<80x125xi32, #tpu.memory_space<vmem>> -> memref<1x125xi32, #tpu.memory_space<vmem>>
      %dma_start3A_102 = tpu.memref_squeeze %dma_start3A_101 : memref<1x125xi32, #tpu.memory_space<vmem>> -> memref<125xi32, #tpu.memory_space<vmem>>
      %dma_start3A_103 = arith.constant 0 : i32
      %dma_start3A_104 = arith.constant 0 : i32
      %dma_start3A_105 = tpu.memref_slice %arg16[%dma_start3A_103, %dma_start3A_104] : memref<10240x48xf32, #tpu.memory_space<vmem_shared>> -> memref<10240x48xf32, #tpu.memory_space<vmem_shared>>
      tpu.enqueue_indirect_dma source(%arg9 : memref<125x48xf32, #tpu.memory_space<vmem>>) target(%dma_start3A_105 : memref<10240x48xf32, #tpu.memory_space<vmem_shared>>) offsets(%dma_start3A_102 : memref<125xi32, #tpu.memory_space<vmem>>) semaphore(%arg26 : memref<!tpu.dma_semaphore, #tpu.memory_space<semaphore_mem>>) {add = true}
      %ge3A_106 = arith.constant 4 : i32
      %ge3A_107 = arith.cmpi sge, %add3A_93, %ge3A_106 : i32
      %convert_element_type3A_108 = arith.extui %ge3A_107 : i1 to i32
      %cond3A_109 = arith.constant 0 : i32
      %cond3A_110 = arith.cmpi ne, %convert_element_type3A_108, %cond3A_109 : i32
      scf.if %cond3A_110 {
        %sub3A = arith.constant 4 : i32
        %sub3A_274 = arith.subi %add3A_93, %sub3A : i32
        %dma_wait3A_275 = arith.constant 0 : i32
        %dma_wait3A_276 = tpu.memref_slice %arg7[%sub3A_274, %dma_wait3A_275] : memref<80x125xi32, #tpu.memory_space<vmem>> -> memref<1x125xi32, #tpu.memory_space<vmem>>
        %dma_wait3A_277 = tpu.memref_squeeze %dma_wait3A_276 : memref<1x125xi32, #tpu.memory_space<vmem>> -> memref<125xi32, #tpu.memory_space<vmem>>
        %dma_wait3A_278 = arith.constant 0 : i32
        %dma_wait3A_279 = arith.constant 0 : i32
        %dma_wait3A_280 = tpu.memref_slice %arg16[%dma_wait3A_278, %dma_wait3A_279] : memref<10240x48xf32, #tpu.memory_space<vmem_shared>> -> memref<10240x48xf32, #tpu.memory_space<vmem_shared>>
        tpu.wait_indirect_dma semaphore(%arg30 : memref<!tpu.dma_semaphore, #tpu.memory_space<semaphore_mem>>) src(%arg13 : memref<125x48xf32, #tpu.memory_space<vmem>>) dst(%dma_wait3A_280 : memref<10240x48xf32, #tpu.memory_space<vmem_shared>>)
      } else {
      }
      %add3A_111 = arith.constant 4 : i32
      %add3A_112 = arith.addi %add3A_93, %add3A_111 : i32
      %lt3A_113 = arith.constant 80 : i32
      %lt3A_114 = arith.cmpi slt, %add3A_112, %lt3A_113 : i32
      %convert_element_type3A_115 = arith.extui %lt3A_114 : i1 to i32
      %cond3A_116 = arith.constant 0 : i32
      %cond3A_117 = arith.cmpi ne, %convert_element_type3A_115, %cond3A_116 : i32
      scf.if %cond3A_117 {
        %add3A_274 = arith.constant 4 : i32
        %add3A_275 = arith.addi %add3A_93, %add3A_274 : i32
        %dma_start3A_276 = arith.constant 0 : i32
        %dma_start3A_277 = tpu.memref_slice %arg6[%add3A_275, %dma_start3A_276] : memref<80x125xi32, #tpu.memory_space<vmem>> -> memref<1x125xi32, #tpu.memory_space<vmem>>
        %dma_start3A_278 = tpu.memref_squeeze %dma_start3A_277 : memref<1x125xi32, #tpu.memory_space<vmem>> -> memref<125xi32, #tpu.memory_space<vmem>>
        %dma_start3A_279 = arith.constant 0 : i32
        %dma_start3A_280 = arith.constant 0 : i32
        %dma_start3A_281 = tpu.memref_slice %arg4[%dma_start3A_279, %dma_start3A_280] : memref<10240x48xf32, #tpu.memory_space<hbm>> -> memref<10240x48xf32, #tpu.memory_space<hbm>>
        tpu.enqueue_indirect_dma source(%dma_start3A_281 : memref<10240x48xf32, #tpu.memory_space<hbm>>) target(%arg13 : memref<125x48xf32, #tpu.memory_space<vmem>>) offsets(%dma_start3A_278 : memref<125xi32, #tpu.memory_space<vmem>>) semaphore(%arg22 : memref<!tpu.dma_semaphore, #tpu.memory_space<semaphore_mem>>)
      } else {
      }
      %add3A_118 = arith.constant 2 : i32
      %add3A_119 = arith.addi %add3A_69, %add3A_118 : i32
      %dma_wait3A_120 = arith.constant 0 : i32
      %dma_wait3A_121 = tpu.memref_slice %arg6[%add3A_119, %dma_wait3A_120] : memref<80x125xi32, #tpu.memory_space<vmem>> -> memref<1x125xi32, #tpu.memory_space<vmem>>
      %dma_wait3A_122 = tpu.memref_squeeze %dma_wait3A_121 : memref<1x125xi32, #tpu.memory_space<vmem>> -> memref<125xi32, #tpu.memory_space<vmem>>
      %dma_wait3A_123 = arith.constant 0 : i32
      %dma_wait3A_124 = arith.constant 0 : i32
      %dma_wait3A_125 = tpu.memref_slice %arg4[%dma_wait3A_123, %dma_wait3A_124] : memref<10240x48xf32, #tpu.memory_space<hbm>> -> memref<10240x48xf32, #tpu.memory_space<hbm>>
      tpu.wait_indirect_dma semaphore(%arg19 : memref<!tpu.dma_semaphore, #tpu.memory_space<semaphore_mem>>) src(%dma_wait3A_125 : memref<10240x48xf32, #tpu.memory_space<hbm>>) dst(%arg10 : memref<125x48xf32, #tpu.memory_space<vmem>>)
      %dma_start3A_126 = arith.constant 0 : i32
      %dma_start3A_127 = tpu.memref_slice %arg7[%add3A_119, %dma_start3A_126] : memref<80x125xi32, #tpu.memory_space<vmem>> -> memref<1x125xi32, #tpu.memory_space<vmem>>
      %dma_start3A_128 = tpu.memref_squeeze %dma_start3A_127 : memref<1x125xi32, #tpu.memory_space<vmem>> -> memref<125xi32, #tpu.memory_space<vmem>>
      %dma_start3A_129 = arith.constant 0 : i32
      %dma_start3A_130 = arith.constant 0 : i32
      %dma_start3A_131 = tpu.memref_slice %arg16[%dma_start3A_129, %dma_start3A_130] : memref<10240x48xf32, #tpu.memory_space<vmem_shared>> -> memref<10240x48xf32, #tpu.memory_space<vmem_shared>>
      tpu.enqueue_indirect_dma source(%arg10 : memref<125x48xf32, #tpu.memory_space<vmem>>) target(%dma_start3A_131 : memref<10240x48xf32, #tpu.memory_space<vmem_shared>>) offsets(%dma_start3A_128 : memref<125xi32, #tpu.memory_space<vmem>>) semaphore(%arg27 : memref<!tpu.dma_semaphore, #tpu.memory_space<semaphore_mem>>) {add = true}
      %ge3A_132 = arith.constant 4 : i32
      %ge3A_133 = arith.cmpi sge, %add3A_119, %ge3A_132 : i32
      %convert_element_type3A_134 = arith.extui %ge3A_133 : i1 to i32
      %cond3A_135 = arith.constant 0 : i32
      %cond3A_136 = arith.cmpi ne, %convert_element_type3A_134, %cond3A_135 : i32
      scf.if %cond3A_136 {
        %sub3A = arith.constant 4 : i32
        %sub3A_274 = arith.subi %add3A_119, %sub3A : i32
        %dma_wait3A_275 = arith.constant 0 : i32
        %dma_wait3A_276 = tpu.memref_slice %arg7[%sub3A_274, %dma_wait3A_275] : memref<80x125xi32, #tpu.memory_space<vmem>> -> memref<1x125xi32, #tpu.memory_space<vmem>>
        %dma_wait3A_277 = tpu.memref_squeeze %dma_wait3A_276 : memref<1x125xi32, #tpu.memory_space<vmem>> -> memref<125xi32, #tpu.memory_space<vmem>>
        %dma_wait3A_278 = arith.constant 0 : i32
        %dma_wait3A_279 = arith.constant 0 : i32
        %dma_wait3A_280 = tpu.memref_slice %arg16[%dma_wait3A_278, %dma_wait3A_279] : memref<10240x48xf32, #tpu.memory_space<vmem_shared>> -> memref<10240x48xf32, #tpu.memory_space<vmem_shared>>
        tpu.wait_indirect_dma semaphore(%arg31 : memref<!tpu.dma_semaphore, #tpu.memory_space<semaphore_mem>>) src(%arg14 : memref<125x48xf32, #tpu.memory_space<vmem>>) dst(%dma_wait3A_280 : memref<10240x48xf32, #tpu.memory_space<vmem_shared>>)
      } else {
      }
      %add3A_137 = arith.constant 4 : i32
      %add3A_138 = arith.addi %add3A_119, %add3A_137 : i32
      %lt3A_139 = arith.constant 80 : i32
      %lt3A_140 = arith.cmpi slt, %add3A_138, %lt3A_139 : i32
      %convert_element_type3A_141 = arith.extui %lt3A_140 : i1 to i32
      %cond3A_142 = arith.constant 0 : i32
      %cond3A_143 = arith.cmpi ne, %convert_element_type3A_141, %cond3A_142 : i32
      scf.if %cond3A_143 {
        %add3A_274 = arith.constant 4 : i32
        %add3A_275 = arith.addi %add3A_119, %add3A_274 : i32
        %dma_start3A_276 = arith.constant 0 : i32
        %dma_start3A_277 = tpu.memref_slice %arg6[%add3A_275, %dma_start3A_276] : memref<80x125xi32, #tpu.memory_space<vmem>> -> memref<1x125xi32, #tpu.memory_space<vmem>>
        %dma_start3A_278 = tpu.memref_squeeze %dma_start3A_277 : memref<1x125xi32, #tpu.memory_space<vmem>> -> memref<125xi32, #tpu.memory_space<vmem>>
        %dma_start3A_279 = arith.constant 0 : i32
        %dma_start3A_280 = arith.constant 0 : i32
        %dma_start3A_281 = tpu.memref_slice %arg4[%dma_start3A_279, %dma_start3A_280] : memref<10240x48xf32, #tpu.memory_space<hbm>> -> memref<10240x48xf32, #tpu.memory_space<hbm>>
        tpu.enqueue_indirect_dma source(%dma_start3A_281 : memref<10240x48xf32, #tpu.memory_space<hbm>>) target(%arg14 : memref<125x48xf32, #tpu.memory_space<vmem>>) offsets(%dma_start3A_278 : memref<125xi32, #tpu.memory_space<vmem>>) semaphore(%arg23 : memref<!tpu.dma_semaphore, #tpu.memory_space<semaphore_mem>>)
      } else {
      }
      %add3A_144 = arith.constant 3 : i32
      %add3A_145 = arith.addi %add3A_69, %add3A_144 : i32
      %dma_wait3A_146 = arith.constant 0 : i32
      %dma_wait3A_147 = tpu.memref_slice %arg6[%add3A_145, %dma_wait3A_146] : memref<80x125xi32, #tpu.memory_space<vmem>> -> memref<1x125xi32, #tpu.memory_space<vmem>>
      %dma_wait3A_148 = tpu.memref_squeeze %dma_wait3A_147 : memref<1x125xi32, #tpu.memory_space<vmem>> -> memref<125xi32, #tpu.memory_space<vmem>>
      %dma_wait3A_149 = arith.constant 0 : i32
      %dma_wait3A_150 = arith.constant 0 : i32
      %dma_wait3A_151 = tpu.memref_slice %arg4[%dma_wait3A_149, %dma_wait3A_150] : memref<10240x48xf32, #tpu.memory_space<hbm>> -> memref<10240x48xf32, #tpu.memory_space<hbm>>
      tpu.wait_indirect_dma semaphore(%arg20 : memref<!tpu.dma_semaphore, #tpu.memory_space<semaphore_mem>>) src(%dma_wait3A_151 : memref<10240x48xf32, #tpu.memory_space<hbm>>) dst(%arg11 : memref<125x48xf32, #tpu.memory_space<vmem>>)
      %dma_start3A_152 = arith.constant 0 : i32
      %dma_start3A_153 = tpu.memref_slice %arg7[%add3A_145, %dma_start3A_152] : memref<80x125xi32, #tpu.memory_space<vmem>> -> memref<1x125xi32, #tpu.memory_space<vmem>>
      %dma_start3A_154 = tpu.memref_squeeze %dma_start3A_153 : memref<1x125xi32, #tpu.memory_space<vmem>> -> memref<125xi32, #tpu.memory_space<vmem>>
      %dma_start3A_155 = arith.constant 0 : i32
      %dma_start3A_156 = arith.constant 0 : i32
      %dma_start3A_157 = tpu.memref_slice %arg16[%dma_start3A_155, %dma_start3A_156] : memref<10240x48xf32, #tpu.memory_space<vmem_shared>> -> memref<10240x48xf32, #tpu.memory_space<vmem_shared>>
      tpu.enqueue_indirect_dma source(%arg11 : memref<125x48xf32, #tpu.memory_space<vmem>>) target(%dma_start3A_157 : memref<10240x48xf32, #tpu.memory_space<vmem_shared>>) offsets(%dma_start3A_154 : memref<125xi32, #tpu.memory_space<vmem>>) semaphore(%arg28 : memref<!tpu.dma_semaphore, #tpu.memory_space<semaphore_mem>>) {add = true}
      %ge3A_158 = arith.constant 4 : i32
      %ge3A_159 = arith.cmpi sge, %add3A_145, %ge3A_158 : i32
      %convert_element_type3A_160 = arith.extui %ge3A_159 : i1 to i32
      %cond3A_161 = arith.constant 0 : i32
      %cond3A_162 = arith.cmpi ne, %convert_element_type3A_160, %cond3A_161 : i32
      scf.if %cond3A_162 {
        %sub3A = arith.constant 4 : i32
        %sub3A_274 = arith.subi %add3A_145, %sub3A : i32
        %dma_wait3A_275 = arith.constant 0 : i32
        %dma_wait3A_276 = tpu.memref_slice %arg7[%sub3A_274, %dma_wait3A_275] : memref<80x125xi32, #tpu.memory_space<vmem>> -> memref<1x125xi32, #tpu.memory_space<vmem>>
        %dma_wait3A_277 = tpu.memref_squeeze %dma_wait3A_276 : memref<1x125xi32, #tpu.memory_space<vmem>> -> memref<125xi32, #tpu.memory_space<vmem>>
        %dma_wait3A_278 = arith.constant 0 : i32
        %dma_wait3A_279 = arith.constant 0 : i32
        %dma_wait3A_280 = tpu.memref_slice %arg16[%dma_wait3A_278, %dma_wait3A_279] : memref<10240x48xf32, #tpu.memory_space<vmem_shared>> -> memref<10240x48xf32, #tpu.memory_space<vmem_shared>>
        tpu.wait_indirect_dma semaphore(%arg32 : memref<!tpu.dma_semaphore, #tpu.memory_space<semaphore_mem>>) src(%arg15 : memref<125x48xf32, #tpu.memory_space<vmem>>) dst(%dma_wait3A_280 : memref<10240x48xf32, #tpu.memory_space<vmem_shared>>)
      } else {
      }
      %add3A_163 = arith.constant 4 : i32
      %add3A_164 = arith.addi %add3A_145, %add3A_163 : i32
      %lt3A_165 = arith.constant 80 : i32
      %lt3A_166 = arith.cmpi slt, %add3A_164, %lt3A_165 : i32
      %convert_element_type3A_167 = arith.extui %lt3A_166 : i1 to i32
      %cond3A_168 = arith.constant 0 : i32
      %cond3A_169 = arith.cmpi ne, %convert_element_type3A_167, %cond3A_168 : i32
      scf.if %cond3A_169 {
        %add3A_274 = arith.constant 4 : i32
        %add3A_275 = arith.addi %add3A_145, %add3A_274 : i32
        %dma_start3A_276 = arith.constant 0 : i32
        %dma_start3A_277 = tpu.memref_slice %arg6[%add3A_275, %dma_start3A_276] : memref<80x125xi32, #tpu.memory_space<vmem>> -> memref<1x125xi32, #tpu.memory_space<vmem>>
        %dma_start3A_278 = tpu.memref_squeeze %dma_start3A_277 : memref<1x125xi32, #tpu.memory_space<vmem>> -> memref<125xi32, #tpu.memory_space<vmem>>
        %dma_start3A_279 = arith.constant 0 : i32
        %dma_start3A_280 = arith.constant 0 : i32
        %dma_start3A_281 = tpu.memref_slice %arg4[%dma_start3A_279, %dma_start3A_280] : memref<10240x48xf32, #tpu.memory_space<hbm>> -> memref<10240x48xf32, #tpu.memory_space<hbm>>
        tpu.enqueue_indirect_dma source(%dma_start3A_281 : memref<10240x48xf32, #tpu.memory_space<hbm>>) target(%arg15 : memref<125x48xf32, #tpu.memory_space<vmem>>) offsets(%dma_start3A_278 : memref<125xi32, #tpu.memory_space<vmem>>) semaphore(%arg24 : memref<!tpu.dma_semaphore, #tpu.memory_space<semaphore_mem>>)
      } else {
      }
      %add3A_170 = arith.constant 4 : i32
      %add3A_171 = arith.addi %add3A_69, %add3A_170 : i32
      %dma_wait3A_172 = arith.constant 0 : i32
      %dma_wait3A_173 = tpu.memref_slice %arg6[%add3A_171, %dma_wait3A_172] : memref<80x125xi32, #tpu.memory_space<vmem>> -> memref<1x125xi32, #tpu.memory_space<vmem>>
      %dma_wait3A_174 = tpu.memref_squeeze %dma_wait3A_173 : memref<1x125xi32, #tpu.memory_space<vmem>> -> memref<125xi32, #tpu.memory_space<vmem>>
      %dma_wait3A_175 = arith.constant 0 : i32
      %dma_wait3A_176 = arith.constant 0 : i32
      %dma_wait3A_177 = tpu.memref_slice %arg4[%dma_wait3A_175, %dma_wait3A_176] : memref<10240x48xf32, #tpu.memory_space<hbm>> -> memref<10240x48xf32, #tpu.memory_space<hbm>>
      tpu.wait_indirect_dma semaphore(%arg21 : memref<!tpu.dma_semaphore, #tpu.memory_space<semaphore_mem>>) src(%dma_wait3A_177 : memref<10240x48xf32, #tpu.memory_space<hbm>>) dst(%arg12 : memref<125x48xf32, #tpu.memory_space<vmem>>)
      %dma_start3A_178 = arith.constant 0 : i32
      %dma_start3A_179 = tpu.memref_slice %arg7[%add3A_171, %dma_start3A_178] : memref<80x125xi32, #tpu.memory_space<vmem>> -> memref<1x125xi32, #tpu.memory_space<vmem>>
      %dma_start3A_180 = tpu.memref_squeeze %dma_start3A_179 : memref<1x125xi32, #tpu.memory_space<vmem>> -> memref<125xi32, #tpu.memory_space<vmem>>
      %dma_start3A_181 = arith.constant 0 : i32
      %dma_start3A_182 = arith.constant 0 : i32
      %dma_start3A_183 = tpu.memref_slice %arg16[%dma_start3A_181, %dma_start3A_182] : memref<10240x48xf32, #tpu.memory_space<vmem_shared>> -> memref<10240x48xf32, #tpu.memory_space<vmem_shared>>
      tpu.enqueue_indirect_dma source(%arg12 : memref<125x48xf32, #tpu.memory_space<vmem>>) target(%dma_start3A_183 : memref<10240x48xf32, #tpu.memory_space<vmem_shared>>) offsets(%dma_start3A_180 : memref<125xi32, #tpu.memory_space<vmem>>) semaphore(%arg29 : memref<!tpu.dma_semaphore, #tpu.memory_space<semaphore_mem>>) {add = true}
      %ge3A_184 = arith.constant 4 : i32
      %ge3A_185 = arith.cmpi sge, %add3A_171, %ge3A_184 : i32
      %convert_element_type3A_186 = arith.extui %ge3A_185 : i1 to i32
      %cond3A_187 = arith.constant 0 : i32
      %cond3A_188 = arith.cmpi ne, %convert_element_type3A_186, %cond3A_187 : i32
      scf.if %cond3A_188 {
        %sub3A = arith.constant 4 : i32
        %sub3A_274 = arith.subi %add3A_171, %sub3A : i32
        %dma_wait3A_275 = arith.constant 0 : i32
        %dma_wait3A_276 = tpu.memref_slice %arg7[%sub3A_274, %dma_wait3A_275] : memref<80x125xi32, #tpu.memory_space<vmem>> -> memref<1x125xi32, #tpu.memory_space<vmem>>
        %dma_wait3A_277 = tpu.memref_squeeze %dma_wait3A_276 : memref<1x125xi32, #tpu.memory_space<vmem>> -> memref<125xi32, #tpu.memory_space<vmem>>
        %dma_wait3A_278 = arith.constant 0 : i32
        %dma_wait3A_279 = arith.constant 0 : i32
        %dma_wait3A_280 = tpu.memref_slice %arg16[%dma_wait3A_278, %dma_wait3A_279] : memref<10240x48xf32, #tpu.memory_space<vmem_shared>> -> memref<10240x48xf32, #tpu.memory_space<vmem_shared>>
        tpu.wait_indirect_dma semaphore(%arg25 : memref<!tpu.dma_semaphore, #tpu.memory_space<semaphore_mem>>) src(%arg8 : memref<125x48xf32, #tpu.memory_space<vmem>>) dst(%dma_wait3A_280 : memref<10240x48xf32, #tpu.memory_space<vmem_shared>>)
      } else {
      }
      %add3A_189 = arith.constant 4 : i32
      %add3A_190 = arith.addi %add3A_171, %add3A_189 : i32
      %lt3A_191 = arith.constant 80 : i32
      %lt3A_192 = arith.cmpi slt, %add3A_190, %lt3A_191 : i32
      %convert_element_type3A_193 = arith.extui %lt3A_192 : i1 to i32
      %cond3A_194 = arith.constant 0 : i32
      %cond3A_195 = arith.cmpi ne, %convert_element_type3A_193, %cond3A_194 : i32
      scf.if %cond3A_195 {
        %add3A_274 = arith.constant 4 : i32
        %add3A_275 = arith.addi %add3A_171, %add3A_274 : i32
        %dma_start3A_276 = arith.constant 0 : i32
        %dma_start3A_277 = tpu.memref_slice %arg6[%add3A_275, %dma_start3A_276] : memref<80x125xi32, #tpu.memory_space<vmem>> -> memref<1x125xi32, #tpu.memory_space<vmem>>
        %dma_start3A_278 = tpu.memref_squeeze %dma_start3A_277 : memref<1x125xi32, #tpu.memory_space<vmem>> -> memref<125xi32, #tpu.memory_space<vmem>>
        %dma_start3A_279 = arith.constant 0 : i32
        %dma_start3A_280 = arith.constant 0 : i32
        %dma_start3A_281 = tpu.memref_slice %arg4[%dma_start3A_279, %dma_start3A_280] : memref<10240x48xf32, #tpu.memory_space<hbm>> -> memref<10240x48xf32, #tpu.memory_space<hbm>>
        tpu.enqueue_indirect_dma source(%dma_start3A_281 : memref<10240x48xf32, #tpu.memory_space<hbm>>) target(%arg8 : memref<125x48xf32, #tpu.memory_space<vmem>>) offsets(%dma_start3A_278 : memref<125xi32, #tpu.memory_space<vmem>>) semaphore(%arg17 : memref<!tpu.dma_semaphore, #tpu.memory_space<semaphore_mem>>)
      } else {
      }
      %add3A_196 = arith.constant 5 : i32
      %add3A_197 = arith.addi %add3A_69, %add3A_196 : i32
      %dma_wait3A_198 = arith.constant 0 : i32
      %dma_wait3A_199 = tpu.memref_slice %arg6[%add3A_197, %dma_wait3A_198] : memref<80x125xi32, #tpu.memory_space<vmem>> -> memref<1x125xi32, #tpu.memory_space<vmem>>
      %dma_wait3A_200 = tpu.memref_squeeze %dma_wait3A_199 : memref<1x125xi32, #tpu.memory_space<vmem>> -> memref<125xi32, #tpu.memory_space<vmem>>
      %dma_wait3A_201 = arith.constant 0 : i32
      %dma_wait3A_202 = arith.constant 0 : i32
      %dma_wait3A_203 = tpu.memref_slice %arg4[%dma_wait3A_201, %dma_wait3A_202] : memref<10240x48xf32, #tpu.memory_space<hbm>> -> memref<10240x48xf32, #tpu.memory_space<hbm>>
      tpu.wait_indirect_dma semaphore(%arg22 : memref<!tpu.dma_semaphore, #tpu.memory_space<semaphore_mem>>) src(%dma_wait3A_203 : memref<10240x48xf32, #tpu.memory_space<hbm>>) dst(%arg13 : memref<125x48xf32, #tpu.memory_space<vmem>>)
      %dma_start3A_204 = arith.constant 0 : i32
      %dma_start3A_205 = tpu.memref_slice %arg7[%add3A_197, %dma_start3A_204] : memref<80x125xi32, #tpu.memory_space<vmem>> -> memref<1x125xi32, #tpu.memory_space<vmem>>
      %dma_start3A_206 = tpu.memref_squeeze %dma_start3A_205 : memref<1x125xi32, #tpu.memory_space<vmem>> -> memref<125xi32, #tpu.memory_space<vmem>>
      %dma_start3A_207 = arith.constant 0 : i32
      %dma_start3A_208 = arith.constant 0 : i32
      %dma_start3A_209 = tpu.memref_slice %arg16[%dma_start3A_207, %dma_start3A_208] : memref<10240x48xf32, #tpu.memory_space<vmem_shared>> -> memref<10240x48xf32, #tpu.memory_space<vmem_shared>>
      tpu.enqueue_indirect_dma source(%arg13 : memref<125x48xf32, #tpu.memory_space<vmem>>) target(%dma_start3A_209 : memref<10240x48xf32, #tpu.memory_space<vmem_shared>>) offsets(%dma_start3A_206 : memref<125xi32, #tpu.memory_space<vmem>>) semaphore(%arg30 : memref<!tpu.dma_semaphore, #tpu.memory_space<semaphore_mem>>) {add = true}
      %ge3A_210 = arith.constant 4 : i32
      %ge3A_211 = arith.cmpi sge, %add3A_197, %ge3A_210 : i32
      %convert_element_type3A_212 = arith.extui %ge3A_211 : i1 to i32
      %cond3A_213 = arith.constant 0 : i32
      %cond3A_214 = arith.cmpi ne, %convert_element_type3A_212, %cond3A_213 : i32
      scf.if %cond3A_214 {
        %sub3A = arith.constant 4 : i32
        %sub3A_274 = arith.subi %add3A_197, %sub3A : i32
        %dma_wait3A_275 = arith.constant 0 : i32
        %dma_wait3A_276 = tpu.memref_slice %arg7[%sub3A_274, %dma_wait3A_275] : memref<80x125xi32, #tpu.memory_space<vmem>> -> memref<1x125xi32, #tpu.memory_space<vmem>>
        %dma_wait3A_277 = tpu.memref_squeeze %dma_wait3A_276 : memref<1x125xi32, #tpu.memory_space<vmem>> -> memref<125xi32, #tpu.memory_space<vmem>>
        %dma_wait3A_278 = arith.constant 0 : i32
        %dma_wait3A_279 = arith.constant 0 : i32
        %dma_wait3A_280 = tpu.memref_slice %arg16[%dma_wait3A_278, %dma_wait3A_279] : memref<10240x48xf32, #tpu.memory_space<vmem_shared>> -> memref<10240x48xf32, #tpu.memory_space<vmem_shared>>
        tpu.wait_indirect_dma semaphore(%arg26 : memref<!tpu.dma_semaphore, #tpu.memory_space<semaphore_mem>>) src(%arg9 : memref<125x48xf32, #tpu.memory_space<vmem>>) dst(%dma_wait3A_280 : memref<10240x48xf32, #tpu.memory_space<vmem_shared>>)
      } else {
      }
      %add3A_215 = arith.constant 4 : i32
      %add3A_216 = arith.addi %add3A_197, %add3A_215 : i32
      %lt3A_217 = arith.constant 80 : i32
      %lt3A_218 = arith.cmpi slt, %add3A_216, %lt3A_217 : i32
      %convert_element_type3A_219 = arith.extui %lt3A_218 : i1 to i32
      %cond3A_220 = arith.constant 0 : i32
      %cond3A_221 = arith.cmpi ne, %convert_element_type3A_219, %cond3A_220 : i32
      scf.if %cond3A_221 {
        %add3A_274 = arith.constant 4 : i32
        %add3A_275 = arith.addi %add3A_197, %add3A_274 : i32
        %dma_start3A_276 = arith.constant 0 : i32
        %dma_start3A_277 = tpu.memref_slice %arg6[%add3A_275, %dma_start3A_276] : memref<80x125xi32, #tpu.memory_space<vmem>> -> memref<1x125xi32, #tpu.memory_space<vmem>>
        %dma_start3A_278 = tpu.memref_squeeze %dma_start3A_277 : memref<1x125xi32, #tpu.memory_space<vmem>> -> memref<125xi32, #tpu.memory_space<vmem>>
        %dma_start3A_279 = arith.constant 0 : i32
        %dma_start3A_280 = arith.constant 0 : i32
        %dma_start3A_281 = tpu.memref_slice %arg4[%dma_start3A_279, %dma_start3A_280] : memref<10240x48xf32, #tpu.memory_space<hbm>> -> memref<10240x48xf32, #tpu.memory_space<hbm>>
        tpu.enqueue_indirect_dma source(%dma_start3A_281 : memref<10240x48xf32, #tpu.memory_space<hbm>>) target(%arg9 : memref<125x48xf32, #tpu.memory_space<vmem>>) offsets(%dma_start3A_278 : memref<125xi32, #tpu.memory_space<vmem>>) semaphore(%arg18 : memref<!tpu.dma_semaphore, #tpu.memory_space<semaphore_mem>>)
      } else {
      }
      %add3A_222 = arith.constant 6 : i32
      %add3A_223 = arith.addi %add3A_69, %add3A_222 : i32
      %dma_wait3A_224 = arith.constant 0 : i32
      %dma_wait3A_225 = tpu.memref_slice %arg6[%add3A_223, %dma_wait3A_224] : memref<80x125xi32, #tpu.memory_space<vmem>> -> memref<1x125xi32, #tpu.memory_space<vmem>>
      %dma_wait3A_226 = tpu.memref_squeeze %dma_wait3A_225 : memref<1x125xi32, #tpu.memory_space<vmem>> -> memref<125xi32, #tpu.memory_space<vmem>>
      %dma_wait3A_227 = arith.constant 0 : i32
      %dma_wait3A_228 = arith.constant 0 : i32
      %dma_wait3A_229 = tpu.memref_slice %arg4[%dma_wait3A_227, %dma_wait3A_228] : memref<10240x48xf32, #tpu.memory_space<hbm>> -> memref<10240x48xf32, #tpu.memory_space<hbm>>
      tpu.wait_indirect_dma semaphore(%arg23 : memref<!tpu.dma_semaphore, #tpu.memory_space<semaphore_mem>>) src(%dma_wait3A_229 : memref<10240x48xf32, #tpu.memory_space<hbm>>) dst(%arg14 : memref<125x48xf32, #tpu.memory_space<vmem>>)
      %dma_start3A_230 = arith.constant 0 : i32
      %dma_start3A_231 = tpu.memref_slice %arg7[%add3A_223, %dma_start3A_230] : memref<80x125xi32, #tpu.memory_space<vmem>> -> memref<1x125xi32, #tpu.memory_space<vmem>>
      %dma_start3A_232 = tpu.memref_squeeze %dma_start3A_231 : memref<1x125xi32, #tpu.memory_space<vmem>> -> memref<125xi32, #tpu.memory_space<vmem>>
      %dma_start3A_233 = arith.constant 0 : i32
      %dma_start3A_234 = arith.constant 0 : i32
      %dma_start3A_235 = tpu.memref_slice %arg16[%dma_start3A_233, %dma_start3A_234] : memref<10240x48xf32, #tpu.memory_space<vmem_shared>> -> memref<10240x48xf32, #tpu.memory_space<vmem_shared>>
      tpu.enqueue_indirect_dma source(%arg14 : memref<125x48xf32, #tpu.memory_space<vmem>>) target(%dma_start3A_235 : memref<10240x48xf32, #tpu.memory_space<vmem_shared>>) offsets(%dma_start3A_232 : memref<125xi32, #tpu.memory_space<vmem>>) semaphore(%arg31 : memref<!tpu.dma_semaphore, #tpu.memory_space<semaphore_mem>>) {add = true}
      %ge3A_236 = arith.constant 4 : i32
      %ge3A_237 = arith.cmpi sge, %add3A_223, %ge3A_236 : i32
      %convert_element_type3A_238 = arith.extui %ge3A_237 : i1 to i32
      %cond3A_239 = arith.constant 0 : i32
      %cond3A_240 = arith.cmpi ne, %convert_element_type3A_238, %cond3A_239 : i32
      scf.if %cond3A_240 {
        %sub3A = arith.constant 4 : i32
        %sub3A_274 = arith.subi %add3A_223, %sub3A : i32
        %dma_wait3A_275 = arith.constant 0 : i32
        %dma_wait3A_276 = tpu.memref_slice %arg7[%sub3A_274, %dma_wait3A_275] : memref<80x125xi32, #tpu.memory_space<vmem>> -> memref<1x125xi32, #tpu.memory_space<vmem>>
        %dma_wait3A_277 = tpu.memref_squeeze %dma_wait3A_276 : memref<1x125xi32, #tpu.memory_space<vmem>> -> memref<125xi32, #tpu.memory_space<vmem>>
        %dma_wait3A_278 = arith.constant 0 : i32
        %dma_wait3A_279 = arith.constant 0 : i32
        %dma_wait3A_280 = tpu.memref_slice %arg16[%dma_wait3A_278, %dma_wait3A_279] : memref<10240x48xf32, #tpu.memory_space<vmem_shared>> -> memref<10240x48xf32, #tpu.memory_space<vmem_shared>>
        tpu.wait_indirect_dma semaphore(%arg27 : memref<!tpu.dma_semaphore, #tpu.memory_space<semaphore_mem>>) src(%arg10 : memref<125x48xf32, #tpu.memory_space<vmem>>) dst(%dma_wait3A_280 : memref<10240x48xf32, #tpu.memory_space<vmem_shared>>)
      } else {
      }
      %add3A_241 = arith.constant 4 : i32
      %add3A_242 = arith.addi %add3A_223, %add3A_241 : i32
      %lt3A_243 = arith.constant 80 : i32
      %lt3A_244 = arith.cmpi slt, %add3A_242, %lt3A_243 : i32
      %convert_element_type3A_245 = arith.extui %lt3A_244 : i1 to i32
      %cond3A_246 = arith.constant 0 : i32
      %cond3A_247 = arith.cmpi ne, %convert_element_type3A_245, %cond3A_246 : i32
      scf.if %cond3A_247 {
        %add3A_274 = arith.constant 4 : i32
        %add3A_275 = arith.addi %add3A_223, %add3A_274 : i32
        %dma_start3A_276 = arith.constant 0 : i32
        %dma_start3A_277 = tpu.memref_slice %arg6[%add3A_275, %dma_start3A_276] : memref<80x125xi32, #tpu.memory_space<vmem>> -> memref<1x125xi32, #tpu.memory_space<vmem>>
        %dma_start3A_278 = tpu.memref_squeeze %dma_start3A_277 : memref<1x125xi32, #tpu.memory_space<vmem>> -> memref<125xi32, #tpu.memory_space<vmem>>
        %dma_start3A_279 = arith.constant 0 : i32
        %dma_start3A_280 = arith.constant 0 : i32
        %dma_start3A_281 = tpu.memref_slice %arg4[%dma_start3A_279, %dma_start3A_280] : memref<10240x48xf32, #tpu.memory_space<hbm>> -> memref<10240x48xf32, #tpu.memory_space<hbm>>
        tpu.enqueue_indirect_dma source(%dma_start3A_281 : memref<10240x48xf32, #tpu.memory_space<hbm>>) target(%arg10 : memref<125x48xf32, #tpu.memory_space<vmem>>) offsets(%dma_start3A_278 : memref<125xi32, #tpu.memory_space<vmem>>) semaphore(%arg19 : memref<!tpu.dma_semaphore, #tpu.memory_space<semaphore_mem>>)
      } else {
      }
      %add3A_248 = arith.constant 7 : i32
      %add3A_249 = arith.addi %add3A_69, %add3A_248 : i32
      %dma_wait3A_250 = arith.constant 0 : i32
      %dma_wait3A_251 = tpu.memref_slice %arg6[%add3A_249, %dma_wait3A_250] : memref<80x125xi32, #tpu.memory_space<vmem>> -> memref<1x125xi32, #tpu.memory_space<vmem>>
      %dma_wait3A_252 = tpu.memref_squeeze %dma_wait3A_251 : memref<1x125xi32, #tpu.memory_space<vmem>> -> memref<125xi32, #tpu.memory_space<vmem>>
      %dma_wait3A_253 = arith.constant 0 : i32
      %dma_wait3A_254 = arith.constant 0 : i32
      %dma_wait3A_255 = tpu.memref_slice %arg4[%dma_wait3A_253, %dma_wait3A_254] : memref<10240x48xf32, #tpu.memory_space<hbm>> -> memref<10240x48xf32, #tpu.memory_space<hbm>>
      tpu.wait_indirect_dma semaphore(%arg24 : memref<!tpu.dma_semaphore, #tpu.memory_space<semaphore_mem>>) src(%dma_wait3A_255 : memref<10240x48xf32, #tpu.memory_space<hbm>>) dst(%arg15 : memref<125x48xf32, #tpu.memory_space<vmem>>)
      %dma_start3A_256 = arith.constant 0 : i32
      %dma_start3A_257 = tpu.memref_slice %arg7[%add3A_249, %dma_start3A_256] : memref<80x125xi32, #tpu.memory_space<vmem>> -> memref<1x125xi32, #tpu.memory_space<vmem>>
      %dma_start3A_258 = tpu.memref_squeeze %dma_start3A_257 : memref<1x125xi32, #tpu.memory_space<vmem>> -> memref<125xi32, #tpu.memory_space<vmem>>
      %dma_start3A_259 = arith.constant 0 : i32
      %dma_start3A_260 = arith.constant 0 : i32
      %dma_start3A_261 = tpu.memref_slice %arg16[%dma_start3A_259, %dma_start3A_260] : memref<10240x48xf32, #tpu.memory_space<vmem_shared>> -> memref<10240x48xf32, #tpu.memory_space<vmem_shared>>
      tpu.enqueue_indirect_dma source(%arg15 : memref<125x48xf32, #tpu.memory_space<vmem>>) target(%dma_start3A_261 : memref<10240x48xf32, #tpu.memory_space<vmem_shared>>) offsets(%dma_start3A_258 : memref<125xi32, #tpu.memory_space<vmem>>) semaphore(%arg32 : memref<!tpu.dma_semaphore, #tpu.memory_space<semaphore_mem>>) {add = true}
      %ge3A_262 = arith.constant 4 : i32
      %ge3A_263 = arith.cmpi sge, %add3A_249, %ge3A_262 : i32
      %convert_element_type3A_264 = arith.extui %ge3A_263 : i1 to i32
      %cond3A_265 = arith.constant 0 : i32
      %cond3A_266 = arith.cmpi ne, %convert_element_type3A_264, %cond3A_265 : i32
      scf.if %cond3A_266 {
        %sub3A = arith.constant 4 : i32
        %sub3A_274 = arith.subi %add3A_249, %sub3A : i32
        %dma_wait3A_275 = arith.constant 0 : i32
        %dma_wait3A_276 = tpu.memref_slice %arg7[%sub3A_274, %dma_wait3A_275] : memref<80x125xi32, #tpu.memory_space<vmem>> -> memref<1x125xi32, #tpu.memory_space<vmem>>
        %dma_wait3A_277 = tpu.memref_squeeze %dma_wait3A_276 : memref<1x125xi32, #tpu.memory_space<vmem>> -> memref<125xi32, #tpu.memory_space<vmem>>
        %dma_wait3A_278 = arith.constant 0 : i32
        %dma_wait3A_279 = arith.constant 0 : i32
        %dma_wait3A_280 = tpu.memref_slice %arg16[%dma_wait3A_278, %dma_wait3A_279] : memref<10240x48xf32, #tpu.memory_space<vmem_shared>> -> memref<10240x48xf32, #tpu.memory_space<vmem_shared>>
        tpu.wait_indirect_dma semaphore(%arg28 : memref<!tpu.dma_semaphore, #tpu.memory_space<semaphore_mem>>) src(%arg11 : memref<125x48xf32, #tpu.memory_space<vmem>>) dst(%dma_wait3A_280 : memref<10240x48xf32, #tpu.memory_space<vmem_shared>>)
      } else {
      }
      %add3A_267 = arith.constant 4 : i32
      %add3A_268 = arith.addi %add3A_249, %add3A_267 : i32
      %lt3A_269 = arith.constant 80 : i32
      %lt3A_270 = arith.cmpi slt, %add3A_268, %lt3A_269 : i32
      %convert_element_type3A_271 = arith.extui %lt3A_270 : i1 to i32
      %cond3A_272 = arith.constant 0 : i32
      %cond3A_273 = arith.cmpi ne, %convert_element_type3A_271, %cond3A_272 : i32
      scf.if %cond3A_273 {
        %add3A_274 = arith.constant 4 : i32
        %add3A_275 = arith.addi %add3A_249, %add3A_274 : i32
        %dma_start3A_276 = arith.constant 0 : i32
        %dma_start3A_277 = tpu.memref_slice %arg6[%add3A_275, %dma_start3A_276] : memref<80x125xi32, #tpu.memory_space<vmem>> -> memref<1x125xi32, #tpu.memory_space<vmem>>
        %dma_start3A_278 = tpu.memref_squeeze %dma_start3A_277 : memref<1x125xi32, #tpu.memory_space<vmem>> -> memref<125xi32, #tpu.memory_space<vmem>>
        %dma_start3A_279 = arith.constant 0 : i32
        %dma_start3A_280 = arith.constant 0 : i32
        %dma_start3A_281 = tpu.memref_slice %arg4[%dma_start3A_279, %dma_start3A_280] : memref<10240x48xf32, #tpu.memory_space<hbm>> -> memref<10240x48xf32, #tpu.memory_space<hbm>>
        tpu.enqueue_indirect_dma source(%dma_start3A_281 : memref<10240x48xf32, #tpu.memory_space<hbm>>) target(%arg11 : memref<125x48xf32, #tpu.memory_space<vmem>>) offsets(%dma_start3A_278 : memref<125xi32, #tpu.memory_space<vmem>>) semaphore(%arg20 : memref<!tpu.dma_semaphore, #tpu.memory_space<semaphore_mem>>)
      } else {
      }
    }
    %scan3A_33 = arith.constant 10 : i32
    %dma_wait3A = arith.constant 76 : i32
    %dma_wait3A_34 = arith.constant 0 : i32
    %dma_wait3A_35 = tpu.memref_slice %arg7[%dma_wait3A, %dma_wait3A_34] : memref<80x125xi32, #tpu.memory_space<vmem>> -> memref<1x125xi32, #tpu.memory_space<vmem>>
    %dma_wait3A_36 = tpu.memref_squeeze %dma_wait3A_35 : memref<1x125xi32, #tpu.memory_space<vmem>> -> memref<125xi32, #tpu.memory_space<vmem>>
    %dma_wait3A_37 = arith.constant 0 : i32
    %dma_wait3A_38 = arith.constant 0 : i32
    %dma_wait3A_39 = tpu.memref_slice %arg16[%dma_wait3A_37, %dma_wait3A_38] : memref<10240x48xf32, #tpu.memory_space<vmem_shared>> -> memref<10240x48xf32, #tpu.memory_space<vmem_shared>>
    tpu.wait_indirect_dma semaphore(%arg29 : memref<!tpu.dma_semaphore, #tpu.memory_space<semaphore_mem>>) src(%arg12 : memref<125x48xf32, #tpu.memory_space<vmem>>) dst(%dma_wait3A_39 : memref<10240x48xf32, #tpu.memory_space<vmem_shared>>)
    %dma_wait3A_40 = arith.constant 77 : i32
    %dma_wait3A_41 = arith.constant 0 : i32
    %dma_wait3A_42 = tpu.memref_slice %arg7[%dma_wait3A_40, %dma_wait3A_41] : memref<80x125xi32, #tpu.memory_space<vmem>> -> memref<1x125xi32, #tpu.memory_space<vmem>>
    %dma_wait3A_43 = tpu.memref_squeeze %dma_wait3A_42 : memref<1x125xi32, #tpu.memory_space<vmem>> -> memref<125xi32, #tpu.memory_space<vmem>>
    %dma_wait3A_44 = arith.constant 0 : i32
    %dma_wait3A_45 = arith.constant 0 : i32
    %dma_wait3A_46 = tpu.memref_slice %arg16[%dma_wait3A_44, %dma_wait3A_45] : memref<10240x48xf32, #tpu.memory_space<vmem_shared>> -> memref<10240x48xf32, #tpu.memory_space<vmem_shared>>
    tpu.wait_indirect_dma semaphore(%arg30 : memref<!tpu.dma_semaphore, #tpu.memory_space<semaphore_mem>>) src(%arg13 : memref<125x48xf32, #tpu.memory_space<vmem>>) dst(%dma_wait3A_46 : memref<10240x48xf32, #tpu.memory_space<vmem_shared>>)
    %dma_wait3A_47 = arith.constant 78 : i32
    %dma_wait3A_48 = arith.constant 0 : i32
    %dma_wait3A_49 = tpu.memref_slice %arg7[%dma_wait3A_47, %dma_wait3A_48] : memref<80x125xi32, #tpu.memory_space<vmem>> -> memref<1x125xi32, #tpu.memory_space<vmem>>
    %dma_wait3A_50 = tpu.memref_squeeze %dma_wait3A_49 : memref<1x125xi32, #tpu.memory_space<vmem>> -> memref<125xi32, #tpu.memory_space<vmem>>
    %dma_wait3A_51 = arith.constant 0 : i32
    %dma_wait3A_52 = arith.constant 0 : i32
    %dma_wait3A_53 = tpu.memref_slice %arg16[%dma_wait3A_51, %dma_wait3A_52] : memref<10240x48xf32, #tpu.memory_space<vmem_shared>> -> memref<10240x48xf32, #tpu.memory_space<vmem_shared>>
    tpu.wait_indirect_dma semaphore(%arg31 : memref<!tpu.dma_semaphore, #tpu.memory_space<semaphore_mem>>) src(%arg14 : memref<125x48xf32, #tpu.memory_space<vmem>>) dst(%dma_wait3A_53 : memref<10240x48xf32, #tpu.memory_space<vmem_shared>>)
    %dma_wait3A_54 = arith.constant 79 : i32
    %dma_wait3A_55 = arith.constant 0 : i32
    %dma_wait3A_56 = tpu.memref_slice %arg7[%dma_wait3A_54, %dma_wait3A_55] : memref<80x125xi32, #tpu.memory_space<vmem>> -> memref<1x125xi32, #tpu.memory_space<vmem>>
    %dma_wait3A_57 = tpu.memref_squeeze %dma_wait3A_56 : memref<1x125xi32, #tpu.memory_space<vmem>> -> memref<125xi32, #tpu.memory_space<vmem>>
    %dma_wait3A_58 = arith.constant 0 : i32
    %dma_wait3A_59 = arith.constant 0 : i32
    %dma_wait3A_60 = tpu.memref_slice %arg16[%dma_wait3A_58, %dma_wait3A_59] : memref<10240x48xf32, #tpu.memory_space<vmem_shared>> -> memref<10240x48xf32, #tpu.memory_space<vmem_shared>>
    tpu.wait_indirect_dma semaphore(%arg32 : memref<!tpu.dma_semaphore, #tpu.memory_space<semaphore_mem>>) src(%arg15 : memref<125x48xf32, #tpu.memory_space<vmem>>) dst(%dma_wait3A_60 : memref<10240x48xf32, #tpu.memory_space<vmem_shared>>)
    %barrier3A_61 = arith.constant 0 : index
    tpu.barrier barrier_id(%barrier3A_61)
    %mul3A_62 = arith.constant 10240 : i32
    %mul3A_63 = arith.muli %arg0, %mul3A_62 : i32
    %add3A_64 = arith.addi %mul3A_63, %mul3A_2 : i32
    "tpu.region"() ({
      %run_scoped3A = tpu.sem_alloc : memref<!tpu.dma_semaphore, #tpu.memory_space<semaphore_mem>>
      %dma_start3A_65 = arith.constant 0 : i32
      %dma_start3A_66 = tpu.memref_slice %arg5[%add3A_64, %dma_start3A_65] : memref<20480x48xf32, #tpu.memory_space<hbm>> -> memref<640x48xf32, #tpu.memory_space<hbm>>
      %dma_start3A_67 = arith.constant 0 : i32
      %dma_start3A_68 = tpu.memref_slice %arg16[%mul3A_2, %dma_start3A_67] : memref<10240x48xf32, #tpu.memory_space<vmem_shared>> -> memref<640x48xf32, #tpu.memory_space<vmem_shared>>
      tpu.enqueue_dma source(%dma_start3A_68 : memref<640x48xf32, #tpu.memory_space<vmem_shared>>) target(%dma_start3A_66 : memref<640x48xf32, #tpu.memory_space<hbm>>) target_semaphore(%run_scoped3A : memref<!tpu.dma_semaphore, #tpu.memory_space<semaphore_mem>>)
      %dma_wait3A_69 = arith.constant 0 : i32
      %dma_wait3A_70 = tpu.memref_slice %arg5[%add3A_64, %dma_wait3A_69] : memref<20480x48xf32, #tpu.memory_space<hbm>> -> memref<640x48xf32, #tpu.memory_space<hbm>>
      %dma_wait3A_71 = arith.constant 0 : i32
      %dma_wait3A_72 = tpu.memref_slice %arg16[%mul3A_2, %dma_wait3A_71] : memref<10240x48xf32, #tpu.memory_space<vmem_shared>> -> memref<640x48xf32, #tpu.memory_space<vmem_shared>>
      tpu.wait_dma2 semaphore(%run_scoped3A : memref<!tpu.dma_semaphore, #tpu.memory_space<semaphore_mem>>) src(%dma_wait3A_72 : memref<640x48xf32, #tpu.memory_space<vmem_shared>>) dst(%dma_wait3A_70 : memref<640x48xf32, #tpu.memory_space<hbm>>)
      tpu.yield
    }) : () -> ()
    return
  }
}

#map = affine_map<(d0, d1) -> (0)>
module attributes {stable_mosaic.version = 14 : i64} {
  func.func @fin(%arg0: i32, %arg1: i32, %arg2: memref<20480xf32, #tpu.memory_space<hbm>>, %arg3: memref<20480xf32, #tpu.memory_space<hbm>>, %arg4: memref<10240xf32, #tpu.memory_space<hbm>>, %arg5: memref<16xf32, #tpu.memory_space<hbm>>, %arg6: memref<10240xf32, #tpu.memory_space<hbm>>, %arg7: memref<320xf32, #tpu.memory_space<vmem>>, %arg8: memref<320xf32, #tpu.memory_space<vmem>>, %arg9: memref<320xf32, #tpu.memory_space<vmem>>, %arg10: memref<320xf32, #tpu.memory_space<vmem>>, %arg11: memref<320xf32, #tpu.memory_space<vmem>>, %arg12: memref<16xf32, #tpu.memory_space<vmem>>) attributes {dimension_semantics = [#tpu.dimension_semantics<core_parallel>, #tpu.dimension_semantics<subcore_parallel>], iteration_bounds = array<i64: 2, 16>, scalar_prefetch = 0 : i64, scratch_operands = 6 : i64, tpu.core_type = #tpu.core_type<sc_vector_subcore>, window_params = [{transform_indices = #map}, {transform_indices = #map}, {transform_indices = #map}, {transform_indices = #map}, {transform_indices = #map}]} {
    %mul3A = arith.constant 16 : i32
    %mul3A_0 = arith.muli %arg0, %mul3A : i32
    %add3A = arith.addi %mul3A_0, %arg1 : i32
    %mul3A_1 = arith.constant 320 : i32
    %mul3A_2 = arith.muli %add3A, %mul3A_1 : i32
    "tpu.region"() ({
      %run_scoped3A = tpu.sem_alloc : memref<!tpu.dma_semaphore, #tpu.memory_space<semaphore_mem>>
      %dma_start3A = tpu.memref_slice %arg2[%mul3A_2] : memref<20480xf32, #tpu.memory_space<hbm>> -> memref<320xf32, #tpu.memory_space<hbm>>
      %dma_start3A_12 = tpu.memref_slice %arg2[%mul3A_2] : memref<20480xf32, #tpu.memory_space<hbm>> -> memref<320xf32, #tpu.memory_space<hbm>>
      tpu.enqueue_dma source(%dma_start3A_12 : memref<320xf32, #tpu.memory_space<hbm>>) target(%arg7 : memref<320xf32, #tpu.memory_space<vmem>>) target_semaphore(%run_scoped3A : memref<!tpu.dma_semaphore, #tpu.memory_space<semaphore_mem>>)
      %dma_wait3A = tpu.memref_slice %arg2[%mul3A_2] : memref<20480xf32, #tpu.memory_space<hbm>> -> memref<320xf32, #tpu.memory_space<hbm>>
      %dma_wait3A_13 = tpu.memref_slice %arg2[%mul3A_2] : memref<20480xf32, #tpu.memory_space<hbm>> -> memref<320xf32, #tpu.memory_space<hbm>>
      tpu.wait_dma2 semaphore(%run_scoped3A : memref<!tpu.dma_semaphore, #tpu.memory_space<semaphore_mem>>) src(%dma_wait3A_13 : memref<320xf32, #tpu.memory_space<hbm>>) dst(%arg7 : memref<320xf32, #tpu.memory_space<vmem>>)
      tpu.yield
    }) : () -> ()
    %add3A_3 = arith.constant 10240 : i32
    %add3A_4 = arith.addi %add3A_3, %mul3A_2 : i32
    "tpu.region"() ({
      %run_scoped3A = tpu.sem_alloc : memref<!tpu.dma_semaphore, #tpu.memory_space<semaphore_mem>>
      %dma_start3A = tpu.memref_slice %arg2[%add3A_4] : memref<20480xf32, #tpu.memory_space<hbm>> -> memref<320xf32, #tpu.memory_space<hbm>>
      %dma_start3A_12 = tpu.memref_slice %arg2[%add3A_4] : memref<20480xf32, #tpu.memory_space<hbm>> -> memref<320xf32, #tpu.memory_space<hbm>>
      tpu.enqueue_dma source(%dma_start3A_12 : memref<320xf32, #tpu.memory_space<hbm>>) target(%arg8 : memref<320xf32, #tpu.memory_space<vmem>>) target_semaphore(%run_scoped3A : memref<!tpu.dma_semaphore, #tpu.memory_space<semaphore_mem>>)
      %dma_wait3A = tpu.memref_slice %arg2[%add3A_4] : memref<20480xf32, #tpu.memory_space<hbm>> -> memref<320xf32, #tpu.memory_space<hbm>>
      %dma_wait3A_13 = tpu.memref_slice %arg2[%add3A_4] : memref<20480xf32, #tpu.memory_space<hbm>> -> memref<320xf32, #tpu.memory_space<hbm>>
      tpu.wait_dma2 semaphore(%run_scoped3A : memref<!tpu.dma_semaphore, #tpu.memory_space<semaphore_mem>>) src(%dma_wait3A_13 : memref<320xf32, #tpu.memory_space<hbm>>) dst(%arg8 : memref<320xf32, #tpu.memory_space<vmem>>)
      tpu.yield
    }) : () -> ()
    "tpu.region"() ({
      %run_scoped3A = tpu.sem_alloc : memref<!tpu.dma_semaphore, #tpu.memory_space<semaphore_mem>>
      %dma_start3A = tpu.memref_slice %arg3[%mul3A_2] : memref<20480xf32, #tpu.memory_space<hbm>> -> memref<320xf32, #tpu.memory_space<hbm>>
      %dma_start3A_12 = tpu.memref_slice %arg3[%mul3A_2] : memref<20480xf32, #tpu.memory_space<hbm>> -> memref<320xf32, #tpu.memory_space<hbm>>
      tpu.enqueue_dma source(%dma_start3A_12 : memref<320xf32, #tpu.memory_space<hbm>>) target(%arg9 : memref<320xf32, #tpu.memory_space<vmem>>) target_semaphore(%run_scoped3A : memref<!tpu.dma_semaphore, #tpu.memory_space<semaphore_mem>>)
      %dma_wait3A = tpu.memref_slice %arg3[%mul3A_2] : memref<20480xf32, #tpu.memory_space<hbm>> -> memref<320xf32, #tpu.memory_space<hbm>>
      %dma_wait3A_13 = tpu.memref_slice %arg3[%mul3A_2] : memref<20480xf32, #tpu.memory_space<hbm>> -> memref<320xf32, #tpu.memory_space<hbm>>
      tpu.wait_dma2 semaphore(%run_scoped3A : memref<!tpu.dma_semaphore, #tpu.memory_space<semaphore_mem>>) src(%dma_wait3A_13 : memref<320xf32, #tpu.memory_space<hbm>>) dst(%arg9 : memref<320xf32, #tpu.memory_space<vmem>>)
      tpu.yield
    }) : () -> ()
    %add3A_5 = arith.constant 10240 : i32
    %add3A_6 = arith.addi %add3A_5, %mul3A_2 : i32
    "tpu.region"() ({
      %run_scoped3A = tpu.sem_alloc : memref<!tpu.dma_semaphore, #tpu.memory_space<semaphore_mem>>
      %dma_start3A = tpu.memref_slice %arg3[%add3A_6] : memref<20480xf32, #tpu.memory_space<hbm>> -> memref<320xf32, #tpu.memory_space<hbm>>
      %dma_start3A_12 = tpu.memref_slice %arg3[%add3A_6] : memref<20480xf32, #tpu.memory_space<hbm>> -> memref<320xf32, #tpu.memory_space<hbm>>
      tpu.enqueue_dma source(%dma_start3A_12 : memref<320xf32, #tpu.memory_space<hbm>>) target(%arg10 : memref<320xf32, #tpu.memory_space<vmem>>) target_semaphore(%run_scoped3A : memref<!tpu.dma_semaphore, #tpu.memory_space<semaphore_mem>>)
      %dma_wait3A = tpu.memref_slice %arg3[%add3A_6] : memref<20480xf32, #tpu.memory_space<hbm>> -> memref<320xf32, #tpu.memory_space<hbm>>
      %dma_wait3A_13 = tpu.memref_slice %arg3[%add3A_6] : memref<20480xf32, #tpu.memory_space<hbm>> -> memref<320xf32, #tpu.memory_space<hbm>>
      tpu.wait_dma2 semaphore(%run_scoped3A : memref<!tpu.dma_semaphore, #tpu.memory_space<semaphore_mem>>) src(%dma_wait3A_13 : memref<320xf32, #tpu.memory_space<hbm>>) dst(%arg10 : memref<320xf32, #tpu.memory_space<vmem>>)
      tpu.yield
    }) : () -> ()
    "tpu.region"() ({
      %run_scoped3A = tpu.sem_alloc : memref<!tpu.dma_semaphore, #tpu.memory_space<semaphore_mem>>
      %dma_start3A = tpu.memref_slice %arg4[%mul3A_2] : memref<10240xf32, #tpu.memory_space<hbm>> -> memref<320xf32, #tpu.memory_space<hbm>>
      %dma_start3A_12 = tpu.memref_slice %arg4[%mul3A_2] : memref<10240xf32, #tpu.memory_space<hbm>> -> memref<320xf32, #tpu.memory_space<hbm>>
      tpu.enqueue_dma source(%dma_start3A_12 : memref<320xf32, #tpu.memory_space<hbm>>) target(%arg11 : memref<320xf32, #tpu.memory_space<vmem>>) target_semaphore(%run_scoped3A : memref<!tpu.dma_semaphore, #tpu.memory_space<semaphore_mem>>)
      %dma_wait3A = tpu.memref_slice %arg4[%mul3A_2] : memref<10240xf32, #tpu.memory_space<hbm>> -> memref<320xf32, #tpu.memory_space<hbm>>
      %dma_wait3A_13 = tpu.memref_slice %arg4[%mul3A_2] : memref<10240xf32, #tpu.memory_space<hbm>> -> memref<320xf32, #tpu.memory_space<hbm>>
      tpu.wait_dma2 semaphore(%run_scoped3A : memref<!tpu.dma_semaphore, #tpu.memory_space<semaphore_mem>>) src(%dma_wait3A_13 : memref<320xf32, #tpu.memory_space<hbm>>) dst(%arg11 : memref<320xf32, #tpu.memory_space<vmem>>)
      tpu.yield
    }) : () -> ()
    "tpu.region"() ({
      %run_scoped3A = tpu.sem_alloc : memref<!tpu.dma_semaphore, #tpu.memory_space<semaphore_mem>>
      tpu.enqueue_dma source(%arg5 : memref<16xf32, #tpu.memory_space<hbm>>) target(%arg12 : memref<16xf32, #tpu.memory_space<vmem>>) target_semaphore(%run_scoped3A : memref<!tpu.dma_semaphore, #tpu.memory_space<semaphore_mem>>)
      tpu.wait_dma2 semaphore(%run_scoped3A : memref<!tpu.dma_semaphore, #tpu.memory_space<semaphore_mem>>) src(%arg5 : memref<16xf32, #tpu.memory_space<hbm>>) dst(%arg12 : memref<16xf32, #tpu.memory_space<vmem>>)
      tpu.yield
    }) : () -> ()
    %get3A = arith.constant 0 : index
    %get3A_7 = tpu.vector_load %arg12[%get3A] {strides = array<i32>} : memref<16xf32, #tpu.memory_space<vmem>>, vector<16xf32>,
    %scan3A = arith.constant 0 : i32
    %scan3A_8 = arith.constant 20 : i32
    %scan3A_9 = arith.addi %scan3A, %scan3A_8 : i32
    %scan3A_10 = arith.constant 1 : i32
    scf.for %scan3A_12 = %scan3A to %scan3A_9 step %scan3A_10  : i32 {
      %mul3A_13 = arith.constant 1 : i32
      %mul3A_14 = arith.muli %scan3A_12, %mul3A_13 : i32
      %add3A_15 = arith.constant 0 : i32
      %add3A_16 = arith.addi %add3A_15, %mul3A_14 : i32
      %mul3A_17 = arith.constant 16 : i32
      %mul3A_18 = arith.muli %add3A_16, %mul3A_17 : i32
      %get3A_19 = arith.index_cast %mul3A_18 : i32 to index
      %get3A_20 = tpu.vector_load %arg9[%get3A_19] {strides = array<i32>} : memref<320xf32, #tpu.memory_space<vmem>>, vector<16xf32>,
      %get3A_21 = arith.index_cast %mul3A_18 : i32 to index
      %get3A_22 = tpu.vector_load %arg10[%get3A_21] {strides = array<i32>} : memref<320xf32, #tpu.memory_space<vmem>>, vector<16xf32>,
      %add3A_23 = arith.addf %get3A_20, %get3A_22 : vector<16xf32>
      %sub3A = arith.constant 1.000000e+00 : f32
      %sub3A_24 = vector.broadcast %sub3A : f32 to vector<16xf32>
      %sub3A_25 = arith.subf %add3A_23, %sub3A_24 : vector<16xf32>
      %bitcast3A = vector.bitcast %sub3A_25 : vector<16xf32> to vector<16xi32>
      %shift_right_arithmetic3A = arith.constant 1 : i32
      %shift_right_arithmetic3A_26 = vector.broadcast %shift_right_arithmetic3A : i32 to vector<16xi32>
      %shift_right_arithmetic3A_27 = arith.shrsi %bitcast3A, %shift_right_arithmetic3A_26 : vector<16xi32>
      %sub3A_28 = arith.constant 1597463007 : i32
      %sub3A_29 = vector.broadcast %sub3A_28 : i32 to vector<16xi32>
      %sub3A_30 = arith.subi %sub3A_29, %shift_right_arithmetic3A_27 : vector<16xi32>
      %bitcast3A_31 = vector.bitcast %sub3A_30 : vector<16xi32> to vector<16xf32>
      %mul3A_32 = arith.constant 5.000000e-01 : f32
      %mul3A_33 = vector.broadcast %mul3A_32 : f32 to vector<16xf32>
      %mul3A_34 = arith.mulf %mul3A_33, %sub3A_25 : vector<16xf32>
      %mul3A_35 = arith.mulf %mul3A_34, %bitcast3A_31 : vector<16xf32>
      %mul3A_36 = arith.mulf %mul3A_35, %bitcast3A_31 : vector<16xf32>
      %sub3A_37 = arith.constant 1.500000e+00 : f32
      %sub3A_38 = vector.broadcast %sub3A_37 : f32 to vector<16xf32>
      %sub3A_39 = arith.subf %sub3A_38, %mul3A_36 : vector<16xf32>
      %mul3A_40 = arith.mulf %bitcast3A_31, %sub3A_39 : vector<16xf32>
      %mul3A_41 = arith.constant 5.000000e-01 : f32
      %mul3A_42 = vector.broadcast %mul3A_41 : f32 to vector<16xf32>
      %mul3A_43 = arith.mulf %mul3A_42, %sub3A_25 : vector<16xf32>
      %mul3A_44 = arith.mulf %mul3A_43, %mul3A_40 : vector<16xf32>
      %mul3A_45 = arith.mulf %mul3A_44, %mul3A_40 : vector<16xf32>
      %sub3A_46 = arith.constant 1.500000e+00 : f32
      %sub3A_47 = vector.broadcast %sub3A_46 : f32 to vector<16xf32>
      %sub3A_48 = arith.subf %sub3A_47, %mul3A_45 : vector<16xf32>
      %mul3A_49 = arith.mulf %mul3A_40, %sub3A_48 : vector<16xf32>
      %mul3A_50 = arith.constant 5.000000e-01 : f32
      %mul3A_51 = vector.broadcast %mul3A_50 : f32 to vector<16xf32>
      %mul3A_52 = arith.mulf %mul3A_51, %sub3A_25 : vector<16xf32>
      %mul3A_53 = arith.mulf %mul3A_52, %mul3A_49 : vector<16xf32>
      %mul3A_54 = arith.mulf %mul3A_53, %mul3A_49 : vector<16xf32>
      %sub3A_55 = arith.constant 1.500000e+00 : f32
      %sub3A_56 = vector.broadcast %sub3A_55 : f32 to vector<16xf32>
      %sub3A_57 = arith.subf %sub3A_56, %mul3A_54 : vector<16xf32>
      %mul3A_58 = arith.mulf %mul3A_49, %sub3A_57 : vector<16xf32>
      %mul3A_59 = arith.constant 5.000000e-01 : f32
      %mul3A_60 = vector.broadcast %mul3A_59 : f32 to vector<16xf32>
      %mul3A_61 = arith.mulf %mul3A_60, %sub3A_25 : vector<16xf32>
      %mul3A_62 = arith.mulf %mul3A_61, %mul3A_58 : vector<16xf32>
      %mul3A_63 = arith.mulf %mul3A_62, %mul3A_58 : vector<16xf32>
      %sub3A_64 = arith.constant 1.500000e+00 : f32
      %sub3A_65 = vector.broadcast %sub3A_64 : f32 to vector<16xf32>
      %sub3A_66 = arith.subf %sub3A_65, %mul3A_63 : vector<16xf32>
      %mul3A_67 = arith.mulf %mul3A_58, %sub3A_66 : vector<16xf32>
      %get3A_68 = arith.index_cast %mul3A_18 : i32 to index
      %get3A_69 = tpu.vector_load %arg7[%get3A_68] {strides = array<i32>} : memref<320xf32, #tpu.memory_space<vmem>>, vector<16xf32>,
      %get3A_70 = arith.index_cast %mul3A_18 : i32 to index
      %get3A_71 = tpu.vector_load %arg8[%get3A_70] {strides = array<i32>} : memref<320xf32, #tpu.memory_space<vmem>>, vector<16xf32>,
      %add3A_72 = arith.addf %get3A_69, %get3A_71 : vector<16xf32>
      %get3A_73 = arith.index_cast %mul3A_18 : i32 to index
      %get3A_74 = tpu.vector_load %arg11[%get3A_73] {strides = array<i32>} : memref<320xf32, #tpu.memory_space<vmem>>, vector<16xf32>,
      %sub3A_75 = arith.subf %add3A_72, %get3A_74 : vector<16xf32>
      %mul3A_76 = arith.mulf %mul3A_67, %sub3A_75 : vector<16xf32>
      %add3A_77 = arith.addf %mul3A_76, %get3A_7 : vector<16xf32>
      %swap3A = arith.index_cast %mul3A_18 : i32 to index
      %swap3A_78 = tpu.vector_load %arg11[%swap3A] {strides = array<i32>} : memref<320xf32, #tpu.memory_space<vmem>>, vector<16xf32>,
      tpu.vector_store %arg11[%swap3A], %add3A_77 {strides = array<i32>} : memref<320xf32, #tpu.memory_space<vmem>>, vector<16xf32>,
    }
    %scan3A_11 = arith.constant 20 : i32
    "tpu.region"() ({
      %run_scoped3A = tpu.sem_alloc : memref<!tpu.dma_semaphore, #tpu.memory_space<semaphore_mem>>
      %dma_start3A = tpu.memref_slice %arg6[%mul3A_2] : memref<10240xf32, #tpu.memory_space<hbm>> -> memref<320xf32, #tpu.memory_space<hbm>>
      %dma_start3A_12 = tpu.memref_slice %arg6[%mul3A_2] : memref<10240xf32, #tpu.memory_space<hbm>> -> memref<320xf32, #tpu.memory_space<hbm>>
      tpu.enqueue_dma source(%arg11 : memref<320xf32, #tpu.memory_space<vmem>>) target(%dma_start3A_12 : memref<320xf32, #tpu.memory_space<hbm>>) target_semaphore(%run_scoped3A : memref<!tpu.dma_semaphore, #tpu.memory_space<semaphore_mem>>)
      %dma_wait3A = tpu.memref_slice %arg6[%mul3A_2] : memref<10240xf32, #tpu.memory_space<hbm>> -> memref<320xf32, #tpu.memory_space<hbm>>
      %dma_wait3A_13 = tpu.memref_slice %arg6[%mul3A_2] : memref<10240xf32, #tpu.memory_space<hbm>> -> memref<320xf32, #tpu.memory_space<hbm>>
      tpu.wait_dma2 semaphore(%run_scoped3A : memref<!tpu.dma_semaphore, #tpu.memory_space<semaphore_mem>>) src(%arg11 : memref<320xf32, #tpu.memory_space<vmem>>) dst(%dma_wait3A_13 : memref<320xf32, #tpu.memory_space<hbm>>)
      tpu.yield
    }) : () -> ()
    return
  }
}

module attributes {stable_mosaic.version = 14 : i64} {
  func.func @_t1_body(%arg0: i32, %arg1: memref<512x1xf32, #tpu.memory_space<vmem>>, %arg2: memref<512x1xf32, #tpu.memory_space<vmem>>, %arg3: memref<512x128xf32, #tpu.memory_space<vmem>>, %arg4: memref<128x48xf32, #tpu.memory_space<vmem>>, %arg5: memref<512x48xf32, #tpu.memory_space<vmem>>) attributes {dimension_semantics = [#tpu.dimension_semantics<arbitrary>], iteration_bounds = array<i64: 20>, scalar_prefetch = 0 : i64, scratch_operands = 0 : i64, tpu.core_type = #tpu.core_type<tc>, window_params = [{transform_indices = @transform_0, window_bounds = array<i64: 512, 1>}, {transform_indices = @transform_1, window_bounds = array<i64: 512, 1>}, {transform_indices = @transform_2, window_bounds = array<i64: 512, 128>}, {pipeline_mode = #tpu.pipeline_mode<synchronous>, transform_indices = @transform_3, window_bounds = array<i64: 128, 48>}, {transform_indices = @transform_4, window_bounds = array<i64: 512, 48>}]} {
    %get3A = arith.constant 0 : index
    %get3A_0 = arith.constant 0 : index
    %get3A_1 = vector.load %arg1[%get3A, %get3A_0] : memref<512x1xf32, #tpu.memory_space<vmem>>, vector<512x1xf32>
    %get3A_2 = arith.constant 0 : index
    %get3A_3 = arith.constant 0 : index
    %get3A_4 = vector.load %arg2[%get3A_2, %get3A_3] : memref<512x1xf32, #tpu.memory_space<vmem>>, vector<512x1xf32>
    %add3A = arith.addf %get3A_1, %get3A_4 : vector<512x1xf32>
    %sub3A = arith.constant 1.000000e+00 : f32
    %sub3A_5 = vector.broadcast %sub3A : f32 to vector<512x1xf32>
    %sub3A_6 = arith.subf %add3A, %sub3A_5 : vector<512x1xf32>
    %rsqrt3A = math.rsqrt %sub3A_6 : vector<512x1xf32>
    %get3A_7 = arith.constant 0 : index
    %get3A_8 = arith.constant 0 : index
    %get3A_9 = vector.load %arg3[%get3A_7, %get3A_8] : memref<512x128xf32, #tpu.memory_space<vmem>>, vector<512x128xf32>
    %get3A_10 = arith.constant 0 : index
    %get3A_11 = arith.constant 0 : index
    %get3A_12 = vector.load %arg4[%get3A_10, %get3A_11] : memref<128x48xf32, #tpu.memory_space<vmem>>, vector<128x48xf32>
    %dot_general3A = arith.constant dense<0.000000e+00> : vector<512x48xf32>
    %dot_general3A_13 = tpu.matmul %get3A_9, %get3A_12, %dot_general3A {dimension_numbers = #tpu.dot_dimension_numbers<[1], [0], [0], [1], [0, 0, 1, 1], [], []>, transpose_lhs_hint = false} : vector<512x128xf32>, vector<128x48xf32>, vector<512x48xf32> -> vector<512x48xf32>
    %mul3A = vector.broadcast %rsqrt3A : vector<512x1xf32> to vector<512x48xf32>
    %mul3A_14 = arith.mulf %dot_general3A_13, %mul3A : vector<512x48xf32>
    %swap3A = arith.constant 0 : index
    %swap3A_15 = arith.constant 0 : index
    %swap3A_16 = vector.load %arg5[%swap3A, %swap3A_15] : memref<512x48xf32, #tpu.memory_space<vmem>>, vector<512x48xf32>
    tpu.vector_store %arg5[%swap3A, %swap3A_15], %mul3A_14 {strides = array<i32>} : memref<512x48xf32, #tpu.memory_space<vmem>>, vector<512x48xf32>,
    return
  }
  func.func @transform_0(%arg0: i32) -> (i32, i32) {
    %c0_i32 = arith.constant 0 : i32
    %c0_i32_0 = arith.constant 0 : i32
    return %arg0, %c0_i32 : i32, i32
  }
  func.func @transform_1(%arg0: i32) -> (i32, i32) {
    %add3A = arith.constant 20 : i32
    %add3A_0 = arith.addi %arg0, %add3A : i32
    %c0_i32 = arith.constant 0 : i32
    %c0_i32_1 = arith.constant 0 : i32
    return %add3A_0, %c0_i32 : i32, i32
  }
  func.func @transform_2(%arg0: i32) -> (i32, i32) {
    %c0_i32 = arith.constant 0 : i32
    %c0_i32_0 = arith.constant 0 : i32
    return %arg0, %c0_i32 : i32, i32
  }
  func.func @transform_3(%arg0: i32) -> (i32, i32) {
    %c0_i32 = arith.constant 0 : i32
    %c0_i32_0 = arith.constant 0 : i32
    %c0_i32_1 = arith.constant 0 : i32
    return %c0_i32, %c0_i32_0 : i32, i32
  }
  func.func @transform_4(%arg0: i32) -> (i32, i32) {
    %c0_i32 = arith.constant 0 : i32
    %c0_i32_0 = arith.constant 0 : i32
    return %arg0, %c0_i32 : i32, i32
  }
}

module attributes {stable_mosaic.version = 14 : i64} {
  func.func @_t2_body(%arg0: i32, %arg1: memref<512x1xf32, #tpu.memory_space<vmem>>, %arg2: memref<512x1xf32, #tpu.memory_space<vmem>>, %arg3: memref<512x48xf32, #tpu.memory_space<vmem>>, %arg4: memref<512x48xf32, #tpu.memory_space<vmem>>, %arg5: memref<512x48xf32, #tpu.memory_space<vmem>>, %arg6: memref<1x48xf32, #tpu.memory_space<vmem>>, %arg7: memref<512x48xf32, #tpu.memory_space<vmem>>) attributes {dimension_semantics = [#tpu.dimension_semantics<arbitrary>], iteration_bounds = array<i64: 20>, scalar_prefetch = 0 : i64, scratch_operands = 0 : i64, tpu.core_type = #tpu.core_type<tc>, window_params = [{transform_indices = @transform_0, window_bounds = array<i64: 512, 1>}, {transform_indices = @transform_1, window_bounds = array<i64: 512, 1>}, {transform_indices = @transform_2, window_bounds = array<i64: 512, 48>}, {transform_indices = @transform_3, window_bounds = array<i64: 512, 48>}, {transform_indices = @transform_4, window_bounds = array<i64: 512, 48>}, {pipeline_mode = #tpu.pipeline_mode<synchronous>, transform_indices = @transform_5, window_bounds = array<i64: 1, 48>}, {transform_indices = @transform_6, window_bounds = array<i64: 512, 48>}]} {
    %get3A = arith.constant 0 : index
    %get3A_0 = arith.constant 0 : index
    %get3A_1 = vector.load %arg1[%get3A, %get3A_0] : memref<512x1xf32, #tpu.memory_space<vmem>>, vector<512x1xf32>
    %get3A_2 = arith.constant 0 : index
    %get3A_3 = arith.constant 0 : index
    %get3A_4 = vector.load %arg2[%get3A_2, %get3A_3] : memref<512x1xf32, #tpu.memory_space<vmem>>, vector<512x1xf32>
    %add3A = arith.addf %get3A_1, %get3A_4 : vector<512x1xf32>
    %sub3A = arith.constant 1.000000e+00 : f32
    %sub3A_5 = vector.broadcast %sub3A : f32 to vector<512x1xf32>
    %sub3A_6 = arith.subf %add3A, %sub3A_5 : vector<512x1xf32>
    %rsqrt3A = math.rsqrt %sub3A_6 : vector<512x1xf32>
    %get3A_7 = arith.constant 0 : index
    %get3A_8 = arith.constant 0 : index
    %get3A_9 = vector.load %arg3[%get3A_7, %get3A_8] : memref<512x48xf32, #tpu.memory_space<vmem>>, vector<512x48xf32>
    %get3A_10 = arith.constant 0 : index
    %get3A_11 = arith.constant 0 : index
    %get3A_12 = vector.load %arg4[%get3A_10, %get3A_11] : memref<512x48xf32, #tpu.memory_space<vmem>>, vector<512x48xf32>
    %add3A_13 = arith.addf %get3A_9, %get3A_12 : vector<512x48xf32>
    %get3A_14 = arith.constant 0 : index
    %get3A_15 = arith.constant 0 : index
    %get3A_16 = vector.load %arg5[%get3A_14, %get3A_15] : memref<512x48xf32, #tpu.memory_space<vmem>>, vector<512x48xf32>
    %sub3A_17 = arith.subf %add3A_13, %get3A_16 : vector<512x48xf32>
    %mul3A = vector.broadcast %rsqrt3A : vector<512x1xf32> to vector<512x48xf32>
    %mul3A_18 = arith.mulf %mul3A, %sub3A_17 : vector<512x48xf32>
    %get3A_19 = arith.constant 0 : index
    %get3A_20 = arith.constant 0 : index
    %get3A_21 = vector.load %arg6[%get3A_19, %get3A_20] : memref<1x48xf32, #tpu.memory_space<vmem>>, vector<1x48xf32>
    %add3A_22 = vector.broadcast %get3A_21 : vector<1x48xf32> to vector<512x48xf32>
    %add3A_23 = arith.addf %mul3A_18, %add3A_22 : vector<512x48xf32>
    %max3A = arith.constant 0.000000e+00 : f32
    %max3A_24 = vector.broadcast %max3A : f32 to vector<512x48xf32>
    %max3A_25 = arith.maximumf %add3A_23, %max3A_24 : vector<512x48xf32>
    %mul3A_26 = vector.broadcast %rsqrt3A : vector<512x1xf32> to vector<512x48xf32>
    %mul3A_27 = arith.mulf %mul3A_26, %max3A_25 : vector<512x48xf32>
    %swap3A = arith.constant 0 : index
    %swap3A_28 = arith.constant 0 : index
    %swap3A_29 = vector.load %arg7[%swap3A, %swap3A_28] : memref<512x48xf32, #tpu.memory_space<vmem>>, vector<512x48xf32>
    tpu.vector_store %arg7[%swap3A, %swap3A_28], %mul3A_27 {strides = array<i32>} : memref<512x48xf32, #tpu.memory_space<vmem>>, vector<512x48xf32>,
    return
  }
  func.func @transform_0(%arg0: i32) -> (i32, i32) {
    %c0_i32 = arith.constant 0 : i32
    %c0_i32_0 = arith.constant 0 : i32
    return %arg0, %c0_i32 : i32, i32
  }
  func.func @transform_1(%arg0: i32) -> (i32, i32) {
    %add3A = arith.constant 20 : i32
    %add3A_0 = arith.addi %arg0, %add3A : i32
    %c0_i32 = arith.constant 0 : i32
    %c0_i32_1 = arith.constant 0 : i32
    return %add3A_0, %c0_i32 : i32, i32
  }
  func.func @transform_2(%arg0: i32) -> (i32, i32) {
    %c0_i32 = arith.constant 0 : i32
    %c0_i32_0 = arith.constant 0 : i32
    return %arg0, %c0_i32 : i32, i32
  }
  func.func @transform_3(%arg0: i32) -> (i32, i32) {
    %add3A = arith.constant 20 : i32
    %add3A_0 = arith.addi %arg0, %add3A : i32
    %c0_i32 = arith.constant 0 : i32
    %c0_i32_1 = arith.constant 0 : i32
    return %add3A_0, %c0_i32 : i32, i32
  }
  func.func @transform_4(%arg0: i32) -> (i32, i32) {
    %c0_i32 = arith.constant 0 : i32
    %c0_i32_0 = arith.constant 0 : i32
    return %arg0, %c0_i32 : i32, i32
  }
  func.func @transform_5(%arg0: i32) -> (i32, i32) {
    %c0_i32 = arith.constant 0 : i32
    %c0_i32_0 = arith.constant 0 : i32
    %c0_i32_1 = arith.constant 0 : i32
    return %c0_i32, %c0_i32_0 : i32, i32
  }
  func.func @transform_6(%arg0: i32) -> (i32, i32) {
    %c0_i32 = arith.constant 0 : i32
    %c0_i32_0 = arith.constant 0 : i32
    return %arg0, %c0_i32 : i32, i32
  }
}

module attributes {stable_mosaic.version = 14 : i64} {
  func.func @_t3_body(%arg0: i32, %arg1: memref<512x1xf32, #tpu.memory_space<vmem>>, %arg2: memref<512x1xf32, #tpu.memory_space<vmem>>, %arg3: memref<512x48xf32, #tpu.memory_space<vmem>>, %arg4: memref<512x48xf32, #tpu.memory_space<vmem>>, %arg5: memref<512x48xf32, #tpu.memory_space<vmem>>, %arg6: memref<48x60xf32, #tpu.memory_space<vmem>>, %arg7: memref<1x60xf32, #tpu.memory_space<vmem>>, %arg8: memref<1x60xf32, #tpu.memory_space<vmem>>, %arg9: memref<512x1xf32, #tpu.memory_space<vmem>>) attributes {dimension_semantics = [#tpu.dimension_semantics<arbitrary>], iteration_bounds = array<i64: 20>, scalar_prefetch = 0 : i64, scratch_operands = 0 : i64, tpu.core_type = #tpu.core_type<tc>, window_params = [{transform_indices = @transform_0, window_bounds = array<i64: 512, 1>}, {transform_indices = @transform_1, window_bounds = array<i64: 512, 1>}, {transform_indices = @transform_2, window_bounds = array<i64: 512, 48>}, {transform_indices = @transform_3, window_bounds = array<i64: 512, 48>}, {transform_indices = @transform_4, window_bounds = array<i64: 512, 48>}, {pipeline_mode = #tpu.pipeline_mode<synchronous>, transform_indices = @transform_5, window_bounds = array<i64: 48, 60>}, {pipeline_mode = #tpu.pipeline_mode<synchronous>, transform_indices = @transform_6, window_bounds = array<i64: 1, 60>}, {pipeline_mode = #tpu.pipeline_mode<synchronous>, transform_indices = @transform_7, window_bounds = array<i64: 1, 60>}, {transform_indices = @transform_8, window_bounds = array<i64: 512, 1>}]} {
    %get3A = arith.constant 0 : index
    %get3A_0 = arith.constant 0 : index
    %get3A_1 = vector.load %arg1[%get3A, %get3A_0] : memref<512x1xf32, #tpu.memory_space<vmem>>, vector<512x1xf32>
    %get3A_2 = arith.constant 0 : index
    %get3A_3 = arith.constant 0 : index
    %get3A_4 = vector.load %arg2[%get3A_2, %get3A_3] : memref<512x1xf32, #tpu.memory_space<vmem>>, vector<512x1xf32>
    %add3A = arith.addf %get3A_1, %get3A_4 : vector<512x1xf32>
    %sub3A = arith.constant 1.000000e+00 : f32
    %sub3A_5 = vector.broadcast %sub3A : f32 to vector<512x1xf32>
    %sub3A_6 = arith.subf %add3A, %sub3A_5 : vector<512x1xf32>
    %rsqrt3A = math.rsqrt %sub3A_6 : vector<512x1xf32>
    %get3A_7 = arith.constant 0 : index
    %get3A_8 = arith.constant 0 : index
    %get3A_9 = vector.load %arg3[%get3A_7, %get3A_8] : memref<512x48xf32, #tpu.memory_space<vmem>>, vector<512x48xf32>
    %get3A_10 = arith.constant 0 : index
    %get3A_11 = arith.constant 0 : index
    %get3A_12 = vector.load %arg4[%get3A_10, %get3A_11] : memref<512x48xf32, #tpu.memory_space<vmem>>, vector<512x48xf32>
    %add3A_13 = arith.addf %get3A_9, %get3A_12 : vector<512x48xf32>
    %get3A_14 = arith.constant 0 : index
    %get3A_15 = arith.constant 0 : index
    %get3A_16 = vector.load %arg5[%get3A_14, %get3A_15] : memref<512x48xf32, #tpu.memory_space<vmem>>, vector<512x48xf32>
    %sub3A_17 = arith.subf %add3A_13, %get3A_16 : vector<512x48xf32>
    %mul3A = vector.broadcast %rsqrt3A : vector<512x1xf32> to vector<512x48xf32>
    %mul3A_18 = arith.mulf %mul3A, %sub3A_17 : vector<512x48xf32>
    %get3A_19 = arith.constant 0 : index
    %get3A_20 = arith.constant 0 : index
    %get3A_21 = vector.load %arg6[%get3A_19, %get3A_20] : memref<48x60xf32, #tpu.memory_space<vmem>>, vector<48x60xf32>
    %dot_general3A = arith.constant dense<0.000000e+00> : vector<512x60xf32>
    %dot_general3A_22 = tpu.matmul %mul3A_18, %get3A_21, %dot_general3A {dimension_numbers = #tpu.dot_dimension_numbers<[1], [0], [0], [1], [0, 0, 1, 1], [], []>, transpose_lhs_hint = false} : vector<512x48xf32>, vector<48x60xf32>, vector<512x60xf32> -> vector<512x60xf32>
    %get3A_23 = arith.constant 0 : index
    %get3A_24 = arith.constant 0 : index
    %get3A_25 = vector.load %arg7[%get3A_23, %get3A_24] : memref<1x60xf32, #tpu.memory_space<vmem>>, vector<1x60xf32>
    %add3A_26 = vector.broadcast %get3A_25 : vector<1x60xf32> to vector<512x60xf32>
    %add3A_27 = arith.addf %dot_general3A_22, %add3A_26 : vector<512x60xf32>
    %max3A = arith.constant 0.000000e+00 : f32
    %max3A_28 = vector.broadcast %max3A : f32 to vector<512x60xf32>
    %max3A_29 = arith.maximumf %add3A_27, %max3A_28 : vector<512x60xf32>
    %get3A_30 = arith.constant 0 : index
    %get3A_31 = arith.constant 0 : index
    %get3A_32 = vector.load %arg8[%get3A_30, %get3A_31] : memref<1x60xf32, #tpu.memory_space<vmem>>, vector<1x60xf32>
    %mul3A_33 = vector.broadcast %get3A_32 : vector<1x60xf32> to vector<512x60xf32>
    %mul3A_34 = arith.mulf %max3A_29, %mul3A_33 : vector<512x60xf32>
    %reduce_sum3A = arith.constant dense<0.000000e+00> : vector<512xf32>
    %reduce_sum3A_35 = vector.multi_reduction <add>, %mul3A_34, %reduce_sum3A [1] : vector<512x60xf32> to vector<512xf32>
    %broadcast_in_dim3A = vector.shape_cast %reduce_sum3A_35 : vector<512xf32> to vector<512x1xf32>
    %mul3A_36 = arith.mulf %broadcast_in_dim3A, %rsqrt3A : vector<512x1xf32>
    %swap3A = arith.constant 0 : index
    %swap3A_37 = arith.constant 0 : index
    %swap3A_38 = vector.load %arg9[%swap3A, %swap3A_37] : memref<512x1xf32, #tpu.memory_space<vmem>>, vector<512x1xf32>
    tpu.vector_store %arg9[%swap3A, %swap3A_37], %mul3A_36 {strides = array<i32>} : memref<512x1xf32, #tpu.memory_space<vmem>>, vector<512x1xf32>,
    return
  }
  func.func @transform_0(%arg0: i32) -> (i32, i32) {
    %c0_i32 = arith.constant 0 : i32
    %c0_i32_0 = arith.constant 0 : i32
    return %arg0, %c0_i32 : i32, i32
  }
  func.func @transform_1(%arg0: i32) -> (i32, i32) {
    %add3A = arith.constant 20 : i32
    %add3A_0 = arith.addi %arg0, %add3A : i32
    %c0_i32 = arith.constant 0 : i32
    %c0_i32_1 = arith.constant 0 : i32
    return %add3A_0, %c0_i32 : i32, i32
  }
  func.func @transform_2(%arg0: i32) -> (i32, i32) {
    %c0_i32 = arith.constant 0 : i32
    %c0_i32_0 = arith.constant 0 : i32
    return %arg0, %c0_i32 : i32, i32
  }
  func.func @transform_3(%arg0: i32) -> (i32, i32) {
    %add3A = arith.constant 20 : i32
    %add3A_0 = arith.addi %arg0, %add3A : i32
    %c0_i32 = arith.constant 0 : i32
    %c0_i32_1 = arith.constant 0 : i32
    return %add3A_0, %c0_i32 : i32, i32
  }
  func.func @transform_4(%arg0: i32) -> (i32, i32) {
    %c0_i32 = arith.constant 0 : i32
    %c0_i32_0 = arith.constant 0 : i32
    return %arg0, %c0_i32 : i32, i32
  }
  func.func @transform_5(%arg0: i32) -> (i32, i32) {
    %c0_i32 = arith.constant 0 : i32
    %c0_i32_0 = arith.constant 0 : i32
    %c0_i32_1 = arith.constant 0 : i32
    return %c0_i32, %c0_i32_0 : i32, i32
  }
  func.func @transform_6(%arg0: i32) -> (i32, i32) {
    %c0_i32 = arith.constant 0 : i32
    %c0_i32_0 = arith.constant 0 : i32
    %c0_i32_1 = arith.constant 0 : i32
    return %c0_i32, %c0_i32_0 : i32, i32
  }
  func.func @transform_7(%arg0: i32) -> (i32, i32) {
    %c0_i32 = arith.constant 0 : i32
    %c0_i32_0 = arith.constant 0 : i32
    %c0_i32_1 = arith.constant 0 : i32
    return %c0_i32, %c0_i32_0 : i32, i32
  }
  func.func @transform_8(%arg0: i32) -> (i32, i32) {
    %c0_i32 = arith.constant 0 : i32
    %c0_i32_0 = arith.constant 0 : i32
    return %arg0, %c0_i32 : i32, i32
  }
}

</mosaic_0001>

<sc_bundles>
// kernel: kernel.10.cloned.1.call-start
scs
__scs_entry_jumppad:
0x0: {  	(pc) =	sbr.rel $0x88, $3  }
0x1: {  	(tag) =	ssettag $0x0;
	lr =	simm.s32 $0x1  }
0x2: {  	[smem:$0x3F99] =	sst lr;
	_ =	strace $0xD0000000  }
0x3: {  	_ = 	snop  }
0x4: {  	_ = 	snop  }
0x5: {  	_ = 	snop  }
0x6: {  	_ = 	snop  }
0x7: {  	_ = 	snop  }
__scs_overlays_trampoline_lowered:
0x8: {  	[smem:$0x3FA8] =	sst s0  }
0x9: {  	[smem:$0x3FA9] =	sst s1  }
0xa: {  	[smem:$0x3FAA] =	sst s2  }
0xb: {  	[smem:$0x3FAB] =	sst s3  }
0xc: {  	[smem:$0x3FAC] =	sst s4  }
0xd: {  	[smem:$0x3FAD] =	sst s5  }
0xe: {  	[smem:$0x3FAE] =	sst s6  }
0xf: {  	[smem:$0x3FAF] =	sst s7  }
0x10: {  	[smem:$0x3FB0] =	sst s8  }
0x11: {  	[smem:$0x3FB1] =	sst s9;
	s0 =	simm.s32 @!p0 $0x0  }
0x12: {  	s1 =	sld [smem:$0x3F97];
	s0 =	simm.s32 @p0 $0x1  }
0x13: {  	[smem:$0x3FB2] =	sst s0;
	s0 =	simm.s32 @!p1 $0x0  }
0x14: {  	s2 =	sld [smem:$0x3F96];
	s0 =	simm.s32 @p1 $0x1  }
0x15: {  	[smem:$0x3FB3] =	sst s0;
	s0 =	simm.s32 @!p2 $0x0  }
0x16: {  	s3 =	sld [smem:$0x3FDB];
	s0 =	simm.s32 @p2 $0x1  }
0x17: {  	s4 =	simm.s32 $0x1BF5;
	[smem:$0x3FB5] =	sst s0  }
0x18: {  	s0 =	sld [smem:$0x3F98];
	_ =	swait.ge [sflag:s4], $0x0  }
0x19: {  	s7 =	sld [smem:$0x3F99]  }
0x1a: {  	s8 =	sadd.s32 $0xFFFFE003, lr  }
0x1b: {  	s9 =	sadd.s32 $0xFFFFFEF7, lr;
	s5 =	simm.s32 $0xFFFFFFFF;
	p2 =	slt.u32 s8, $0xFFFFF086  }
0x1c: {  	p1 =	slt.u32 s9, $0xF7A;
	s5 =	simm.s32 @!p2 $0x0  }
0x1d: {  	s5 =	simm.s32 @p1 $0x1;
	p0 =	seq.s32 s7, s2  }
0x1e: {  	s7 =	smul.u32 @!p0 $0xF7A, s2;
	p2 =	seq.s32 @!p0 s5, $0x0  }
0x1f: {  	s9 =	smul.u32 $0xF7A, s1;
	s8 =	simm.s32 @!p0 $0x1BF5;
	p2 =	por !p2, p0  }
0x20: {  	[sflag:s8] =	ssyncset.s32 @!p0 $0xFFFFF086;
	s6 =	sadd.s32 @!p0 s3, s7;
	s7 =	simm.s32 @!p0 $0x108  }
0x21: {  	s3 =	sadd.s32 s3, s9;
	s6 =	sadd.s32 @!p0 $0x88, s6;
	s7 =	simm.s32 @p2 $0x1082  }
0x22: {  	[simem:s7], [sflag:s8] =	dma.local @!p0 [hbm:s6], $0xF7A  }
0x23: {  	s9 =	sor.u32 $0xD0000000, s2;
	s6 =	simm.s32 $0x108;
	_ =	swait.ge @!p0 [sflag:s8], $0x0  }
0x24: {  	s3 =	sadd.s32 $0x88, s3;
	s6 =	simm.s32 @!p1 $0x1082;
	[sflag:s4] =	ssyncset.s32 $0xFFFFF086  }
0x25: {  	[simem:s6], [sflag:s4] =	dma.local [hbm:s3], $0xF7A  }
0x26: {  	[smem:$0x3F99] =	sst s1;
	(tag) =	ssettag s2;
	_ =	strace s9  }
0x27: {  	s1 =	sld [smem:$0x3FA9]  }
0x28: {  	s2 =	sld [smem:$0x3FAA]  }
0x29: {  	s4 =	sld [smem:$0x3FAC]  }
0x2a: {  	p0 =	seq.s32 s5, $0x0;
	s5 =	sld [smem:$0x3FAD]  }
0x2b: {  	s6 =	sld [smem:$0x3FAE]  }
0x2c: {  	s7 =	sld [smem:$0x3FAF]  }
0x2d: {  	s3 =	simm.s32 $0x108;
	s8 =	sld [smem:$0x3FB0]  }
0x2e: {  	s3 =	simm.s32 @!p0 $0x1082;
	s9 =	sld [smem:$0x3FB1]  }
0x2f: {  	lr =	sadd.s32 s0, s3;
	s0 =	sld [smem:$0x3FA8]  }
0x30: {  	s3 =	sld [smem:$0x3FAB]  }
0x31: {  	[smem:$0x3FB4] =	sst s10  }
0x32: {  	s10 =	sld [smem:$0x3FB2];
	_ =	sdelay $0x3  }
0x33: {  	p0 =	seq.s32 s10, $0x1;
	s10 =	sld [smem:$0x3FB4];
	_ =	sdelay $0x3  }
0x34: {  	[smem:$0x3FB4] =	sst s10  }
0x35: {  	s10 =	sld [smem:$0x3FB3];
	_ =	sdelay $0x3  }
0x36: {  	p1 =	seq.s32 s10, $0x1;
	s10 =	sld [smem:$0x3FB4];
	_ =	sdelay $0x3  }
0x37: {  	[smem:$0x3FB4] =	sst s10  }
0x38: {  	s10 =	sld [smem:$0x3FB5]  }
0x39: {  	_ = 	snop;
	(pc) =	sbr.ind lr, $3  }
0x3a: {  	_ = 	snop  }
0x3b: {  	_ = 	snop  }
0x3c: {  	p2 =	seq.s32 s10, $0x1;
	s10 =	sld [smem:$0x3FB4]  }
0x3d: {  	_ =	shalt  }
0x3e: {  	_ =	shalt  }
0x3f: {  	_ =	shalt  }
0x40: {  	_ =	shalt  }
0x41: {  	_ =	shalt  }
0x42: {  	_ =	shalt  }
0x43: {  	_ =	shalt  }
0x44: {  	_ =	shalt  }
0x45: {  	_ =	shalt  }
0x46: {  	_ =	shalt  }
0x47: {  	_ =	shalt  }
0x48: {  	_ =	shalt  }
0x49: {  	_ =	shalt  }
0x4a: {  	_ =	shalt  }
0x4b: {  	_ =	shalt  }
0x4c: {  	_ =	shalt  }
0x4d: {  	_ =	shalt  }
0x4e: {  	_ =	shalt  }
0x4f: {  	_ =	shalt  }
0x50: {  	_ =	shalt  }
0x51: {  	_ =	shalt  }
0x52: {  	_ =	shalt  }
0x53: {  	_ =	shalt  }
0x54: {  	_ =	shalt  }
0x55: {  	_ =	shalt  }
0x56: {  	_ =	shalt  }
0x57: {  	_ =	shalt  }
0x58: {  	_ =	shalt  }
0x59: {  	_ =	shalt  }
0x5a: {  	_ =	shalt  }
0x5b: {  	_ =	shalt  }
0x5c: {  	_ =	shalt  }
0x5d: {  	_ =	shalt  }
0x5e: {  	_ =	shalt  }
0x5f: {  	_ =	shalt  }
0x60: {  	_ =	shalt  }
0x61: {  	_ =	shalt  }
0x62: {  	_ =	shalt  }
0x63: {  	_ =	shalt  }
0x64: {  	_ =	shalt  }
0x65: {  	_ =	shalt  }
0x66: {  	_ =	shalt  }
0x67: {  	_ =	shalt  }
0x68: {  	_ =	shalt  }
0x69: {  	_ =	shalt  }
0x6a: {  	_ =	shalt  }
0x6b: {  	_ =	shalt  }
0x6c: {  	_ =	shalt  }
0x6d: {  	_ =	shalt  }
0x6e: {  	_ =	shalt  }
0x6f: {  	_ =	shalt  }
0x70: {  	_ =	shalt  }
0x71: {  	_ =	shalt  }
0x72: {  	_ =	shalt  }
0x73: {  	_ =	shalt  }
0x74: {  	_ =	shalt  }
0x75: {  	_ =	shalt  }
0x76: {  	_ =	shalt  }
0x77: {  	_ =	shalt  }
0x78: {  	_ =	shalt  }
0x79: {  	_ =	shalt  }
0x7a: {  	_ =	shalt  }
0x7b: {  	_ =	shalt  }
0x7c: {  	_ =	shalt  }
0x7d: {  	_ =	shalt  }
0x7e: {  	_ =	shalt  }
0x7f: {  	_ =	shalt  }
0x80: {  	_ =	shalt  }
0x81: {  	_ =	shalt  }
0x82: {  	_ =	shalt  }
0x83: {  	_ =	shalt  }
0x84: {  	_ =	shalt  }
0x85: {  	_ =	shalt  }
0x86: {  	_ =	shalt  }
0x87: {  	_ =	shalt  }
.Lfunc_end0:
.L_simem_size_0:
called_computation_lowered:
.L_overlay_start_0:
0x88: {  	s2 =	sld [smem:$0x3FD9]  }
0x89: {  	s3 =	sld [smem:$0x3FFE];
	_ =	sdelay $0x1  }
0x8a: {  	s1 =	srdreg.scid  }
0x8b: {  	s0 =	sand.u32 $0x1, s1  }
0x8c: {  	s17 =	sshll.u32 s0, $0xA;
	s2 =	sadd.s32 s3, s2  }
0x8d: {  	s2 =	sadd.s32 s2, s17  }
0x8e: {  	[smem:$0x3FC0] =	sst s2  }
0x8f: {  	_ = 	snop  }
0x90: {  	s2 =	sld [smem:$0x3FD0];
	(tm) =	ssettm $0x1  }
0x91: {  	s18 =	sld [smem:$0x3FFB];
	_ =	sdelay $0x3  }
0x92: {  	_ =	strace s18  }
0x93: {  	s3 =	sld [smem:$0x3FFC];
	_ =	sdelay $0x3  }
0x94: {  	_ =	strace s3  }
0x95: {  	s3 =	sld [smem:$0x3FFD];
	_ =	sdelay $0x3  }
0x96: {  	_ =	strace s3  }
0x97: {  	_ =	strace $0x8FFFFFFF  }
0x98: {  	s19 =	sld [smem:$0x3FDB];
	_ =	sdelay $0x1  }
0x99: {  	s4 =	simm.s32 $_scs_section_size  }
0x9a: {  	s5 =	simm.s32 $_size__tile_overlayer_lowered;
	s6 =	simm.s32 $_tile_overlayer_lowered  }
0x9b: {  	s22 =	simm.s32 $0x1BFF;
	s21 =	sshll.u32 s6, $0x1;
	s3 =	sadd.s32 s4, s19  }
0x9c: {  	s7 =	simm.s32 $0x0;
	s20 =	sshll.u32 s5, $0x1;
	s5 =	sadd.s32 s21, s3  }
0x9d: {  	[timem:s7], [sflag:s22] =	dma.local [hbm:s5], s20  }
0x9e: {  	_ =	swait.ge [sflag:s22], s20  }
0x9f: {  	s4 =	ssub.s32 $0x0, s20;
	[sflag:s22] =	ssyncset.done $0x0  }
0xa0: {  	[sflag:s22] =	ssyncadd.s32 s4;
	_ =	sdelay $0x1  }
0xa1: {  	s23 =	simm.s32 $0x1B8B  }
0xa2: {  	_ =	swait.ge [sflag:s23], $0x1  }
0xa3: {  	[sflag:s23] =	ssyncset.done $0x0  }
0xa4: {  	s25 =	simm.s32 $0x1B8E;
	s24 =	sld [smem:$0x3FFE];
	[sflag:s23] =	ssyncadd.s32 $0xFFFFFFFF  }
0xa5: {  	s26 =	simm.s32 $execute0_lowered;
	[smem:$0x3FD2] =	sst s25  }
0xa6: {  	s5 =	sshll.u32 s26, $0x1;
	_ =	strace $0x80000046;
	[dreg:$0x1] =	wrdreg $0xFFFFFFFF  }
0xa7: {  	s28 =	simm.s32 $_size_execute0_lowered;
	s3 =	sadd.s32 s3, s5;
	[dreg:$0x0] =	wrdreg $0x0  }
0xa8: {  	s5 =	sshll.u32 s28, $0x1;
	[dreg:$0x2] =	wrdreg s3  }
0xa9: {  	[dreg:$0x3] =	wrdreg s5  }
0xaa: {  	[dreg:$0x4] =	wrdreg $0xC0  }
0xab: {  	_ =	task [dreg:s7], $0x5FFFF  }
0xac: {  	[dreg:$0x1] =	wrdreg $0xFFFFFFFF  }
0xad: {  	[dreg:$0x0] =	wrdreg $0x60  }
0xae: {  	[dreg:$0x2] =	wrdreg s24  }
0xaf: {  	[dreg:$0x3] =	wrdreg s2  }
0xb0: {  	[dreg:$0x4] =	wrdreg $0x28800  }
0xb1: {  	[dreg:$0x5] =	wrdreg $0x9  }
0xb2: {  	_ =	task.clear_ibuf [dreg:s7], $0x6FFFF;
	_ =	strace $0x90000046  }
0xb3: {  	s29 =	simm.s32 $0x9;
	_ =	strace $0x80000048  }
0xb4: {  	_ =	swait.ge [sflag:s29], $0x1  }
0xb5: {  	[sflag:s29] =	ssyncadd.s32 $0xFFFFFFFF  }
0xb6: {  	_ =	strace $0x90000048  }
0xb7: {  	_ =	sfence  }
0xb8: {  	s30 =	sld [smem:$0x0];
	_ =	sdelay $0x2  }
0xb9: {  	s31 =	sshll.u32 s1, $0xD;
	s1 =	sshrl.u32 s1, $0x2  }
0xba: {  	s3 =	sand.u32 $0x4000, s31;
	s1 =	sadd.s32 s1, s30  }
0xbb: {  	s0 =	sor.u32 s3, s0;
	s1 =	sshll.u32 s1, $0x11  }
0xbc: {  	s0 =	sor.u32 s1, s0  }
0xbd: {  	s0 =	sadd.s32 $0x8F2B, s0  }
0xbe: {  	[sflag:s0] =	ssyncadd.remote.s32 $0x1  }
0xbf: {  	_ =	sfence.sel $0xFFFF  }
0xc0: {  	[dreg:$0x0] =	wrdreg $0xFFFFFFFF;
	(pc) =	sbr.abs _section_cstart, $3  }
0xc1: {  	[dreg:$0x1] =	wrdreg $0xFFFFFFFF  }
0xc2: {  	_ =	task.clear_ibuf [dreg:s7], $0x2FFFF;
	_ =	strace $0x9FFFFFFF  }
0xc3: {  	(tm) =	ssettm $0x7FFFFFFF  }
tec
execute0_lowered:
.L_overlay_start_1:
0x0: {  	(tag) =	ssettag $0x1  }
0x1: {  	s5 =	rddreg [dreg:$0x0]  }
0x2: {  	s1 =	srdreg.scid;
	s2 =	rddreg [dreg:$0x1]  }
0x3: {  	s0 =	stileid.u32;
	s3 =	rddreg [dreg:$0x2];
	s4 =	simm.s32 $0x0  }
0x4: {  	s13 =	simm.s32 $0x7D;
	s14 =	simm.s32 $0x1;
	s15 =	simm.s32 $0x0  }
0x5: {  	s6 =	sand.u32 $0x1, s1;
	s7 =	smul.u32 $0x280, s0;
	s1 =	rddreg [dreg:$0x3]  }
0x6: {  	[smem:$0x7FF] =	sst s4;
	s11 =	sshll.u32 s0, $0x6;
	s8 =	sshll.u32 s6, $0x4  }
0x7: {  	s9 =	smul.u32 $0x2800, s6;
	_ =	strace $0x80000047;
	s6 =	ssub.s32 $0x2, s6  }
0x8: {  	s11 =	sor.u32 $0x1C02, s11;
	s8 =	sor.u32 s0, s8;
	s30 =	sshrl.u32 s6, $0x1  }
0x9: {  	s31 =	sshrl.u32 s7, $0x3;
	s8 =	smul.u32 $0x500, s8;
	s9 =	sadd.s32 s7, s9  }
0xa: {  	s12 =	sadd.s32 s7, s3;
	s10 =	ssub.s32 s6, s30;
	s9 =	sshrl.u32 s9, $0x3  }
0xb: {  	s6 =	sadd.s32 s2, s31;
	s8 =	sadd.s32 s8, s5;
	s9 =	sadd.s32 s9, s5  }
0xc: {  	s12 =	sshrl.u32 s12, $0x3;
	s5 =	sadd.s32 $0x1800, s8;
	s7 =	sadd.s32 $0xB800, s9  }
0xd: {  	s8 =	smax.u32 s10, $0x1;
	s9 =	simm.s32 $0x2;
	s10 =	simm.s32 $0x2800  }
.LBB2_1:
0xe: {  	[tilespmem:s4], [sflag:$0x2] =	stream.linear.gather [hbm4b:s5+s4], $0x2800, $0x38;
	[tilespmem:$0x2B00] =	vst v63  }
0xf: {  	_ =	swait.ge [sflag:s9], $0x2800  }
0x10: {  	[sflag:s9] =	ssyncset.done $0x0  }
0x11: {  	[sflag:s9] =	ssyncadd.s32 $0xFFFFD800  }
0x12: {  	[tilespmem:s10], [sflag:$0x2] =	stream.linear.gather [hbm4b:s2+s4], $0x7D, $0x38;
	[tilespmem:$0x2B00] =	vst v63  }
0x13: {  	_ =	swait.ge [sflag:s9], $0x7D  }
0x14: {  	[sflag:s9] =	ssyncset.done $0x0  }
0x15: {  	[sflag:s9] =	ssyncadd.s32 $0xFFFFFF83  }
0x16: {  	[spmem:s12], [sflag:s11] =	dma.local [hbm:s6], $0x50  }
0x17: {  	_ =	swait.ge [sflag:s9], $0x50  }
0x18: {  	[sflag:s9] =	ssyncset.done $0x0  }
0x19: {  	[sflag:s9] =	ssyncadd.s32 $0xFFFFFFB0  }
0x1a: {  	s16 =	simm.s32 $0x0;
	[bflag:$0x0] =	sbarrier.arrive $0xFFFF  }
.LBB2_2:
0x1b: {  	p0 =	sne.s32 s16, $0x9E00  }
.Ltmp0:
0x1c: {  	_ = 	snop;
	(pc) =	sbr.rel @p0 .LBB2_2-.Ltmp0, $3  }
0x1d: {  	_ =	sdelay $0x1  }
0x1e: {  	s17 =	sshra.s32 s16, $0x2;
	s16 =	sadd.s32 $0x200, s16  }
0x1f: {  	[spmem:s3] =	stream.indirect.scatter.add.f32 [tilespmem:s10], [sflag:$0x1], $0x1, s17, s13, $0xb8;
	[tilespmem:$0x2B00] =	vst v63  }
0x20: {  	_ =	swait.ge [sflag:s14], $0x7D  }
0x21: {  	s16 =	simm.s32 $0x4F;
	[sflag:s14] =	ssyncset.done $0x0  }
.LBB2_4:
0x22: {  	p0 =	sne.s32 s16, $0x1;
	s16 =	sadd.s32 $0xFFFFFFFF, s16;
	[sflag:s14] =	ssyncadd.s32 $0xFFFFFF83  }
.Ltmp1:
0x23: {  	(pc) =	sbr.rel @p0 .LBB2_4-.Ltmp1, $3  }
0x24: {  	_ =	sdelay $0x1  }
0x25: {  	_ =	swait.ge [sflag:s14], $0x7D  }
0x26: {  	[sflag:s14] =	ssyncset.done $0x0  }
0x27: {  	s15 =	sadd.s32 $0x1, s15  }
0x28: {  	[sflag:s14] =	ssyncadd.s32 $0xFFFFFF83;
	p0 =	sne.s32 s15, s8  }
.Ltmp2:
0x29: {  	[bflag:$0x0] =	sbarrier.arrive $0xFFFF;
	(pc) =	sbr.rel @p0 .LBB2_1-.Ltmp2, $4  }
0x2a: {  	[hbm:s7], [sflag:s11] =	dma.local [spmem:s12], $0x50  }
0x2b: {  	_ =	swait.ge [sflag:s9], $0x50  }
0x2c: {  	[sflag:s9] =	ssyncset.done $0x0  }
0x2d: {  	[sflag:s9] =	ssyncadd.s32 $0xFFFFFFB0  }
0x2e: {  	_ =	sfence.sel $0x180000  }
0x2f: {  	[bflag:$0x0] =	sbarrier.arrive $0xFFFF  }
0x30: {  	p0 =	sne.s32 s0, $0x0;
	_ =	strace $0x90000047  }
0x31: {  	s0 =	sadd.s32 @!p0 $0x100000, s1;
	[bflag:$0x2] =	sbarrier.arrive $0xFFFF  }
0x32: {  	[sflag:s0] =	ssyncadd.tile.s32 @!p0 $0x1;
	_ =	shalt  }
.Lfunc_end2:
_tile_overlayer_lowered:
.L_overlay_start_2:
0x33: {  	(tag) =	ssettag $0x2  }
0x34: {  	s0 =	rddreg [dreg:$0x0];
	s2 =	stileid.u32  }
0x35: {  	s1 =	rddreg [dreg:$0x1];
	p0 =	sne.s32 s2, $0x0  }
0x36: {  	s3 =	rddreg [dreg:$0x2];
	[bflag:$0x3] =	sbarrier.arrive $0xFFFF;
	s2 =	simm.s32 @!p0 $0x1C02  }
0x37: {  	[timem:s3], [sflag:s2] =	dma.local @!p0 [hbm:s0], s1  }
0x38: {  	s0 =	simm.s32 @!p0 $0x2  }
0x39: {  	_ =	swait.ge @!p0 [sflag:s0], s1  }
0x3a: {  	s1 =	ssub.s32 @!p0 $0x0, s1;
	[sflag:s0] =	ssyncset.done @!p0 $0x0  }
0x3b: {  	[sflag:s0] =	ssyncadd.s32 @!p0 s1  }
0x3c: {  	[bflag:$0x3] =	sbarrier.arrive $0xFFFF  }
0x3d: {  	_ =	shalt  }

// kernel: kernel.13.cloned.1.call-start
scs
__scs_entry_jumppad:
0x0: {  	(pc) =	sbr.rel $0x88, $3  }
0x1: {  	(tag) =	ssettag $0x0;
	lr =	simm.s32 $0x1  }
0x2: {  	[smem:$0x3F99] =	sst lr;
	_ =	strace $0xD0000000  }
0x3: {  	_ = 	snop  }
0x4: {  	_ = 	snop  }
0x5: {  	_ = 	snop  }
0x6: {  	_ = 	snop  }
0x7: {  	_ = 	snop  }
__scs_overlays_trampoline_lowered:
0x8: {  	[smem:$0x3FA8] =	sst s0  }
0x9: {  	[smem:$0x3FA9] =	sst s1  }
0xa: {  	[smem:$0x3FAA] =	sst s2  }
0xb: {  	[smem:$0x3FAB] =	sst s3  }
0xc: {  	[smem:$0x3FAC] =	sst s4  }
0xd: {  	[smem:$0x3FAD] =	sst s5  }
0xe: {  	[smem:$0x3FAE] =	sst s6  }
0xf: {  	[smem:$0x3FAF] =	sst s7  }
0x10: {  	[smem:$0x3FB0] =	sst s8  }
0x11: {  	[smem:$0x3FB1] =	sst s9;
	s0 =	simm.s32 @!p0 $0x0  }
0x12: {  	s1 =	sld [smem:$0x3F97];
	s0 =	simm.s32 @p0 $0x1  }
0x13: {  	[smem:$0x3FB2] =	sst s0;
	s0 =	simm.s32 @!p1 $0x0  }
0x14: {  	s2 =	sld [smem:$0x3F96];
	s0 =	simm.s32 @p1 $0x1  }
0x15: {  	[smem:$0x3FB3] =	sst s0;
	s0 =	simm.s32 @!p2 $0x0  }
0x16: {  	s3 =	sld [smem:$0x3FDB];
	s0 =	simm.s32 @p2 $0x1  }
0x17: {  	s4 =	simm.s32 $0x1BF5;
	[smem:$0x3FB5] =	sst s0  }
0x18: {  	s0 =	sld [smem:$0x3F98];
	_ =	swait.ge [sflag:s4], $0x0  }
0x19: {  	s7 =	sld [smem:$0x3F99]  }
0x1a: {  	s8 =	sadd.s32 $0xFFFFE003, lr  }
0x1b: {  	s9 =	sadd.s32 $0xFFFFFEF7, lr;
	s5 =	simm.s32 $0xFFFFFFFF;
	p2 =	slt.u32 s8, $0xFFFFF086  }
0x1c: {  	p1 =	slt.u32 s9, $0xF7A;
	s5 =	simm.s32 @!p2 $0x0  }
0x1d: {  	s5 =	simm.s32 @p1 $0x1;
	p0 =	seq.s32 s7, s2  }
0x1e: {  	s7 =	smul.u32 @!p0 $0xF7A, s2;
	p2 =	seq.s32 @!p0 s5, $0x0  }
0x1f: {  	s9 =	smul.u32 $0xF7A, s1;
	s8 =	simm.s32 @!p0 $0x1BF5;
	p2 =	por !p2, p0  }
0x20: {  	[sflag:s8] =	ssyncset.s32 @!p0 $0xFFFFF086;
	s6 =	sadd.s32 @!p0 s3, s7;
	s7 =	simm.s32 @!p0 $0x108  }
0x21: {  	s3 =	sadd.s32 s3, s9;
	s6 =	sadd.s32 @!p0 $0x88, s6;
	s7 =	simm.s32 @p2 $0x1082  }
0x22: {  	[simem:s7], [sflag:s8] =	dma.local @!p0 [hbm:s6], $0xF7A  }
0x23: {  	s9 =	sor.u32 $0xD0000000, s2;
	s6 =	simm.s32 $0x108;
	_ =	swait.ge @!p0 [sflag:s8], $0x0  }
0x24: {  	s3 =	sadd.s32 $0x88, s3;
	s6 =	simm.s32 @!p1 $0x1082;
	[sflag:s4] =	ssyncset.s32 $0xFFFFF086  }
0x25: {  	[simem:s6], [sflag:s4] =	dma.local [hbm:s3], $0xF7A  }
0x26: {  	[smem:$0x3F99] =	sst s1;
	(tag) =	ssettag s2;
	_ =	strace s9  }
0x27: {  	s1 =	sld [smem:$0x3FA9]  }
0x28: {  	s2 =	sld [smem:$0x3FAA]  }
0x29: {  	s4 =	sld [smem:$0x3FAC]  }
0x2a: {  	p0 =	seq.s32 s5, $0x0;
	s5 =	sld [smem:$0x3FAD]  }
0x2b: {  	s6 =	sld [smem:$0x3FAE]  }
0x2c: {  	s7 =	sld [smem:$0x3FAF]  }
0x2d: {  	s3 =	simm.s32 $0x108;
	s8 =	sld [smem:$0x3FB0]  }
0x2e: {  	s3 =	simm.s32 @!p0 $0x1082;
	s9 =	sld [smem:$0x3FB1]  }
0x2f: {  	lr =	sadd.s32 s0, s3;
	s0 =	sld [smem:$0x3FA8]  }
0x30: {  	s3 =	sld [smem:$0x3FAB]  }
0x31: {  	[smem:$0x3FB4] =	sst s10  }
0x32: {  	s10 =	sld [smem:$0x3FB2];
	_ =	sdelay $0x3  }
0x33: {  	p0 =	seq.s32 s10, $0x1;
	s10 =	sld [smem:$0x3FB4];
	_ =	sdelay $0x3  }
0x34: {  	[smem:$0x3FB4] =	sst s10  }
0x35: {  	s10 =	sld [smem:$0x3FB3];
	_ =	sdelay $0x3  }
0x36: {  	p1 =	seq.s32 s10, $0x1;
	s10 =	sld [smem:$0x3FB4];
	_ =	sdelay $0x3  }
0x37: {  	[smem:$0x3FB4] =	sst s10  }
0x38: {  	s10 =	sld [smem:$0x3FB5]  }
0x39: {  	_ = 	snop;
	(pc) =	sbr.ind lr, $3  }
0x3a: {  	_ = 	snop  }
0x3b: {  	_ = 	snop  }
0x3c: {  	p2 =	seq.s32 s10, $0x1;
	s10 =	sld [smem:$0x3FB4]  }
0x3d: {  	_ =	shalt  }
0x3e: {  	_ =	shalt  }
0x3f: {  	_ =	shalt  }
0x40: {  	_ =	shalt  }
0x41: {  	_ =	shalt  }
0x42: {  	_ =	shalt  }
0x43: {  	_ =	shalt  }
0x44: {  	_ =	shalt  }
0x45: {  	_ =	shalt  }
0x46: {  	_ =	shalt  }
0x47: {  	_ =	shalt  }
0x48: {  	_ =	shalt  }
0x49: {  	_ =	shalt  }
0x4a: {  	_ =	shalt  }
0x4b: {  	_ =	shalt  }
0x4c: {  	_ =	shalt  }
0x4d: {  	_ =	shalt  }
0x4e: {  	_ =	shalt  }
0x4f: {  	_ =	shalt  }
0x50: {  	_ =	shalt  }
0x51: {  	_ =	shalt  }
0x52: {  	_ =	shalt  }
0x53: {  	_ =	shalt  }
0x54: {  	_ =	shalt  }
0x55: {  	_ =	shalt  }
0x56: {  	_ =	shalt  }
0x57: {  	_ =	shalt  }
0x58: {  	_ =	shalt  }
0x59: {  	_ =	shalt  }
0x5a: {  	_ =	shalt  }
0x5b: {  	_ =	shalt  }
0x5c: {  	_ =	shalt  }
0x5d: {  	_ =	shalt  }
0x5e: {  	_ =	shalt  }
0x5f: {  	_ =	shalt  }
0x60: {  	_ =	shalt  }
0x61: {  	_ =	shalt  }
0x62: {  	_ =	shalt  }
0x63: {  	_ =	shalt  }
0x64: {  	_ =	shalt  }
0x65: {  	_ =	shalt  }
0x66: {  	_ =	shalt  }
0x67: {  	_ =	shalt  }
0x68: {  	_ =	shalt  }
0x69: {  	_ =	shalt  }
0x6a: {  	_ =	shalt  }
0x6b: {  	_ =	shalt  }
0x6c: {  	_ =	shalt  }
0x6d: {  	_ =	shalt  }
0x6e: {  	_ =	shalt  }
0x6f: {  	_ =	shalt  }
0x70: {  	_ =	shalt  }
0x71: {  	_ =	shalt  }
0x72: {  	_ =	shalt  }
0x73: {  	_ =	shalt  }
0x74: {  	_ =	shalt  }
0x75: {  	_ =	shalt  }
0x76: {  	_ =	shalt  }
0x77: {  	_ =	shalt  }
0x78: {  	_ =	shalt  }
0x79: {  	_ =	shalt  }
0x7a: {  	_ =	shalt  }
0x7b: {  	_ =	shalt  }
0x7c: {  	_ =	shalt  }
0x7d: {  	_ =	shalt  }
0x7e: {  	_ =	shalt  }
0x7f: {  	_ =	shalt  }
0x80: {  	_ =	shalt  }
0x81: {  	_ =	shalt  }
0x82: {  	_ =	shalt  }
0x83: {  	_ =	shalt  }
0x84: {  	_ =	shalt  }
0x85: {  	_ =	shalt  }
0x86: {  	_ =	shalt  }
0x87: {  	_ =	shalt  }
.Lfunc_end0:
.L_simem_size_0:
called_computation.1_lowered:
.L_overlay_start_0:
0x88: {  	s2 =	sld [smem:$0x3FD9]  }
0x89: {  	s3 =	sld [smem:$0x3FFE];
	_ =	sdelay $0x1  }
0x8a: {  	s1 =	srdreg.scid  }
0x8b: {  	s0 =	sand.u32 $0x1, s1  }
0x8c: {  	s16 =	sshll.u32 s0, $0xA;
	s2 =	sadd.s32 s3, s2  }
0x8d: {  	s2 =	sadd.s32 s2, s16  }
0x8e: {  	[smem:$0x3FC0] =	sst s2  }
0x8f: {  	_ = 	snop  }
0x90: {  	(tm) =	ssettm $0x1  }
0x91: {  	s17 =	sld [smem:$0x3FFB];
	_ =	sdelay $0x3  }
0x92: {  	_ =	strace s17  }
0x93: {  	s2 =	sld [smem:$0x3FFC];
	_ =	sdelay $0x3  }
0x94: {  	_ =	strace s2  }
0x95: {  	s2 =	sld [smem:$0x3FFD];
	_ =	sdelay $0x3  }
0x96: {  	_ =	strace s2  }
0x97: {  	_ =	strace $0x8FFFFFFF  }
0x98: {  	s18 =	sld [smem:$0x3FDB];
	_ =	sdelay $0x1  }
0x99: {  	s19 =	simm.s32 $_scs_section_size  }
0x9a: {  	s4 =	simm.s32 $_size__tile_overlayer_lowered;
	s5 =	simm.s32 $_tile_overlayer_lowered  }
0x9b: {  	s22 =	simm.s32 $0x1BFF;
	s21 =	sshll.u32 s5, $0x1;
	s2 =	sadd.s32 s19, s18  }
0x9c: {  	s6 =	simm.s32 $0x0;
	s20 =	sshll.u32 s4, $0x1;
	s4 =	sadd.s32 s21, s2  }
0x9d: {  	[timem:s6], [sflag:s22] =	dma.local [hbm:s4], s20  }
0x9e: {  	_ =	swait.ge [sflag:s22], s20  }
0x9f: {  	s3 =	ssub.s32 $0x0, s20;
	[sflag:s22] =	ssyncset.done $0x0  }
0xa0: {  	[sflag:s22] =	ssyncadd.s32 s3;
	_ =	sdelay $0x1  }
0xa1: {  	s23 =	simm.s32 $0x1B8B  }
0xa2: {  	_ =	swait.ge [sflag:s23], $0x1  }
0xa3: {  	[sflag:s23] =	ssyncset.done $0x0  }
0xa4: {  	s25 =	simm.s32 $0x1B8E;
	s24 =	sld [smem:$0x3FFE];
	[sflag:s23] =	ssyncadd.s32 $0xFFFFFFFF  }
0xa5: {  	s26 =	simm.s32 $execute0_lowered;
	[smem:$0x3FD2] =	sst s25  }
0xa6: {  	s4 =	sshll.u32 s26, $0x1;
	_ =	strace $0x80000049;
	[dreg:$0x1] =	wrdreg $0xFFFFFFFF  }
0xa7: {  	s28 =	simm.s32 $_size_execute0_lowered;
	s2 =	sadd.s32 s2, s4;
	[dreg:$0x0] =	wrdreg $0x0  }
0xa8: {  	s4 =	sshll.u32 s28, $0x1;
	[dreg:$0x2] =	wrdreg s2  }
0xa9: {  	[dreg:$0x3] =	wrdreg s4  }
0xaa: {  	[dreg:$0x4] =	wrdreg $0xC0  }
0xab: {  	_ =	task [dreg:s6], $0x5FFFF  }
0xac: {  	[dreg:$0x1] =	wrdreg $0xFFFFFFFF  }
0xad: {  	[dreg:$0x0] =	wrdreg $0x60  }
0xae: {  	[dreg:$0x2] =	wrdreg s24  }
0xaf: {  	[dreg:$0x3] =	wrdreg $0x10B800  }
0xb0: {  	[dreg:$0x4] =	wrdreg $0x9  }
0xb1: {  	_ =	task.clear_ibuf [dreg:s6], $0x5FFFF;
	_ =	strace $0x90000049  }
0xb2: {  	s29 =	simm.s32 $0x9;
	_ =	strace $0x8000004B  }
0xb3: {  	_ =	swait.ge [sflag:s29], $0x1  }
0xb4: {  	[sflag:s29] =	ssyncadd.s32 $0xFFFFFFFF  }
0xb5: {  	_ =	strace $0x9000004B  }
0xb6: {  	_ =	sfence  }
0xb7: {  	s30 =	sld [smem:$0x0];
	_ =	sdelay $0x2  }
0xb8: {  	s31 =	sshll.u32 s1, $0xD;
	s1 =	sshrl.u32 s1, $0x2  }
0xb9: {  	s3 =	sand.u32 $0x4000, s31;
	s1 =	sadd.s32 s1, s30  }
0xba: {  	s0 =	sor.u32 s3, s0;
	s1 =	sshll.u32 s1, $0x11  }
0xbb: {  	s0 =	sor.u32 s1, s0  }
0xbc: {  	s0 =	sadd.s32 $0x8F2B, s0  }
0xbd: {  	[sflag:s0] =	ssyncadd.remote.s32 $0x1  }
0xbe: {  	_ =	sfence.sel $0xFFFF  }
0xbf: {  	[dreg:$0x0] =	wrdreg $0xFFFFFFFF;
	(pc) =	sbr.abs _section_cstart, $3  }
0xc0: {  	[dreg:$0x1] =	wrdreg $0xFFFFFFFF  }
0xc1: {  	_ =	task.clear_ibuf [dreg:s6], $0x2FFFF;
	_ =	strace $0x9FFFFFFF  }
0xc2: {  	(tm) =	ssettm $0x7FFFFFFF  }
0xc3: {  	_ =	shalt  }
tec
execute0_lowered:
.L_overlay_start_1:
0x0: {  	(tag) =	ssettag $0x1  }
0x1: {  	s0 =	srdreg.scid;
	s3 =	rddreg [dreg:$0x0]  }
0x2: {  	s8 =	stileid.u32;
	s2 =	rddreg [dreg:$0x1]  }
0x3: {  	s5 =	simm.s32 $0x0;
	s10 =	simm.s32 $0x11;
	s14 =	simm.s32 $0x7D  }
0x4: {  	s15 =	simm.s32 $0x5000;
	s17 =	simm.s32 $0x6770;
	s19 =	simm.s32 $0x7EE0  }
0x5: {  	s28 =	simm.s32 $0xDCA0;
	s29 =	simm.s32 $0x4;
	s30 =	simm.s32 $0xF410  }
0x6: {  	s31 =	simm.s32 $0x5;
	s11 =	simm.s32 $0xB;
	s16 =	simm.s32 $0x8  }
0x7: {  	s18 =	simm.s32 $0xC;
	s0 =	sand.u32 $0x1, s0;
	s4 =	smul.u32 $0xF00, s8  }
0x8: {  	[smem:$0x7FF] =	sst s5;
	s7 =	smul.u32 $0x7800, s8;
	s26 =	sshll.u32 s8, $0x6  }
0x9: {  	s1 =	sshll.u32 s0, $0x4;
	s21 =	smul.u32 $0xF000, s0;
	_ =	strace $0x8000004A  }
0xa: {  	s0 =	ssub.s32 $0x2, s0;
	s12 =	sor.u32 $0x1C11, s26;
	s26 =	simm.s32 $0x3  }
0xb: {  	s1 =	sor.u32 s8, s1;
	s6 =	sshrl.u32 s0, $0x1;
	s23 =	sshrl.u32 s7, $0x3  }
0xc: {  	s24 =	sadd.s32 s7, s2;
	s8 =	simm.s32 $0x0;
	s1 =	smul.u32 $0x500, s1  }
0xd: {  	s5 =	sadd.s32 s4, s21;
	s4 =	sadd.s32 $0x16200, s3;
	s0 =	ssub.s32 s0, s6  }
0xe: {  	s13 =	sshrl.u32 s24, $0x3;
	s21 =	simm.s32 $0x9650;
	s24 =	simm.s32 $0x2  }
0xf: {  	s0 =	smax.u32 s0, $0x1;
	s1 =	sadd.s32 s1, s3;
	s3 =	sadd.s32 s5, s3  }
.Ltmp0:
0x10: {  	[dreg:$0x7] =	wrdreg s0;
	s22 =	sadd.s32 $0xC200, s1;
	(pc) =	sbr.rel .LBB2_1-.Ltmp0, $4  }
0x11: {  	s0 =	simm.s32 $0x7;
	s1 =	sadd.s32 $0x1800, s1;
	[dreg:$0x3] =	wrdreg s22  }
0x12: {  	s25 =	sadd.s32 $0x25200, s3;
	[dreg:$0x4] =	wrdreg s1;
	s1 =	sadd.s32 s4, s23  }
0x13: {  	[dreg:$0x6] =	wrdreg s25;
	s22 =	simm.s32 $0x1;
	s23 =	simm.s32 $0xADC0  }
0x14: {  	s25 =	simm.s32 $0xC530;
	[dreg:$0x5] =	wrdreg s1;
	s1 =	simm.s32 $0x9  }
.LBB2_4:
0x15: {  	_ =	swait.ge [sflag:s16], $0x1770  }
0x16: {  	[sflag:s16] =	ssyncset.done $0x0  }
0x17: {  	[sflag:s16] =	ssyncadd.s32 $0xFFFFE890  }
0x18: {  	[spmem:s2] =	stream.indirect.scatter.add.f32 [tilespmem:s30], [sflag:$0x10], $0x30, s20, s14, $0xb8;
	[tilespmem:$0x18380] =	vst v63  }
0x19: {  	_ =	swait.ge [sflag:s18], $0x1770  }
0x1a: {  	[sflag:s18] =	ssyncset.done $0x0  }
0x1b: {  	s3 =	simm.s32 $0xD;
	[sflag:s18] =	ssyncadd.s32 $0xFFFFE890  }
0x1c: {  	_ =	swait.ge [sflag:s3], $0x1770  }
0x1d: {  	[sflag:s3] =	ssyncset.done $0x0  }
0x1e: {  	s5 =	simm.s32 $0xE;
	[sflag:s3] =	ssyncadd.s32 $0xFFFFE890  }
0x1f: {  	_ =	swait.ge [sflag:s5], $0x1770  }
0x20: {  	[sflag:s5] =	ssyncset.done $0x0  }
0x21: {  	s6 =	simm.s32 $0xF;
	[sflag:s5] =	ssyncadd.s32 $0xFFFFE890  }
0x22: {  	_ =	swait.ge [sflag:s6], $0x1770  }
0x23: {  	[sflag:s6] =	ssyncset.done $0x0  }
0x24: {  	s7 =	simm.s32 $0x10;
	[sflag:s6] =	ssyncadd.s32 $0xFFFFE890  }
0x25: {  	_ =	swait.ge [sflag:s7], $0x1770  }
0x26: {  	[sflag:s7] =	ssyncset.done $0x0  }
0x27: {  	[sflag:s7] =	ssyncadd.s32 $0xFFFFE890  }
0x28: {  	[bflag:$0x0] =	sbarrier.arrive $0xFFFF  }
0x29: {  	s9 =	rddreg [dreg:$0x6]  }
0x2a: {  	[hbm:s9], [sflag:s12] =	dma.local [spmem:s13], $0xF00  }
0x2b: {  	_ =	swait.ge [sflag:s10], $0xF00  }
0x2c: {  	s8 =	sadd.s32 $0x1, s8;
	s20 =	rddreg [dreg:$0x7]  }
0x2d: {  	p0 =	sne.s32 s8, s20  }
.Ltmp1:
0x2e: {  	_ = 	snop;
	(pc) =	sbr.rel @!p0 .LBB2_5-.Ltmp1, $3  }
0x2f: {  	_ =	sdelay $0x1  }
0x30: {  	[sflag:s10] =	ssyncset.done $0x0  }
0x31: {  	[sflag:s10] =	ssyncadd.s32 $0xFFFFF100  }
.LBB2_1:
0x32: {  	s3 =	simm.s32 $0x0;
	s5 =	rddreg [dreg:$0x3]  }
0x33: {  	[tilespmem:s3], [sflag:$0x11] =	stream.linear.gather [hbm4b:s5+s3], $0x2800, $0x38;
	[tilespmem:$0x18380] =	vst v63  }
0x34: {  	_ =	swait.ge [sflag:s10], $0x2800  }
0x35: {  	[sflag:s10] =	ssyncset.done $0x0  }
0x36: {  	s6 =	simm.s32 $0x2800;
	s20 =	rddreg [dreg:$0x4];
	[sflag:s10] =	ssyncadd.s32 $0xFFFFD800  }
0x37: {  	[tilespmem:s6], [sflag:$0x11] =	stream.linear.gather [hbm4b:s20+s3], $0x2800, $0x38;
	[tilespmem:$0x18380] =	vst v63  }
0x38: {  	_ =	swait.ge [sflag:s10], $0x2800  }
0x39: {  	[sflag:s10] =	ssyncset.done $0x0  }
0x3a: {  	s6 =	rddreg [dreg:$0x5];
	[sflag:s10] =	ssyncadd.s32 $0xFFFFD800  }
0x3b: {  	[spmem:s13], [sflag:s12] =	dma.local [hbm:s6], $0xF00  }
0x3c: {  	_ =	swait.ge [sflag:s10], $0xF00  }
0x3d: {  	[sflag:s10] =	ssyncset.done $0x0  }
0x3e: {  	[sflag:s10] =	ssyncadd.s32 $0xFFFFF100  }
0x3f: {  	[bflag:$0x0] =	sbarrier.arrive $0xFFFF  }
0x40: {  	[tilespmem:s15], [sflag:$0x1] =	stream.indirect.gather [hbm4b:s4+s14], $0x30, s3, s14, $0xb8;
	[tilespmem:$0x18380] =	vst v63  }
0x41: {  	s7 =	simm.s32 $0x80  }
0x42: {  	[tilespmem:s17], [sflag:$0x2] =	stream.indirect.gather [hbm4b:s4+s14], $0x30, s7, s14, $0xb8;
	[tilespmem:$0x18380] =	vst v63  }
0x43: {  	s9 =	simm.s32 $0x100  }
0x44: {  	[tilespmem:s19], [sflag:$0x3] =	stream.indirect.gather [hbm4b:s4+s14], $0x30, s9, s14, $0xb8;
	[tilespmem:$0x18380] =	vst v63  }
0x45: {  	s20 =	simm.s32 $0x180;
	s9 =	simm.s32 $0x0  }
0x46: {  	[tilespmem:s21], [sflag:$0x4] =	stream.indirect.gather [hbm4b:s4+s14], $0x30, s20, s14, $0xb8;
	[tilespmem:$0x18380] =	vst v63  }
.LBB2_2:
0x47: {  	_ =	swait.ge [sflag:s22], $0x1770  }
0x48: {  	s3 =	sshra.s32 s9, $0x2;
	[sflag:s22] =	ssyncset.done $0x0  }
0x49: {  	p0 =	seq.s32 s9, $0x0;
	s20 =	sadd.s32 $0x2800, s3;
	[sflag:s22] =	ssyncadd.s32 $0xFFFFE890  }
0x4a: {  	[spmem:s2] =	stream.indirect.scatter.add.f32 [tilespmem:s15], [sflag:$0x9], $0x30, s20, s14, $0xb8;
	[tilespmem:$0x18380] =	vst v63  }
0x4b: {  	s20 =	simm.s32 @!p0 $0xD  }
0x4c: {  	_ =	swait.ge @!p0 [sflag:s20], $0x1770  }
0x4d: {  	[sflag:s20] =	ssyncset.done @!p0 $0x0  }
0x4e: {  	s6 =	sadd.s32 $0x200, s3;
	[sflag:s20] =	ssyncadd.s32 @!p0 $0xFFFFE890  }
0x4f: {  	[tilespmem:s23], [sflag:$0x5] =	stream.indirect.gather [hbm4b:s4+s14], $0x30, s6, s14, $0xb8;
	[tilespmem:$0x18380] =	vst v63  }
0x50: {  	_ =	swait.ge [sflag:s24], $0x1770  }
0x51: {  	[sflag:s24] =	ssyncset.done $0x0  }
0x52: {  	s7 =	sadd.s32 $0x2880, s3;
	s20 =	simm.s32 @!p0 $0xE;
	[sflag:s24] =	ssyncadd.s32 $0xFFFFE890  }
0x53: {  	[spmem:s2] =	stream.indirect.scatter.add.f32 [tilespmem:s17], [sflag:$0xA], $0x30, s7, s14, $0xb8;
	[tilespmem:$0x18380] =	vst v63  }
0x54: {  	_ =	swait.ge @!p0 [sflag:s20], $0x1770  }
0x55: {  	[sflag:s20] =	ssyncset.done @!p0 $0x0  }
0x56: {  	s5 =	sadd.s32 $0x280, s3;
	[sflag:s20] =	ssyncadd.s32 @!p0 $0xFFFFE890  }
0x57: {  	[tilespmem:s25], [sflag:$0x6] =	stream.indirect.gather [hbm4b:s4+s14], $0x30, s5, s14, $0xb8;
	[tilespmem:$0x18380] =	vst v63  }
0x58: {  	_ =	swait.ge [sflag:s26], $0x1770  }
0x59: {  	[sflag:s26] =	ssyncset.done $0x0  }
0x5a: {  	s6 =	sadd.s32 $0x2900, s3;
	s20 =	simm.s32 @!p0 $0xF;
	[sflag:s26] =	ssyncadd.s32 $0xFFFFE890  }
0x5b: {  	[spmem:s2] =	stream.indirect.scatter.add.f32 [tilespmem:s19], [sflag:$0xB], $0x30, s6, s14, $0xb8;
	[tilespmem:$0x18380] =	vst v63  }
0x5c: {  	_ =	swait.ge @!p0 [sflag:s20], $0x1770  }
0x5d: {  	[sflag:s20] =	ssyncset.done @!p0 $0x0  }
0x5e: {  	s7 =	sadd.s32 $0x300, s3;
	[sflag:s20] =	ssyncadd.s32 @!p0 $0xFFFFE890  }
0x5f: {  	[tilespmem:s28], [sflag:$0x7] =	stream.indirect.gather [hbm4b:s4+s14], $0x30, s7, s14, $0xb8;
	[tilespmem:$0x18380] =	vst v63  }
0x60: {  	_ =	swait.ge [sflag:s29], $0x1770  }
0x61: {  	[sflag:s29] =	ssyncset.done $0x0  }
0x62: {  	s5 =	sadd.s32 $0x2980, s3;
	s20 =	simm.s32 @!p0 $0x10;
	[sflag:s29] =	ssyncadd.s32 $0xFFFFE890  }
0x63: {  	[spmem:s2] =	stream.indirect.scatter.add.f32 [tilespmem:s21], [sflag:$0xC], $0x30, s5, s14, $0xb8;
	[tilespmem:$0x18380] =	vst v63  }
0x64: {  	_ =	swait.ge @!p0 [sflag:s20], $0x1770  }
0x65: {  	[sflag:s20] =	ssyncset.done @!p0 $0x0  }
0x66: {  	s6 =	sadd.s32 $0x380, s3;
	[sflag:s20] =	ssyncadd.s32 @!p0 $0xFFFFE890  }
0x67: {  	[tilespmem:s30], [sflag:$0x8] =	stream.indirect.gather [hbm4b:s4+s14], $0x30, s6, s14, $0xb8;
	[tilespmem:$0x18380] =	vst v63  }
0x68: {  	_ =	swait.ge [sflag:s31], $0x1770  }
0x69: {  	[sflag:s31] =	ssyncset.done $0x0  }
0x6a: {  	s7 =	sadd.s32 $0x2A00, s3;
	[sflag:s31] =	ssyncadd.s32 $0xFFFFE890  }
0x6b: {  	[spmem:s2] =	stream.indirect.scatter.add.f32 [tilespmem:s23], [sflag:$0xD], $0x30, s7, s14, $0xb8;
	[tilespmem:$0x18380] =	vst v63  }
0x6c: {  	_ =	swait.ge [sflag:s1], $0x1770  }
0x6d: {  	p0 =	seq.s32 s9, $0x9000;
	[sflag:s1] =	ssyncset.done $0x0  }
0x6e: {  	s20 =	simm.s32 @p0 $0x6;
	[sflag:s1] =	ssyncadd.s32 $0xFFFFE890  }
0x6f: {  	_ =	swait.ge @p0 [sflag:s20], $0x1770  }
0x70: {  	[sflag:s20] =	ssyncset.done @p0 $0x0  }
0x71: {  	[sflag:s20] =	ssyncadd.s32 @p0 $0xFFFFE890;
	s20 =	sshra.s32 @p0 s9, $0x2  }
0x72: {  	s5 =	simm.s32 @p0 $0x7D;
	s6 =	simm.s32 @p0 $0xC530;
	s20 =	sadd.s32 @p0 $0x2A80, s20  }
0x73: {  	[spmem:s2] =	stream.indirect.scatter.add.f32 @p0 [tilespmem:s6], [sflag:$0xE], $0x30, s20, s5, $0xb8;
	[tilespmem:$0x18380] =	vst v63  }
0x74: {  	s5 =	simm.s32 @p0 $0xA  }
0x75: {  	_ =	swait.ge @p0 [sflag:s5], $0x1770  }
0x76: {  	[sflag:s5] =	ssyncset.done @p0 $0x0  }
0x77: {  	[sflag:s5] =	ssyncadd.s32 @p0 $0xFFFFE890;
	s5 =	sshra.s32 @!p0 s9, $0x2  }
0x78: {  	s7 =	simm.s32 @!p0 $0x5000;
	s20 =	simm.s32 @!p0 $0x7D;
	s6 =	sadd.s32 @!p0 $0x400, s5  }
0x79: {  	[tilespmem:s7], [sflag:$0x1] =	stream.indirect.gather @!p0 [hbm4b:s4+s20], $0x30, s6, s20, $0xb8;
	[tilespmem:$0x18380] =	vst v63  }
0x7a: {  	s6 =	simm.s32 @!p0 $0x6  }
0x7b: {  	_ =	swait.ge @!p0 [sflag:s6], $0x1770  }
0x7c: {  	[sflag:s6] =	ssyncset.done @!p0 $0x0  }
0x7d: {  	s7 =	simm.s32 @!p0 $0xC530;
	[sflag:s6] =	ssyncadd.s32 @!p0 $0xFFFFE890;
	s6 =	sadd.s32 @!p0 $0x2A80, s5  }
0x7e: {  	[spmem:s2] =	stream.indirect.scatter.add.f32 @!p0 [tilespmem:s7], [sflag:$0xE], $0x30, s6, s20, $0xb8;
	[tilespmem:$0x18380] =	vst v63  }
0x7f: {  	s6 =	simm.s32 @!p0 $0xA  }
0x80: {  	_ =	swait.ge @!p0 [sflag:s6], $0x1770  }
0x81: {  	[sflag:s6] =	ssyncset.done @!p0 $0x0  }
0x82: {  	s5 =	sadd.s32 @!p0 $0x480, s5;
	[sflag:s6] =	ssyncadd.s32 @!p0 $0xFFFFE890;
	s6 =	simm.s32 @!p0 $0x6770  }
0x83: {  	[tilespmem:s6], [sflag:$0x2] =	stream.indirect.gather @!p0 [hbm4b:s4+s20], $0x30, s5, s20, $0xb8;
	[tilespmem:$0x18380] =	vst v63  }
0x84: {  	_ =	swait.ge [sflag:s0], $0x1770  }
0x85: {  	[sflag:s0] =	ssyncset.done $0x0  }
.Ltmp2:
0x86: {  	s20 =	sadd.s32 $0x2B00, s3;
	[sflag:s0] =	ssyncadd.s32 $0xFFFFE890;
	(pc) =	sbr.rel @p0 .LBB2_4-.Ltmp2, $4  }
0x87: {  	[spmem:s2] =	stream.indirect.scatter.add.f32 [tilespmem:s28], [sflag:$0xF], $0x30, s20, s14, $0xb8;
	[tilespmem:$0x18380] =	vst v63  }
0x88: {  	_ =	swait.ge [sflag:s11], $0x1770  }
0x89: {  	[sflag:s11] =	ssyncset.done $0x0  }
0x8a: {  	s20 =	sadd.s32 $0x2B80, s3;
	[sflag:s11] =	ssyncadd.s32 $0xFFFFE890  }
0x8b: {  	s5 =	sadd.s32 $0x500, s3  }
0x8c: {  	[tilespmem:s19], [sflag:$0x3] =	stream.indirect.gather [hbm4b:s4+s14], $0x30, s5, s14, $0xb8;
	[tilespmem:$0x18380] =	vst v63  }
0x8d: {  	_ =	swait.ge [sflag:s16], $0x1770  }
0x8e: {  	[sflag:s16] =	ssyncset.done $0x0  }
0x8f: {  	[sflag:s16] =	ssyncadd.s32 $0xFFFFE890  }
0x90: {  	[spmem:s2] =	stream.indirect.scatter.add.f32 [tilespmem:s30], [sflag:$0x10], $0x30, s20, s14, $0xb8;
	[tilespmem:$0x18380] =	vst v63  }
.Ltmp3:
0x91: {  	_ = 	snop;
	(pc) =	sbr.rel .LBB2_2-.Ltmp3, $4  }
0x92: {  	_ =	swait.ge [sflag:s18], $0x1770  }
0x93: {  	[sflag:s18] =	ssyncset.done $0x0  }
0x94: {  	s9 =	sadd.s32 $0x1000, s9;
	s20 =	sadd.s32 $0x580, s3;
	[sflag:s18] =	ssyncadd.s32 $0xFFFFE890  }
0x95: {  	[tilespmem:s21], [sflag:$0x4] =	stream.indirect.gather [hbm4b:s4+s14], $0x30, s20, s14, $0xb8;
	[tilespmem:$0x18380] =	vst v63  }
.LBB2_5:
0x96: {  	_ =	sfence.sel $0x180000  }
0x97: {  	[bflag:$0x0] =	sbarrier.arrive $0xFFFF  }
0x98: {  	_ =	strace $0x9000004A  }
0x99: {  	s0 =	stileid.u32;
	[bflag:$0x2] =	sbarrier.arrive $0xFFFF  }
0x9a: {  	p0 =	sne.s32 s0, $0x0;
	s0 =	rddreg [dreg:$0x2]  }
0x9b: {  	s0 =	sadd.s32 @!p0 $0x100000, s0  }
0x9c: {  	[sflag:s0] =	ssyncadd.tile.s32 @!p0 $0x1;
	_ =	shalt  }
.Lfunc_end2:
_tile_overlayer_lowered:
.L_overlay_start_2:
0x9d: {  	(tag) =	ssettag $0x2  }
0x9e: {  	s0 =	rddreg [dreg:$0x0];
	s2 =	stileid.u32  }
0x9f: {  	s1 =	rddreg [dreg:$0x1];
	p0 =	sne.s32 s2, $0x0  }
0xa0: {  	s3 =	rddreg [dreg:$0x2];
	[bflag:$0x3] =	sbarrier.arrive $0xFFFF;
	s2 =	simm.s32 @!p0 $0x1C11  }
0xa1: {  	[timem:s3], [sflag:s2] =	dma.local @!p0 [hbm:s0], s1  }
0xa2: {  	s0 =	simm.s32 @!p0 $0x11  }
0xa3: {  	_ =	swait.ge @!p0 [sflag:s0], s1  }
0xa4: {  	s1 =	ssub.s32 @!p0 $0x0, s1;
	[sflag:s0] =	ssyncset.done @!p0 $0x0  }
0xa5: {  	[sflag:s0] =	ssyncadd.s32 @!p0 s1  }
0xa6: {  	[bflag:$0x3] =	sbarrier.arrive $0xFFFF  }
0xa7: {  	_ =	shalt  }

// kernel: kernel.16.cloned.1.call-start
scs
__scs_entry_jumppad:
0x0: {  	(pc) =	sbr.rel $0x88, $3  }
0x1: {  	(tag) =	ssettag $0x0;
	lr =	simm.s32 $0x1  }
0x2: {  	[smem:$0x3F99] =	sst lr;
	_ =	strace $0xD0000000  }
0x3: {  	_ = 	snop  }
0x4: {  	_ = 	snop  }
0x5: {  	_ = 	snop  }
0x6: {  	_ = 	snop  }
0x7: {  	_ = 	snop  }
__scs_overlays_trampoline_lowered:
0x8: {  	[smem:$0x3FA8] =	sst s0  }
0x9: {  	[smem:$0x3FA9] =	sst s1  }
0xa: {  	[smem:$0x3FAA] =	sst s2  }
0xb: {  	[smem:$0x3FAB] =	sst s3  }
0xc: {  	[smem:$0x3FAC] =	sst s4  }
0xd: {  	[smem:$0x3FAD] =	sst s5  }
0xe: {  	[smem:$0x3FAE] =	sst s6  }
0xf: {  	[smem:$0x3FAF] =	sst s7  }
0x10: {  	[smem:$0x3FB0] =	sst s8  }
0x11: {  	[smem:$0x3FB1] =	sst s9;
	s0 =	simm.s32 @!p0 $0x0  }
0x12: {  	s1 =	sld [smem:$0x3F97];
	s0 =	simm.s32 @p0 $0x1  }
0x13: {  	[smem:$0x3FB2] =	sst s0;
	s0 =	simm.s32 @!p1 $0x0  }
0x14: {  	s2 =	sld [smem:$0x3F96];
	s0 =	simm.s32 @p1 $0x1  }
0x15: {  	[smem:$0x3FB3] =	sst s0;
	s0 =	simm.s32 @!p2 $0x0  }
0x16: {  	s3 =	sld [smem:$0x3FDB];
	s0 =	simm.s32 @p2 $0x1  }
0x17: {  	s4 =	simm.s32 $0x1BF5;
	[smem:$0x3FB5] =	sst s0  }
0x18: {  	s0 =	sld [smem:$0x3F98];
	_ =	swait.ge [sflag:s4], $0x0  }
0x19: {  	s7 =	sld [smem:$0x3F99]  }
0x1a: {  	s8 =	sadd.s32 $0xFFFFE003, lr  }
0x1b: {  	s9 =	sadd.s32 $0xFFFFFEF7, lr;
	s5 =	simm.s32 $0xFFFFFFFF;
	p2 =	slt.u32 s8, $0xFFFFF086  }
0x1c: {  	p1 =	slt.u32 s9, $0xF7A;
	s5 =	simm.s32 @!p2 $0x0  }
0x1d: {  	s5 =	simm.s32 @p1 $0x1;
	p0 =	seq.s32 s7, s2  }
0x1e: {  	s7 =	smul.u32 @!p0 $0xF7A, s2;
	p2 =	seq.s32 @!p0 s5, $0x0  }
0x1f: {  	s9 =	smul.u32 $0xF7A, s1;
	s8 =	simm.s32 @!p0 $0x1BF5;
	p2 =	por !p2, p0  }
0x20: {  	[sflag:s8] =	ssyncset.s32 @!p0 $0xFFFFF086;
	s6 =	sadd.s32 @!p0 s3, s7;
	s7 =	simm.s32 @!p0 $0x108  }
0x21: {  	s3 =	sadd.s32 s3, s9;
	s6 =	sadd.s32 @!p0 $0x88, s6;
	s7 =	simm.s32 @p2 $0x1082  }
0x22: {  	[simem:s7], [sflag:s8] =	dma.local @!p0 [hbm:s6], $0xF7A  }
0x23: {  	s9 =	sor.u32 $0xD0000000, s2;
	s6 =	simm.s32 $0x108;
	_ =	swait.ge @!p0 [sflag:s8], $0x0  }
0x24: {  	s3 =	sadd.s32 $0x88, s3;
	s6 =	simm.s32 @!p1 $0x1082;
	[sflag:s4] =	ssyncset.s32 $0xFFFFF086  }
0x25: {  	[simem:s6], [sflag:s4] =	dma.local [hbm:s3], $0xF7A  }
0x26: {  	[smem:$0x3F99] =	sst s1;
	(tag) =	ssettag s2;
	_ =	strace s9  }
0x27: {  	s1 =	sld [smem:$0x3FA9]  }
0x28: {  	s2 =	sld [smem:$0x3FAA]  }
0x29: {  	s4 =	sld [smem:$0x3FAC]  }
0x2a: {  	p0 =	seq.s32 s5, $0x0;
	s5 =	sld [smem:$0x3FAD]  }
0x2b: {  	s6 =	sld [smem:$0x3FAE]  }
0x2c: {  	s7 =	sld [smem:$0x3FAF]  }
0x2d: {  	s3 =	simm.s32 $0x108;
	s8 =	sld [smem:$0x3FB0]  }
0x2e: {  	s3 =	simm.s32 @!p0 $0x1082;
	s9 =	sld [smem:$0x3FB1]  }
0x2f: {  	lr =	sadd.s32 s0, s3;
	s0 =	sld [smem:$0x3FA8]  }
0x30: {  	s3 =	sld [smem:$0x3FAB]  }
0x31: {  	[smem:$0x3FB4] =	sst s10  }
0x32: {  	s10 =	sld [smem:$0x3FB2];
	_ =	sdelay $0x3  }
0x33: {  	p0 =	seq.s32 s10, $0x1;
	s10 =	sld [smem:$0x3FB4];
	_ =	sdelay $0x3  }
0x34: {  	[smem:$0x3FB4] =	sst s10  }
0x35: {  	s10 =	sld [smem:$0x3FB3];
	_ =	sdelay $0x3  }
0x36: {  	p1 =	seq.s32 s10, $0x1;
	s10 =	sld [smem:$0x3FB4];
	_ =	sdelay $0x3  }
0x37: {  	[smem:$0x3FB4] =	sst s10  }
0x38: {  	s10 =	sld [smem:$0x3FB5]  }
0x39: {  	_ = 	snop;
	(pc) =	sbr.ind lr, $3  }
0x3a: {  	_ = 	snop  }
0x3b: {  	_ = 	snop  }
0x3c: {  	p2 =	seq.s32 s10, $0x1;
	s10 =	sld [smem:$0x3FB4]  }
0x3d: {  	_ =	shalt  }
0x3e: {  	_ =	shalt  }
0x3f: {  	_ =	shalt  }
0x40: {  	_ =	shalt  }
0x41: {  	_ =	shalt  }
0x42: {  	_ =	shalt  }
0x43: {  	_ =	shalt  }
0x44: {  	_ =	shalt  }
0x45: {  	_ =	shalt  }
0x46: {  	_ =	shalt  }
0x47: {  	_ =	shalt  }
0x48: {  	_ =	shalt  }
0x49: {  	_ =	shalt  }
0x4a: {  	_ =	shalt  }
0x4b: {  	_ =	shalt  }
0x4c: {  	_ =	shalt  }
0x4d: {  	_ =	shalt  }
0x4e: {  	_ =	shalt  }
0x4f: {  	_ =	shalt  }
0x50: {  	_ =	shalt  }
0x51: {  	_ =	shalt  }
0x52: {  	_ =	shalt  }
0x53: {  	_ =	shalt  }
0x54: {  	_ =	shalt  }
0x55: {  	_ =	shalt  }
0x56: {  	_ =	shalt  }
0x57: {  	_ =	shalt  }
0x58: {  	_ =	shalt  }
0x59: {  	_ =	shalt  }
0x5a: {  	_ =	shalt  }
0x5b: {  	_ =	shalt  }
0x5c: {  	_ =	shalt  }
0x5d: {  	_ =	shalt  }
0x5e: {  	_ =	shalt  }
0x5f: {  	_ =	shalt  }
0x60: {  	_ =	shalt  }
0x61: {  	_ =	shalt  }
0x62: {  	_ =	shalt  }
0x63: {  	_ =	shalt  }
0x64: {  	_ =	shalt  }
0x65: {  	_ =	shalt  }
0x66: {  	_ =	shalt  }
0x67: {  	_ =	shalt  }
0x68: {  	_ =	shalt  }
0x69: {  	_ =	shalt  }
0x6a: {  	_ =	shalt  }
0x6b: {  	_ =	shalt  }
0x6c: {  	_ =	shalt  }
0x6d: {  	_ =	shalt  }
0x6e: {  	_ =	shalt  }
0x6f: {  	_ =	shalt  }
0x70: {  	_ =	shalt  }
0x71: {  	_ =	shalt  }
0x72: {  	_ =	shalt  }
0x73: {  	_ =	shalt  }
0x74: {  	_ =	shalt  }
0x75: {  	_ =	shalt  }
0x76: {  	_ =	shalt  }
0x77: {  	_ =	shalt  }
0x78: {  	_ =	shalt  }
0x79: {  	_ =	shalt  }
0x7a: {  	_ =	shalt  }
0x7b: {  	_ =	shalt  }
0x7c: {  	_ =	shalt  }
0x7d: {  	_ =	shalt  }
0x7e: {  	_ =	shalt  }
0x7f: {  	_ =	shalt  }
0x80: {  	_ =	shalt  }
0x81: {  	_ =	shalt  }
0x82: {  	_ =	shalt  }
0x83: {  	_ =	shalt  }
0x84: {  	_ =	shalt  }
0x85: {  	_ =	shalt  }
0x86: {  	_ =	shalt  }
0x87: {  	_ =	shalt  }
.Lfunc_end0:
.L_simem_size_0:
called_computation.2_lowered:
.L_overlay_start_0:
0x88: {  	s2 =	sld [smem:$0x3FD9]  }
0x89: {  	s3 =	sld [smem:$0x3FFE];
	_ =	sdelay $0x1  }
0x8a: {  	s1 =	srdreg.scid  }
0x8b: {  	s0 =	sand.u32 $0x1, s1  }
0x8c: {  	s16 =	sshll.u32 s0, $0xA;
	s2 =	sadd.s32 s3, s2  }
0x8d: {  	s2 =	sadd.s32 s2, s16  }
0x8e: {  	[smem:$0x3FC0] =	sst s2  }
0x8f: {  	_ = 	snop  }
0x90: {  	(tm) =	ssettm $0x1  }
0x91: {  	s17 =	sld [smem:$0x3FFB];
	_ =	sdelay $0x3  }
0x92: {  	_ =	strace s17  }
0x93: {  	s2 =	sld [smem:$0x3FFC];
	_ =	sdelay $0x3  }
0x94: {  	_ =	strace s2  }
0x95: {  	s2 =	sld [smem:$0x3FFD];
	_ =	sdelay $0x3  }
0x96: {  	_ =	strace s2  }
0x97: {  	_ =	strace $0x8FFFFFFF  }
0x98: {  	s18 =	sld [smem:$0x3FDB];
	_ =	sdelay $0x1  }
0x99: {  	s19 =	simm.s32 $_scs_section_size  }
0x9a: {  	s4 =	simm.s32 $_size__tile_overlayer_lowered;
	s5 =	simm.s32 $_tile_overlayer_lowered  }
0x9b: {  	s22 =	simm.s32 $0x1BFF;
	s21 =	sshll.u32 s5, $0x1;
	s2 =	sadd.s32 s19, s18  }
0x9c: {  	s6 =	simm.s32 $0x0;
	s20 =	sshll.u32 s4, $0x1;
	s4 =	sadd.s32 s21, s2  }
0x9d: {  	[timem:s6], [sflag:s22] =	dma.local [hbm:s4], s20  }
0x9e: {  	_ =	swait.ge [sflag:s22], s20  }
0x9f: {  	s3 =	ssub.s32 $0x0, s20;
	[sflag:s22] =	ssyncset.done $0x0  }
0xa0: {  	[sflag:s22] =	ssyncadd.s32 s3;
	_ =	sdelay $0x1  }
0xa1: {  	s23 =	simm.s32 $0x1B8B  }
0xa2: {  	_ =	swait.ge [sflag:s23], $0x1  }
0xa3: {  	[sflag:s23] =	ssyncset.done $0x0  }
0xa4: {  	s25 =	simm.s32 $0x1B8E;
	s24 =	sld [smem:$0x3FFE];
	[sflag:s23] =	ssyncadd.s32 $0xFFFFFFFF  }
0xa5: {  	s26 =	simm.s32 $execute0_lowered;
	[smem:$0x3FD2] =	sst s25  }
0xa6: {  	s4 =	sshll.u32 s26, $0x1;
	_ =	strace $0x8000004C;
	[dreg:$0x1] =	wrdreg $0xFFFFFFFF  }
0xa7: {  	s28 =	simm.s32 $_size_execute0_lowered;
	s2 =	sadd.s32 s2, s4;
	[dreg:$0x0] =	wrdreg $0x0  }
0xa8: {  	s4 =	sshll.u32 s28, $0x1;
	[dreg:$0x2] =	wrdreg s2  }
0xa9: {  	[dreg:$0x3] =	wrdreg s4  }
0xaa: {  	[dreg:$0x4] =	wrdreg $0xC0  }
0xab: {  	_ =	task [dreg:s6], $0x5FFFF  }
0xac: {  	[dreg:$0x1] =	wrdreg $0xFFFFFFFF  }
0xad: {  	[dreg:$0x0] =	wrdreg $0x60  }
0xae: {  	[dreg:$0x2] =	wrdreg s24  }
0xaf: {  	[dreg:$0x3] =	wrdreg $0x10B800  }
0xb0: {  	[dreg:$0x4] =	wrdreg $0x9  }
0xb1: {  	_ =	task.clear_ibuf [dreg:s6], $0x5FFFF;
	_ =	strace $0x9000004C  }
0xb2: {  	s29 =	simm.s32 $0x9;
	_ =	strace $0x8000004E  }
0xb3: {  	_ =	swait.ge [sflag:s29], $0x1  }
0xb4: {  	[sflag:s29] =	ssyncadd.s32 $0xFFFFFFFF  }
0xb5: {  	_ =	strace $0x9000004E  }
0xb6: {  	_ =	sfence  }
0xb7: {  	s30 =	sld [smem:$0x0];
	_ =	sdelay $0x2  }
0xb8: {  	s31 =	sshll.u32 s1, $0xD;
	s1 =	sshrl.u32 s1, $0x2  }
0xb9: {  	s3 =	sand.u32 $0x4000, s31;
	s1 =	sadd.s32 s1, s30  }
0xba: {  	s0 =	sor.u32 s3, s0;
	s1 =	sshll.u32 s1, $0x11  }
0xbb: {  	s0 =	sor.u32 s1, s0  }
0xbc: {  	s0 =	sadd.s32 $0x8F2B, s0  }
0xbd: {  	[sflag:s0] =	ssyncadd.remote.s32 $0x1  }
0xbe: {  	_ =	sfence.sel $0xFFFF  }
0xbf: {  	[dreg:$0x0] =	wrdreg $0xFFFFFFFF;
	(pc) =	sbr.abs _section_cstart, $3  }
0xc0: {  	[dreg:$0x1] =	wrdreg $0xFFFFFFFF  }
0xc1: {  	_ =	task.clear_ibuf [dreg:s6], $0x2FFFF;
	_ =	strace $0x9FFFFFFF  }
0xc2: {  	(tm) =	ssettm $0x7FFFFFFF  }
0xc3: {  	_ =	shalt  }
tec
execute0_lowered:
.L_overlay_start_1:
0x0: {  	(tag) =	ssettag $0x1  }
0x1: {  	s0 =	srdreg.scid;
	s3 =	rddreg [dreg:$0x0]  }
0x2: {  	s8 =	stileid.u32;
	s2 =	rddreg [dreg:$0x1]  }
0x3: {  	s5 =	simm.s32 $0x0;
	s10 =	simm.s32 $0x11;
	s14 =	simm.s32 $0x7D  }
0x4: {  	s15 =	simm.s32 $0x5000;
	s17 =	simm.s32 $0x6770;
	s19 =	simm.s32 $0x7EE0  }
0x5: {  	s28 =	simm.s32 $0xDCA0;
	s29 =	simm.s32 $0x4;
	s30 =	simm.s32 $0xF410  }
0x6: {  	s31 =	simm.s32 $0x5;
	s11 =	simm.s32 $0xB;
	s16 =	simm.s32 $0x8  }
0x7: {  	s18 =	simm.s32 $0xC;
	s0 =	sand.u32 $0x1, s0;
	s4 =	smul.u32 $0xF00, s8  }
0x8: {  	[smem:$0x7FF] =	sst s5;
	s7 =	smul.u32 $0x7800, s8;
	s26 =	sshll.u32 s8, $0x6  }
0x9: {  	s1 =	sshll.u32 s0, $0x4;
	s21 =	smul.u32 $0xF000, s0;
	_ =	strace $0x8000004D  }
0xa: {  	s0 =	ssub.s32 $0x2, s0;
	s12 =	sor.u32 $0x1C11, s26;
	s26 =	simm.s32 $0x3  }
0xb: {  	s1 =	sor.u32 s8, s1;
	s6 =	sshrl.u32 s0, $0x1;
	s23 =	sshrl.u32 s7, $0x3  }
0xc: {  	s24 =	sadd.s32 s7, s2;
	s8 =	simm.s32 $0x0;
	s1 =	smul.u32 $0x500, s1  }
0xd: {  	s5 =	sadd.s32 s4, s21;
	s4 =	sadd.s32 $0x16200, s3;
	s0 =	ssub.s32 s0, s6  }
0xe: {  	s13 =	sshrl.u32 s24, $0x3;
	s21 =	simm.s32 $0x9650;
	s24 =	simm.s32 $0x2  }
0xf: {  	s0 =	smax.u32 s0, $0x1;
	s1 =	sadd.s32 s1, s3;
	s3 =	sadd.s32 s5, s3  }
.Ltmp0:
0x10: {  	[dreg:$0x7] =	wrdreg s0;
	s22 =	sadd.s32 $0xC200, s1;
	(pc) =	sbr.rel .LBB2_1-.Ltmp0, $4  }
0x11: {  	s0 =	simm.s32 $0x7;
	s1 =	sadd.s32 $0x1800, s1;
	[dreg:$0x3] =	wrdreg s22  }
0x12: {  	s25 =	sadd.s32 $0x25200, s3;
	[dreg:$0x4] =	wrdreg s1;
	s1 =	sadd.s32 s4, s23  }
0x13: {  	[dreg:$0x6] =	wrdreg s25;
	s22 =	simm.s32 $0x1;
	s23 =	simm.s32 $0xADC0  }
0x14: {  	s25 =	simm.s32 $0xC530;
	[dreg:$0x5] =	wrdreg s1;
	s1 =	simm.s32 $0x9  }
.LBB2_4:
0x15: {  	_ =	swait.ge [sflag:s16], $0x1770  }
0x16: {  	[sflag:s16] =	ssyncset.done $0x0  }
0x17: {  	[sflag:s16] =	ssyncadd.s32 $0xFFFFE890  }
0x18: {  	[spmem:s2] =	stream.indirect.scatter.add.f32 [tilespmem:s30], [sflag:$0x10], $0x30, s20, s14, $0xb8;
	[tilespmem:$0x18380] =	vst v63  }
0x19: {  	_ =	swait.ge [sflag:s18], $0x1770  }
0x1a: {  	[sflag:s18] =	ssyncset.done $0x0  }
0x1b: {  	s3 =	simm.s32 $0xD;
	[sflag:s18] =	ssyncadd.s32 $0xFFFFE890  }
0x1c: {  	_ =	swait.ge [sflag:s3], $0x1770  }
0x1d: {  	[sflag:s3] =	ssyncset.done $0x0  }
0x1e: {  	s5 =	simm.s32 $0xE;
	[sflag:s3] =	ssyncadd.s32 $0xFFFFE890  }
0x1f: {  	_ =	swait.ge [sflag:s5], $0x1770  }
0x20: {  	[sflag:s5] =	ssyncset.done $0x0  }
0x21: {  	s6 =	simm.s32 $0xF;
	[sflag:s5] =	ssyncadd.s32 $0xFFFFE890  }
0x22: {  	_ =	swait.ge [sflag:s6], $0x1770  }
0x23: {  	[sflag:s6] =	ssyncset.done $0x0  }
0x24: {  	s7 =	simm.s32 $0x10;
	[sflag:s6] =	ssyncadd.s32 $0xFFFFE890  }
0x25: {  	_ =	swait.ge [sflag:s7], $0x1770  }
0x26: {  	[sflag:s7] =	ssyncset.done $0x0  }
0x27: {  	[sflag:s7] =	ssyncadd.s32 $0xFFFFE890  }
0x28: {  	[bflag:$0x0] =	sbarrier.arrive $0xFFFF  }
0x29: {  	s9 =	rddreg [dreg:$0x6]  }
0x2a: {  	[hbm:s9], [sflag:s12] =	dma.local [spmem:s13], $0xF00  }
0x2b: {  	_ =	swait.ge [sflag:s10], $0xF00  }
0x2c: {  	s8 =	sadd.s32 $0x1, s8;
	s20 =	rddreg [dreg:$0x7]  }
0x2d: {  	p0 =	sne.s32 s8, s20  }
.Ltmp1:
0x2e: {  	_ = 	snop;
	(pc) =	sbr.rel @!p0 .LBB2_5-.Ltmp1, $3  }
0x2f: {  	_ =	sdelay $0x1  }
0x30: {  	[sflag:s10] =	ssyncset.done $0x0  }
0x31: {  	[sflag:s10] =	ssyncadd.s32 $0xFFFFF100  }
.LBB2_1:
0x32: {  	s3 =	simm.s32 $0x0;
	s5 =	rddreg [dreg:$0x3]  }
0x33: {  	[tilespmem:s3], [sflag:$0x11] =	stream.linear.gather [hbm4b:s5+s3], $0x2800, $0x38;
	[tilespmem:$0x18380] =	vst v63  }
0x34: {  	_ =	swait.ge [sflag:s10], $0x2800  }
0x35: {  	[sflag:s10] =	ssyncset.done $0x0  }
0x36: {  	s6 =	simm.s32 $0x2800;
	s20 =	rddreg [dreg:$0x4];
	[sflag:s10] =	ssyncadd.s32 $0xFFFFD800  }
0x37: {  	[tilespmem:s6], [sflag:$0x11] =	stream.linear.gather [hbm4b:s20+s3], $0x2800, $0x38;
	[tilespmem:$0x18380] =	vst v63  }
0x38: {  	_ =	swait.ge [sflag:s10], $0x2800  }
0x39: {  	[sflag:s10] =	ssyncset.done $0x0  }
0x3a: {  	s6 =	rddreg [dreg:$0x5];
	[sflag:s10] =	ssyncadd.s32 $0xFFFFD800  }
0x3b: {  	[spmem:s13], [sflag:s12] =	dma.local [hbm:s6], $0xF00  }
0x3c: {  	_ =	swait.ge [sflag:s10], $0xF00  }
0x3d: {  	[sflag:s10] =	ssyncset.done $0x0  }
0x3e: {  	[sflag:s10] =	ssyncadd.s32 $0xFFFFF100  }
0x3f: {  	[bflag:$0x0] =	sbarrier.arrive $0xFFFF  }
0x40: {  	[tilespmem:s15], [sflag:$0x1] =	stream.indirect.gather [hbm4b:s4+s14], $0x30, s3, s14, $0xb8;
	[tilespmem:$0x18380] =	vst v63  }
0x41: {  	s7 =	simm.s32 $0x80  }
0x42: {  	[tilespmem:s17], [sflag:$0x2] =	stream.indirect.gather [hbm4b:s4+s14], $0x30, s7, s14, $0xb8;
	[tilespmem:$0x18380] =	vst v63  }
0x43: {  	s9 =	simm.s32 $0x100  }
0x44: {  	[tilespmem:s19], [sflag:$0x3] =	stream.indirect.gather [hbm4b:s4+s14], $0x30, s9, s14, $0xb8;
	[tilespmem:$0x18380] =	vst v63  }
0x45: {  	s20 =	simm.s32 $0x180;
	s9 =	simm.s32 $0x0  }
0x46: {  	[tilespmem:s21], [sflag:$0x4] =	stream.indirect.gather [hbm4b:s4+s14], $0x30, s20, s14, $0xb8;
	[tilespmem:$0x18380] =	vst v63  }
.LBB2_2:
0x47: {  	_ =	swait.ge [sflag:s22], $0x1770  }
0x48: {  	s3 =	sshra.s32 s9, $0x2;
	[sflag:s22] =	ssyncset.done $0x0  }
0x49: {  	p0 =	seq.s32 s9, $0x0;
	s20 =	sadd.s32 $0x2800, s3;
	[sflag:s22] =	ssyncadd.s32 $0xFFFFE890  }
0x4a: {  	[spmem:s2] =	stream.indirect.scatter.add.f32 [tilespmem:s15], [sflag:$0x9], $0x30, s20, s14, $0xb8;
	[tilespmem:$0x18380] =	vst v63  }
0x4b: {  	s20 =	simm.s32 @!p0 $0xD  }
0x4c: {  	_ =	swait.ge @!p0 [sflag:s20], $0x1770  }
0x4d: {  	[sflag:s20] =	ssyncset.done @!p0 $0x0  }
0x4e: {  	s6 =	sadd.s32 $0x200, s3;
	[sflag:s20] =	ssyncadd.s32 @!p0 $0xFFFFE890  }
0x4f: {  	[tilespmem:s23], [sflag:$0x5] =	stream.indirect.gather [hbm4b:s4+s14], $0x30, s6, s14, $0xb8;
	[tilespmem:$0x18380] =	vst v63  }
0x50: {  	_ =	swait.ge [sflag:s24], $0x1770  }
0x51: {  	[sflag:s24] =	ssyncset.done $0x0  }
0x52: {  	s7 =	sadd.s32 $0x2880, s3;
	s20 =	simm.s32 @!p0 $0xE;
	[sflag:s24] =	ssyncadd.s32 $0xFFFFE890  }
0x53: {  	[spmem:s2] =	stream.indirect.scatter.add.f32 [tilespmem:s17], [sflag:$0xA], $0x30, s7, s14, $0xb8;
	[tilespmem:$0x18380] =	vst v63  }
0x54: {  	_ =	swait.ge @!p0 [sflag:s20], $0x1770  }
0x55: {  	[sflag:s20] =	ssyncset.done @!p0 $0x0  }
0x56: {  	s5 =	sadd.s32 $0x280, s3;
	[sflag:s20] =	ssyncadd.s32 @!p0 $0xFFFFE890  }
0x57: {  	[tilespmem:s25], [sflag:$0x6] =	stream.indirect.gather [hbm4b:s4+s14], $0x30, s5, s14, $0xb8;
	[tilespmem:$0x18380] =	vst v63  }
0x58: {  	_ =	swait.ge [sflag:s26], $0x1770  }
0x59: {  	[sflag:s26] =	ssyncset.done $0x0  }
0x5a: {  	s6 =	sadd.s32 $0x2900, s3;
	s20 =	simm.s32 @!p0 $0xF;
	[sflag:s26] =	ssyncadd.s32 $0xFFFFE890  }
0x5b: {  	[spmem:s2] =	stream.indirect.scatter.add.f32 [tilespmem:s19], [sflag:$0xB], $0x30, s6, s14, $0xb8;
	[tilespmem:$0x18380] =	vst v63  }
0x5c: {  	_ =	swait.ge @!p0 [sflag:s20], $0x1770  }
0x5d: {  	[sflag:s20] =	ssyncset.done @!p0 $0x0  }
0x5e: {  	s7 =	sadd.s32 $0x300, s3;
	[sflag:s20] =	ssyncadd.s32 @!p0 $0xFFFFE890  }
0x5f: {  	[tilespmem:s28], [sflag:$0x7] =	stream.indirect.gather [hbm4b:s4+s14], $0x30, s7, s14, $0xb8;
	[tilespmem:$0x18380] =	vst v63  }
0x60: {  	_ =	swait.ge [sflag:s29], $0x1770  }
0x61: {  	[sflag:s29] =	ssyncset.done $0x0  }
0x62: {  	s5 =	sadd.s32 $0x2980, s3;
	s20 =	simm.s32 @!p0 $0x10;
	[sflag:s29] =	ssyncadd.s32 $0xFFFFE890  }
0x63: {  	[spmem:s2] =	stream.indirect.scatter.add.f32 [tilespmem:s21], [sflag:$0xC], $0x30, s5, s14, $0xb8;
	[tilespmem:$0x18380] =	vst v63  }
0x64: {  	_ =	swait.ge @!p0 [sflag:s20], $0x1770  }
0x65: {  	[sflag:s20] =	ssyncset.done @!p0 $0x0  }
0x66: {  	s6 =	sadd.s32 $0x380, s3;
	[sflag:s20] =	ssyncadd.s32 @!p0 $0xFFFFE890  }
0x67: {  	[tilespmem:s30], [sflag:$0x8] =	stream.indirect.gather [hbm4b:s4+s14], $0x30, s6, s14, $0xb8;
	[tilespmem:$0x18380] =	vst v63  }
0x68: {  	_ =	swait.ge [sflag:s31], $0x1770  }
0x69: {  	[sflag:s31] =	ssyncset.done $0x0  }
0x6a: {  	s7 =	sadd.s32 $0x2A00, s3;
	[sflag:s31] =	ssyncadd.s32 $0xFFFFE890  }
0x6b: {  	[spmem:s2] =	stream.indirect.scatter.add.f32 [tilespmem:s23], [sflag:$0xD], $0x30, s7, s14, $0xb8;
	[tilespmem:$0x18380] =	vst v63  }
0x6c: {  	_ =	swait.ge [sflag:s1], $0x1770  }
0x6d: {  	p0 =	seq.s32 s9, $0x9000;
	[sflag:s1] =	ssyncset.done $0x0  }
0x6e: {  	s20 =	simm.s32 @p0 $0x6;
	[sflag:s1] =	ssyncadd.s32 $0xFFFFE890  }
0x6f: {  	_ =	swait.ge @p0 [sflag:s20], $0x1770  }
0x70: {  	[sflag:s20] =	ssyncset.done @p0 $0x0  }
0x71: {  	[sflag:s20] =	ssyncadd.s32 @p0 $0xFFFFE890;
	s20 =	sshra.s32 @p0 s9, $0x2  }
0x72: {  	s5 =	simm.s32 @p0 $0x7D;
	s6 =	simm.s32 @p0 $0xC530;
	s20 =	sadd.s32 @p0 $0x2A80, s20  }
0x73: {  	[spmem:s2] =	stream.indirect.scatter.add.f32 @p0 [tilespmem:s6], [sflag:$0xE], $0x30, s20, s5, $0xb8;
	[tilespmem:$0x18380] =	vst v63  }
0x74: {  	s5 =	simm.s32 @p0 $0xA  }
0x75: {  	_ =	swait.ge @p0 [sflag:s5], $0x1770  }
0x76: {  	[sflag:s5] =	ssyncset.done @p0 $0x0  }
0x77: {  	[sflag:s5] =	ssyncadd.s32 @p0 $0xFFFFE890;
	s5 =	sshra.s32 @!p0 s9, $0x2  }
0x78: {  	s7 =	simm.s32 @!p0 $0x5000;
	s20 =	simm.s32 @!p0 $0x7D;
	s6 =	sadd.s32 @!p0 $0x400, s5  }
0x79: {  	[tilespmem:s7], [sflag:$0x1] =	stream.indirect.gather @!p0 [hbm4b:s4+s20], $0x30, s6, s20, $0xb8;
	[tilespmem:$0x18380] =	vst v63  }
0x7a: {  	s6 =	simm.s32 @!p0 $0x6  }
0x7b: {  	_ =	swait.ge @!p0 [sflag:s6], $0x1770  }
0x7c: {  	[sflag:s6] =	ssyncset.done @!p0 $0x0  }
0x7d: {  	s7 =	simm.s32 @!p0 $0xC530;
	[sflag:s6] =	ssyncadd.s32 @!p0 $0xFFFFE890;
	s6 =	sadd.s32 @!p0 $0x2A80, s5  }
0x7e: {  	[spmem:s2] =	stream.indirect.scatter.add.f32 @!p0 [tilespmem:s7], [sflag:$0xE], $0x30, s6, s20, $0xb8;
	[tilespmem:$0x18380] =	vst v63  }
0x7f: {  	s6 =	simm.s32 @!p0 $0xA  }
0x80: {  	_ =	swait.ge @!p0 [sflag:s6], $0x1770  }
0x81: {  	[sflag:s6] =	ssyncset.done @!p0 $0x0  }
0x82: {  	s5 =	sadd.s32 @!p0 $0x480, s5;
	[sflag:s6] =	ssyncadd.s32 @!p0 $0xFFFFE890;
	s6 =	simm.s32 @!p0 $0x6770  }
0x83: {  	[tilespmem:s6], [sflag:$0x2] =	stream.indirect.gather @!p0 [hbm4b:s4+s20], $0x30, s5, s20, $0xb8;
	[tilespmem:$0x18380] =	vst v63  }
0x84: {  	_ =	swait.ge [sflag:s0], $0x1770  }
0x85: {  	[sflag:s0] =	ssyncset.done $0x0  }
.Ltmp2:
0x86: {  	s20 =	sadd.s32 $0x2B00, s3;
	[sflag:s0] =	ssyncadd.s32 $0xFFFFE890;
	(pc) =	sbr.rel @p0 .LBB2_4-.Ltmp2, $4  }
0x87: {  	[spmem:s2] =	stream.indirect.scatter.add.f32 [tilespmem:s28], [sflag:$0xF], $0x30, s20, s14, $0xb8;
	[tilespmem:$0x18380] =	vst v63  }
0x88: {  	_ =	swait.ge [sflag:s11], $0x1770  }
0x89: {  	[sflag:s11] =	ssyncset.done $0x0  }
0x8a: {  	s20 =	sadd.s32 $0x2B80, s3;
	[sflag:s11] =	ssyncadd.s32 $0xFFFFE890  }
0x8b: {  	s5 =	sadd.s32 $0x500, s3  }
0x8c: {  	[tilespmem:s19], [sflag:$0x3] =	stream.indirect.gather [hbm4b:s4+s14], $0x30, s5, s14, $0xb8;
	[tilespmem:$0x18380] =	vst v63  }
0x8d: {  	_ =	swait.ge [sflag:s16], $0x1770  }
0x8e: {  	[sflag:s16] =	ssyncset.done $0x0  }
0x8f: {  	[sflag:s16] =	ssyncadd.s32 $0xFFFFE890  }
0x90: {  	[spmem:s2] =	stream.indirect.scatter.add.f32 [tilespmem:s30], [sflag:$0x10], $0x30, s20, s14, $0xb8;
	[tilespmem:$0x18380] =	vst v63  }
.Ltmp3:
0x91: {  	_ = 	snop;
	(pc) =	sbr.rel .LBB2_2-.Ltmp3, $4  }
0x92: {  	_ =	swait.ge [sflag:s18], $0x1770  }
0x93: {  	[sflag:s18] =	ssyncset.done $0x0  }
0x94: {  	s9 =	sadd.s32 $0x1000, s9;
	s20 =	sadd.s32 $0x580, s3;
	[sflag:s18] =	ssyncadd.s32 $0xFFFFE890  }
0x95: {  	[tilespmem:s21], [sflag:$0x4] =	stream.indirect.gather [hbm4b:s4+s14], $0x30, s20, s14, $0xb8;
	[tilespmem:$0x18380] =	vst v63  }
.LBB2_5:
0x96: {  	_ =	sfence.sel $0x180000  }
0x97: {  	[bflag:$0x0] =	sbarrier.arrive $0xFFFF  }
0x98: {  	_ =	strace $0x9000004D  }
0x99: {  	s0 =	stileid.u32;
	[bflag:$0x2] =	sbarrier.arrive $0xFFFF  }
0x9a: {  	p0 =	sne.s32 s0, $0x0;
	s0 =	rddreg [dreg:$0x2]  }
0x9b: {  	s0 =	sadd.s32 @!p0 $0x100000, s0  }
0x9c: {  	[sflag:s0] =	ssyncadd.tile.s32 @!p0 $0x1;
	_ =	shalt  }
.Lfunc_end2:
_tile_overlayer_lowered:
.L_overlay_start_2:
0x9d: {  	(tag) =	ssettag $0x2  }
0x9e: {  	s0 =	rddreg [dreg:$0x0];
	s2 =	stileid.u32  }
0x9f: {  	s1 =	rddreg [dreg:$0x1];
	p0 =	sne.s32 s2, $0x0  }
0xa0: {  	s3 =	rddreg [dreg:$0x2];
	[bflag:$0x3] =	sbarrier.arrive $0xFFFF;
	s2 =	simm.s32 @!p0 $0x1C11  }
0xa1: {  	[timem:s3], [sflag:s2] =	dma.local @!p0 [hbm:s0], s1  }
0xa2: {  	s0 =	simm.s32 @!p0 $0x11  }
0xa3: {  	_ =	swait.ge @!p0 [sflag:s0], s1  }
0xa4: {  	s1 =	ssub.s32 @!p0 $0x0, s1;
	[sflag:s0] =	ssyncset.done @!p0 $0x0  }
0xa5: {  	[sflag:s0] =	ssyncadd.s32 @!p0 s1  }
0xa6: {  	[bflag:$0x3] =	sbarrier.arrive $0xFFFF  }
0xa7: {  	_ =	shalt  }

// kernel: kernel.19.cloned.1.call-start
scs
__scs_entry_jumppad:
0x0: {  	(pc) =	sbr.rel $0x88, $3  }
0x1: {  	(tag) =	ssettag $0x0;
	lr =	simm.s32 $0x1  }
0x2: {  	[smem:$0x3F99] =	sst lr;
	_ =	strace $0xD0000000  }
0x3: {  	_ = 	snop  }
0x4: {  	_ = 	snop  }
0x5: {  	_ = 	snop  }
0x6: {  	_ = 	snop  }
0x7: {  	_ = 	snop  }
__scs_overlays_trampoline_lowered:
0x8: {  	[smem:$0x3FA8] =	sst s0  }
0x9: {  	[smem:$0x3FA9] =	sst s1  }
0xa: {  	[smem:$0x3FAA] =	sst s2  }
0xb: {  	[smem:$0x3FAB] =	sst s3  }
0xc: {  	[smem:$0x3FAC] =	sst s4  }
0xd: {  	[smem:$0x3FAD] =	sst s5  }
0xe: {  	[smem:$0x3FAE] =	sst s6  }
0xf: {  	[smem:$0x3FAF] =	sst s7  }
0x10: {  	[smem:$0x3FB0] =	sst s8  }
0x11: {  	[smem:$0x3FB1] =	sst s9;
	s0 =	simm.s32 @!p0 $0x0  }
0x12: {  	s1 =	sld [smem:$0x3F97];
	s0 =	simm.s32 @p0 $0x1  }
0x13: {  	[smem:$0x3FB2] =	sst s0;
	s0 =	simm.s32 @!p1 $0x0  }
0x14: {  	s2 =	sld [smem:$0x3F96];
	s0 =	simm.s32 @p1 $0x1  }
0x15: {  	[smem:$0x3FB3] =	sst s0;
	s0 =	simm.s32 @!p2 $0x0  }
0x16: {  	s3 =	sld [smem:$0x3FDB];
	s0 =	simm.s32 @p2 $0x1  }
0x17: {  	s4 =	simm.s32 $0x1BF5;
	[smem:$0x3FB5] =	sst s0  }
0x18: {  	s0 =	sld [smem:$0x3F98];
	_ =	swait.ge [sflag:s4], $0x0  }
0x19: {  	s7 =	sld [smem:$0x3F99]  }
0x1a: {  	s8 =	sadd.s32 $0xFFFFE003, lr  }
0x1b: {  	s9 =	sadd.s32 $0xFFFFFEF7, lr;
	s5 =	simm.s32 $0xFFFFFFFF;
	p2 =	slt.u32 s8, $0xFFFFF086  }
0x1c: {  	p1 =	slt.u32 s9, $0xF7A;
	s5 =	simm.s32 @!p2 $0x0  }
0x1d: {  	s5 =	simm.s32 @p1 $0x1;
	p0 =	seq.s32 s7, s2  }
0x1e: {  	s7 =	smul.u32 @!p0 $0xF7A, s2;
	p2 =	seq.s32 @!p0 s5, $0x0  }
0x1f: {  	s9 =	smul.u32 $0xF7A, s1;
	s8 =	simm.s32 @!p0 $0x1BF5;
	p2 =	por !p2, p0  }
0x20: {  	[sflag:s8] =	ssyncset.s32 @!p0 $0xFFFFF086;
	s6 =	sadd.s32 @!p0 s3, s7;
	s7 =	simm.s32 @!p0 $0x108  }
0x21: {  	s3 =	sadd.s32 s3, s9;
	s6 =	sadd.s32 @!p0 $0x88, s6;
	s7 =	simm.s32 @p2 $0x1082  }
0x22: {  	[simem:s7], [sflag:s8] =	dma.local @!p0 [hbm:s6], $0xF7A  }
0x23: {  	s9 =	sor.u32 $0xD0000000, s2;
	s6 =	simm.s32 $0x108;
	_ =	swait.ge @!p0 [sflag:s8], $0x0  }
0x24: {  	s3 =	sadd.s32 $0x88, s3;
	s6 =	simm.s32 @!p1 $0x1082;
	[sflag:s4] =	ssyncset.s32 $0xFFFFF086  }
0x25: {  	[simem:s6], [sflag:s4] =	dma.local [hbm:s3], $0xF7A  }
0x26: {  	[smem:$0x3F99] =	sst s1;
	(tag) =	ssettag s2;
	_ =	strace s9  }
0x27: {  	s1 =	sld [smem:$0x3FA9]  }
0x28: {  	s2 =	sld [smem:$0x3FAA]  }
0x29: {  	s4 =	sld [smem:$0x3FAC]  }
0x2a: {  	p0 =	seq.s32 s5, $0x0;
	s5 =	sld [smem:$0x3FAD]  }
0x2b: {  	s6 =	sld [smem:$0x3FAE]  }
0x2c: {  	s7 =	sld [smem:$0x3FAF]  }
0x2d: {  	s3 =	simm.s32 $0x108;
	s8 =	sld [smem:$0x3FB0]  }
0x2e: {  	s3 =	simm.s32 @!p0 $0x1082;
	s9 =	sld [smem:$0x3FB1]  }
0x2f: {  	lr =	sadd.s32 s0, s3;
	s0 =	sld [smem:$0x3FA8]  }
0x30: {  	s3 =	sld [smem:$0x3FAB]  }
0x31: {  	[smem:$0x3FB4] =	sst s10  }
0x32: {  	s10 =	sld [smem:$0x3FB2];
	_ =	sdelay $0x3  }
0x33: {  	p0 =	seq.s32 s10, $0x1;
	s10 =	sld [smem:$0x3FB4];
	_ =	sdelay $0x3  }
0x34: {  	[smem:$0x3FB4] =	sst s10  }
0x35: {  	s10 =	sld [smem:$0x3FB3];
	_ =	sdelay $0x3  }
0x36: {  	p1 =	seq.s32 s10, $0x1;
	s10 =	sld [smem:$0x3FB4];
	_ =	sdelay $0x3  }
0x37: {  	[smem:$0x3FB4] =	sst s10  }
0x38: {  	s10 =	sld [smem:$0x3FB5]  }
0x39: {  	_ = 	snop;
	(pc) =	sbr.ind lr, $3  }
0x3a: {  	_ = 	snop  }
0x3b: {  	_ = 	snop  }
0x3c: {  	p2 =	seq.s32 s10, $0x1;
	s10 =	sld [smem:$0x3FB4]  }
0x3d: {  	_ =	shalt  }
0x3e: {  	_ =	shalt  }
0x3f: {  	_ =	shalt  }
0x40: {  	_ =	shalt  }
0x41: {  	_ =	shalt  }
0x42: {  	_ =	shalt  }
0x43: {  	_ =	shalt  }
0x44: {  	_ =	shalt  }
0x45: {  	_ =	shalt  }
0x46: {  	_ =	shalt  }
0x47: {  	_ =	shalt  }
0x48: {  	_ =	shalt  }
0x49: {  	_ =	shalt  }
0x4a: {  	_ =	shalt  }
0x4b: {  	_ =	shalt  }
0x4c: {  	_ =	shalt  }
0x4d: {  	_ =	shalt  }
0x4e: {  	_ =	shalt  }
0x4f: {  	_ =	shalt  }
0x50: {  	_ =	shalt  }
0x51: {  	_ =	shalt  }
0x52: {  	_ =	shalt  }
0x53: {  	_ =	shalt  }
0x54: {  	_ =	shalt  }
0x55: {  	_ =	shalt  }
0x56: {  	_ =	shalt  }
0x57: {  	_ =	shalt  }
0x58: {  	_ =	shalt  }
0x59: {  	_ =	shalt  }
0x5a: {  	_ =	shalt  }
0x5b: {  	_ =	shalt  }
0x5c: {  	_ =	shalt  }
0x5d: {  	_ =	shalt  }
0x5e: {  	_ =	shalt  }
0x5f: {  	_ =	shalt  }
0x60: {  	_ =	shalt  }
0x61: {  	_ =	shalt  }
0x62: {  	_ =	shalt  }
0x63: {  	_ =	shalt  }
0x64: {  	_ =	shalt  }
0x65: {  	_ =	shalt  }
0x66: {  	_ =	shalt  }
0x67: {  	_ =	shalt  }
0x68: {  	_ =	shalt  }
0x69: {  	_ =	shalt  }
0x6a: {  	_ =	shalt  }
0x6b: {  	_ =	shalt  }
0x6c: {  	_ =	shalt  }
0x6d: {  	_ =	shalt  }
0x6e: {  	_ =	shalt  }
0x6f: {  	_ =	shalt  }
0x70: {  	_ =	shalt  }
0x71: {  	_ =	shalt  }
0x72: {  	_ =	shalt  }
0x73: {  	_ =	shalt  }
0x74: {  	_ =	shalt  }
0x75: {  	_ =	shalt  }
0x76: {  	_ =	shalt  }
0x77: {  	_ =	shalt  }
0x78: {  	_ =	shalt  }
0x79: {  	_ =	shalt  }
0x7a: {  	_ =	shalt  }
0x7b: {  	_ =	shalt  }
0x7c: {  	_ =	shalt  }
0x7d: {  	_ =	shalt  }
0x7e: {  	_ =	shalt  }
0x7f: {  	_ =	shalt  }
0x80: {  	_ =	shalt  }
0x81: {  	_ =	shalt  }
0x82: {  	_ =	shalt  }
0x83: {  	_ =	shalt  }
0x84: {  	_ =	shalt  }
0x85: {  	_ =	shalt  }
0x86: {  	_ =	shalt  }
0x87: {  	_ =	shalt  }
.Lfunc_end0:
.L_simem_size_0:
called_computation.3_lowered:
.L_overlay_start_0:
0x88: {  	s2 =	sld [smem:$0x3FD9]  }
0x89: {  	s3 =	sld [smem:$0x3FFE];
	_ =	sdelay $0x1  }
0x8a: {  	s1 =	srdreg.scid  }
0x8b: {  	s0 =	sand.u32 $0x1, s1  }
0x8c: {  	s16 =	sshll.u32 s0, $0xA;
	s2 =	sadd.s32 s3, s2  }
0x8d: {  	s2 =	sadd.s32 s2, s16  }
0x8e: {  	[smem:$0x3FC0] =	sst s2  }
0x8f: {  	_ = 	snop  }
0x90: {  	(tm) =	ssettm $0x1  }
0x91: {  	s17 =	sld [smem:$0x3FFB];
	_ =	sdelay $0x3  }
0x92: {  	_ =	strace s17  }
0x93: {  	s2 =	sld [smem:$0x3FFC];
	_ =	sdelay $0x3  }
0x94: {  	_ =	strace s2  }
0x95: {  	s2 =	sld [smem:$0x3FFD];
	_ =	sdelay $0x3  }
0x96: {  	_ =	strace s2  }
0x97: {  	_ =	strace $0x8FFFFFFF  }
0x98: {  	s18 =	sld [smem:$0x3FDB];
	_ =	sdelay $0x1  }
0x99: {  	s19 =	simm.s32 $_scs_section_size  }
0x9a: {  	s4 =	simm.s32 $_size__tile_overlayer_lowered;
	s5 =	simm.s32 $_tile_overlayer_lowered  }
0x9b: {  	s22 =	simm.s32 $0x1BFF;
	s21 =	sshll.u32 s5, $0x1;
	s2 =	sadd.s32 s19, s18  }
0x9c: {  	s6 =	simm.s32 $0x0;
	s20 =	sshll.u32 s4, $0x1;
	s4 =	sadd.s32 s21, s2  }
0x9d: {  	[timem:s6], [sflag:s22] =	dma.local [hbm:s4], s20  }
0x9e: {  	_ =	swait.ge [sflag:s22], s20  }
0x9f: {  	s3 =	ssub.s32 $0x0, s20;
	[sflag:s22] =	ssyncset.done $0x0  }
0xa0: {  	[sflag:s22] =	ssyncadd.s32 s3;
	_ =	sdelay $0x1  }
0xa1: {  	s23 =	simm.s32 $0x1B8B  }
0xa2: {  	_ =	swait.ge [sflag:s23], $0x1  }
0xa3: {  	[sflag:s23] =	ssyncset.done $0x0  }
0xa4: {  	s25 =	simm.s32 $0x1B8E;
	s24 =	sld [smem:$0x3FFE];
	[sflag:s23] =	ssyncadd.s32 $0xFFFFFFFF  }
0xa5: {  	s26 =	simm.s32 $execute0_lowered;
	[smem:$0x3FD2] =	sst s25  }
0xa6: {  	s4 =	sshll.u32 s26, $0x1;
	_ =	strace $0x8000004F;
	[dreg:$0x1] =	wrdreg $0xFFFFFFFF  }
0xa7: {  	s28 =	simm.s32 $_size_execute0_lowered;
	s2 =	sadd.s32 s2, s4;
	[dreg:$0x0] =	wrdreg $0x0  }
0xa8: {  	s4 =	sshll.u32 s28, $0x1;
	[dreg:$0x2] =	wrdreg s2  }
0xa9: {  	[dreg:$0x3] =	wrdreg s4  }
0xaa: {  	[dreg:$0x4] =	wrdreg $0xC0  }
0xab: {  	_ =	task [dreg:s6], $0x5FFFF  }
0xac: {  	[dreg:$0x1] =	wrdreg $0xFFFFFFFF  }
0xad: {  	[dreg:$0x0] =	wrdreg $0x60  }
0xae: {  	[dreg:$0x2] =	wrdreg s24  }
0xaf: {  	[dreg:$0x3] =	wrdreg $0x54000  }
0xb0: {  	[dreg:$0x4] =	wrdreg $0x9  }
0xb1: {  	_ =	task.clear_ibuf [dreg:s6], $0x5FFFF;
	_ =	strace $0x9000004F  }
0xb2: {  	s29 =	simm.s32 $0x9;
	_ =	strace $0x80000051  }
0xb3: {  	_ =	swait.ge [sflag:s29], $0x1  }
0xb4: {  	[sflag:s29] =	ssyncadd.s32 $0xFFFFFFFF  }
0xb5: {  	_ =	strace $0x90000051  }
0xb6: {  	_ =	sfence  }
0xb7: {  	s30 =	sld [smem:$0x0];
	_ =	sdelay $0x2  }
0xb8: {  	s31 =	sshll.u32 s1, $0xD;
	s1 =	sshrl.u32 s1, $0x2  }
0xb9: {  	s3 =	sand.u32 $0x4000, s31;
	s1 =	sadd.s32 s1, s30  }
0xba: {  	s0 =	sor.u32 s3, s0;
	s1 =	sshll.u32 s1, $0x11  }
0xbb: {  	s0 =	sor.u32 s1, s0  }
0xbc: {  	s0 =	sadd.s32 $0x8F2B, s0  }
0xbd: {  	[sflag:s0] =	ssyncadd.remote.s32 $0x1  }
0xbe: {  	_ =	sfence.sel $0xFFFF  }
0xbf: {  	[dreg:$0x0] =	wrdreg $0xFFFFFFFF;
	(pc) =	sbr.abs _section_cstart, $3  }
0xc0: {  	[dreg:$0x1] =	wrdreg $0xFFFFFFFF  }
0xc1: {  	_ =	task.clear_ibuf [dreg:s6], $0x2FFFF;
	_ =	strace $0x9FFFFFFF  }
0xc2: {  	(tm) =	ssettm $0x7FFFFFFF  }
0xc3: {  	_ =	shalt  }
tec
execute0_lowered:
.L_overlay_start_1:
0x0: {  	(tag) =	ssettag $0x1  }
0x1: {  	s0 =	rddreg [dreg:$0x0];
	s1 =	srdreg.scid  }
0x2: {  	s2 =	rddreg [dreg:$0x1];
	s8 =	stileid.u32  }
0x3: {  	s6 =	simm.s32 $0x0;
	s10 =	simm.s32 $0x11;
	s14 =	simm.s32 $0x7D  }
0x4: {  	s15 =	simm.s32 $0x5000;
	s17 =	simm.s32 $0x5080;
	s19 =	simm.s32 $0x5100  }
0x5: {  	s21 =	simm.s32 $0x5180;
	s28 =	simm.s32 $0x5300;
	s29 =	simm.s32 $0x4  }
0x6: {  	s30 =	simm.s32 $0x5380;
	s31 =	simm.s32 $0x5;
	s11 =	simm.s32 $0xB  }
0x7: {  	s16 =	simm.s32 $0x8;
	s18 =	simm.s32 $0xC;
	s1 =	sand.u32 $0x1, s1  }
0x8: {  	s5 =	smul.u32 $0x280, s8;
	[smem:$0x7FF] =	sst s6;
	s26 =	sshll.u32 s8, $0x6  }
0x9: {  	s3 =	sshll.u32 s1, $0x4;
	s4 =	smul.u32 $0x2800, s1;
	_ =	strace $0x80000050  }
0xa: {  	s1 =	ssub.s32 $0x2, s1;
	s12 =	sor.u32 $0x1C11, s26;
	s26 =	simm.s32 $0x3  }
0xb: {  	s3 =	sor.u32 s8, s3;
	s7 =	sshrl.u32 s1, $0x1;
	s24 =	sshrl.u32 s5, $0x3  }
0xc: {  	s8 =	simm.s32 $0x0;
	s3 =	smul.u32 $0x500, s3;
	s4 =	sadd.s32 s5, s4  }
0xd: {  	s1 =	ssub.s32 s1, s7;
	s5 =	sadd.s32 s5, s2;
	s22 =	sshrl.u32 s4, $0x3  }
0xe: {  	s4 =	sadd.s32 $0x16200, s0;
	s25 =	smax.u32 s1, $0x1;
	s13 =	sshrl.u32 s5, $0x3  }
0xf: {  	s1 =	simm.s32 $0x7;
	s3 =	sadd.s32 s3, s0;
	s0 =	sadd.s32 s22, s0  }
.Ltmp0:
0x10: {  	[dreg:$0x7] =	wrdreg s25;
	s23 =	sadd.s32 $0xC200, s3;
	(pc) =	sbr.rel .LBB2_1-.Ltmp0, $4  }
0x11: {  	s22 =	simm.s32 $0x1;
	s3 =	sadd.s32 $0x1800, s3;
	[dreg:$0x3] =	wrdreg s23  }
0x12: {  	s25 =	simm.s32 $0x5280;
	s0 =	sadd.s32 $0x16800, s0;
	[dreg:$0x4] =	wrdreg s3  }
0x13: {  	s3 =	sadd.s32 s4, s24;
	[dreg:$0x6] =	wrdreg s0;
	s23 =	simm.s32 $0x5200  }
0x14: {  	s24 =	simm.s32 $0x2;
	s0 =	simm.s32 $0x9;
	[dreg:$0x5] =	wrdreg s3  }
.LBB2_4:
0x15: {  	_ =	swait.ge [sflag:s16], $0x7D  }
0x16: {  	[sflag:s16] =	ssyncset.done $0x0  }
0x17: {  	[sflag:s16] =	ssyncadd.s32 $0xFFFFFF83  }
0x18: {  	[spmem:s2] =	stream.indirect.scatter.add.f32 [tilespmem:s30], [sflag:$0x10], $0x1, s20, s14, $0xb8;
	[tilespmem:$0x5680] =	vst v63  }
0x19: {  	_ =	swait.ge [sflag:s18], $0x7D  }
0x1a: {  	[sflag:s18] =	ssyncset.done $0x0  }
0x1b: {  	s3 =	simm.s32 $0xD;
	[sflag:s18] =	ssyncadd.s32 $0xFFFFFF83  }
0x1c: {  	_ =	swait.ge [sflag:s3], $0x7D  }
0x1d: {  	[sflag:s3] =	ssyncset.done $0x0  }
0x1e: {  	s5 =	simm.s32 $0xE;
	[sflag:s3] =	ssyncadd.s32 $0xFFFFFF83  }
0x1f: {  	_ =	swait.ge [sflag:s5], $0x7D  }
0x20: {  	[sflag:s5] =	ssyncset.done $0x0  }
0x21: {  	s6 =	simm.s32 $0xF;
	[sflag:s5] =	ssyncadd.s32 $0xFFFFFF83  }
0x22: {  	_ =	swait.ge [sflag:s6], $0x7D  }
0x23: {  	[sflag:s6] =	ssyncset.done $0x0  }
0x24: {  	s7 =	simm.s32 $0x10;
	[sflag:s6] =	ssyncadd.s32 $0xFFFFFF83  }
0x25: {  	_ =	swait.ge [sflag:s7], $0x7D  }
0x26: {  	[sflag:s7] =	ssyncset.done $0x0  }
0x27: {  	[sflag:s7] =	ssyncadd.s32 $0xFFFFFF83  }
0x28: {  	[bflag:$0x0] =	sbarrier.arrive $0xFFFF  }
0x29: {  	s9 =	rddreg [dreg:$0x6]  }
0x2a: {  	[hbm:s9], [sflag:s12] =	dma.local [spmem:s13], $0x50  }
0x2b: {  	_ =	swait.ge [sflag:s10], $0x50  }
0x2c: {  	s8 =	sadd.s32 $0x1, s8;
	s20 =	rddreg [dreg:$0x7]  }
0x2d: {  	p0 =	sne.s32 s8, s20  }
.Ltmp1:
0x2e: {  	_ = 	snop;
	(pc) =	sbr.rel @!p0 .LBB2_5-.Ltmp1, $3  }
0x2f: {  	_ =	sdelay $0x1  }
0x30: {  	[sflag:s10] =	ssyncset.done $0x0  }
0x31: {  	[sflag:s10] =	ssyncadd.s32 $0xFFFFFFB0  }
.LBB2_1:
0x32: {  	s3 =	simm.s32 $0x0;
	s5 =	rddreg [dreg:$0x3]  }
0x33: {  	[tilespmem:s3], [sflag:$0x11] =	stream.linear.gather [hbm4b:s5+s3], $0x2800, $0x38;
	[tilespmem:$0x5680] =	vst v63  }
0x34: {  	_ =	swait.ge [sflag:s10], $0x2800  }
0x35: {  	[sflag:s10] =	ssyncset.done $0x0  }
0x36: {  	s6 =	simm.s32 $0x2800;
	s20 =	rddreg [dreg:$0x4];
	[sflag:s10] =	ssyncadd.s32 $0xFFFFD800  }
0x37: {  	[tilespmem:s6], [sflag:$0x11] =	stream.linear.gather [hbm4b:s20+s3], $0x2800, $0x38;
	[tilespmem:$0x5680] =	vst v63  }
0x38: {  	_ =	swait.ge [sflag:s10], $0x2800  }
0x39: {  	[sflag:s10] =	ssyncset.done $0x0  }
0x3a: {  	s6 =	rddreg [dreg:$0x5];
	[sflag:s10] =	ssyncadd.s32 $0xFFFFD800  }
0x3b: {  	[spmem:s13], [sflag:s12] =	dma.local [hbm:s6], $0x50  }
0x3c: {  	_ =	swait.ge [sflag:s10], $0x50  }
0x3d: {  	[sflag:s10] =	ssyncset.done $0x0  }
0x3e: {  	[sflag:s10] =	ssyncadd.s32 $0xFFFFFFB0  }
0x3f: {  	[bflag:$0x0] =	sbarrier.arrive $0xFFFF  }
0x40: {  	[tilespmem:s15], [sflag:$0x1] =	stream.indirect.gather [hbm4b:s4+s14], $0x1, s3, s14, $0xb8;
	[tilespmem:$0x5680] =	vst v63  }
0x41: {  	s7 =	simm.s32 $0x80  }
0x42: {  	[tilespmem:s17], [sflag:$0x2] =	stream.indirect.gather [hbm4b:s4+s14], $0x1, s7, s14, $0xb8;
	[tilespmem:$0x5680] =	vst v63  }
0x43: {  	s9 =	simm.s32 $0x100  }
0x44: {  	[tilespmem:s19], [sflag:$0x3] =	stream.indirect.gather [hbm4b:s4+s14], $0x1, s9, s14, $0xb8;
	[tilespmem:$0x5680] =	vst v63  }
0x45: {  	s20 =	simm.s32 $0x180;
	s9 =	simm.s32 $0x0  }
0x46: {  	[tilespmem:s21], [sflag:$0x4] =	stream.indirect.gather [hbm4b:s4+s14], $0x1, s20, s14, $0xb8;
	[tilespmem:$0x5680] =	vst v63  }
.LBB2_2:
0x47: {  	_ =	swait.ge [sflag:s22], $0x7D  }
0x48: {  	s3 =	sshra.s32 s9, $0x2;
	[sflag:s22] =	ssyncset.done $0x0  }
0x49: {  	p0 =	seq.s32 s9, $0x0;
	s20 =	sadd.s32 $0x2800, s3;
	[sflag:s22] =	ssyncadd.s32 $0xFFFFFF83  }
0x4a: {  	[spmem:s2] =	stream.indirect.scatter.add.f32 [tilespmem:s15], [sflag:$0x9], $0x1, s20, s14, $0xb8;
	[tilespmem:$0x5680] =	vst v63  }
0x4b: {  	s20 =	simm.s32 @!p0 $0xD  }
0x4c: {  	_ =	swait.ge @!p0 [sflag:s20], $0x7D  }
0x4d: {  	[sflag:s20] =	ssyncset.done @!p0 $0x0  }
0x4e: {  	s6 =	sadd.s32 $0x200, s3;
	[sflag:s20] =	ssyncadd.s32 @!p0 $0xFFFFFF83  }
0x4f: {  	[tilespmem:s23], [sflag:$0x5] =	stream.indirect.gather [hbm4b:s4+s14], $0x1, s6, s14, $0xb8;
	[tilespmem:$0x5680] =	vst v63  }
0x50: {  	_ =	swait.ge [sflag:s24], $0x7D  }
0x51: {  	[sflag:s24] =	ssyncset.done $0x0  }
0x52: {  	s7 =	sadd.s32 $0x2880, s3;
	s20 =	simm.s32 @!p0 $0xE;
	[sflag:s24] =	ssyncadd.s32 $0xFFFFFF83  }
0x53: {  	[spmem:s2] =	stream.indirect.scatter.add.f32 [tilespmem:s17], [sflag:$0xA], $0x1, s7, s14, $0xb8;
	[tilespmem:$0x5680] =	vst v63  }
0x54: {  	_ =	swait.ge @!p0 [sflag:s20], $0x7D  }
0x55: {  	[sflag:s20] =	ssyncset.done @!p0 $0x0  }
0x56: {  	s5 =	sadd.s32 $0x280, s3;
	[sflag:s20] =	ssyncadd.s32 @!p0 $0xFFFFFF83  }
0x57: {  	[tilespmem:s25], [sflag:$0x6] =	stream.indirect.gather [hbm4b:s4+s14], $0x1, s5, s14, $0xb8;
	[tilespmem:$0x5680] =	vst v63  }
0x58: {  	_ =	swait.ge [sflag:s26], $0x7D  }
0x59: {  	[sflag:s26] =	ssyncset.done $0x0  }
0x5a: {  	s6 =	sadd.s32 $0x2900, s3;
	s20 =	simm.s32 @!p0 $0xF;
	[sflag:s26] =	ssyncadd.s32 $0xFFFFFF83  }
0x5b: {  	[spmem:s2] =	stream.indirect.scatter.add.f32 [tilespmem:s19], [sflag:$0xB], $0x1, s6, s14, $0xb8;
	[tilespmem:$0x5680] =	vst v63  }
0x5c: {  	_ =	swait.ge @!p0 [sflag:s20], $0x7D  }
0x5d: {  	[sflag:s20] =	ssyncset.done @!p0 $0x0  }
0x5e: {  	s7 =	sadd.s32 $0x300, s3;
	[sflag:s20] =	ssyncadd.s32 @!p0 $0xFFFFFF83  }
0x5f: {  	[tilespmem:s28], [sflag:$0x7] =	stream.indirect.gather [hbm4b:s4+s14], $0x1, s7, s14, $0xb8;
	[tilespmem:$0x5680] =	vst v63  }
0x60: {  	_ =	swait.ge [sflag:s29], $0x7D  }
0x61: {  	[sflag:s29] =	ssyncset.done $0x0  }
0x62: {  	s5 =	sadd.s32 $0x2980, s3;
	s20 =	simm.s32 @!p0 $0x10;
	[sflag:s29] =	ssyncadd.s32 $0xFFFFFF83  }
0x63: {  	[spmem:s2] =	stream.indirect.scatter.add.f32 [tilespmem:s21], [sflag:$0xC], $0x1, s5, s14, $0xb8;
	[tilespmem:$0x5680] =	vst v63  }
0x64: {  	_ =	swait.ge @!p0 [sflag:s20], $0x7D  }
0x65: {  	[sflag:s20] =	ssyncset.done @!p0 $0x0  }
0x66: {  	s6 =	sadd.s32 $0x380, s3;
	[sflag:s20] =	ssyncadd.s32 @!p0 $0xFFFFFF83  }
0x67: {  	[tilespmem:s30], [sflag:$0x8] =	stream.indirect.gather [hbm4b:s4+s14], $0x1, s6, s14, $0xb8;
	[tilespmem:$0x5680] =	vst v63  }
0x68: {  	_ =	swait.ge [sflag:s31], $0x7D  }
0x69: {  	[sflag:s31] =	ssyncset.done $0x0  }
0x6a: {  	s7 =	sadd.s32 $0x2A00, s3;
	[sflag:s31] =	ssyncadd.s32 $0xFFFFFF83  }
0x6b: {  	[spmem:s2] =	stream.indirect.scatter.add.f32 [tilespmem:s23], [sflag:$0xD], $0x1, s7, s14, $0xb8;
	[tilespmem:$0x5680] =	vst v63  }
0x6c: {  	_ =	swait.ge [sflag:s0], $0x7D  }
0x6d: {  	p0 =	seq.s32 s9, $0x9000;
	[sflag:s0] =	ssyncset.done $0x0  }
0x6e: {  	s20 =	simm.s32 @p0 $0x6;
	[sflag:s0] =	ssyncadd.s32 $0xFFFFFF83  }
0x6f: {  	_ =	swait.ge @p0 [sflag:s20], $0x7D  }
0x70: {  	[sflag:s20] =	ssyncset.done @p0 $0x0  }
0x71: {  	[sflag:s20] =	ssyncadd.s32 @p0 $0xFFFFFF83;
	s20 =	sshra.s32 @p0 s9, $0x2  }
0x72: {  	s5 =	simm.s32 @p0 $0x7D;
	s6 =	simm.s32 @p0 $0x5280;
	s20 =	sadd.s32 @p0 $0x2A80, s20  }
0x73: {  	[spmem:s2] =	stream.indirect.scatter.add.f32 @p0 [tilespmem:s6], [sflag:$0xE], $0x1, s20, s5, $0xb8;
	[tilespmem:$0x5680] =	vst v63  }
0x74: {  	s5 =	simm.s32 @p0 $0xA  }
0x75: {  	_ =	swait.ge @p0 [sflag:s5], $0x7D  }
0x76: {  	[sflag:s5] =	ssyncset.done @p0 $0x0  }
0x77: {  	[sflag:s5] =	ssyncadd.s32 @p0 $0xFFFFFF83;
	s5 =	sshra.s32 @!p0 s9, $0x2  }
0x78: {  	s7 =	simm.s32 @!p0 $0x5000;
	s20 =	simm.s32 @!p0 $0x7D;
	s6 =	sadd.s32 @!p0 $0x400, s5  }
0x79: {  	[tilespmem:s7], [sflag:$0x1] =	stream.indirect.gather @!p0 [hbm4b:s4+s20], $0x1, s6, s20, $0xb8;
	[tilespmem:$0x5680] =	vst v63  }
0x7a: {  	s6 =	simm.s32 @!p0 $0x6  }
0x7b: {  	_ =	swait.ge @!p0 [sflag:s6], $0x7D  }
0x7c: {  	[sflag:s6] =	ssyncset.done @!p0 $0x0  }
0x7d: {  	s7 =	simm.s32 @!p0 $0x5280;
	[sflag:s6] =	ssyncadd.s32 @!p0 $0xFFFFFF83;
	s6 =	sadd.s32 @!p0 $0x2A80, s5  }
0x7e: {  	[spmem:s2] =	stream.indirect.scatter.add.f32 @!p0 [tilespmem:s7], [sflag:$0xE], $0x1, s6, s20, $0xb8;
	[tilespmem:$0x5680] =	vst v63  }
0x7f: {  	s6 =	simm.s32 @!p0 $0xA  }
0x80: {  	_ =	swait.ge @!p0 [sflag:s6], $0x7D  }
0x81: {  	[sflag:s6] =	ssyncset.done @!p0 $0x0  }
0x82: {  	s5 =	sadd.s32 @!p0 $0x480, s5;
	[sflag:s6] =	ssyncadd.s32 @!p0 $0xFFFFFF83;
	s6 =	simm.s32 @!p0 $0x5080  }
0x83: {  	[tilespmem:s6], [sflag:$0x2] =	stream.indirect.gather @!p0 [hbm4b:s4+s20], $0x1, s5, s20, $0xb8;
	[tilespmem:$0x5680] =	vst v63  }
0x84: {  	_ =	swait.ge [sflag:s1], $0x7D  }
0x85: {  	[sflag:s1] =	ssyncset.done $0x0  }
.Ltmp2:
0x86: {  	s20 =	sadd.s32 $0x2B00, s3;
	[sflag:s1] =	ssyncadd.s32 $0xFFFFFF83;
	(pc) =	sbr.rel @p0 .LBB2_4-.Ltmp2, $4  }
0x87: {  	[spmem:s2] =	stream.indirect.scatter.add.f32 [tilespmem:s28], [sflag:$0xF], $0x1, s20, s14, $0xb8;
	[tilespmem:$0x5680] =	vst v63  }
0x88: {  	_ =	swait.ge [sflag:s11], $0x7D  }
0x89: {  	[sflag:s11] =	ssyncset.done $0x0  }
0x8a: {  	s20 =	sadd.s32 $0x2B80, s3;
	[sflag:s11] =	ssyncadd.s32 $0xFFFFFF83  }
0x8b: {  	s5 =	sadd.s32 $0x500, s3  }
0x8c: {  	[tilespmem:s19], [sflag:$0x3] =	stream.indirect.gather [hbm4b:s4+s14], $0x1, s5, s14, $0xb8;
	[tilespmem:$0x5680] =	vst v63  }
0x8d: {  	_ =	swait.ge [sflag:s16], $0x7D  }
0x8e: {  	[sflag:s16] =	ssyncset.done $0x0  }
0x8f: {  	[sflag:s16] =	ssyncadd.s32 $0xFFFFFF83  }
0x90: {  	[spmem:s2] =	stream.indirect.scatter.add.f32 [tilespmem:s30], [sflag:$0x10], $0x1, s20, s14, $0xb8;
	[tilespmem:$0x5680] =	vst v63  }
.Ltmp3:
0x91: {  	_ = 	snop;
	(pc) =	sbr.rel .LBB2_2-.Ltmp3, $4  }
0x92: {  	_ =	swait.ge [sflag:s18], $0x7D  }
0x93: {  	[sflag:s18] =	ssyncset.done $0x0  }
0x94: {  	s9 =	sadd.s32 $0x1000, s9;
	s20 =	sadd.s32 $0x580, s3;
	[sflag:s18] =	ssyncadd.s32 $0xFFFFFF83  }
0x95: {  	[tilespmem:s21], [sflag:$0x4] =	stream.indirect.gather [hbm4b:s4+s14], $0x1, s20, s14, $0xb8;
	[tilespmem:$0x5680] =	vst v63  }
.LBB2_5:
0x96: {  	_ =	sfence.sel $0x180000  }
0x97: {  	[bflag:$0x0] =	sbarrier.arrive $0xFFFF  }
0x98: {  	_ =	strace $0x90000050  }
0x99: {  	s0 =	stileid.u32;
	[bflag:$0x2] =	sbarrier.arrive $0xFFFF  }
0x9a: {  	p0 =	sne.s32 s0, $0x0;
	s0 =	rddreg [dreg:$0x2]  }
0x9b: {  	s0 =	sadd.s32 @!p0 $0x100000, s0  }
0x9c: {  	[sflag:s0] =	ssyncadd.tile.s32 @!p0 $0x1;
	_ =	shalt  }
.Lfunc_end2:
_tile_overlayer_lowered:
.L_overlay_start_2:
0x9d: {  	(tag) =	ssettag $0x2  }
0x9e: {  	s0 =	rddreg [dreg:$0x0];
	s2 =	stileid.u32  }
0x9f: {  	s1 =	rddreg [dreg:$0x1];
	p0 =	sne.s32 s2, $0x0  }
0xa0: {  	s3 =	rddreg [dreg:$0x2];
	[bflag:$0x3] =	sbarrier.arrive $0xFFFF;
	s2 =	simm.s32 @!p0 $0x1C11  }
0xa1: {  	[timem:s3], [sflag:s2] =	dma.local @!p0 [hbm:s0], s1  }
0xa2: {  	s0 =	simm.s32 @!p0 $0x11  }
0xa3: {  	_ =	swait.ge @!p0 [sflag:s0], s1  }
0xa4: {  	s1 =	ssub.s32 @!p0 $0x0, s1;
	[sflag:s0] =	ssyncset.done @!p0 $0x0  }
0xa5: {  	[sflag:s0] =	ssyncadd.s32 @!p0 s1  }
0xa6: {  	[bflag:$0x3] =	sbarrier.arrive $0xFFFF  }
0xa7: {  	_ =	shalt  }

// kernel: kernel.22.cloned.1.call-start
scs
__scs_entry_jumppad:
0x0: {  	(pc) =	sbr.rel $0x88, $3  }
0x1: {  	(tag) =	ssettag $0x0;
	lr =	simm.s32 $0x1  }
0x2: {  	[smem:$0x3F99] =	sst lr;
	_ =	strace $0xD0000000  }
0x3: {  	_ = 	snop  }
0x4: {  	_ = 	snop  }
0x5: {  	_ = 	snop  }
0x6: {  	_ = 	snop  }
0x7: {  	_ = 	snop  }
__scs_overlays_trampoline_lowered:
0x8: {  	[smem:$0x3FA8] =	sst s0  }
0x9: {  	[smem:$0x3FA9] =	sst s1  }
0xa: {  	[smem:$0x3FAA] =	sst s2  }
0xb: {  	[smem:$0x3FAB] =	sst s3  }
0xc: {  	[smem:$0x3FAC] =	sst s4  }
0xd: {  	[smem:$0x3FAD] =	sst s5  }
0xe: {  	[smem:$0x3FAE] =	sst s6  }
0xf: {  	[smem:$0x3FAF] =	sst s7  }
0x10: {  	[smem:$0x3FB0] =	sst s8  }
0x11: {  	[smem:$0x3FB1] =	sst s9;
	s0 =	simm.s32 @!p0 $0x0  }
0x12: {  	s1 =	sld [smem:$0x3F97];
	s0 =	simm.s32 @p0 $0x1  }
0x13: {  	[smem:$0x3FB2] =	sst s0;
	s0 =	simm.s32 @!p1 $0x0  }
0x14: {  	s2 =	sld [smem:$0x3F96];
	s0 =	simm.s32 @p1 $0x1  }
0x15: {  	[smem:$0x3FB3] =	sst s0;
	s0 =	simm.s32 @!p2 $0x0  }
0x16: {  	s3 =	sld [smem:$0x3FDB];
	s0 =	simm.s32 @p2 $0x1  }
0x17: {  	s4 =	simm.s32 $0x1BF5;
	[smem:$0x3FB5] =	sst s0  }
0x18: {  	s0 =	sld [smem:$0x3F98];
	_ =	swait.ge [sflag:s4], $0x0  }
0x19: {  	s7 =	sld [smem:$0x3F99]  }
0x1a: {  	s8 =	sadd.s32 $0xFFFFE003, lr  }
0x1b: {  	s9 =	sadd.s32 $0xFFFFFEF7, lr;
	s5 =	simm.s32 $0xFFFFFFFF;
	p2 =	slt.u32 s8, $0xFFFFF086  }
0x1c: {  	p1 =	slt.u32 s9, $0xF7A;
	s5 =	simm.s32 @!p2 $0x0  }
0x1d: {  	s5 =	simm.s32 @p1 $0x1;
	p0 =	seq.s32 s7, s2  }
0x1e: {  	s7 =	smul.u32 @!p0 $0xF7A, s2;
	p2 =	seq.s32 @!p0 s5, $0x0  }
0x1f: {  	s9 =	smul.u32 $0xF7A, s1;
	s8 =	simm.s32 @!p0 $0x1BF5;
	p2 =	por !p2, p0  }
0x20: {  	[sflag:s8] =	ssyncset.s32 @!p0 $0xFFFFF086;
	s6 =	sadd.s32 @!p0 s3, s7;
	s7 =	simm.s32 @!p0 $0x108  }
0x21: {  	s3 =	sadd.s32 s3, s9;
	s6 =	sadd.s32 @!p0 $0x88, s6;
	s7 =	simm.s32 @p2 $0x1082  }
0x22: {  	[simem:s7], [sflag:s8] =	dma.local @!p0 [hbm:s6], $0xF7A  }
0x23: {  	s9 =	sor.u32 $0xD0000000, s2;
	s6 =	simm.s32 $0x108;
	_ =	swait.ge @!p0 [sflag:s8], $0x0  }
0x24: {  	s3 =	sadd.s32 $0x88, s3;
	s6 =	simm.s32 @!p1 $0x1082;
	[sflag:s4] =	ssyncset.s32 $0xFFFFF086  }
0x25: {  	[simem:s6], [sflag:s4] =	dma.local [hbm:s3], $0xF7A  }
0x26: {  	[smem:$0x3F99] =	sst s1;
	(tag) =	ssettag s2;
	_ =	strace s9  }
0x27: {  	s1 =	sld [smem:$0x3FA9]  }
0x28: {  	s2 =	sld [smem:$0x3FAA]  }
0x29: {  	s4 =	sld [smem:$0x3FAC]  }
0x2a: {  	p0 =	seq.s32 s5, $0x0;
	s5 =	sld [smem:$0x3FAD]  }
0x2b: {  	s6 =	sld [smem:$0x3FAE]  }
0x2c: {  	s7 =	sld [smem:$0x3FAF]  }
0x2d: {  	s3 =	simm.s32 $0x108;
	s8 =	sld [smem:$0x3FB0]  }
0x2e: {  	s3 =	simm.s32 @!p0 $0x1082;
	s9 =	sld [smem:$0x3FB1]  }
0x2f: {  	lr =	sadd.s32 s0, s3;
	s0 =	sld [smem:$0x3FA8]  }
0x30: {  	s3 =	sld [smem:$0x3FAB]  }
0x31: {  	[smem:$0x3FB4] =	sst s10  }
0x32: {  	s10 =	sld [smem:$0x3FB2];
	_ =	sdelay $0x3  }
0x33: {  	p0 =	seq.s32 s10, $0x1;
	s10 =	sld [smem:$0x3FB4];
	_ =	sdelay $0x3  }
0x34: {  	[smem:$0x3FB4] =	sst s10  }
0x35: {  	s10 =	sld [smem:$0x3FB3];
	_ =	sdelay $0x3  }
0x36: {  	p1 =	seq.s32 s10, $0x1;
	s10 =	sld [smem:$0x3FB4];
	_ =	sdelay $0x3  }
0x37: {  	[smem:$0x3FB4] =	sst s10  }
0x38: {  	s10 =	sld [smem:$0x3FB5]  }
0x39: {  	_ = 	snop;
	(pc) =	sbr.ind lr, $3  }
0x3a: {  	_ = 	snop  }
0x3b: {  	_ = 	snop  }
0x3c: {  	p2 =	seq.s32 s10, $0x1;
	s10 =	sld [smem:$0x3FB4]  }
0x3d: {  	_ =	shalt  }
0x3e: {  	_ =	shalt  }
0x3f: {  	_ =	shalt  }
0x40: {  	_ =	shalt  }
0x41: {  	_ =	shalt  }
0x42: {  	_ =	shalt  }
0x43: {  	_ =	shalt  }
0x44: {  	_ =	shalt  }
0x45: {  	_ =	shalt  }
0x46: {  	_ =	shalt  }
0x47: {  	_ =	shalt  }
0x48: {  	_ =	shalt  }
0x49: {  	_ =	shalt  }
0x4a: {  	_ =	shalt  }
0x4b: {  	_ =	shalt  }
0x4c: {  	_ =	shalt  }
0x4d: {  	_ =	shalt  }
0x4e: {  	_ =	shalt  }
0x4f: {  	_ =	shalt  }
0x50: {  	_ =	shalt  }
0x51: {  	_ =	shalt  }
0x52: {  	_ =	shalt  }
0x53: {  	_ =	shalt  }
0x54: {  	_ =	shalt  }
0x55: {  	_ =	shalt  }
0x56: {  	_ =	shalt  }
0x57: {  	_ =	shalt  }
0x58: {  	_ =	shalt  }
0x59: {  	_ =	shalt  }
0x5a: {  	_ =	shalt  }
0x5b: {  	_ =	shalt  }
0x5c: {  	_ =	shalt  }
0x5d: {  	_ =	shalt  }
0x5e: {  	_ =	shalt  }
0x5f: {  	_ =	shalt  }
0x60: {  	_ =	shalt  }
0x61: {  	_ =	shalt  }
0x62: {  	_ =	shalt  }
0x63: {  	_ =	shalt  }
0x64: {  	_ =	shalt  }
0x65: {  	_ =	shalt  }
0x66: {  	_ =	shalt  }
0x67: {  	_ =	shalt  }
0x68: {  	_ =	shalt  }
0x69: {  	_ =	shalt  }
0x6a: {  	_ =	shalt  }
0x6b: {  	_ =	shalt  }
0x6c: {  	_ =	shalt  }
0x6d: {  	_ =	shalt  }
0x6e: {  	_ =	shalt  }
0x6f: {  	_ =	shalt  }
0x70: {  	_ =	shalt  }
0x71: {  	_ =	shalt  }
0x72: {  	_ =	shalt  }
0x73: {  	_ =	shalt  }
0x74: {  	_ =	shalt  }
0x75: {  	_ =	shalt  }
0x76: {  	_ =	shalt  }
0x77: {  	_ =	shalt  }
0x78: {  	_ =	shalt  }
0x79: {  	_ =	shalt  }
0x7a: {  	_ =	shalt  }
0x7b: {  	_ =	shalt  }
0x7c: {  	_ =	shalt  }
0x7d: {  	_ =	shalt  }
0x7e: {  	_ =	shalt  }
0x7f: {  	_ =	shalt  }
0x80: {  	_ =	shalt  }
0x81: {  	_ =	shalt  }
0x82: {  	_ =	shalt  }
0x83: {  	_ =	shalt  }
0x84: {  	_ =	shalt  }
0x85: {  	_ =	shalt  }
0x86: {  	_ =	shalt  }
0x87: {  	_ =	shalt  }
.Lfunc_end0:
.L_simem_size_0:
called_computation.4_lowered:
.L_overlay_start_0:
0x88: {  	s2 =	sld [smem:$0x3FD9]  }
0x89: {  	s3 =	sld [smem:$0x3FFE];
	_ =	sdelay $0x1  }
0x8a: {  	s1 =	srdreg.scid  }
0x8b: {  	s0 =	sand.u32 $0x1, s1  }
0x8c: {  	s17 =	sshll.u32 s0, $0xA;
	s2 =	sadd.s32 s3, s2  }
0x8d: {  	s2 =	sadd.s32 s2, s17  }
0x8e: {  	[smem:$0x3FC0] =	sst s2  }
0x8f: {  	_ = 	snop  }
0x90: {  	s2 =	sld [smem:$0x3FD0];
	(tm) =	ssettm $0x1  }
0x91: {  	s18 =	sld [smem:$0x3FFB];
	_ =	sdelay $0x3  }
0x92: {  	_ =	strace s18  }
0x93: {  	s3 =	sld [smem:$0x3FFC];
	_ =	sdelay $0x3  }
0x94: {  	_ =	strace s3  }
0x95: {  	s3 =	sld [smem:$0x3FFD];
	_ =	sdelay $0x3  }
0x96: {  	_ =	strace s3  }
0x97: {  	_ =	strace $0x8FFFFFFF  }
0x98: {  	s19 =	sld [smem:$0x3FDB];
	_ =	sdelay $0x1  }
0x99: {  	s4 =	simm.s32 $_scs_section_size  }
0x9a: {  	s5 =	simm.s32 $_size__tile_overlayer_lowered;
	s6 =	simm.s32 $_tile_overlayer_lowered  }
0x9b: {  	s22 =	simm.s32 $0x1BFF;
	s21 =	sshll.u32 s6, $0x1;
	s3 =	sadd.s32 s4, s19  }
0x9c: {  	s7 =	simm.s32 $0x0;
	s20 =	sshll.u32 s5, $0x1;
	s5 =	sadd.s32 s21, s3  }
0x9d: {  	[timem:s7], [sflag:s22] =	dma.local [hbm:s5], s20  }
0x9e: {  	_ =	swait.ge [sflag:s22], s20  }
0x9f: {  	s4 =	ssub.s32 $0x0, s20;
	[sflag:s22] =	ssyncset.done $0x0  }
0xa0: {  	[sflag:s22] =	ssyncadd.s32 s4;
	_ =	sdelay $0x1  }
0xa1: {  	s23 =	simm.s32 $0x1B8B  }
0xa2: {  	_ =	swait.ge [sflag:s23], $0x1  }
0xa3: {  	[sflag:s23] =	ssyncset.done $0x0  }
0xa4: {  	s25 =	simm.s32 $0x1B8E;
	s24 =	sld [smem:$0x3FFE];
	[sflag:s23] =	ssyncadd.s32 $0xFFFFFFFF  }
0xa5: {  	s26 =	simm.s32 $execute0_lowered;
	[smem:$0x3FD2] =	sst s25  }
0xa6: {  	s5 =	sshll.u32 s26, $0x1;
	_ =	strace $0x80000052;
	[dreg:$0x1] =	wrdreg $0xFFFFFFFF  }
0xa7: {  	s28 =	simm.s32 $_size_execute0_lowered;
	s3 =	sadd.s32 s3, s5;
	[dreg:$0x0] =	wrdreg $0x0  }
0xa8: {  	s5 =	sshll.u32 s28, $0x1;
	[dreg:$0x2] =	wrdreg s3  }
0xa9: {  	[dreg:$0x3] =	wrdreg s5  }
0xaa: {  	[dreg:$0x4] =	wrdreg $0xC0  }
0xab: {  	_ =	task [dreg:s7], $0x5FFFF  }
0xac: {  	[dreg:$0x1] =	wrdreg $0xFFFFFFFF  }
0xad: {  	[dreg:$0x0] =	wrdreg $0x60  }
0xae: {  	[dreg:$0x2] =	wrdreg s24  }
0xaf: {  	[dreg:$0x3] =	wrdreg s2  }
0xb0: {  	[dreg:$0x4] =	wrdreg $0x9  }
0xb1: {  	_ =	task.clear_ibuf [dreg:s7], $0x5FFFF;
	_ =	strace $0x90000052  }
0xb2: {  	s29 =	simm.s32 $0x9;
	_ =	strace $0x80000054  }
0xb3: {  	_ =	swait.ge [sflag:s29], $0x1  }
0xb4: {  	[sflag:s29] =	ssyncadd.s32 $0xFFFFFFFF  }
0xb5: {  	_ =	strace $0x90000054  }
0xb6: {  	_ =	sfence  }
0xb7: {  	s30 =	sld [smem:$0x0];
	_ =	sdelay $0x2  }
0xb8: {  	s31 =	sshll.u32 s1, $0xD;
	s1 =	sshrl.u32 s1, $0x2  }
0xb9: {  	s3 =	sand.u32 $0x4000, s31;
	s1 =	sadd.s32 s1, s30  }
0xba: {  	s0 =	sor.u32 s3, s0;
	s1 =	sshll.u32 s1, $0x11  }
0xbb: {  	s0 =	sor.u32 s1, s0  }
0xbc: {  	s0 =	sadd.s32 $0x8F2B, s0  }
0xbd: {  	[sflag:s0] =	ssyncadd.remote.s32 $0x1  }
0xbe: {  	_ =	sfence.sel $0xFFFF  }
0xbf: {  	[dreg:$0x0] =	wrdreg $0xFFFFFFFF;
	(pc) =	sbr.abs _section_cstart, $3  }
0xc0: {  	[dreg:$0x1] =	wrdreg $0xFFFFFFFF  }
0xc1: {  	_ =	task.clear_ibuf [dreg:s7], $0x2FFFF;
	_ =	strace $0x9FFFFFFF  }
0xc2: {  	(tm) =	ssettm $0x7FFFFFFF  }
0xc3: {  	_ =	shalt  }
tec
execute0_lowered:
.L_overlay_start_1:
0x0: {  	(tag) =	ssettag $0x1  }
0x1: {  	s0 =	srdreg.scid;
	s4 =	rddreg [dreg:$0x0]  }
0x2: {  	s9 =	rddreg [dreg:$0x1];
	s2 =	simm.s32 $0x0;
	s13 =	simm.s32 $0x280  }
0x3: {  	s14 =	simm.s32 $0x3C0;
	s15 =	simm.s32 $0x500;
	s3 =	sand.u32 $0x1, s0  }
0x4: {  	s16 =	simm.s32 $0x640;
	s0 =	stileid.u32;
	s1 =	sshll.u32 s3, $0x4  }
0x5: {  	s17 =	simm.s32 $0x0;
	[smem:$0x7FF] =	sst s2;
	s5 =	sor.u32 s0, s1  }
0x6: {  	s6 =	sadd.s32 $0x16800, s4;
	s7 =	sadd.s32 $0xB800, s4;
	s5 =	smul.u32 $0x140, s5  }
0x7: {  	s30 =	ssub.s32 $0x2, s3;
	s3 =	sadd.s32 $0x1800, s4;
	s1 =	rddreg [dreg:$0x2]  }
0x8: {  	_ =	strace $0x80000053;
	s31 =	sshrl.u32 s30, $0x1;
	s10 =	sshrl.u32 s5, $0x3  }
0x9: {  	s12 =	ssub.s32 s30, s31;
	s8 =	sadd.s32 s10, s4;
	s11 =	sadd.s32 $0x500, s10  }
0xa: {  	s4 =	sadd.s32 s6, s10;
	s9 =	sadd.s32 s9, s10;
	s5 =	sadd.s32 s6, s11  }
0xb: {  	s6 =	sadd.s32 s7, s10;
	s7 =	sadd.s32 s7, s11;
	s8 =	sadd.s32 $0x16200, s8  }
0xc: {  	s10 =	smax.u32 s12, $0x1;
	s11 =	simm.s32 $0x1;
	s12 =	simm.s32 $0x140  }
.LBB2_1:
0xd: {  	[tilespmem:s2], [sflag:$0x1] =	stream.linear.gather [hbm4b:s4+s2], $0x140, $0x38;
	[tilespmem:$0x650] =	vst v63  }
0xe: {  	_ =	swait.ge [sflag:s11], $0x140  }
0xf: {  	[sflag:s11] =	ssyncset.done $0x0  }
0x10: {  	[sflag:s11] =	ssyncadd.s32 $0xFFFFFEC0  }
0x11: {  	[tilespmem:s12], [sflag:$0x1] =	stream.linear.gather [hbm4b:s5+s2], $0x140, $0x38;
	[tilespmem:$0x650] =	vst v63  }
0x12: {  	_ =	swait.ge [sflag:s11], $0x140  }
0x13: {  	[sflag:s11] =	ssyncset.done $0x0  }
0x14: {  	[sflag:s11] =	ssyncadd.s32 $0xFFFFFEC0  }
0x15: {  	[tilespmem:s13], [sflag:$0x1] =	stream.linear.gather [hbm4b:s6+s2], $0x140, $0x38;
	[tilespmem:$0x650] =	vst v63  }
0x16: {  	_ =	swait.ge [sflag:s11], $0x140  }
0x17: {  	[sflag:s11] =	ssyncset.done $0x0  }
0x18: {  	[sflag:s11] =	ssyncadd.s32 $0xFFFFFEC0  }
0x19: {  	[tilespmem:s14], [sflag:$0x1] =	stream.linear.gather [hbm4b:s7+s2], $0x140, $0x38;
	[tilespmem:$0x650] =	vst v63  }
0x1a: {  	_ =	swait.ge [sflag:s11], $0x140  }
0x1b: {  	[sflag:s11] =	ssyncset.done $0x0  }
0x1c: {  	[sflag:s11] =	ssyncadd.s32 $0xFFFFFEC0  }
0x1d: {  	[tilespmem:s15], [sflag:$0x1] =	stream.linear.gather [hbm4b:s8+s2], $0x140, $0x38;
	[tilespmem:$0x650] =	vst v63  }
0x1e: {  	_ =	swait.ge [sflag:s11], $0x140  }
0x1f: {  	[sflag:s11] =	ssyncset.done $0x0  }
0x20: {  	[sflag:s11] =	ssyncadd.s32 $0xFFFFFEC0  }
0x21: {  	[tilespmem:s16], [sflag:$0x1] =	stream.linear.gather [hbm4b:s3+s2], $0x10, $0x38;
	[tilespmem:$0x650] =	vst v63  }
0x22: {  	_ =	swait.ge [sflag:s11], $0x10  }
0x23: {  	[sflag:s11] =	ssyncset.done $0x0  }
0x24: {  	s20 =	simm.s32 $0x0;
	[sflag:s11] =	ssyncadd.s32 $0xFFFFFFF0  }
0x25: {  	v0 =	vld [tilespmem:s20+$0x280]  }
0x26: {  	v1 =	vld [tilespmem:s20+$0x3C0];
	_ =	sdelay $0x4  }
0x27: {  	v0 =	vadd.f32 v1, v0;
	_ =	sdelay $0x1  }
0x28: {  	v0 =	vadd.f32 $-1.000000000e+00, v0;
	_ =	sdelay $0x1  }
0x29: {  	v1 =	vshra.s32 v0, $0x1;
	v12 =	vmul.f32 $5.000000000e-01, v0  }
0x2a: {  	s19 =	simm.s32 $0x10;
	v0 =	vsub.s32 $0x5F3759DF, v1  }
0x2b: {  	v3 =	vld [tilespmem:s19+$0x3C0];
	v2 =	vmul.f32 v0, v12  }
0x2c: {  	v1 =	vld [tilespmem:s19+$0x280]  }
0x2d: {  	v2 =	vmul.f32 v0, v2;
	_ =	sdelay $0x1  }
0x2e: {  	v2 =	vsub.f32 $1.500000000e+00, v2;
	_ =	sdelay $0x1  }
0x2f: {  	v1 =	vadd.f32 v3, v1;
	v0 =	vmul.f32 v0, v2;
	_ =	sdelay $0x1  }
0x30: {  	v1 =	vadd.f32 $-1.000000000e+00, v1;
	v3 =	vmul.f32 v0, v12;
	_ =	sdelay $0x1  }
0x31: {  	s18 =	simm.s32 $0x20;
	v4 =	vshra.s32 v1, $0x1;
	v2 =	vmul.f32 $5.000000000e-01, v1;
	v1 =	vmul.f32 v3, v0  }
0x32: {  	v5 =	vld [tilespmem:s18+$0x3C0];
	v4 =	vsub.s32 $0x5F3759DF, v4  }
0x33: {  	v3 =	vld [tilespmem:s18+$0x280];
	v6 =	vmul.f32 v4, v2;
	v1 =	vsub.f32 $1.500000000e+00, v1;
	_ =	sdelay $0x1  }
0x34: {  	v6 =	vmul.f32 v4, v6;
	v8 =	vmul.f32 v1, v0;
	_ =	sdelay $0x1  }
0x35: {  	v0 =	vsub.f32 $1.500000000e+00, v6;
	v1 =	vmul.f32 v8, v12  }
0x36: {  	v5 =	vadd.f32 v5, v3  }
0x37: {  	v3 =	vmul.f32 v4, v0;
	v1 =	vmul.f32 v1, v8  }
0x38: {  	s21 =	simm.s32 $0x30;
	v5 =	vadd.f32 $-1.000000000e+00, v5  }
0x39: {  	v7 =	vld [tilespmem:s21+$0x280];
	v6 =	vmul.f32 v3, v2;
	v9 =	vsub.f32 $1.500000000e+00, v1  }
0x3a: {  	v4 =	vld [tilespmem:s20+$0x0];
	v10 =	vshra.s32 v5, $0x1;
	v1 =	vmul.f32 $5.000000000e-01, v5  }
0x3b: {  	v11 =	vmul.f32 v6, v3;
	v6 =	vsub.s32 $0x5F3759DF, v10;
	v5 =	vmul.f32 v9, v8;
	v9 =	vld [tilespmem:s21+$0x3C0]  }
0x3c: {  	v10 =	vmul.f32 v6, v1;
	v8 =	vld [tilespmem:s20+$0x140]  }
0x3d: {  	s22 =	simm.s32 $0x100;
	v0 =	vld [tilespmem:$0x640];
	v11 =	vsub.f32 $1.500000000e+00, v11;
	v12 =	vmul.f32 v5, v12  }
.LBB2_2:
0x3e: {  	p0 =	sne.s32 s22, $0x4C0;
	v10 =	vmul.f32 v6, v10;
	v13 =	vld [tilespmem:s20+$0x500];
	s23 =	smov.u32 s18;
	s18 =	smov.u32 s21  }
0x3f: {  	v11 =	vmul.f32 v11, v3;
	v3 =	vmul.f32 v12, v5  }
0x40: {  	v7 =	vadd.f32 v9, v7;
	v9 =	vsub.f32 $1.500000000e+00, v10  }
0x41: {  	v10 =	vmul.f32 v11, v2;
	v12 =	vsub.f32 $1.500000000e+00, v3;
	v4 =	vadd.f32 v8, v4  }
0x42: {  	v8 =	vadd.f32 $-1.000000000e+00, v7;
	v3 =	vmul.f32 v6, v9  }
0x43: {  	v6 =	vmul.f32 v10, v11;
	v5 =	vmul.f32 v12, v5;
	v7 =	vsub.f32 v4, v13  }
0x44: {  	v9 =	vshra.s32 v8, $0x1  }
.Ltmp0:
0x45: {  	s21 =	sshra.s32 s22, $0x2;
	v10 =	vmul.f32 v3, v1;
	v12 =	vsub.f32 $1.500000000e+00, v6;
	v4 =	vld [tilespmem:s19+$0x0];
	v13 =	vmul.f32 v5, v7;
	(pc) =	sbr.rel @p0 .LBB2_2-.Ltmp0, $4  }
0x46: {  	v14 =	vmul.f32 $5.000000000e-01, v8;
	v6 =	vsub.s32 $0x5F3759DF, v9;
	v7 =	vld [tilespmem:s21+$0x280]  }
0x47: {  	v15 =	vmul.f32 v10, v3;
	v9 =	vld [tilespmem:s21+$0x3C0];
	v5 =	vmul.f32 v12, v11;
	v13 =	vadd.f32 v13, v0  }
0x48: {  	v10 =	vmul.f32 v6, v14;
	v8 =	vld [tilespmem:s19+$0x140]  }
0x49: {  	s22 =	sadd.s32 $0x40, s22;
	v11 =	vsub.f32 $1.500000000e+00, v15;
	v12 =	vmul.f32 v5, v2;
	[tilespmem:s20+$0x500] =	vst v13;
	v2 =	vmovc v1;
	v1 =	vmov v14;
	s20 =	smov.u32 s19;
	s19 =	smov.u32 s23  }
0x4a: {  	v10 =	vmul.f32 v6, v10;
	v13 =	vld [tilespmem:s20+$0x500]  }
0x4b: {  	v3 =	vmul.f32 v11, v3;
	v37 =	vmul.f32 v12, v5  }
0x4c: {  	v7 =	vadd.f32 v9, v7;
	v38 =	vsub.f32 $1.500000000e+00, v10  }
0x4d: {  	v39 =	vmul.f32 v3, v2;
	v11 =	vsub.f32 $1.500000000e+00, v37;
	v4 =	vadd.f32 v8, v4  }
0x4e: {  	v7 =	vadd.f32 $-1.000000000e+00, v7;
	v40 =	vmul.f32 v6, v38  }
0x4f: {  	v41 =	vmul.f32 v39, v3;
	v42 =	vmul.f32 v11, v5;
	v4 =	vsub.f32 v4, v13  }
0x50: {  	v43 =	vshra.s32 v7, $0x1  }
0x51: {  	v44 =	vmul.f32 v40, v1;
	v8 =	vsub.f32 $1.500000000e+00, v41;
	v4 =	vmul.f32 v42, v4  }
0x52: {  	v7 =	vmul.f32 $5.000000000e-01, v7;
	v45 =	vsub.s32 $0x5F3759DF, v43  }
0x53: {  	v46 =	vld [tilespmem:s19+$0x0];
	v10 =	vmul.f32 v44, v40;
	v3 =	vmul.f32 v8, v3;
	v4 =	vadd.f32 v4, v0  }
0x54: {  	v48 =	vld [tilespmem:s19+$0x140];
	v47 =	vmul.f32 v45, v7  }
0x55: {  	v10 =	vsub.f32 $1.500000000e+00, v10;
	v49 =	vmul.f32 v3, v2;
	[tilespmem:s20+$0x500] =	vst v4  }
0x56: {  	v50 =	vmul.f32 v45, v47;
	v51 =	vld [tilespmem:s19+$0x500]  }
0x57: {  	v6 =	vmul.f32 v10, v40;
	v2 =	vmul.f32 v49, v3  }
0x58: {  	v4 =	vsub.f32 $1.500000000e+00, v50  }
0x59: {  	v9 =	vadd.f32 v48, v46;
	v10 =	vmul.f32 v6, v1;
	v2 =	vsub.f32 $1.500000000e+00, v2  }
0x5a: {  	v4 =	vmul.f32 v45, v4  }
0x5b: {  	v52 =	vmul.f32 v10, v6;
	v2 =	vmul.f32 v2, v3;
	v53 =	vsub.f32 v9, v51;
	_ =	sdelay $0x1  }
0x5c: {  	v54 =	vmul.f32 v4, v7;
	v5 =	vsub.f32 $1.500000000e+00, v52;
	v2 =	vmul.f32 v2, v53;
	_ =	sdelay $0x1  }
0x5d: {  	v55 =	vld [tilespmem:s18+$0x0];
	v8 =	vmul.f32 v54, v4;
	v5 =	vmul.f32 v5, v6;
	v2 =	vadd.f32 v2, v0  }
0x5e: {  	v56 =	vld [tilespmem:s18+$0x140]  }
0x5f: {  	v8 =	vsub.f32 $1.500000000e+00, v8;
	v57 =	vmul.f32 v5, v1;
	[tilespmem:s19+$0x500] =	vst v2  }
0x60: {  	v2 =	vld [tilespmem:s18+$0x500]  }
0x61: {  	v4 =	vmul.f32 v8, v4;
	v1 =	vmul.f32 v57, v5;
	_ =	sdelay $0x1  }
0x62: {  	v3 =	vadd.f32 v56, v55;
	v8 =	vmul.f32 v4, v7;
	v1 =	vsub.f32 $1.500000000e+00, v1;
	_ =	sdelay $0x1  }
0x63: {  	v58 =	vmul.f32 v8, v4;
	v1 =	vmul.f32 v1, v5;
	v2 =	vsub.f32 v3, v2;
	_ =	sdelay $0x1  }
0x64: {  	v59 =	vsub.f32 $1.500000000e+00, v58;
	v1 =	vmul.f32 v1, v2;
	_ =	sdelay $0x1  }
0x65: {  	v60 =	vld [tilespmem:s21+$0x0];
	v3 =	vmul.f32 v59, v4;
	v1 =	vadd.f32 v1, v0  }
0x66: {  	v61 =	vld [tilespmem:s21+$0x140]  }
0x67: {  	v62 =	vmul.f32 v3, v7;
	[tilespmem:s18+$0x500] =	vst v1  }
0x68: {  	v1 =	vld [tilespmem:s21+$0x500]  }
0x69: {  	v5 =	vmul.f32 v62, v3;
	_ =	sdelay $0x1  }
0x6a: {  	v2 =	vadd.f32 v61, v60;
	v5 =	vsub.f32 $1.500000000e+00, v5;
	_ =	sdelay $0x1  }
0x6b: {  	v3 =	vmul.f32 v5, v3;
	v1 =	vsub.f32 v2, v1;
	_ =	sdelay $0x1  }
0x6c: {  	v1 =	vmul.f32 v3, v1;
	_ =	sdelay $0x1  }
0x6d: {  	s17 =	sadd.s32 $0x1, s17;
	v63 =	vadd.f32 v1, v0  }
0x6e: {  	p0 =	sne.s32 s17, s10  }
.Ltmp1:
0x6f: {  	[tilespmem:s21+$0x500] =	vst v63;
	(pc) =	sbr.rel @p0 .LBB2_1-.Ltmp1, $4  }
0x70: {  	[hbm4b:s9+s2] =	stream.linear.scatter [tilespmem:s15], [sflag:$0x1], $0x140, $0x38;
	[tilespmem:$0x650] =	vst v63  }
0x71: {  	_ =	swait.ge [sflag:s11], $0x140  }
0x72: {  	[sflag:s11] =	ssyncset.done $0x0  }
0x73: {  	[sflag:s11] =	ssyncadd.s32 $0xFFFFFEC0  }
0x74: {  	_ =	sfence.sel $0x180000  }
0x75: {  	[bflag:$0x0] =	sbarrier.arrive $0xFFFF  }
0x76: {  	p0 =	sne.s32 s0, $0x0;
	_ =	strace $0x90000053  }
0x77: {  	s0 =	sadd.s32 @!p0 $0x100000, s1;
	[bflag:$0x2] =	sbarrier.arrive $0xFFFF  }
0x78: {  	[sflag:s0] =	ssyncadd.tile.s32 @!p0 $0x1;
	_ =	shalt  }
.Lfunc_end2:
_tile_overlayer_lowered:
.L_overlay_start_2:
0x79: {  	(tag) =	ssettag $0x2  }
0x7a: {  	s0 =	rddreg [dreg:$0x0];
	s2 =	stileid.u32  }
0x7b: {  	s1 =	rddreg [dreg:$0x1];
	p0 =	sne.s32 s2, $0x0  }
0x7c: {  	s3 =	rddreg [dreg:$0x2];
	[bflag:$0x3] =	sbarrier.arrive $0xFFFF;
	s2 =	simm.s32 @!p0 $0x1C01  }
0x7d: {  	[timem:s3], [sflag:s2] =	dma.local @!p0 [hbm:s0], s1  }
0x7e: {  	s0 =	simm.s32 @!p0 $0x1  }
0x7f: {  	_ =	swait.ge @!p0 [sflag:s0], s1  }
0x80: {  	s1 =	ssub.s32 @!p0 $0x0, s1;
	[sflag:s0] =	ssyncset.done @!p0 $0x0  }
0x81: {  	[sflag:s0] =	ssyncadd.s32 @!p0 s1  }
0x82: {  	[bflag:$0x3] =	sbarrier.arrive $0xFFFF  }
0x83: {  	_ =	shalt  }

</sc_bundles>
